<compile_context>
chip_gen: v7x
topology: tpu7x:2x2x1
jax: 0.10.2.dev20260603
libtpu: 0.0.44.dev20260713+nightly
codegen_flags: <defaults>
</compile_context>

<pallas_src>
import functools

import jax
import jax.numpy as jnp
from jax import lax
from jax.experimental import pallas as pl
from jax.experimental.pallas import tpu as pltpu
from jax.experimental.pallas import tpu_sc as plsc

B = 128
V = 100000
VC = 16384
NCHUNK = (V + VC - 1) // VC
LOG2E = 1.4426950408889634

ROWS_PER_WORKER = 16
NW_USED = B // ROWS_PER_WORKER


def _sc_gather_body(logits_hbm, act_hbm, g_hbm, act_v, rows_v, gv, sem):
    c = lax.axis_index("c")
    s = lax.axis_index("s")
    wid = s * 2 + c

    @pl.when(wid < NW_USED)
    def _():
        base = wid * ROWS_PER_WORKER
        pltpu.sync_copy(act_hbm.at[pl.ds(base, ROWS_PER_WORKER)], act_v)
        a = act_v[...]
        off = lax.bitwise_and(a, 15)
        sub = lax.bitwise_and(lax.shift_right_logical(a, 4), 7)
        cstart_vec = lax.bitwise_and(a, -128)
        copies = []
        for j in range(ROWS_PER_WORKER):
            bstart = pl.multiple_of(base + (j & ~7), 8)
            cstart = pl.multiple_of(cstart_vec[j], 128)
            copies.append(
                pltpu.async_copy(
                    logits_hbm.at[pl.ds(bstart, 8), pl.ds(cstart, 128)],
                    rows_v.at[j],
                    sem,
                )
            )
        for cp in copies:
            cp.wait()
        pos = lax.iota(jnp.int32, 16)
        acc = jnp.zeros((16,), jnp.float32)
        dnums = lax.GatherDimensionNumbers(
            offset_dims=(), collapsed_slice_dims=(0,), start_index_map=(0,)
        )
        for j in range(ROWS_PER_WORKER):
            for k in range(8):
                vjk = rows_v[j, j & 7, pl.ds(16 * k, 16)]
                gjk = lax.gather(
                    vjk,
                    off[:, None],
                    dnums,
                    slice_sizes=(1,),
                    mode=lax.GatherScatterMode.PROMISE_IN_BOUNDS,
                )
                acc = jnp.where((pos == j) & (sub == k), gjk, acc)
        gv[...] = acc
        pltpu.sync_copy(gv, g_hbm.at[pl.ds(base, ROWS_PER_WORKER)])


def _reduce_chunk(x, j, m_ref, s_ref, i_ref):
    colf = lax.broadcasted_iota(jnp.int32, x.shape, 1).astype(jnp.float32)
    cmax = jnp.max(x, axis=1, keepdims=True)
    carg_f = jnp.min(jnp.where(x == cmax, colf, jnp.float32(VC)), axis=1,
                     keepdims=True)
    carg = carg_f.astype(jnp.int32) + j * VC
    m_old = m_ref[...]
    csum = jnp.sum(jnp.exp2(x * LOG2E), axis=1, keepdims=True)
    s_ref[...] = s_ref[...] + csum
    i_ref[...] = jnp.where(cmax > m_old, carg, i_ref[...])
    m_ref[...] = jnp.maximum(m_old, cmax)


def _tc_body(x_ref, lse_ref, mode_ref, m_ref, s_ref, i_ref):
    j = pl.program_id(0)

    @pl.when(j == 0)
    def _():
        m_ref[...] = jnp.full((B, 1), -jnp.inf, jnp.float32)
        s_ref[...] = jnp.zeros((B, 1), jnp.float32)
        i_ref[...] = jnp.zeros((B, 1), jnp.int32)

    @pl.when(j < NCHUNK - 1)
    def _():
        _reduce_chunk(x_ref[...], j, m_ref, s_ref, i_ref)

    @pl.when(j == NCHUNK - 1)
    def _():
        x = x_ref[...]
        col = lax.broadcasted_iota(jnp.int32, x.shape, 1)
        x = jnp.where(col + j * VC < V, x, -jnp.inf)
        _reduce_chunk(x, j, m_ref, s_ref, i_ref)
        lse_ref[...] = jnp.log(s_ref[...])
        mode_ref[...] = i_ref[...]


def _tc_call(logits, interpret=False):
    return pl.pallas_call(
        _tc_body,
        grid=(NCHUNK,),
        in_specs=[
            pl.BlockSpec((B, VC), lambda j: (0, j)),
        ],
        out_specs=[
            pl.BlockSpec((B, 1), lambda j: (0, 0)),
            pl.BlockSpec((B, 1), lambda j: (0, 0)),
        ],
        out_shape=[
            jax.ShapeDtypeStruct((B, 1), jnp.float32),
            jax.ShapeDtypeStruct((B, 1), jnp.int32),
        ],
        scratch_shapes=[
            pltpu.VMEM((B, 1), jnp.float32),
            pltpu.VMEM((B, 1), jnp.float32),
            pltpu.VMEM((B, 1), jnp.int32),
        ],
        interpret=interpret,
    )(logits)


def _sc_gather(logits, actions):
    act_flat = actions.reshape(-1)
    run = pl.kernel(
        _sc_gather_body,
        out_type=jax.ShapeDtypeStruct((B,), jnp.float32),
        scratch_types=[
            pltpu.VMEM((16,), jnp.int32),
            pltpu.VMEM((16, 8, 128), jnp.float32),
            pltpu.VMEM((16,), jnp.float32),
            pltpu.SemaphoreType.DMA,
        ],
        mesh=plsc.VectorSubcoreMesh(core_axis_name="c", subcore_axis_name="s"),
        compiler_params=pltpu.CompilerParams(use_tc_tiling_on_sc=True),
    )
    return run(logits, act_flat)


def kernel(logits, actions):
    g = _sc_gather(logits, actions).reshape(B, 1)
    lse, mode = _tc_call(logits)
    return (g - lse, mode)

# --- scband reference (transcript-rebuilt; emitter-appended) ---
"""Pipeline reference for scband-fixed-categorical-171798691980 (READ-ONLY COPY).

The authoritative reference and input builder live on the scoring server;
editing this copy changes nothing except your own understanding.
"""

import jax, jax.numpy as jnp
import numpy as np


def setup_inputs(seed: int = 0) -> dict:
    key = jax.random.key(seed)
    k1, k2 = jax.random.split(key)
    logits = jax.random.normal(k1, (128, 100000), dtype=jnp.float32)
    actions = jax.random.randint(k2, (128, 1), 0, 100000, dtype=jnp.int32)
    return {"logits": logits, "actions": actions}


def reference(logits, actions):
    # torch.distributions.Categorical(logits=...) normalizes logits:
    # logits - logsumexp(logits), probs = softmax(logits)
    norm_logits = logits - jax.scipy.special.logsumexp(logits, axis=-1, keepdims=True)
    # log_probs(actions): log_prob(actions.squeeze(-1)).unsqueeze(-1)
    a = actions.reshape(actions.shape[0], 1)
    log_prob = jnp.take_along_axis(norm_logits, a, axis=-1)  # [B, 1]
    # mode(): probs.argmax(dim=-1, keepdim=True)
    probs = jnp.exp(norm_logits)
    mode = jnp.argmax(probs, axis=-1, keepdims=True)  # [B, 1]
    return (log_prob, mode)

if __name__ == "__main__":
    import jax
    _d = setup_inputs()
    print(jax.jit(kernel)(*tuple(_d.values())))

</pallas_src>

<mosaic_0001>
#map = affine_map<(d0, d1) -> (0, 0)>
#map1 = affine_map<(d0, d1) -> (0)>
module attributes {stable_mosaic.version = 14 : i64} {
  func.func @_sc_gather_body(%arg0: i32, %arg1: i32, %arg2: memref<128x100000xf32, #tpu.memory_space<hbm>>, %arg3: memref<128xi32, #tpu.memory_space<hbm>>, %arg4: memref<128xf32, #tpu.memory_space<hbm>>, %arg5: memref<16xi32, #tpu.memory_space<vmem>>, %arg6: memref<16x8x128xf32, #tpu.memory_space<vmem>>, %arg7: memref<16xf32, #tpu.memory_space<vmem>>, %arg8: memref<!tpu.dma_semaphore, #tpu.memory_space<semaphore_mem>>) attributes {dimension_semantics = [#tpu.dimension_semantics<core_parallel>, #tpu.dimension_semantics<subcore_parallel>], iteration_bounds = array<i64: 2, 16>, scalar_prefetch = 0 : i64, scratch_operands = 4 : i64, tpu.core_type = #tpu.core_type<sc_vector_subcore>, window_params = [{transform_indices = #map}, {transform_indices = #map1}, {transform_indices = #map1}]} {
    %mul3A = arith.constant 2 : i32
    %mul3A_0 = arith.muli %arg1, %mul3A : i32
    %add3A = arith.addi %mul3A_0, %arg0 : i32
    %lt3A = arith.constant 8 : i32
    %lt3A_1 = arith.cmpi slt, %add3A, %lt3A : i32
    %convert_element_type3A = arith.extui %lt3A_1 : i1 to i32
    %cond3A = arith.constant 0 : i32
    %cond3A_2 = arith.cmpi ne, %convert_element_type3A, %cond3A : i32
    scf.if %cond3A_2 {
      %mul3A_3 = arith.constant 16 : i32
      %mul3A_4 = arith.muli %add3A, %mul3A_3 : i32
      "tpu.region"() ({
        %run_scoped3A = tpu.sem_alloc : memref<!tpu.dma_semaphore, #tpu.memory_space<semaphore_mem>>
        %dma_start3A_2765 = tpu.memref_slice %arg3[%mul3A_4] : memref<128xi32, #tpu.memory_space<hbm>> -> memref<16xi32, #tpu.memory_space<hbm>>
        %dma_start3A_2766 = tpu.memref_slice %arg3[%mul3A_4] : memref<128xi32, #tpu.memory_space<hbm>> -> memref<16xi32, #tpu.memory_space<hbm>>
        tpu.enqueue_dma source(%dma_start3A_2766 : memref<16xi32, #tpu.memory_space<hbm>>) target(%arg5 : memref<16xi32, #tpu.memory_space<vmem>>) target_semaphore(%run_scoped3A : memref<!tpu.dma_semaphore, #tpu.memory_space<semaphore_mem>>)
        %dma_wait3A_2767 = tpu.memref_slice %arg3[%mul3A_4] : memref<128xi32, #tpu.memory_space<hbm>> -> memref<16xi32, #tpu.memory_space<hbm>>
        %dma_wait3A_2768 = tpu.memref_slice %arg3[%mul3A_4] : memref<128xi32, #tpu.memory_space<hbm>> -> memref<16xi32, #tpu.memory_space<hbm>>
        tpu.wait_dma2 semaphore(%run_scoped3A : memref<!tpu.dma_semaphore, #tpu.memory_space<semaphore_mem>>) src(%dma_wait3A_2768 : memref<16xi32, #tpu.memory_space<hbm>>) dst(%arg5 : memref<16xi32, #tpu.memory_space<vmem>>)
        tpu.yield
      }) : () -> ()
      %get3A = arith.constant 0 : index
      %get3A_5 = tpu.vector_load %arg5[%get3A] {strides = array<i32>} : memref<16xi32, #tpu.memory_space<vmem>>, vector<16xi32>,
      %get3A_6 = vector.shape_cast %get3A_5 : vector<16xi32> to vector<16xi32>
      %and3A = arith.constant 15 : i32
      %and3A_7 = vector.broadcast %and3A : i32 to vector<16xi32>
      %and3A_8 = arith.andi %get3A_6, %and3A_7 : vector<16xi32>
      %shift_right_logical3A = arith.constant 4 : i32
      %shift_right_logical3A_9 = vector.broadcast %shift_right_logical3A : i32 to vector<16xi32>
      %shift_right_logical3A_10 = arith.shrui %get3A_6, %shift_right_logical3A_9 : vector<16xi32>
      %and3A_11 = arith.constant 7 : i32
      %and3A_12 = vector.broadcast %and3A_11 : i32 to vector<16xi32>
      %and3A_13 = arith.andi %shift_right_logical3A_10, %and3A_12 : vector<16xi32>
      %and3A_14 = arith.constant -128 : i32
      %and3A_15 = vector.broadcast %and3A_14 : i32 to vector<16xi32>
      %and3A_16 = arith.andi %get3A_6, %and3A_15 : vector<16xi32>
      %add3A_17 = arith.constant 0 : i32
      %add3A_18 = arith.addi %mul3A_4, %add3A_17 : i32
      %multiple_of3A = tpu.assume_multiple %add3A_18, 8 : i32
      %slice3A = vector.extract_strided_slice %and3A_16 {offsets = [0], sizes = [1], strides = [1]} : vector<16xi32> to vector<1xi32>
      %squeeze3A = vector.extract %slice3A[0] : i32 from vector<1xi32>
      %multiple_of3A_19 = tpu.assume_multiple %squeeze3A, 128 : i32
      %dma_start3A = arith.constant 0 : i32
      %dma_start3A_20 = arith.constant 0 : i32
      %dma_start3A_21 = arith.constant 0 : i32
      %dma_start3A_22 = tpu.memref_slice %arg6[%dma_start3A, %dma_start3A_20, %dma_start3A_21] : memref<16x8x128xf32, #tpu.memory_space<vmem>> -> memref<1x8x128xf32, #tpu.memory_space<vmem>>
      %dma_start3A_23 = tpu.memref_squeeze %dma_start3A_22 : memref<1x8x128xf32, #tpu.memory_space<vmem>> -> memref<8x128xf32, #tpu.memory_space<vmem>>
      %dma_start3A_24 = tpu.memref_slice %arg2[%multiple_of3A, %multiple_of3A_19] : memref<128x100000xf32, #tpu.memory_space<hbm>> -> memref<8x128xf32, #tpu.memory_space<hbm>>
      %dma_start3A_25 = arith.constant 0 : i32
      %dma_start3A_26 = arith.constant 0 : i32
      %dma_start3A_27 = tpu.memref_slice %arg6[%dma_start3A, %dma_start3A_25, %dma_start3A_26] : memref<16x8x128xf32, #tpu.memory_space<vmem>> -> memref<1x8x128xf32, #tpu.memory_space<vmem>>
      %dma_start3A_28 = tpu.memref_squeeze %dma_start3A_27 : memref<1x8x128xf32, #tpu.memory_space<vmem>> -> memref<8x128xf32, #tpu.memory_space<vmem>>
      %dma_start3A_29 = tpu.memref_slice %arg2[%multiple_of3A, %multiple_of3A_19] : memref<128x100000xf32, #tpu.memory_space<hbm>> -> memref<8x128xf32, #tpu.memory_space<hbm>>
      tpu.enqueue_dma source(%dma_start3A_29 : memref<8x128xf32, #tpu.memory_space<hbm>>) target(%dma_start3A_28 : memref<8x128xf32, #tpu.memory_space<vmem>>) target_semaphore(%arg8 : memref<!tpu.dma_semaphore, #tpu.memory_space<semaphore_mem>>)
      %add3A_30 = arith.constant 0 : i32
      %add3A_31 = arith.addi %mul3A_4, %add3A_30 : i32
      %multiple_of3A_32 = tpu.assume_multiple %add3A_31, 8 : i32
      %slice3A_33 = vector.extract_strided_slice %and3A_16 {offsets = [1], sizes = [1], strides = [1]} : vector<16xi32> to vector<1xi32>
      %squeeze3A_34 = vector.extract %slice3A_33[0] : i32 from vector<1xi32>
      %multiple_of3A_35 = tpu.assume_multiple %squeeze3A_34, 128 : i32
      %dma_start3A_36 = arith.constant 1 : i32
      %dma_start3A_37 = arith.constant 0 : i32
      %dma_start3A_38 = arith.constant 0 : i32
      %dma_start3A_39 = tpu.memref_slice %arg6[%dma_start3A_36, %dma_start3A_37, %dma_start3A_38] : memref<16x8x128xf32, #tpu.memory_space<vmem>> -> memref<1x8x128xf32, #tpu.memory_space<vmem>>
      %dma_start3A_40 = tpu.memref_squeeze %dma_start3A_39 : memref<1x8x128xf32, #tpu.memory_space<vmem>> -> memref<8x128xf32, #tpu.memory_space<vmem>>
      %dma_start3A_41 = tpu.memref_slice %arg2[%multiple_of3A_32, %multiple_of3A_35] : memref<128x100000xf32, #tpu.memory_space<hbm>> -> memref<8x128xf32, #tpu.memory_space<hbm>>
      %dma_start3A_42 = arith.constant 0 : i32
      %dma_start3A_43 = arith.constant 0 : i32
      %dma_start3A_44 = tpu.memref_slice %arg6[%dma_start3A_36, %dma_start3A_42, %dma_start3A_43] : memref<16x8x128xf32, #tpu.memory_space<vmem>> -> memref<1x8x128xf32, #tpu.memory_space<vmem>>
      %dma_start3A_45 = tpu.memref_squeeze %dma_start3A_44 : memref<1x8x128xf32, #tpu.memory_space<vmem>> -> memref<8x128xf32, #tpu.memory_space<vmem>>
      %dma_start3A_46 = tpu.memref_slice %arg2[%multiple_of3A_32, %multiple_of3A_35] : memref<128x100000xf32, #tpu.memory_space<hbm>> -> memref<8x128xf32, #tpu.memory_space<hbm>>
      tpu.enqueue_dma source(%dma_start3A_46 : memref<8x128xf32, #tpu.memory_space<hbm>>) target(%dma_start3A_45 : memref<8x128xf32, #tpu.memory_space<vmem>>) target_semaphore(%arg8 : memref<!tpu.dma_semaphore, #tpu.memory_space<semaphore_mem>>)
      %add3A_47 = arith.constant 0 : i32
      %add3A_48 = arith.addi %mul3A_4, %add3A_47 : i32
      %multiple_of3A_49 = tpu.assume_multiple %add3A_48, 8 : i32
      %slice3A_50 = vector.extract_strided_slice %and3A_16 {offsets = [2], sizes = [1], strides = [1]} : vector<16xi32> to vector<1xi32>
      %squeeze3A_51 = vector.extract %slice3A_50[0] : i32 from vector<1xi32>
      %multiple_of3A_52 = tpu.assume_multiple %squeeze3A_51, 128 : i32
      %dma_start3A_53 = arith.constant 2 : i32
      %dma_start3A_54 = arith.constant 0 : i32
      %dma_start3A_55 = arith.constant 0 : i32
      %dma_start3A_56 = tpu.memref_slice %arg6[%dma_start3A_53, %dma_start3A_54, %dma_start3A_55] : memref<16x8x128xf32, #tpu.memory_space<vmem>> -> memref<1x8x128xf32, #tpu.memory_space<vmem>>
      %dma_start3A_57 = tpu.memref_squeeze %dma_start3A_56 : memref<1x8x128xf32, #tpu.memory_space<vmem>> -> memref<8x128xf32, #tpu.memory_space<vmem>>
      %dma_start3A_58 = tpu.memref_slice %arg2[%multiple_of3A_49, %multiple_of3A_52] : memref<128x100000xf32, #tpu.memory_space<hbm>> -> memref<8x128xf32, #tpu.memory_space<hbm>>
      %dma_start3A_59 = arith.constant 0 : i32
      %dma_start3A_60 = arith.constant 0 : i32
      %dma_start3A_61 = tpu.memref_slice %arg6[%dma_start3A_53, %dma_start3A_59, %dma_start3A_60] : memref<16x8x128xf32, #tpu.memory_space<vmem>> -> memref<1x8x128xf32, #tpu.memory_space<vmem>>
      %dma_start3A_62 = tpu.memref_squeeze %dma_start3A_61 : memref<1x8x128xf32, #tpu.memory_space<vmem>> -> memref<8x128xf32, #tpu.memory_space<vmem>>
      %dma_start3A_63 = tpu.memref_slice %arg2[%multiple_of3A_49, %multiple_of3A_52] : memref<128x100000xf32, #tpu.memory_space<hbm>> -> memref<8x128xf32, #tpu.memory_space<hbm>>
      tpu.enqueue_dma source(%dma_start3A_63 : memref<8x128xf32, #tpu.memory_space<hbm>>) target(%dma_start3A_62 : memref<8x128xf32, #tpu.memory_space<vmem>>) target_semaphore(%arg8 : memref<!tpu.dma_semaphore, #tpu.memory_space<semaphore_mem>>)
      %add3A_64 = arith.constant 0 : i32
      %add3A_65 = arith.addi %mul3A_4, %add3A_64 : i32
      %multiple_of3A_66 = tpu.assume_multiple %add3A_65, 8 : i32
      %slice3A_67 = vector.extract_strided_slice %and3A_16 {offsets = [3], sizes = [1], strides = [1]} : vector<16xi32> to vector<1xi32>
      %squeeze3A_68 = vector.extract %slice3A_67[0] : i32 from vector<1xi32>
      %multiple_of3A_69 = tpu.assume_multiple %squeeze3A_68, 128 : i32
      %dma_start3A_70 = arith.constant 3 : i32
      %dma_start3A_71 = arith.constant 0 : i32
      %dma_start3A_72 = arith.constant 0 : i32
      %dma_start3A_73 = tpu.memref_slice %arg6[%dma_start3A_70, %dma_start3A_71, %dma_start3A_72] : memref<16x8x128xf32, #tpu.memory_space<vmem>> -> memref<1x8x128xf32, #tpu.memory_space<vmem>>
      %dma_start3A_74 = tpu.memref_squeeze %dma_start3A_73 : memref<1x8x128xf32, #tpu.memory_space<vmem>> -> memref<8x128xf32, #tpu.memory_space<vmem>>
      %dma_start3A_75 = tpu.memref_slice %arg2[%multiple_of3A_66, %multiple_of3A_69] : memref<128x100000xf32, #tpu.memory_space<hbm>> -> memref<8x128xf32, #tpu.memory_space<hbm>>
      %dma_start3A_76 = arith.constant 0 : i32
      %dma_start3A_77 = arith.constant 0 : i32
      %dma_start3A_78 = tpu.memref_slice %arg6[%dma_start3A_70, %dma_start3A_76, %dma_start3A_77] : memref<16x8x128xf32, #tpu.memory_space<vmem>> -> memref<1x8x128xf32, #tpu.memory_space<vmem>>
      %dma_start3A_79 = tpu.memref_squeeze %dma_start3A_78 : memref<1x8x128xf32, #tpu.memory_space<vmem>> -> memref<8x128xf32, #tpu.memory_space<vmem>>
      %dma_start3A_80 = tpu.memref_slice %arg2[%multiple_of3A_66, %multiple_of3A_69] : memref<128x100000xf32, #tpu.memory_space<hbm>> -> memref<8x128xf32, #tpu.memory_space<hbm>>
      tpu.enqueue_dma source(%dma_start3A_80 : memref<8x128xf32, #tpu.memory_space<hbm>>) target(%dma_start3A_79 : memref<8x128xf32, #tpu.memory_space<vmem>>) target_semaphore(%arg8 : memref<!tpu.dma_semaphore, #tpu.memory_space<semaphore_mem>>)
      %add3A_81 = arith.constant 0 : i32
      %add3A_82 = arith.addi %mul3A_4, %add3A_81 : i32
      %multiple_of3A_83 = tpu.assume_multiple %add3A_82, 8 : i32
      %slice3A_84 = vector.extract_strided_slice %and3A_16 {offsets = [4], sizes = [1], strides = [1]} : vector<16xi32> to vector<1xi32>
      %squeeze3A_85 = vector.extract %slice3A_84[0] : i32 from vector<1xi32>
      %multiple_of3A_86 = tpu.assume_multiple %squeeze3A_85, 128 : i32
      %dma_start3A_87 = arith.constant 4 : i32
      %dma_start3A_88 = arith.constant 0 : i32
      %dma_start3A_89 = arith.constant 0 : i32
      %dma_start3A_90 = tpu.memref_slice %arg6[%dma_start3A_87, %dma_start3A_88, %dma_start3A_89] : memref<16x8x128xf32, #tpu.memory_space<vmem>> -> memref<1x8x128xf32, #tpu.memory_space<vmem>>
      %dma_start3A_91 = tpu.memref_squeeze %dma_start3A_90 : memref<1x8x128xf32, #tpu.memory_space<vmem>> -> memref<8x128xf32, #tpu.memory_space<vmem>>
      %dma_start3A_92 = tpu.memref_slice %arg2[%multiple_of3A_83, %multiple_of3A_86] : memref<128x100000xf32, #tpu.memory_space<hbm>> -> memref<8x128xf32, #tpu.memory_space<hbm>>
      %dma_start3A_93 = arith.constant 0 : i32
      %dma_start3A_94 = arith.constant 0 : i32
      %dma_start3A_95 = tpu.memref_slice %arg6[%dma_start3A_87, %dma_start3A_93, %dma_start3A_94] : memref<16x8x128xf32, #tpu.memory_space<vmem>> -> memref<1x8x128xf32, #tpu.memory_space<vmem>>
      %dma_start3A_96 = tpu.memref_squeeze %dma_start3A_95 : memref<1x8x128xf32, #tpu.memory_space<vmem>> -> memref<8x128xf32, #tpu.memory_space<vmem>>
      %dma_start3A_97 = tpu.memref_slice %arg2[%multiple_of3A_83, %multiple_of3A_86] : memref<128x100000xf32, #tpu.memory_space<hbm>> -> memref<8x128xf32, #tpu.memory_space<hbm>>
      tpu.enqueue_dma source(%dma_start3A_97 : memref<8x128xf32, #tpu.memory_space<hbm>>) target(%dma_start3A_96 : memref<8x128xf32, #tpu.memory_space<vmem>>) target_semaphore(%arg8 : memref<!tpu.dma_semaphore, #tpu.memory_space<semaphore_mem>>)
      %add3A_98 = arith.constant 0 : i32
      %add3A_99 = arith.addi %mul3A_4, %add3A_98 : i32
      %multiple_of3A_100 = tpu.assume_multiple %add3A_99, 8 : i32
      %slice3A_101 = vector.extract_strided_slice %and3A_16 {offsets = [5], sizes = [1], strides = [1]} : vector<16xi32> to vector<1xi32>
      %squeeze3A_102 = vector.extract %slice3A_101[0] : i32 from vector<1xi32>
      %multiple_of3A_103 = tpu.assume_multiple %squeeze3A_102, 128 : i32
      %dma_start3A_104 = arith.constant 5 : i32
      %dma_start3A_105 = arith.constant 0 : i32
      %dma_start3A_106 = arith.constant 0 : i32
      %dma_start3A_107 = tpu.memref_slice %arg6[%dma_start3A_104, %dma_start3A_105, %dma_start3A_106] : memref<16x8x128xf32, #tpu.memory_space<vmem>> -> memref<1x8x128xf32, #tpu.memory_space<vmem>>
      %dma_start3A_108 = tpu.memref_squeeze %dma_start3A_107 : memref<1x8x128xf32, #tpu.memory_space<vmem>> -> memref<8x128xf32, #tpu.memory_space<vmem>>
      %dma_start3A_109 = tpu.memref_slice %arg2[%multiple_of3A_100, %multiple_of3A_103] : memref<128x100000xf32, #tpu.memory_space<hbm>> -> memref<8x128xf32, #tpu.memory_space<hbm>>
      %dma_start3A_110 = arith.constant 0 : i32
      %dma_start3A_111 = arith.constant 0 : i32
      %dma_start3A_112 = tpu.memref_slice %arg6[%dma_start3A_104, %dma_start3A_110, %dma_start3A_111] : memref<16x8x128xf32, #tpu.memory_space<vmem>> -> memref<1x8x128xf32, #tpu.memory_space<vmem>>
      %dma_start3A_113 = tpu.memref_squeeze %dma_start3A_112 : memref<1x8x128xf32, #tpu.memory_space<vmem>> -> memref<8x128xf32, #tpu.memory_space<vmem>>
      %dma_start3A_114 = tpu.memref_slice %arg2[%multiple_of3A_100, %multiple_of3A_103] : memref<128x100000xf32, #tpu.memory_space<hbm>> -> memref<8x128xf32, #tpu.memory_space<hbm>>
      tpu.enqueue_dma source(%dma_start3A_114 : memref<8x128xf32, #tpu.memory_space<hbm>>) target(%dma_start3A_113 : memref<8x128xf32, #tpu.memory_space<vmem>>) target_semaphore(%arg8 : memref<!tpu.dma_semaphore, #tpu.memory_space<semaphore_mem>>)
      %add3A_115 = arith.constant 0 : i32
      %add3A_116 = arith.addi %mul3A_4, %add3A_115 : i32
      %multiple_of3A_117 = tpu.assume_multiple %add3A_116, 8 : i32
      %slice3A_118 = vector.extract_strided_slice %and3A_16 {offsets = [6], sizes = [1], strides = [1]} : vector<16xi32> to vector<1xi32>
      %squeeze3A_119 = vector.extract %slice3A_118[0] : i32 from vector<1xi32>
      %multiple_of3A_120 = tpu.assume_multiple %squeeze3A_119, 128 : i32
      %dma_start3A_121 = arith.constant 6 : i32
      %dma_start3A_122 = arith.constant 0 : i32
      %dma_start3A_123 = arith.constant 0 : i32
      %dma_start3A_124 = tpu.memref_slice %arg6[%dma_start3A_121, %dma_start3A_122, %dma_start3A_123] : memref<16x8x128xf32, #tpu.memory_space<vmem>> -> memref<1x8x128xf32, #tpu.memory_space<vmem>>
      %dma_start3A_125 = tpu.memref_squeeze %dma_start3A_124 : memref<1x8x128xf32, #tpu.memory_space<vmem>> -> memref<8x128xf32, #tpu.memory_space<vmem>>
      %dma_start3A_126 = tpu.memref_slice %arg2[%multiple_of3A_117, %multiple_of3A_120] : memref<128x100000xf32, #tpu.memory_space<hbm>> -> memref<8x128xf32, #tpu.memory_space<hbm>>
      %dma_start3A_127 = arith.constant 0 : i32
      %dma_start3A_128 = arith.constant 0 : i32
      %dma_start3A_129 = tpu.memref_slice %arg6[%dma_start3A_121, %dma_start3A_127, %dma_start3A_128] : memref<16x8x128xf32, #tpu.memory_space<vmem>> -> memref<1x8x128xf32, #tpu.memory_space<vmem>>
      %dma_start3A_130 = tpu.memref_squeeze %dma_start3A_129 : memref<1x8x128xf32, #tpu.memory_space<vmem>> -> memref<8x128xf32, #tpu.memory_space<vmem>>
      %dma_start3A_131 = tpu.memref_slice %arg2[%multiple_of3A_117, %multiple_of3A_120] : memref<128x100000xf32, #tpu.memory_space<hbm>> -> memref<8x128xf32, #tpu.memory_space<hbm>>
      tpu.enqueue_dma source(%dma_start3A_131 : memref<8x128xf32, #tpu.memory_space<hbm>>) target(%dma_start3A_130 : memref<8x128xf32, #tpu.memory_space<vmem>>) target_semaphore(%arg8 : memref<!tpu.dma_semaphore, #tpu.memory_space<semaphore_mem>>)
      %add3A_132 = arith.constant 0 : i32
      %add3A_133 = arith.addi %mul3A_4, %add3A_132 : i32
      %multiple_of3A_134 = tpu.assume_multiple %add3A_133, 8 : i32
      %slice3A_135 = vector.extract_strided_slice %and3A_16 {offsets = [7], sizes = [1], strides = [1]} : vector<16xi32> to vector<1xi32>
      %squeeze3A_136 = vector.extract %slice3A_135[0] : i32 from vector<1xi32>
      %multiple_of3A_137 = tpu.assume_multiple %squeeze3A_136, 128 : i32
      %dma_start3A_138 = arith.constant 7 : i32
      %dma_start3A_139 = arith.constant 0 : i32
      %dma_start3A_140 = arith.constant 0 : i32
      %dma_start3A_141 = tpu.memref_slice %arg6[%dma_start3A_138, %dma_start3A_139, %dma_start3A_140] : memref<16x8x128xf32, #tpu.memory_space<vmem>> -> memref<1x8x128xf32, #tpu.memory_space<vmem>>
      %dma_start3A_142 = tpu.memref_squeeze %dma_start3A_141 : memref<1x8x128xf32, #tpu.memory_space<vmem>> -> memref<8x128xf32, #tpu.memory_space<vmem>>
      %dma_start3A_143 = tpu.memref_slice %arg2[%multiple_of3A_134, %multiple_of3A_137] : memref<128x100000xf32, #tpu.memory_space<hbm>> -> memref<8x128xf32, #tpu.memory_space<hbm>>
      %dma_start3A_144 = arith.constant 0 : i32
      %dma_start3A_145 = arith.constant 0 : i32
      %dma_start3A_146 = tpu.memref_slice %arg6[%dma_start3A_138, %dma_start3A_144, %dma_start3A_145] : memref<16x8x128xf32, #tpu.memory_space<vmem>> -> memref<1x8x128xf32, #tpu.memory_space<vmem>>
      %dma_start3A_147 = tpu.memref_squeeze %dma_start3A_146 : memref<1x8x128xf32, #tpu.memory_space<vmem>> -> memref<8x128xf32, #tpu.memory_space<vmem>>
      %dma_start3A_148 = tpu.memref_slice %arg2[%multiple_of3A_134, %multiple_of3A_137] : memref<128x100000xf32, #tpu.memory_space<hbm>> -> memref<8x128xf32, #tpu.memory_space<hbm>>
      tpu.enqueue_dma source(%dma_start3A_148 : memref<8x128xf32, #tpu.memory_space<hbm>>) target(%dma_start3A_147 : memref<8x128xf32, #tpu.memory_space<vmem>>) target_semaphore(%arg8 : memref<!tpu.dma_semaphore, #tpu.memory_space<semaphore_mem>>)
      %add3A_149 = arith.constant 8 : i32
      %add3A_150 = arith.addi %mul3A_4, %add3A_149 : i32
      %multiple_of3A_151 = tpu.assume_multiple %add3A_150, 8 : i32
      %slice3A_152 = vector.extract_strided_slice %and3A_16 {offsets = [8], sizes = [1], strides = [1]} : vector<16xi32> to vector<1xi32>
      %squeeze3A_153 = vector.extract %slice3A_152[0] : i32 from vector<1xi32>
      %multiple_of3A_154 = tpu.assume_multiple %squeeze3A_153, 128 : i32
      %dma_start3A_155 = arith.constant 8 : i32
      %dma_start3A_156 = arith.constant 0 : i32
      %dma_start3A_157 = arith.constant 0 : i32
      %dma_start3A_158 = tpu.memref_slice %arg6[%dma_start3A_155, %dma_start3A_156, %dma_start3A_157] : memref<16x8x128xf32, #tpu.memory_space<vmem>> -> memref<1x8x128xf32, #tpu.memory_space<vmem>>
      %dma_start3A_159 = tpu.memref_squeeze %dma_start3A_158 : memref<1x8x128xf32, #tpu.memory_space<vmem>> -> memref<8x128xf32, #tpu.memory_space<vmem>>
      %dma_start3A_160 = tpu.memref_slice %arg2[%multiple_of3A_151, %multiple_of3A_154] : memref<128x100000xf32, #tpu.memory_space<hbm>> -> memref<8x128xf32, #tpu.memory_space<hbm>>
      %dma_start3A_161 = arith.constant 0 : i32
      %dma_start3A_162 = arith.constant 0 : i32
      %dma_start3A_163 = tpu.memref_slice %arg6[%dma_start3A_155, %dma_start3A_161, %dma_start3A_162] : memref<16x8x128xf32, #tpu.memory_space<vmem>> -> memref<1x8x128xf32, #tpu.memory_space<vmem>>
      %dma_start3A_164 = tpu.memref_squeeze %dma_start3A_163 : memref<1x8x128xf32, #tpu.memory_space<vmem>> -> memref<8x128xf32, #tpu.memory_space<vmem>>
      %dma_start3A_165 = tpu.memref_slice %arg2[%multiple_of3A_151, %multiple_of3A_154] : memref<128x100000xf32, #tpu.memory_space<hbm>> -> memref<8x128xf32, #tpu.memory_space<hbm>>
      tpu.enqueue_dma source(%dma_start3A_165 : memref<8x128xf32, #tpu.memory_space<hbm>>) target(%dma_start3A_164 : memref<8x128xf32, #tpu.memory_space<vmem>>) target_semaphore(%arg8 : memref<!tpu.dma_semaphore, #tpu.memory_space<semaphore_mem>>)
      %add3A_166 = arith.constant 8 : i32
      %add3A_167 = arith.addi %mul3A_4, %add3A_166 : i32
      %multiple_of3A_168 = tpu.assume_multiple %add3A_167, 8 : i32
      %slice3A_169 = vector.extract_strided_slice %and3A_16 {offsets = [9], sizes = [1], strides = [1]} : vector<16xi32> to vector<1xi32>
      %squeeze3A_170 = vector.extract %slice3A_169[0] : i32 from vector<1xi32>
      %multiple_of3A_171 = tpu.assume_multiple %squeeze3A_170, 128 : i32
      %dma_start3A_172 = arith.constant 9 : i32
      %dma_start3A_173 = arith.constant 0 : i32
      %dma_start3A_174 = arith.constant 0 : i32
      %dma_start3A_175 = tpu.memref_slice %arg6[%dma_start3A_172, %dma_start3A_173, %dma_start3A_174] : memref<16x8x128xf32, #tpu.memory_space<vmem>> -> memref<1x8x128xf32, #tpu.memory_space<vmem>>
      %dma_start3A_176 = tpu.memref_squeeze %dma_start3A_175 : memref<1x8x128xf32, #tpu.memory_space<vmem>> -> memref<8x128xf32, #tpu.memory_space<vmem>>
      %dma_start3A_177 = tpu.memref_slice %arg2[%multiple_of3A_168, %multiple_of3A_171] : memref<128x100000xf32, #tpu.memory_space<hbm>> -> memref<8x128xf32, #tpu.memory_space<hbm>>
      %dma_start3A_178 = arith.constant 0 : i32
      %dma_start3A_179 = arith.constant 0 : i32
      %dma_start3A_180 = tpu.memref_slice %arg6[%dma_start3A_172, %dma_start3A_178, %dma_start3A_179] : memref<16x8x128xf32, #tpu.memory_space<vmem>> -> memref<1x8x128xf32, #tpu.memory_space<vmem>>
      %dma_start3A_181 = tpu.memref_squeeze %dma_start3A_180 : memref<1x8x128xf32, #tpu.memory_space<vmem>> -> memref<8x128xf32, #tpu.memory_space<vmem>>
      %dma_start3A_182 = tpu.memref_slice %arg2[%multiple_of3A_168, %multiple_of3A_171] : memref<128x100000xf32, #tpu.memory_space<hbm>> -> memref<8x128xf32, #tpu.memory_space<hbm>>
      tpu.enqueue_dma source(%dma_start3A_182 : memref<8x128xf32, #tpu.memory_space<hbm>>) target(%dma_start3A_181 : memref<8x128xf32, #tpu.memory_space<vmem>>) target_semaphore(%arg8 : memref<!tpu.dma_semaphore, #tpu.memory_space<semaphore_mem>>)
      %add3A_183 = arith.constant 8 : i32
      %add3A_184 = arith.addi %mul3A_4, %add3A_183 : i32
      %multiple_of3A_185 = tpu.assume_multiple %add3A_184, 8 : i32
      %slice3A_186 = vector.extract_strided_slice %and3A_16 {offsets = [10], sizes = [1], strides = [1]} : vector<16xi32> to vector<1xi32>
      %squeeze3A_187 = vector.extract %slice3A_186[0] : i32 from vector<1xi32>
      %multiple_of3A_188 = tpu.assume_multiple %squeeze3A_187, 128 : i32
      %dma_start3A_189 = arith.constant 10 : i32
      %dma_start3A_190 = arith.constant 0 : i32
      %dma_start3A_191 = arith.constant 0 : i32
      %dma_start3A_192 = tpu.memref_slice %arg6[%dma_start3A_189, %dma_start3A_190, %dma_start3A_191] : memref<16x8x128xf32, #tpu.memory_space<vmem>> -> memref<1x8x128xf32, #tpu.memory_space<vmem>>
      %dma_start3A_193 = tpu.memref_squeeze %dma_start3A_192 : memref<1x8x128xf32, #tpu.memory_space<vmem>> -> memref<8x128xf32, #tpu.memory_space<vmem>>
      %dma_start3A_194 = tpu.memref_slice %arg2[%multiple_of3A_185, %multiple_of3A_188] : memref<128x100000xf32, #tpu.memory_space<hbm>> -> memref<8x128xf32, #tpu.memory_space<hbm>>
      %dma_start3A_195 = arith.constant 0 : i32
      %dma_start3A_196 = arith.constant 0 : i32
      %dma_start3A_197 = tpu.memref_slice %arg6[%dma_start3A_189, %dma_start3A_195, %dma_start3A_196] : memref<16x8x128xf32, #tpu.memory_space<vmem>> -> memref<1x8x128xf32, #tpu.memory_space<vmem>>
      %dma_start3A_198 = tpu.memref_squeeze %dma_start3A_197 : memref<1x8x128xf32, #tpu.memory_space<vmem>> -> memref<8x128xf32, #tpu.memory_space<vmem>>
      %dma_start3A_199 = tpu.memref_slice %arg2[%multiple_of3A_185, %multiple_of3A_188] : memref<128x100000xf32, #tpu.memory_space<hbm>> -> memref<8x128xf32, #tpu.memory_space<hbm>>
      tpu.enqueue_dma source(%dma_start3A_199 : memref<8x128xf32, #tpu.memory_space<hbm>>) target(%dma_start3A_198 : memref<8x128xf32, #tpu.memory_space<vmem>>) target_semaphore(%arg8 : memref<!tpu.dma_semaphore, #tpu.memory_space<semaphore_mem>>)
      %add3A_200 = arith.constant 8 : i32
      %add3A_201 = arith.addi %mul3A_4, %add3A_200 : i32
      %multiple_of3A_202 = tpu.assume_multiple %add3A_201, 8 : i32
      %slice3A_203 = vector.extract_strided_slice %and3A_16 {offsets = [11], sizes = [1], strides = [1]} : vector<16xi32> to vector<1xi32>
      %squeeze3A_204 = vector.extract %slice3A_203[0] : i32 from vector<1xi32>
      %multiple_of3A_205 = tpu.assume_multiple %squeeze3A_204, 128 : i32
      %dma_start3A_206 = arith.constant 11 : i32
      %dma_start3A_207 = arith.constant 0 : i32
      %dma_start3A_208 = arith.constant 0 : i32
      %dma_start3A_209 = tpu.memref_slice %arg6[%dma_start3A_206, %dma_start3A_207, %dma_start3A_208] : memref<16x8x128xf32, #tpu.memory_space<vmem>> -> memref<1x8x128xf32, #tpu.memory_space<vmem>>
      %dma_start3A_210 = tpu.memref_squeeze %dma_start3A_209 : memref<1x8x128xf32, #tpu.memory_space<vmem>> -> memref<8x128xf32, #tpu.memory_space<vmem>>
      %dma_start3A_211 = tpu.memref_slice %arg2[%multiple_of3A_202, %multiple_of3A_205] : memref<128x100000xf32, #tpu.memory_space<hbm>> -> memref<8x128xf32, #tpu.memory_space<hbm>>
      %dma_start3A_212 = arith.constant 0 : i32
      %dma_start3A_213 = arith.constant 0 : i32
      %dma_start3A_214 = tpu.memref_slice %arg6[%dma_start3A_206, %dma_start3A_212, %dma_start3A_213] : memref<16x8x128xf32, #tpu.memory_space<vmem>> -> memref<1x8x128xf32, #tpu.memory_space<vmem>>
      %dma_start3A_215 = tpu.memref_squeeze %dma_start3A_214 : memref<1x8x128xf32, #tpu.memory_space<vmem>> -> memref<8x128xf32, #tpu.memory_space<vmem>>
      %dma_start3A_216 = tpu.memref_slice %arg2[%multiple_of3A_202, %multiple_of3A_205] : memref<128x100000xf32, #tpu.memory_space<hbm>> -> memref<8x128xf32, #tpu.memory_space<hbm>>
      tpu.enqueue_dma source(%dma_start3A_216 : memref<8x128xf32, #tpu.memory_space<hbm>>) target(%dma_start3A_215 : memref<8x128xf32, #tpu.memory_space<vmem>>) target_semaphore(%arg8 : memref<!tpu.dma_semaphore, #tpu.memory_space<semaphore_mem>>)
      %add3A_217 = arith.constant 8 : i32
      %add3A_218 = arith.addi %mul3A_4, %add3A_217 : i32
      %multiple_of3A_219 = tpu.assume_multiple %add3A_218, 8 : i32
      %slice3A_220 = vector.extract_strided_slice %and3A_16 {offsets = [12], sizes = [1], strides = [1]} : vector<16xi32> to vector<1xi32>
      %squeeze3A_221 = vector.extract %slice3A_220[0] : i32 from vector<1xi32>
      %multiple_of3A_222 = tpu.assume_multiple %squeeze3A_221, 128 : i32
      %dma_start3A_223 = arith.constant 12 : i32
      %dma_start3A_224 = arith.constant 0 : i32
      %dma_start3A_225 = arith.constant 0 : i32
      %dma_start3A_226 = tpu.memref_slice %arg6[%dma_start3A_223, %dma_start3A_224, %dma_start3A_225] : memref<16x8x128xf32, #tpu.memory_space<vmem>> -> memref<1x8x128xf32, #tpu.memory_space<vmem>>
      %dma_start3A_227 = tpu.memref_squeeze %dma_start3A_226 : memref<1x8x128xf32, #tpu.memory_space<vmem>> -> memref<8x128xf32, #tpu.memory_space<vmem>>
      %dma_start3A_228 = tpu.memref_slice %arg2[%multiple_of3A_219, %multiple_of3A_222] : memref<128x100000xf32, #tpu.memory_space<hbm>> -> memref<8x128xf32, #tpu.memory_space<hbm>>
      %dma_start3A_229 = arith.constant 0 : i32
      %dma_start3A_230 = arith.constant 0 : i32
      %dma_start3A_231 = tpu.memref_slice %arg6[%dma_start3A_223, %dma_start3A_229, %dma_start3A_230] : memref<16x8x128xf32, #tpu.memory_space<vmem>> -> memref<1x8x128xf32, #tpu.memory_space<vmem>>
      %dma_start3A_232 = tpu.memref_squeeze %dma_start3A_231 : memref<1x8x128xf32, #tpu.memory_space<vmem>> -> memref<8x128xf32, #tpu.memory_space<vmem>>
      %dma_start3A_233 = tpu.memref_slice %arg2[%multiple_of3A_219, %multiple_of3A_222] : memref<128x100000xf32, #tpu.memory_space<hbm>> -> memref<8x128xf32, #tpu.memory_space<hbm>>
      tpu.enqueue_dma source(%dma_start3A_233 : memref<8x128xf32, #tpu.memory_space<hbm>>) target(%dma_start3A_232 : memref<8x128xf32, #tpu.memory_space<vmem>>) target_semaphore(%arg8 : memref<!tpu.dma_semaphore, #tpu.memory_space<semaphore_mem>>)
      %add3A_234 = arith.constant 8 : i32
      %add3A_235 = arith.addi %mul3A_4, %add3A_234 : i32
      %multiple_of3A_236 = tpu.assume_multiple %add3A_235, 8 : i32
      %slice3A_237 = vector.extract_strided_slice %and3A_16 {offsets = [13], sizes = [1], strides = [1]} : vector<16xi32> to vector<1xi32>
      %squeeze3A_238 = vector.extract %slice3A_237[0] : i32 from vector<1xi32>
      %multiple_of3A_239 = tpu.assume_multiple %squeeze3A_238, 128 : i32
      %dma_start3A_240 = arith.constant 13 : i32
      %dma_start3A_241 = arith.constant 0 : i32
      %dma_start3A_242 = arith.constant 0 : i32
      %dma_start3A_243 = tpu.memref_slice %arg6[%dma_start3A_240, %dma_start3A_241, %dma_start3A_242] : memref<16x8x128xf32, #tpu.memory_space<vmem>> -> memref<1x8x128xf32, #tpu.memory_space<vmem>>
      %dma_start3A_244 = tpu.memref_squeeze %dma_start3A_243 : memref<1x8x128xf32, #tpu.memory_space<vmem>> -> memref<8x128xf32, #tpu.memory_space<vmem>>
      %dma_start3A_245 = tpu.memref_slice %arg2[%multiple_of3A_236, %multiple_of3A_239] : memref<128x100000xf32, #tpu.memory_space<hbm>> -> memref<8x128xf32, #tpu.memory_space<hbm>>
      %dma_start3A_246 = arith.constant 0 : i32
      %dma_start3A_247 = arith.constant 0 : i32
      %dma_start3A_248 = tpu.memref_slice %arg6[%dma_start3A_240, %dma_start3A_246, %dma_start3A_247] : memref<16x8x128xf32, #tpu.memory_space<vmem>> -> memref<1x8x128xf32, #tpu.memory_space<vmem>>
      %dma_start3A_249 = tpu.memref_squeeze %dma_start3A_248 : memref<1x8x128xf32, #tpu.memory_space<vmem>> -> memref<8x128xf32, #tpu.memory_space<vmem>>
      %dma_start3A_250 = tpu.memref_slice %arg2[%multiple_of3A_236, %multiple_of3A_239] : memref<128x100000xf32, #tpu.memory_space<hbm>> -> memref<8x128xf32, #tpu.memory_space<hbm>>
      tpu.enqueue_dma source(%dma_start3A_250 : memref<8x128xf32, #tpu.memory_space<hbm>>) target(%dma_start3A_249 : memref<8x128xf32, #tpu.memory_space<vmem>>) target_semaphore(%arg8 : memref<!tpu.dma_semaphore, #tpu.memory_space<semaphore_mem>>)
      %add3A_251 = arith.constant 8 : i32
      %add3A_252 = arith.addi %mul3A_4, %add3A_251 : i32
      %multiple_of3A_253 = tpu.assume_multiple %add3A_252, 8 : i32
      %slice3A_254 = vector.extract_strided_slice %and3A_16 {offsets = [14], sizes = [1], strides = [1]} : vector<16xi32> to vector<1xi32>
      %squeeze3A_255 = vector.extract %slice3A_254[0] : i32 from vector<1xi32>
      %multiple_of3A_256 = tpu.assume_multiple %squeeze3A_255, 128 : i32
      %dma_start3A_257 = arith.constant 14 : i32
      %dma_start3A_258 = arith.constant 0 : i32
      %dma_start3A_259 = arith.constant 0 : i32
      %dma_start3A_260 = tpu.memref_slice %arg6[%dma_start3A_257, %dma_start3A_258, %dma_start3A_259] : memref<16x8x128xf32, #tpu.memory_space<vmem>> -> memref<1x8x128xf32, #tpu.memory_space<vmem>>
      %dma_start3A_261 = tpu.memref_squeeze %dma_start3A_260 : memref<1x8x128xf32, #tpu.memory_space<vmem>> -> memref<8x128xf32, #tpu.memory_space<vmem>>
      %dma_start3A_262 = tpu.memref_slice %arg2[%multiple_of3A_253, %multiple_of3A_256] : memref<128x100000xf32, #tpu.memory_space<hbm>> -> memref<8x128xf32, #tpu.memory_space<hbm>>
      %dma_start3A_263 = arith.constant 0 : i32
      %dma_start3A_264 = arith.constant 0 : i32
      %dma_start3A_265 = tpu.memref_slice %arg6[%dma_start3A_257, %dma_start3A_263, %dma_start3A_264] : memref<16x8x128xf32, #tpu.memory_space<vmem>> -> memref<1x8x128xf32, #tpu.memory_space<vmem>>
      %dma_start3A_266 = tpu.memref_squeeze %dma_start3A_265 : memref<1x8x128xf32, #tpu.memory_space<vmem>> -> memref<8x128xf32, #tpu.memory_space<vmem>>
      %dma_start3A_267 = tpu.memref_slice %arg2[%multiple_of3A_253, %multiple_of3A_256] : memref<128x100000xf32, #tpu.memory_space<hbm>> -> memref<8x128xf32, #tpu.memory_space<hbm>>
      tpu.enqueue_dma source(%dma_start3A_267 : memref<8x128xf32, #tpu.memory_space<hbm>>) target(%dma_start3A_266 : memref<8x128xf32, #tpu.memory_space<vmem>>) target_semaphore(%arg8 : memref<!tpu.dma_semaphore, #tpu.memory_space<semaphore_mem>>)
      %add3A_268 = arith.constant 8 : i32
      %add3A_269 = arith.addi %mul3A_4, %add3A_268 : i32
      %multiple_of3A_270 = tpu.assume_multiple %add3A_269, 8 : i32
      %slice3A_271 = vector.extract_strided_slice %and3A_16 {offsets = [15], sizes = [1], strides = [1]} : vector<16xi32> to vector<1xi32>
      %squeeze3A_272 = vector.extract %slice3A_271[0] : i32 from vector<1xi32>
      %multiple_of3A_273 = tpu.assume_multiple %squeeze3A_272, 128 : i32
      %dma_start3A_274 = arith.constant 15 : i32
      %dma_start3A_275 = arith.constant 0 : i32
      %dma_start3A_276 = arith.constant 0 : i32
      %dma_start3A_277 = tpu.memref_slice %arg6[%dma_start3A_274, %dma_start3A_275, %dma_start3A_276] : memref<16x8x128xf32, #tpu.memory_space<vmem>> -> memref<1x8x128xf32, #tpu.memory_space<vmem>>
      %dma_start3A_278 = tpu.memref_squeeze %dma_start3A_277 : memref<1x8x128xf32, #tpu.memory_space<vmem>> -> memref<8x128xf32, #tpu.memory_space<vmem>>
      %dma_start3A_279 = tpu.memref_slice %arg2[%multiple_of3A_270, %multiple_of3A_273] : memref<128x100000xf32, #tpu.memory_space<hbm>> -> memref<8x128xf32, #tpu.memory_space<hbm>>
      %dma_start3A_280 = arith.constant 0 : i32
      %dma_start3A_281 = arith.constant 0 : i32
      %dma_start3A_282 = tpu.memref_slice %arg6[%dma_start3A_274, %dma_start3A_280, %dma_start3A_281] : memref<16x8x128xf32, #tpu.memory_space<vmem>> -> memref<1x8x128xf32, #tpu.memory_space<vmem>>
      %dma_start3A_283 = tpu.memref_squeeze %dma_start3A_282 : memref<1x8x128xf32, #tpu.memory_space<vmem>> -> memref<8x128xf32, #tpu.memory_space<vmem>>
      %dma_start3A_284 = tpu.memref_slice %arg2[%multiple_of3A_270, %multiple_of3A_273] : memref<128x100000xf32, #tpu.memory_space<hbm>> -> memref<8x128xf32, #tpu.memory_space<hbm>>
      tpu.enqueue_dma source(%dma_start3A_284 : memref<8x128xf32, #tpu.memory_space<hbm>>) target(%dma_start3A_283 : memref<8x128xf32, #tpu.memory_space<vmem>>) target_semaphore(%arg8 : memref<!tpu.dma_semaphore, #tpu.memory_space<semaphore_mem>>)
      %dma_wait3A = arith.constant 0 : i32
      %dma_wait3A_285 = arith.constant 0 : i32
      %dma_wait3A_286 = arith.constant 0 : i32
      %dma_wait3A_287 = tpu.memref_slice %arg6[%dma_wait3A, %dma_wait3A_285, %dma_wait3A_286] : memref<16x8x128xf32, #tpu.memory_space<vmem>> -> memref<1x8x128xf32, #tpu.memory_space<vmem>>
      %dma_wait3A_288 = tpu.memref_squeeze %dma_wait3A_287 : memref<1x8x128xf32, #tpu.memory_space<vmem>> -> memref<8x128xf32, #tpu.memory_space<vmem>>
      %dma_wait3A_289 = tpu.memref_slice %arg2[%multiple_of3A, %multiple_of3A_19] : memref<128x100000xf32, #tpu.memory_space<hbm>> -> memref<8x128xf32, #tpu.memory_space<hbm>>
      %dma_wait3A_290 = arith.constant 0 : i32
      %dma_wait3A_291 = arith.constant 0 : i32
      %dma_wait3A_292 = tpu.memref_slice %arg6[%dma_wait3A, %dma_wait3A_290, %dma_wait3A_291] : memref<16x8x128xf32, #tpu.memory_space<vmem>> -> memref<1x8x128xf32, #tpu.memory_space<vmem>>
      %dma_wait3A_293 = tpu.memref_squeeze %dma_wait3A_292 : memref<1x8x128xf32, #tpu.memory_space<vmem>> -> memref<8x128xf32, #tpu.memory_space<vmem>>
      %dma_wait3A_294 = tpu.memref_slice %arg2[%multiple_of3A, %multiple_of3A_19] : memref<128x100000xf32, #tpu.memory_space<hbm>> -> memref<8x128xf32, #tpu.memory_space<hbm>>
      tpu.wait_dma2 semaphore(%arg8 : memref<!tpu.dma_semaphore, #tpu.memory_space<semaphore_mem>>) src(%dma_wait3A_294 : memref<8x128xf32, #tpu.memory_space<hbm>>) dst(%dma_wait3A_293 : memref<8x128xf32, #tpu.memory_space<vmem>>)
      %dma_wait3A_295 = arith.constant 1 : i32
      %dma_wait3A_296 = arith.constant 0 : i32
      %dma_wait3A_297 = arith.constant 0 : i32
      %dma_wait3A_298 = tpu.memref_slice %arg6[%dma_wait3A_295, %dma_wait3A_296, %dma_wait3A_297] : memref<16x8x128xf32, #tpu.memory_space<vmem>> -> memref<1x8x128xf32, #tpu.memory_space<vmem>>
      %dma_wait3A_299 = tpu.memref_squeeze %dma_wait3A_298 : memref<1x8x128xf32, #tpu.memory_space<vmem>> -> memref<8x128xf32, #tpu.memory_space<vmem>>
      %dma_wait3A_300 = tpu.memref_slice %arg2[%multiple_of3A_32, %multiple_of3A_35] : memref<128x100000xf32, #tpu.memory_space<hbm>> -> memref<8x128xf32, #tpu.memory_space<hbm>>
      %dma_wait3A_301 = arith.constant 0 : i32
      %dma_wait3A_302 = arith.constant 0 : i32
      %dma_wait3A_303 = tpu.memref_slice %arg6[%dma_wait3A_295, %dma_wait3A_301, %dma_wait3A_302] : memref<16x8x128xf32, #tpu.memory_space<vmem>> -> memref<1x8x128xf32, #tpu.memory_space<vmem>>
      %dma_wait3A_304 = tpu.memref_squeeze %dma_wait3A_303 : memref<1x8x128xf32, #tpu.memory_space<vmem>> -> memref<8x128xf32, #tpu.memory_space<vmem>>
      %dma_wait3A_305 = tpu.memref_slice %arg2[%multiple_of3A_32, %multiple_of3A_35] : memref<128x100000xf32, #tpu.memory_space<hbm>> -> memref<8x128xf32, #tpu.memory_space<hbm>>
      tpu.wait_dma2 semaphore(%arg8 : memref<!tpu.dma_semaphore, #tpu.memory_space<semaphore_mem>>) src(%dma_wait3A_305 : memref<8x128xf32, #tpu.memory_space<hbm>>) dst(%dma_wait3A_304 : memref<8x128xf32, #tpu.memory_space<vmem>>)
      %dma_wait3A_306 = arith.constant 2 : i32
      %dma_wait3A_307 = arith.constant 0 : i32
      %dma_wait3A_308 = arith.constant 0 : i32
      %dma_wait3A_309 = tpu.memref_slice %arg6[%dma_wait3A_306, %dma_wait3A_307, %dma_wait3A_308] : memref<16x8x128xf32, #tpu.memory_space<vmem>> -> memref<1x8x128xf32, #tpu.memory_space<vmem>>
      %dma_wait3A_310 = tpu.memref_squeeze %dma_wait3A_309 : memref<1x8x128xf32, #tpu.memory_space<vmem>> -> memref<8x128xf32, #tpu.memory_space<vmem>>
      %dma_wait3A_311 = tpu.memref_slice %arg2[%multiple_of3A_49, %multiple_of3A_52] : memref<128x100000xf32, #tpu.memory_space<hbm>> -> memref<8x128xf32, #tpu.memory_space<hbm>>
      %dma_wait3A_312 = arith.constant 0 : i32
      %dma_wait3A_313 = arith.constant 0 : i32
      %dma_wait3A_314 = tpu.memref_slice %arg6[%dma_wait3A_306, %dma_wait3A_312, %dma_wait3A_313] : memref<16x8x128xf32, #tpu.memory_space<vmem>> -> memref<1x8x128xf32, #tpu.memory_space<vmem>>
      %dma_wait3A_315 = tpu.memref_squeeze %dma_wait3A_314 : memref<1x8x128xf32, #tpu.memory_space<vmem>> -> memref<8x128xf32, #tpu.memory_space<vmem>>
      %dma_wait3A_316 = tpu.memref_slice %arg2[%multiple_of3A_49, %multiple_of3A_52] : memref<128x100000xf32, #tpu.memory_space<hbm>> -> memref<8x128xf32, #tpu.memory_space<hbm>>
      tpu.wait_dma2 semaphore(%arg8 : memref<!tpu.dma_semaphore, #tpu.memory_space<semaphore_mem>>) src(%dma_wait3A_316 : memref<8x128xf32, #tpu.memory_space<hbm>>) dst(%dma_wait3A_315 : memref<8x128xf32, #tpu.memory_space<vmem>>)
      %dma_wait3A_317 = arith.constant 3 : i32
      %dma_wait3A_318 = arith.constant 0 : i32
      %dma_wait3A_319 = arith.constant 0 : i32
      %dma_wait3A_320 = tpu.memref_slice %arg6[%dma_wait3A_317, %dma_wait3A_318, %dma_wait3A_319] : memref<16x8x128xf32, #tpu.memory_space<vmem>> -> memref<1x8x128xf32, #tpu.memory_space<vmem>>
      %dma_wait3A_321 = tpu.memref_squeeze %dma_wait3A_320 : memref<1x8x128xf32, #tpu.memory_space<vmem>> -> memref<8x128xf32, #tpu.memory_space<vmem>>
      %dma_wait3A_322 = tpu.memref_slice %arg2[%multiple_of3A_66, %multiple_of3A_69] : memref<128x100000xf32, #tpu.memory_space<hbm>> -> memref<8x128xf32, #tpu.memory_space<hbm>>
      %dma_wait3A_323 = arith.constant 0 : i32
      %dma_wait3A_324 = arith.constant 0 : i32
      %dma_wait3A_325 = tpu.memref_slice %arg6[%dma_wait3A_317, %dma_wait3A_323, %dma_wait3A_324] : memref<16x8x128xf32, #tpu.memory_space<vmem>> -> memref<1x8x128xf32, #tpu.memory_space<vmem>>
      %dma_wait3A_326 = tpu.memref_squeeze %dma_wait3A_325 : memref<1x8x128xf32, #tpu.memory_space<vmem>> -> memref<8x128xf32, #tpu.memory_space<vmem>>
      %dma_wait3A_327 = tpu.memref_slice %arg2[%multiple_of3A_66, %multiple_of3A_69] : memref<128x100000xf32, #tpu.memory_space<hbm>> -> memref<8x128xf32, #tpu.memory_space<hbm>>
      tpu.wait_dma2 semaphore(%arg8 : memref<!tpu.dma_semaphore, #tpu.memory_space<semaphore_mem>>) src(%dma_wait3A_327 : memref<8x128xf32, #tpu.memory_space<hbm>>) dst(%dma_wait3A_326 : memref<8x128xf32, #tpu.memory_space<vmem>>)
      %dma_wait3A_328 = arith.constant 4 : i32
      %dma_wait3A_329 = arith.constant 0 : i32
      %dma_wait3A_330 = arith.constant 0 : i32
      %dma_wait3A_331 = tpu.memref_slice %arg6[%dma_wait3A_328, %dma_wait3A_329, %dma_wait3A_330] : memref<16x8x128xf32, #tpu.memory_space<vmem>> -> memref<1x8x128xf32, #tpu.memory_space<vmem>>
      %dma_wait3A_332 = tpu.memref_squeeze %dma_wait3A_331 : memref<1x8x128xf32, #tpu.memory_space<vmem>> -> memref<8x128xf32, #tpu.memory_space<vmem>>
      %dma_wait3A_333 = tpu.memref_slice %arg2[%multiple_of3A_83, %multiple_of3A_86] : memref<128x100000xf32, #tpu.memory_space<hbm>> -> memref<8x128xf32, #tpu.memory_space<hbm>>
      %dma_wait3A_334 = arith.constant 0 : i32
      %dma_wait3A_335 = arith.constant 0 : i32
      %dma_wait3A_336 = tpu.memref_slice %arg6[%dma_wait3A_328, %dma_wait3A_334, %dma_wait3A_335] : memref<16x8x128xf32, #tpu.memory_space<vmem>> -> memref<1x8x128xf32, #tpu.memory_space<vmem>>
      %dma_wait3A_337 = tpu.memref_squeeze %dma_wait3A_336 : memref<1x8x128xf32, #tpu.memory_space<vmem>> -> memref<8x128xf32, #tpu.memory_space<vmem>>
      %dma_wait3A_338 = tpu.memref_slice %arg2[%multiple_of3A_83, %multiple_of3A_86] : memref<128x100000xf32, #tpu.memory_space<hbm>> -> memref<8x128xf32, #tpu.memory_space<hbm>>
      tpu.wait_dma2 semaphore(%arg8 : memref<!tpu.dma_semaphore, #tpu.memory_space<semaphore_mem>>) src(%dma_wait3A_338 : memref<8x128xf32, #tpu.memory_space<hbm>>) dst(%dma_wait3A_337 : memref<8x128xf32, #tpu.memory_space<vmem>>)
      %dma_wait3A_339 = arith.constant 5 : i32
      %dma_wait3A_340 = arith.constant 0 : i32
      %dma_wait3A_341 = arith.constant 0 : i32
      %dma_wait3A_342 = tpu.memref_slice %arg6[%dma_wait3A_339, %dma_wait3A_340, %dma_wait3A_341] : memref<16x8x128xf32, #tpu.memory_space<vmem>> -> memref<1x8x128xf32, #tpu.memory_space<vmem>>
      %dma_wait3A_343 = tpu.memref_squeeze %dma_wait3A_342 : memref<1x8x128xf32, #tpu.memory_space<vmem>> -> memref<8x128xf32, #tpu.memory_space<vmem>>
      %dma_wait3A_344 = tpu.memref_slice %arg2[%multiple_of3A_100, %multiple_of3A_103] : memref<128x100000xf32, #tpu.memory_space<hbm>> -> memref<8x128xf32, #tpu.memory_space<hbm>>
      %dma_wait3A_345 = arith.constant 0 : i32
      %dma_wait3A_346 = arith.constant 0 : i32
      %dma_wait3A_347 = tpu.memref_slice %arg6[%dma_wait3A_339, %dma_wait3A_345, %dma_wait3A_346] : memref<16x8x128xf32, #tpu.memory_space<vmem>> -> memref<1x8x128xf32, #tpu.memory_space<vmem>>
      %dma_wait3A_348 = tpu.memref_squeeze %dma_wait3A_347 : memref<1x8x128xf32, #tpu.memory_space<vmem>> -> memref<8x128xf32, #tpu.memory_space<vmem>>
      %dma_wait3A_349 = tpu.memref_slice %arg2[%multiple_of3A_100, %multiple_of3A_103] : memref<128x100000xf32, #tpu.memory_space<hbm>> -> memref<8x128xf32, #tpu.memory_space<hbm>>
      tpu.wait_dma2 semaphore(%arg8 : memref<!tpu.dma_semaphore, #tpu.memory_space<semaphore_mem>>) src(%dma_wait3A_349 : memref<8x128xf32, #tpu.memory_space<hbm>>) dst(%dma_wait3A_348 : memref<8x128xf32, #tpu.memory_space<vmem>>)
      %dma_wait3A_350 = arith.constant 6 : i32
      %dma_wait3A_351 = arith.constant 0 : i32
      %dma_wait3A_352 = arith.constant 0 : i32
      %dma_wait3A_353 = tpu.memref_slice %arg6[%dma_wait3A_350, %dma_wait3A_351, %dma_wait3A_352] : memref<16x8x128xf32, #tpu.memory_space<vmem>> -> memref<1x8x128xf32, #tpu.memory_space<vmem>>
      %dma_wait3A_354 = tpu.memref_squeeze %dma_wait3A_353 : memref<1x8x128xf32, #tpu.memory_space<vmem>> -> memref<8x128xf32, #tpu.memory_space<vmem>>
      %dma_wait3A_355 = tpu.memref_slice %arg2[%multiple_of3A_117, %multiple_of3A_120] : memref<128x100000xf32, #tpu.memory_space<hbm>> -> memref<8x128xf32, #tpu.memory_space<hbm>>
      %dma_wait3A_356 = arith.constant 0 : i32
      %dma_wait3A_357 = arith.constant 0 : i32
      %dma_wait3A_358 = tpu.memref_slice %arg6[%dma_wait3A_350, %dma_wait3A_356, %dma_wait3A_357] : memref<16x8x128xf32, #tpu.memory_space<vmem>> -> memref<1x8x128xf32, #tpu.memory_space<vmem>>
      %dma_wait3A_359 = tpu.memref_squeeze %dma_wait3A_358 : memref<1x8x128xf32, #tpu.memory_space<vmem>> -> memref<8x128xf32, #tpu.memory_space<vmem>>
      %dma_wait3A_360 = tpu.memref_slice %arg2[%multiple_of3A_117, %multiple_of3A_120] : memref<128x100000xf32, #tpu.memory_space<hbm>> -> memref<8x128xf32, #tpu.memory_space<hbm>>
      tpu.wait_dma2 semaphore(%arg8 : memref<!tpu.dma_semaphore, #tpu.memory_space<semaphore_mem>>) src(%dma_wait3A_360 : memref<8x128xf32, #tpu.memory_space<hbm>>) dst(%dma_wait3A_359 : memref<8x128xf32, #tpu.memory_space<vmem>>)
      %dma_wait3A_361 = arith.constant 7 : i32
      %dma_wait3A_362 = arith.constant 0 : i32
      %dma_wait3A_363 = arith.constant 0 : i32
      %dma_wait3A_364 = tpu.memref_slice %arg6[%dma_wait3A_361, %dma_wait3A_362, %dma_wait3A_363] : memref<16x8x128xf32, #tpu.memory_space<vmem>> -> memref<1x8x128xf32, #tpu.memory_space<vmem>>
      %dma_wait3A_365 = tpu.memref_squeeze %dma_wait3A_364 : memref<1x8x128xf32, #tpu.memory_space<vmem>> -> memref<8x128xf32, #tpu.memory_space<vmem>>
      %dma_wait3A_366 = tpu.memref_slice %arg2[%multiple_of3A_134, %multiple_of3A_137] : memref<128x100000xf32, #tpu.memory_space<hbm>> -> memref<8x128xf32, #tpu.memory_space<hbm>>
      %dma_wait3A_367 = arith.constant 0 : i32
      %dma_wait3A_368 = arith.constant 0 : i32
      %dma_wait3A_369 = tpu.memref_slice %arg6[%dma_wait3A_361, %dma_wait3A_367, %dma_wait3A_368] : memref<16x8x128xf32, #tpu.memory_space<vmem>> -> memref<1x8x128xf32, #tpu.memory_space<vmem>>
      %dma_wait3A_370 = tpu.memref_squeeze %dma_wait3A_369 : memref<1x8x128xf32, #tpu.memory_space<vmem>> -> memref<8x128xf32, #tpu.memory_space<vmem>>
      %dma_wait3A_371 = tpu.memref_slice %arg2[%multiple_of3A_134, %multiple_of3A_137] : memref<128x100000xf32, #tpu.memory_space<hbm>> -> memref<8x128xf32, #tpu.memory_space<hbm>>
      tpu.wait_dma2 semaphore(%arg8 : memref<!tpu.dma_semaphore, #tpu.memory_space<semaphore_mem>>) src(%dma_wait3A_371 : memref<8x128xf32, #tpu.memory_space<hbm>>) dst(%dma_wait3A_370 : memref<8x128xf32, #tpu.memory_space<vmem>>)
      %dma_wait3A_372 = arith.constant 8 : i32
      %dma_wait3A_373 = arith.constant 0 : i32
      %dma_wait3A_374 = arith.constant 0 : i32
      %dma_wait3A_375 = tpu.memref_slice %arg6[%dma_wait3A_372, %dma_wait3A_373, %dma_wait3A_374] : memref<16x8x128xf32, #tpu.memory_space<vmem>> -> memref<1x8x128xf32, #tpu.memory_space<vmem>>
      %dma_wait3A_376 = tpu.memref_squeeze %dma_wait3A_375 : memref<1x8x128xf32, #tpu.memory_space<vmem>> -> memref<8x128xf32, #tpu.memory_space<vmem>>
      %dma_wait3A_377 = tpu.memref_slice %arg2[%multiple_of3A_151, %multiple_of3A_154] : memref<128x100000xf32, #tpu.memory_space<hbm>> -> memref<8x128xf32, #tpu.memory_space<hbm>>
      %dma_wait3A_378 = arith.constant 0 : i32
      %dma_wait3A_379 = arith.constant 0 : i32
      %dma_wait3A_380 = tpu.memref_slice %arg6[%dma_wait3A_372, %dma_wait3A_378, %dma_wait3A_379] : memref<16x8x128xf32, #tpu.memory_space<vmem>> -> memref<1x8x128xf32, #tpu.memory_space<vmem>>
      %dma_wait3A_381 = tpu.memref_squeeze %dma_wait3A_380 : memref<1x8x128xf32, #tpu.memory_space<vmem>> -> memref<8x128xf32, #tpu.memory_space<vmem>>
      %dma_wait3A_382 = tpu.memref_slice %arg2[%multiple_of3A_151, %multiple_of3A_154] : memref<128x100000xf32, #tpu.memory_space<hbm>> -> memref<8x128xf32, #tpu.memory_space<hbm>>
      tpu.wait_dma2 semaphore(%arg8 : memref<!tpu.dma_semaphore, #tpu.memory_space<semaphore_mem>>) src(%dma_wait3A_382 : memref<8x128xf32, #tpu.memory_space<hbm>>) dst(%dma_wait3A_381 : memref<8x128xf32, #tpu.memory_space<vmem>>)
      %dma_wait3A_383 = arith.constant 9 : i32
      %dma_wait3A_384 = arith.constant 0 : i32
      %dma_wait3A_385 = arith.constant 0 : i32
      %dma_wait3A_386 = tpu.memref_slice %arg6[%dma_wait3A_383, %dma_wait3A_384, %dma_wait3A_385] : memref<16x8x128xf32, #tpu.memory_space<vmem>> -> memref<1x8x128xf32, #tpu.memory_space<vmem>>
      %dma_wait3A_387 = tpu.memref_squeeze %dma_wait3A_386 : memref<1x8x128xf32, #tpu.memory_space<vmem>> -> memref<8x128xf32, #tpu.memory_space<vmem>>
      %dma_wait3A_388 = tpu.memref_slice %arg2[%multiple_of3A_168, %multiple_of3A_171] : memref<128x100000xf32, #tpu.memory_space<hbm>> -> memref<8x128xf32, #tpu.memory_space<hbm>>
      %dma_wait3A_389 = arith.constant 0 : i32
      %dma_wait3A_390 = arith.constant 0 : i32
      %dma_wait3A_391 = tpu.memref_slice %arg6[%dma_wait3A_383, %dma_wait3A_389, %dma_wait3A_390] : memref<16x8x128xf32, #tpu.memory_space<vmem>> -> memref<1x8x128xf32, #tpu.memory_space<vmem>>
      %dma_wait3A_392 = tpu.memref_squeeze %dma_wait3A_391 : memref<1x8x128xf32, #tpu.memory_space<vmem>> -> memref<8x128xf32, #tpu.memory_space<vmem>>
      %dma_wait3A_393 = tpu.memref_slice %arg2[%multiple_of3A_168, %multiple_of3A_171] : memref<128x100000xf32, #tpu.memory_space<hbm>> -> memref<8x128xf32, #tpu.memory_space<hbm>>
      tpu.wait_dma2 semaphore(%arg8 : memref<!tpu.dma_semaphore, #tpu.memory_space<semaphore_mem>>) src(%dma_wait3A_393 : memref<8x128xf32, #tpu.memory_space<hbm>>) dst(%dma_wait3A_392 : memref<8x128xf32, #tpu.memory_space<vmem>>)
      %dma_wait3A_394 = arith.constant 10 : i32
      %dma_wait3A_395 = arith.constant 0 : i32
      %dma_wait3A_396 = arith.constant 0 : i32
      %dma_wait3A_397 = tpu.memref_slice %arg6[%dma_wait3A_394, %dma_wait3A_395, %dma_wait3A_396] : memref<16x8x128xf32, #tpu.memory_space<vmem>> -> memref<1x8x128xf32, #tpu.memory_space<vmem>>
      %dma_wait3A_398 = tpu.memref_squeeze %dma_wait3A_397 : memref<1x8x128xf32, #tpu.memory_space<vmem>> -> memref<8x128xf32, #tpu.memory_space<vmem>>
      %dma_wait3A_399 = tpu.memref_slice %arg2[%multiple_of3A_185, %multiple_of3A_188] : memref<128x100000xf32, #tpu.memory_space<hbm>> -> memref<8x128xf32, #tpu.memory_space<hbm>>
      %dma_wait3A_400 = arith.constant 0 : i32
      %dma_wait3A_401 = arith.constant 0 : i32
      %dma_wait3A_402 = tpu.memref_slice %arg6[%dma_wait3A_394, %dma_wait3A_400, %dma_wait3A_401] : memref<16x8x128xf32, #tpu.memory_space<vmem>> -> memref<1x8x128xf32, #tpu.memory_space<vmem>>
      %dma_wait3A_403 = tpu.memref_squeeze %dma_wait3A_402 : memref<1x8x128xf32, #tpu.memory_space<vmem>> -> memref<8x128xf32, #tpu.memory_space<vmem>>
      %dma_wait3A_404 = tpu.memref_slice %arg2[%multiple_of3A_185, %multiple_of3A_188] : memref<128x100000xf32, #tpu.memory_space<hbm>> -> memref<8x128xf32, #tpu.memory_space<hbm>>
      tpu.wait_dma2 semaphore(%arg8 : memref<!tpu.dma_semaphore, #tpu.memory_space<semaphore_mem>>) src(%dma_wait3A_404 : memref<8x128xf32, #tpu.memory_space<hbm>>) dst(%dma_wait3A_403 : memref<8x128xf32, #tpu.memory_space<vmem>>)
      %dma_wait3A_405 = arith.constant 11 : i32
      %dma_wait3A_406 = arith.constant 0 : i32
      %dma_wait3A_407 = arith.constant 0 : i32
      %dma_wait3A_408 = tpu.memref_slice %arg6[%dma_wait3A_405, %dma_wait3A_406, %dma_wait3A_407] : memref<16x8x128xf32, #tpu.memory_space<vmem>> -> memref<1x8x128xf32, #tpu.memory_space<vmem>>
      %dma_wait3A_409 = tpu.memref_squeeze %dma_wait3A_408 : memref<1x8x128xf32, #tpu.memory_space<vmem>> -> memref<8x128xf32, #tpu.memory_space<vmem>>
      %dma_wait3A_410 = tpu.memref_slice %arg2[%multiple_of3A_202, %multiple_of3A_205] : memref<128x100000xf32, #tpu.memory_space<hbm>> -> memref<8x128xf32, #tpu.memory_space<hbm>>
      %dma_wait3A_411 = arith.constant 0 : i32
      %dma_wait3A_412 = arith.constant 0 : i32
      %dma_wait3A_413 = tpu.memref_slice %arg6[%dma_wait3A_405, %dma_wait3A_411, %dma_wait3A_412] : memref<16x8x128xf32, #tpu.memory_space<vmem>> -> memref<1x8x128xf32, #tpu.memory_space<vmem>>
      %dma_wait3A_414 = tpu.memref_squeeze %dma_wait3A_413 : memref<1x8x128xf32, #tpu.memory_space<vmem>> -> memref<8x128xf32, #tpu.memory_space<vmem>>
      %dma_wait3A_415 = tpu.memref_slice %arg2[%multiple_of3A_202, %multiple_of3A_205] : memref<128x100000xf32, #tpu.memory_space<hbm>> -> memref<8x128xf32, #tpu.memory_space<hbm>>
      tpu.wait_dma2 semaphore(%arg8 : memref<!tpu.dma_semaphore, #tpu.memory_space<semaphore_mem>>) src(%dma_wait3A_415 : memref<8x128xf32, #tpu.memory_space<hbm>>) dst(%dma_wait3A_414 : memref<8x128xf32, #tpu.memory_space<vmem>>)
      %dma_wait3A_416 = arith.constant 12 : i32
      %dma_wait3A_417 = arith.constant 0 : i32
      %dma_wait3A_418 = arith.constant 0 : i32
      %dma_wait3A_419 = tpu.memref_slice %arg6[%dma_wait3A_416, %dma_wait3A_417, %dma_wait3A_418] : memref<16x8x128xf32, #tpu.memory_space<vmem>> -> memref<1x8x128xf32, #tpu.memory_space<vmem>>
      %dma_wait3A_420 = tpu.memref_squeeze %dma_wait3A_419 : memref<1x8x128xf32, #tpu.memory_space<vmem>> -> memref<8x128xf32, #tpu.memory_space<vmem>>
      %dma_wait3A_421 = tpu.memref_slice %arg2[%multiple_of3A_219, %multiple_of3A_222] : memref<128x100000xf32, #tpu.memory_space<hbm>> -> memref<8x128xf32, #tpu.memory_space<hbm>>
      %dma_wait3A_422 = arith.constant 0 : i32
      %dma_wait3A_423 = arith.constant 0 : i32
      %dma_wait3A_424 = tpu.memref_slice %arg6[%dma_wait3A_416, %dma_wait3A_422, %dma_wait3A_423] : memref<16x8x128xf32, #tpu.memory_space<vmem>> -> memref<1x8x128xf32, #tpu.memory_space<vmem>>
      %dma_wait3A_425 = tpu.memref_squeeze %dma_wait3A_424 : memref<1x8x128xf32, #tpu.memory_space<vmem>> -> memref<8x128xf32, #tpu.memory_space<vmem>>
      %dma_wait3A_426 = tpu.memref_slice %arg2[%multiple_of3A_219, %multiple_of3A_222] : memref<128x100000xf32, #tpu.memory_space<hbm>> -> memref<8x128xf32, #tpu.memory_space<hbm>>
      tpu.wait_dma2 semaphore(%arg8 : memref<!tpu.dma_semaphore, #tpu.memory_space<semaphore_mem>>) src(%dma_wait3A_426 : memref<8x128xf32, #tpu.memory_space<hbm>>) dst(%dma_wait3A_425 : memref<8x128xf32, #tpu.memory_space<vmem>>)
      %dma_wait3A_427 = arith.constant 13 : i32
      %dma_wait3A_428 = arith.constant 0 : i32
      %dma_wait3A_429 = arith.constant 0 : i32
      %dma_wait3A_430 = tpu.memref_slice %arg6[%dma_wait3A_427, %dma_wait3A_428, %dma_wait3A_429] : memref<16x8x128xf32, #tpu.memory_space<vmem>> -> memref<1x8x128xf32, #tpu.memory_space<vmem>>
      %dma_wait3A_431 = tpu.memref_squeeze %dma_wait3A_430 : memref<1x8x128xf32, #tpu.memory_space<vmem>> -> memref<8x128xf32, #tpu.memory_space<vmem>>
      %dma_wait3A_432 = tpu.memref_slice %arg2[%multiple_of3A_236, %multiple_of3A_239] : memref<128x100000xf32, #tpu.memory_space<hbm>> -> memref<8x128xf32, #tpu.memory_space<hbm>>
      %dma_wait3A_433 = arith.constant 0 : i32
      %dma_wait3A_434 = arith.constant 0 : i32
      %dma_wait3A_435 = tpu.memref_slice %arg6[%dma_wait3A_427, %dma_wait3A_433, %dma_wait3A_434] : memref<16x8x128xf32, #tpu.memory_space<vmem>> -> memref<1x8x128xf32, #tpu.memory_space<vmem>>
      %dma_wait3A_436 = tpu.memref_squeeze %dma_wait3A_435 : memref<1x8x128xf32, #tpu.memory_space<vmem>> -> memref<8x128xf32, #tpu.memory_space<vmem>>
      %dma_wait3A_437 = tpu.memref_slice %arg2[%multiple_of3A_236, %multiple_of3A_239] : memref<128x100000xf32, #tpu.memory_space<hbm>> -> memref<8x128xf32, #tpu.memory_space<hbm>>
      tpu.wait_dma2 semaphore(%arg8 : memref<!tpu.dma_semaphore, #tpu.memory_space<semaphore_mem>>) src(%dma_wait3A_437 : memref<8x128xf32, #tpu.memory_space<hbm>>) dst(%dma_wait3A_436 : memref<8x128xf32, #tpu.memory_space<vmem>>)
      %dma_wait3A_438 = arith.constant 14 : i32
      %dma_wait3A_439 = arith.constant 0 : i32
      %dma_wait3A_440 = arith.constant 0 : i32
      %dma_wait3A_441 = tpu.memref_slice %arg6[%dma_wait3A_438, %dma_wait3A_439, %dma_wait3A_440] : memref<16x8x128xf32, #tpu.memory_space<vmem>> -> memref<1x8x128xf32, #tpu.memory_space<vmem>>
      %dma_wait3A_442 = tpu.memref_squeeze %dma_wait3A_441 : memref<1x8x128xf32, #tpu.memory_space<vmem>> -> memref<8x128xf32, #tpu.memory_space<vmem>>
      %dma_wait3A_443 = tpu.memref_slice %arg2[%multiple_of3A_253, %multiple_of3A_256] : memref<128x100000xf32, #tpu.memory_space<hbm>> -> memref<8x128xf32, #tpu.memory_space<hbm>>
      %dma_wait3A_444 = arith.constant 0 : i32
      %dma_wait3A_445 = arith.constant 0 : i32
      %dma_wait3A_446 = tpu.memref_slice %arg6[%dma_wait3A_438, %dma_wait3A_444, %dma_wait3A_445] : memref<16x8x128xf32, #tpu.memory_space<vmem>> -> memref<1x8x128xf32, #tpu.memory_space<vmem>>
      %dma_wait3A_447 = tpu.memref_squeeze %dma_wait3A_446 : memref<1x8x128xf32, #tpu.memory_space<vmem>> -> memref<8x128xf32, #tpu.memory_space<vmem>>
      %dma_wait3A_448 = tpu.memref_slice %arg2[%multiple_of3A_253, %multiple_of3A_256] : memref<128x100000xf32, #tpu.memory_space<hbm>> -> memref<8x128xf32, #tpu.memory_space<hbm>>
      tpu.wait_dma2 semaphore(%arg8 : memref<!tpu.dma_semaphore, #tpu.memory_space<semaphore_mem>>) src(%dma_wait3A_448 : memref<8x128xf32, #tpu.memory_space<hbm>>) dst(%dma_wait3A_447 : memref<8x128xf32, #tpu.memory_space<vmem>>)
      %dma_wait3A_449 = arith.constant 15 : i32
      %dma_wait3A_450 = arith.constant 0 : i32
      %dma_wait3A_451 = arith.constant 0 : i32
      %dma_wait3A_452 = tpu.memref_slice %arg6[%dma_wait3A_449, %dma_wait3A_450, %dma_wait3A_451] : memref<16x8x128xf32, #tpu.memory_space<vmem>> -> memref<1x8x128xf32, #tpu.memory_space<vmem>>
      %dma_wait3A_453 = tpu.memref_squeeze %dma_wait3A_452 : memref<1x8x128xf32, #tpu.memory_space<vmem>> -> memref<8x128xf32, #tpu.memory_space<vmem>>
      %dma_wait3A_454 = tpu.memref_slice %arg2[%multiple_of3A_270, %multiple_of3A_273] : memref<128x100000xf32, #tpu.memory_space<hbm>> -> memref<8x128xf32, #tpu.memory_space<hbm>>
      %dma_wait3A_455 = arith.constant 0 : i32
      %dma_wait3A_456 = arith.constant 0 : i32
      %dma_wait3A_457 = tpu.memref_slice %arg6[%dma_wait3A_449, %dma_wait3A_455, %dma_wait3A_456] : memref<16x8x128xf32, #tpu.memory_space<vmem>> -> memref<1x8x128xf32, #tpu.memory_space<vmem>>
      %dma_wait3A_458 = tpu.memref_squeeze %dma_wait3A_457 : memref<1x8x128xf32, #tpu.memory_space<vmem>> -> memref<8x128xf32, #tpu.memory_space<vmem>>
      %dma_wait3A_459 = tpu.memref_slice %arg2[%multiple_of3A_270, %multiple_of3A_273] : memref<128x100000xf32, #tpu.memory_space<hbm>> -> memref<8x128xf32, #tpu.memory_space<hbm>>
      tpu.wait_dma2 semaphore(%arg8 : memref<!tpu.dma_semaphore, #tpu.memory_space<semaphore_mem>>) src(%dma_wait3A_459 : memref<8x128xf32, #tpu.memory_space<hbm>>) dst(%dma_wait3A_458 : memref<8x128xf32, #tpu.memory_space<vmem>>)
      %iota3A = tpu.iota {dimensions = array<i32: 0>} : vector<16xi32>
      %broadcast_in_dim3A = arith.constant 0.000000e+00 : f32
      %broadcast_in_dim3A_460 = vector.broadcast %broadcast_in_dim3A : f32 to vector<16xf32>
      %get3A_461 = arith.constant 0 : i32
      %get3A_462 = arith.constant 0 : i32
      %get3A_463 = arith.index_cast %get3A_461 : i32 to index
      %get3A_464 = arith.index_cast %get3A_462 : i32 to index
      %get3A_465 = arith.constant 0 : index
      %get3A_466 = tpu.vector_load %arg6[%get3A_463, %get3A_464, %get3A_465] {strides = array<i32>} : memref<16x8x128xf32, #tpu.memory_space<vmem>>, vector<1x1x16xf32>,
      %get3A_467 = vector.shape_cast %get3A_466 : vector<1x1x16xf32> to vector<16xf32>
      %broadcast_in_dim3A_468 = vector.shape_cast %and3A_8 : vector<16xi32> to vector<16x1xi32>
      %gather3A = vector.shape_cast %broadcast_in_dim3A_468 : vector<16x1xi32> to vector<16xi32>
      %gather3A_469 = tpu.dynamic_gather %get3A_467[%gather3A] in [0] : vector<16xf32>, vector<16xi32> -> vector<16xf32>
      %eq3A = arith.constant 0 : i32
      %eq3A_470 = vector.broadcast %eq3A : i32 to vector<16xi32>
      %eq3A_471 = arith.cmpi eq, %iota3A, %eq3A_470 : vector<16xi32>
      %eq3A_472 = arith.constant 0 : i32
      %eq3A_473 = vector.broadcast %eq3A_472 : i32 to vector<16xi32>
      %eq3A_474 = arith.cmpi eq, %and3A_13, %eq3A_473 : vector<16xi32>
      %and3A_475 = arith.andi %eq3A_471, %eq3A_474 : vector<16xi1>
      %select_n3A = arith.select %and3A_475, %gather3A_469, %broadcast_in_dim3A_460 : vector<16xi1>, vector<16xf32>
      %get3A_476 = arith.constant 0 : i32
      %get3A_477 = arith.constant 0 : i32
      %get3A_478 = arith.index_cast %get3A_476 : i32 to index
      %get3A_479 = arith.index_cast %get3A_477 : i32 to index
      %get3A_480 = arith.constant 16 : index
      %get3A_481 = tpu.vector_load %arg6[%get3A_478, %get3A_479, %get3A_480] {strides = array<i32>} : memref<16x8x128xf32, #tpu.memory_space<vmem>>, vector<1x1x16xf32>,
      %get3A_482 = vector.shape_cast %get3A_481 : vector<1x1x16xf32> to vector<16xf32>
      %broadcast_in_dim3A_483 = vector.shape_cast %and3A_8 : vector<16xi32> to vector<16x1xi32>
      %gather3A_484 = vector.shape_cast %broadcast_in_dim3A_483 : vector<16x1xi32> to vector<16xi32>
      %gather3A_485 = tpu.dynamic_gather %get3A_482[%gather3A_484] in [0] : vector<16xf32>, vector<16xi32> -> vector<16xf32>
      %eq3A_486 = arith.constant 0 : i32
      %eq3A_487 = vector.broadcast %eq3A_486 : i32 to vector<16xi32>
      %eq3A_488 = arith.cmpi eq, %iota3A, %eq3A_487 : vector<16xi32>
      %eq3A_489 = arith.constant 1 : i32
      %eq3A_490 = vector.broadcast %eq3A_489 : i32 to vector<16xi32>
      %eq3A_491 = arith.cmpi eq, %and3A_13, %eq3A_490 : vector<16xi32>
      %and3A_492 = arith.andi %eq3A_488, %eq3A_491 : vector<16xi1>
      %select_n3A_493 = arith.select %and3A_492, %gather3A_485, %select_n3A : vector<16xi1>, vector<16xf32>
      %get3A_494 = arith.constant 0 : i32
      %get3A_495 = arith.constant 0 : i32
      %get3A_496 = arith.index_cast %get3A_494 : i32 to index
      %get3A_497 = arith.index_cast %get3A_495 : i32 to index
      %get3A_498 = arith.constant 32 : index
      %get3A_499 = tpu.vector_load %arg6[%get3A_496, %get3A_497, %get3A_498] {strides = array<i32>} : memref<16x8x128xf32, #tpu.memory_space<vmem>>, vector<1x1x16xf32>,
      %get3A_500 = vector.shape_cast %get3A_499 : vector<1x1x16xf32> to vector<16xf32>
      %broadcast_in_dim3A_501 = vector.shape_cast %and3A_8 : vector<16xi32> to vector<16x1xi32>
      %gather3A_502 = vector.shape_cast %broadcast_in_dim3A_501 : vector<16x1xi32> to vector<16xi32>
      %gather3A_503 = tpu.dynamic_gather %get3A_500[%gather3A_502] in [0] : vector<16xf32>, vector<16xi32> -> vector<16xf32>
      %eq3A_504 = arith.constant 0 : i32
      %eq3A_505 = vector.broadcast %eq3A_504 : i32 to vector<16xi32>
      %eq3A_506 = arith.cmpi eq, %iota3A, %eq3A_505 : vector<16xi32>
      %eq3A_507 = arith.constant 2 : i32
      %eq3A_508 = vector.broadcast %eq3A_507 : i32 to vector<16xi32>
      %eq3A_509 = arith.cmpi eq, %and3A_13, %eq3A_508 : vector<16xi32>
      %and3A_510 = arith.andi %eq3A_506, %eq3A_509 : vector<16xi1>
      %select_n3A_511 = arith.select %and3A_510, %gather3A_503, %select_n3A_493 : vector<16xi1>, vector<16xf32>
      %get3A_512 = arith.constant 0 : i32
      %get3A_513 = arith.constant 0 : i32
      %get3A_514 = arith.index_cast %get3A_512 : i32 to index
      %get3A_515 = arith.index_cast %get3A_513 : i32 to index
      %get3A_516 = arith.constant 48 : index
      %get3A_517 = tpu.vector_load %arg6[%get3A_514, %get3A_515, %get3A_516] {strides = array<i32>} : memref<16x8x128xf32, #tpu.memory_space<vmem>>, vector<1x1x16xf32>,
      %get3A_518 = vector.shape_cast %get3A_517 : vector<1x1x16xf32> to vector<16xf32>
      %broadcast_in_dim3A_519 = vector.shape_cast %and3A_8 : vector<16xi32> to vector<16x1xi32>
      %gather3A_520 = vector.shape_cast %broadcast_in_dim3A_519 : vector<16x1xi32> to vector<16xi32>
      %gather3A_521 = tpu.dynamic_gather %get3A_518[%gather3A_520] in [0] : vector<16xf32>, vector<16xi32> -> vector<16xf32>
      %eq3A_522 = arith.constant 0 : i32
      %eq3A_523 = vector.broadcast %eq3A_522 : i32 to vector<16xi32>
      %eq3A_524 = arith.cmpi eq, %iota3A, %eq3A_523 : vector<16xi32>
      %eq3A_525 = arith.constant 3 : i32
      %eq3A_526 = vector.broadcast %eq3A_525 : i32 to vector<16xi32>
      %eq3A_527 = arith.cmpi eq, %and3A_13, %eq3A_526 : vector<16xi32>
      %and3A_528 = arith.andi %eq3A_524, %eq3A_527 : vector<16xi1>
      %select_n3A_529 = arith.select %and3A_528, %gather3A_521, %select_n3A_511 : vector<16xi1>, vector<16xf32>
      %get3A_530 = arith.constant 0 : i32
      %get3A_531 = arith.constant 0 : i32
      %get3A_532 = arith.index_cast %get3A_530 : i32 to index
      %get3A_533 = arith.index_cast %get3A_531 : i32 to index
      %get3A_534 = arith.constant 64 : index
      %get3A_535 = tpu.vector_load %arg6[%get3A_532, %get3A_533, %get3A_534] {strides = array<i32>} : memref<16x8x128xf32, #tpu.memory_space<vmem>>, vector<1x1x16xf32>,
      %get3A_536 = vector.shape_cast %get3A_535 : vector<1x1x16xf32> to vector<16xf32>
      %broadcast_in_dim3A_537 = vector.shape_cast %and3A_8 : vector<16xi32> to vector<16x1xi32>
      %gather3A_538 = vector.shape_cast %broadcast_in_dim3A_537 : vector<16x1xi32> to vector<16xi32>
      %gather3A_539 = tpu.dynamic_gather %get3A_536[%gather3A_538] in [0] : vector<16xf32>, vector<16xi32> -> vector<16xf32>
      %eq3A_540 = arith.constant 0 : i32
      %eq3A_541 = vector.broadcast %eq3A_540 : i32 to vector<16xi32>
      %eq3A_542 = arith.cmpi eq, %iota3A, %eq3A_541 : vector<16xi32>
      %eq3A_543 = arith.constant 4 : i32
      %eq3A_544 = vector.broadcast %eq3A_543 : i32 to vector<16xi32>
      %eq3A_545 = arith.cmpi eq, %and3A_13, %eq3A_544 : vector<16xi32>
      %and3A_546 = arith.andi %eq3A_542, %eq3A_545 : vector<16xi1>
      %select_n3A_547 = arith.select %and3A_546, %gather3A_539, %select_n3A_529 : vector<16xi1>, vector<16xf32>
      %get3A_548 = arith.constant 0 : i32
      %get3A_549 = arith.constant 0 : i32
      %get3A_550 = arith.index_cast %get3A_548 : i32 to index
      %get3A_551 = arith.index_cast %get3A_549 : i32 to index
      %get3A_552 = arith.constant 80 : index
      %get3A_553 = tpu.vector_load %arg6[%get3A_550, %get3A_551, %get3A_552] {strides = array<i32>} : memref<16x8x128xf32, #tpu.memory_space<vmem>>, vector<1x1x16xf32>,
      %get3A_554 = vector.shape_cast %get3A_553 : vector<1x1x16xf32> to vector<16xf32>
      %broadcast_in_dim3A_555 = vector.shape_cast %and3A_8 : vector<16xi32> to vector<16x1xi32>
      %gather3A_556 = vector.shape_cast %broadcast_in_dim3A_555 : vector<16x1xi32> to vector<16xi32>
      %gather3A_557 = tpu.dynamic_gather %get3A_554[%gather3A_556] in [0] : vector<16xf32>, vector<16xi32> -> vector<16xf32>
      %eq3A_558 = arith.constant 0 : i32
      %eq3A_559 = vector.broadcast %eq3A_558 : i32 to vector<16xi32>
      %eq3A_560 = arith.cmpi eq, %iota3A, %eq3A_559 : vector<16xi32>
      %eq3A_561 = arith.constant 5 : i32
      %eq3A_562 = vector.broadcast %eq3A_561 : i32 to vector<16xi32>
      %eq3A_563 = arith.cmpi eq, %and3A_13, %eq3A_562 : vector<16xi32>
      %and3A_564 = arith.andi %eq3A_560, %eq3A_563 : vector<16xi1>
      %select_n3A_565 = arith.select %and3A_564, %gather3A_557, %select_n3A_547 : vector<16xi1>, vector<16xf32>
      %get3A_566 = arith.constant 0 : i32
      %get3A_567 = arith.constant 0 : i32
      %get3A_568 = arith.index_cast %get3A_566 : i32 to index
      %get3A_569 = arith.index_cast %get3A_567 : i32 to index
      %get3A_570 = arith.constant 96 : index
      %get3A_571 = tpu.vector_load %arg6[%get3A_568, %get3A_569, %get3A_570] {strides = array<i32>} : memref<16x8x128xf32, #tpu.memory_space<vmem>>, vector<1x1x16xf32>,
      %get3A_572 = vector.shape_cast %get3A_571 : vector<1x1x16xf32> to vector<16xf32>
      %broadcast_in_dim3A_573 = vector.shape_cast %and3A_8 : vector<16xi32> to vector<16x1xi32>
      %gather3A_574 = vector.shape_cast %broadcast_in_dim3A_573 : vector<16x1xi32> to vector<16xi32>
      %gather3A_575 = tpu.dynamic_gather %get3A_572[%gather3A_574] in [0] : vector<16xf32>, vector<16xi32> -> vector<16xf32>
      %eq3A_576 = arith.constant 0 : i32
      %eq3A_577 = vector.broadcast %eq3A_576 : i32 to vector<16xi32>
      %eq3A_578 = arith.cmpi eq, %iota3A, %eq3A_577 : vector<16xi32>
      %eq3A_579 = arith.constant 6 : i32
      %eq3A_580 = vector.broadcast %eq3A_579 : i32 to vector<16xi32>
      %eq3A_581 = arith.cmpi eq, %and3A_13, %eq3A_580 : vector<16xi32>
      %and3A_582 = arith.andi %eq3A_578, %eq3A_581 : vector<16xi1>
      %select_n3A_583 = arith.select %and3A_582, %gather3A_575, %select_n3A_565 : vector<16xi1>, vector<16xf32>
      %get3A_584 = arith.constant 0 : i32
      %get3A_585 = arith.constant 0 : i32
      %get3A_586 = arith.index_cast %get3A_584 : i32 to index
      %get3A_587 = arith.index_cast %get3A_585 : i32 to index
      %get3A_588 = arith.constant 112 : index
      %get3A_589 = tpu.vector_load %arg6[%get3A_586, %get3A_587, %get3A_588] {strides = array<i32>} : memref<16x8x128xf32, #tpu.memory_space<vmem>>, vector<1x1x16xf32>,
      %get3A_590 = vector.shape_cast %get3A_589 : vector<1x1x16xf32> to vector<16xf32>
      %broadcast_in_dim3A_591 = vector.shape_cast %and3A_8 : vector<16xi32> to vector<16x1xi32>
      %gather3A_592 = vector.shape_cast %broadcast_in_dim3A_591 : vector<16x1xi32> to vector<16xi32>
      %gather3A_593 = tpu.dynamic_gather %get3A_590[%gather3A_592] in [0] : vector<16xf32>, vector<16xi32> -> vector<16xf32>
      %eq3A_594 = arith.constant 0 : i32
      %eq3A_595 = vector.broadcast %eq3A_594 : i32 to vector<16xi32>
      %eq3A_596 = arith.cmpi eq, %iota3A, %eq3A_595 : vector<16xi32>
      %eq3A_597 = arith.constant 7 : i32
      %eq3A_598 = vector.broadcast %eq3A_597 : i32 to vector<16xi32>
      %eq3A_599 = arith.cmpi eq, %and3A_13, %eq3A_598 : vector<16xi32>
      %and3A_600 = arith.andi %eq3A_596, %eq3A_599 : vector<16xi1>
      %select_n3A_601 = arith.select %and3A_600, %gather3A_593, %select_n3A_583 : vector<16xi1>, vector<16xf32>
      %get3A_602 = arith.constant 1 : i32
      %get3A_603 = arith.constant 1 : i32
      %get3A_604 = arith.index_cast %get3A_602 : i32 to index
      %get3A_605 = arith.index_cast %get3A_603 : i32 to index
      %get3A_606 = arith.constant 0 : index
      %get3A_607 = tpu.vector_load %arg6[%get3A_604, %get3A_605, %get3A_606] {strides = array<i32>} : memref<16x8x128xf32, #tpu.memory_space<vmem>>, vector<1x1x16xf32>,
      %get3A_608 = vector.shape_cast %get3A_607 : vector<1x1x16xf32> to vector<16xf32>
      %broadcast_in_dim3A_609 = vector.shape_cast %and3A_8 : vector<16xi32> to vector<16x1xi32>
      %gather3A_610 = vector.shape_cast %broadcast_in_dim3A_609 : vector<16x1xi32> to vector<16xi32>
      %gather3A_611 = tpu.dynamic_gather %get3A_608[%gather3A_610] in [0] : vector<16xf32>, vector<16xi32> -> vector<16xf32>
      %eq3A_612 = arith.constant 1 : i32
      %eq3A_613 = vector.broadcast %eq3A_612 : i32 to vector<16xi32>
      %eq3A_614 = arith.cmpi eq, %iota3A, %eq3A_613 : vector<16xi32>
      %eq3A_615 = arith.constant 0 : i32
      %eq3A_616 = vector.broadcast %eq3A_615 : i32 to vector<16xi32>
      %eq3A_617 = arith.cmpi eq, %and3A_13, %eq3A_616 : vector<16xi32>
      %and3A_618 = arith.andi %eq3A_614, %eq3A_617 : vector<16xi1>
      %select_n3A_619 = arith.select %and3A_618, %gather3A_611, %select_n3A_601 : vector<16xi1>, vector<16xf32>
      %get3A_620 = arith.constant 1 : i32
      %get3A_621 = arith.constant 1 : i32
      %get3A_622 = arith.index_cast %get3A_620 : i32 to index
      %get3A_623 = arith.index_cast %get3A_621 : i32 to index
      %get3A_624 = arith.constant 16 : index
      %get3A_625 = tpu.vector_load %arg6[%get3A_622, %get3A_623, %get3A_624] {strides = array<i32>} : memref<16x8x128xf32, #tpu.memory_space<vmem>>, vector<1x1x16xf32>,
      %get3A_626 = vector.shape_cast %get3A_625 : vector<1x1x16xf32> to vector<16xf32>
      %broadcast_in_dim3A_627 = vector.shape_cast %and3A_8 : vector<16xi32> to vector<16x1xi32>
      %gather3A_628 = vector.shape_cast %broadcast_in_dim3A_627 : vector<16x1xi32> to vector<16xi32>
      %gather3A_629 = tpu.dynamic_gather %get3A_626[%gather3A_628] in [0] : vector<16xf32>, vector<16xi32> -> vector<16xf32>
      %eq3A_630 = arith.constant 1 : i32
      %eq3A_631 = vector.broadcast %eq3A_630 : i32 to vector<16xi32>
      %eq3A_632 = arith.cmpi eq, %iota3A, %eq3A_631 : vector<16xi32>
      %eq3A_633 = arith.constant 1 : i32
      %eq3A_634 = vector.broadcast %eq3A_633 : i32 to vector<16xi32>
      %eq3A_635 = arith.cmpi eq, %and3A_13, %eq3A_634 : vector<16xi32>
      %and3A_636 = arith.andi %eq3A_632, %eq3A_635 : vector<16xi1>
      %select_n3A_637 = arith.select %and3A_636, %gather3A_629, %select_n3A_619 : vector<16xi1>, vector<16xf32>
      %get3A_638 = arith.constant 1 : i32
      %get3A_639 = arith.constant 1 : i32
      %get3A_640 = arith.index_cast %get3A_638 : i32 to index
      %get3A_641 = arith.index_cast %get3A_639 : i32 to index
      %get3A_642 = arith.constant 32 : index
      %get3A_643 = tpu.vector_load %arg6[%get3A_640, %get3A_641, %get3A_642] {strides = array<i32>} : memref<16x8x128xf32, #tpu.memory_space<vmem>>, vector<1x1x16xf32>,
      %get3A_644 = vector.shape_cast %get3A_643 : vector<1x1x16xf32> to vector<16xf32>
      %broadcast_in_dim3A_645 = vector.shape_cast %and3A_8 : vector<16xi32> to vector<16x1xi32>
      %gather3A_646 = vector.shape_cast %broadcast_in_dim3A_645 : vector<16x1xi32> to vector<16xi32>
      %gather3A_647 = tpu.dynamic_gather %get3A_644[%gather3A_646] in [0] : vector<16xf32>, vector<16xi32> -> vector<16xf32>
      %eq3A_648 = arith.constant 1 : i32
      %eq3A_649 = vector.broadcast %eq3A_648 : i32 to vector<16xi32>
      %eq3A_650 = arith.cmpi eq, %iota3A, %eq3A_649 : vector<16xi32>
      %eq3A_651 = arith.constant 2 : i32
      %eq3A_652 = vector.broadcast %eq3A_651 : i32 to vector<16xi32>
      %eq3A_653 = arith.cmpi eq, %and3A_13, %eq3A_652 : vector<16xi32>
      %and3A_654 = arith.andi %eq3A_650, %eq3A_653 : vector<16xi1>
      %select_n3A_655 = arith.select %and3A_654, %gather3A_647, %select_n3A_637 : vector<16xi1>, vector<16xf32>
      %get3A_656 = arith.constant 1 : i32
      %get3A_657 = arith.constant 1 : i32
      %get3A_658 = arith.index_cast %get3A_656 : i32 to index
      %get3A_659 = arith.index_cast %get3A_657 : i32 to index
      %get3A_660 = arith.constant 48 : index
      %get3A_661 = tpu.vector_load %arg6[%get3A_658, %get3A_659, %get3A_660] {strides = array<i32>} : memref<16x8x128xf32, #tpu.memory_space<vmem>>, vector<1x1x16xf32>,
      %get3A_662 = vector.shape_cast %get3A_661 : vector<1x1x16xf32> to vector<16xf32>
      %broadcast_in_dim3A_663 = vector.shape_cast %and3A_8 : vector<16xi32> to vector<16x1xi32>
      %gather3A_664 = vector.shape_cast %broadcast_in_dim3A_663 : vector<16x1xi32> to vector<16xi32>
      %gather3A_665 = tpu.dynamic_gather %get3A_662[%gather3A_664] in [0] : vector<16xf32>, vector<16xi32> -> vector<16xf32>
      %eq3A_666 = arith.constant 1 : i32
      %eq3A_667 = vector.broadcast %eq3A_666 : i32 to vector<16xi32>
      %eq3A_668 = arith.cmpi eq, %iota3A, %eq3A_667 : vector<16xi32>
      %eq3A_669 = arith.constant 3 : i32
      %eq3A_670 = vector.broadcast %eq3A_669 : i32 to vector<16xi32>
      %eq3A_671 = arith.cmpi eq, %and3A_13, %eq3A_670 : vector<16xi32>
      %and3A_672 = arith.andi %eq3A_668, %eq3A_671 : vector<16xi1>
      %select_n3A_673 = arith.select %and3A_672, %gather3A_665, %select_n3A_655 : vector<16xi1>, vector<16xf32>
      %get3A_674 = arith.constant 1 : i32
      %get3A_675 = arith.constant 1 : i32
      %get3A_676 = arith.index_cast %get3A_674 : i32 to index
      %get3A_677 = arith.index_cast %get3A_675 : i32 to index
      %get3A_678 = arith.constant 64 : index
      %get3A_679 = tpu.vector_load %arg6[%get3A_676, %get3A_677, %get3A_678] {strides = array<i32>} : memref<16x8x128xf32, #tpu.memory_space<vmem>>, vector<1x1x16xf32>,
      %get3A_680 = vector.shape_cast %get3A_679 : vector<1x1x16xf32> to vector<16xf32>
      %broadcast_in_dim3A_681 = vector.shape_cast %and3A_8 : vector<16xi32> to vector<16x1xi32>
      %gather3A_682 = vector.shape_cast %broadcast_in_dim3A_681 : vector<16x1xi32> to vector<16xi32>
      %gather3A_683 = tpu.dynamic_gather %get3A_680[%gather3A_682] in [0] : vector<16xf32>, vector<16xi32> -> vector<16xf32>
      %eq3A_684 = arith.constant 1 : i32
      %eq3A_685 = vector.broadcast %eq3A_684 : i32 to vector<16xi32>
      %eq3A_686 = arith.cmpi eq, %iota3A, %eq3A_685 : vector<16xi32>
      %eq3A_687 = arith.constant 4 : i32
      %eq3A_688 = vector.broadcast %eq3A_687 : i32 to vector<16xi32>
      %eq3A_689 = arith.cmpi eq, %and3A_13, %eq3A_688 : vector<16xi32>
      %and3A_690 = arith.andi %eq3A_686, %eq3A_689 : vector<16xi1>
      %select_n3A_691 = arith.select %and3A_690, %gather3A_683, %select_n3A_673 : vector<16xi1>, vector<16xf32>
      %get3A_692 = arith.constant 1 : i32
      %get3A_693 = arith.constant 1 : i32
      %get3A_694 = arith.index_cast %get3A_692 : i32 to index
      %get3A_695 = arith.index_cast %get3A_693 : i32 to index
      %get3A_696 = arith.constant 80 : index
      %get3A_697 = tpu.vector_load %arg6[%get3A_694, %get3A_695, %get3A_696] {strides = array<i32>} : memref<16x8x128xf32, #tpu.memory_space<vmem>>, vector<1x1x16xf32>,
      %get3A_698 = vector.shape_cast %get3A_697 : vector<1x1x16xf32> to vector<16xf32>
      %broadcast_in_dim3A_699 = vector.shape_cast %and3A_8 : vector<16xi32> to vector<16x1xi32>
      %gather3A_700 = vector.shape_cast %broadcast_in_dim3A_699 : vector<16x1xi32> to vector<16xi32>
      %gather3A_701 = tpu.dynamic_gather %get3A_698[%gather3A_700] in [0] : vector<16xf32>, vector<16xi32> -> vector<16xf32>
      %eq3A_702 = arith.constant 1 : i32
      %eq3A_703 = vector.broadcast %eq3A_702 : i32 to vector<16xi32>
      %eq3A_704 = arith.cmpi eq, %iota3A, %eq3A_703 : vector<16xi32>
      %eq3A_705 = arith.constant 5 : i32
      %eq3A_706 = vector.broadcast %eq3A_705 : i32 to vector<16xi32>
      %eq3A_707 = arith.cmpi eq, %and3A_13, %eq3A_706 : vector<16xi32>
      %and3A_708 = arith.andi %eq3A_704, %eq3A_707 : vector<16xi1>
      %select_n3A_709 = arith.select %and3A_708, %gather3A_701, %select_n3A_691 : vector<16xi1>, vector<16xf32>
      %get3A_710 = arith.constant 1 : i32
      %get3A_711 = arith.constant 1 : i32
      %get3A_712 = arith.index_cast %get3A_710 : i32 to index
      %get3A_713 = arith.index_cast %get3A_711 : i32 to index
      %get3A_714 = arith.constant 96 : index
      %get3A_715 = tpu.vector_load %arg6[%get3A_712, %get3A_713, %get3A_714] {strides = array<i32>} : memref<16x8x128xf32, #tpu.memory_space<vmem>>, vector<1x1x16xf32>,
      %get3A_716 = vector.shape_cast %get3A_715 : vector<1x1x16xf32> to vector<16xf32>
      %broadcast_in_dim3A_717 = vector.shape_cast %and3A_8 : vector<16xi32> to vector<16x1xi32>
      %gather3A_718 = vector.shape_cast %broadcast_in_dim3A_717 : vector<16x1xi32> to vector<16xi32>
      %gather3A_719 = tpu.dynamic_gather %get3A_716[%gather3A_718] in [0] : vector<16xf32>, vector<16xi32> -> vector<16xf32>
      %eq3A_720 = arith.constant 1 : i32
      %eq3A_721 = vector.broadcast %eq3A_720 : i32 to vector<16xi32>
      %eq3A_722 = arith.cmpi eq, %iota3A, %eq3A_721 : vector<16xi32>
      %eq3A_723 = arith.constant 6 : i32
      %eq3A_724 = vector.broadcast %eq3A_723 : i32 to vector<16xi32>
      %eq3A_725 = arith.cmpi eq, %and3A_13, %eq3A_724 : vector<16xi32>
      %and3A_726 = arith.andi %eq3A_722, %eq3A_725 : vector<16xi1>
      %select_n3A_727 = arith.select %and3A_726, %gather3A_719, %select_n3A_709 : vector<16xi1>, vector<16xf32>
      %get3A_728 = arith.constant 1 : i32
      %get3A_729 = arith.constant 1 : i32
      %get3A_730 = arith.index_cast %get3A_728 : i32 to index
      %get3A_731 = arith.index_cast %get3A_729 : i32 to index
      %get3A_732 = arith.constant 112 : index
      %get3A_733 = tpu.vector_load %arg6[%get3A_730, %get3A_731, %get3A_732] {strides = array<i32>} : memref<16x8x128xf32, #tpu.memory_space<vmem>>, vector<1x1x16xf32>,
      %get3A_734 = vector.shape_cast %get3A_733 : vector<1x1x16xf32> to vector<16xf32>
      %broadcast_in_dim3A_735 = vector.shape_cast %and3A_8 : vector<16xi32> to vector<16x1xi32>
      %gather3A_736 = vector.shape_cast %broadcast_in_dim3A_735 : vector<16x1xi32> to vector<16xi32>
      %gather3A_737 = tpu.dynamic_gather %get3A_734[%gather3A_736] in [0] : vector<16xf32>, vector<16xi32> -> vector<16xf32>
      %eq3A_738 = arith.constant 1 : i32
      %eq3A_739 = vector.broadcast %eq3A_738 : i32 to vector<16xi32>
      %eq3A_740 = arith.cmpi eq, %iota3A, %eq3A_739 : vector<16xi32>
      %eq3A_741 = arith.constant 7 : i32
      %eq3A_742 = vector.broadcast %eq3A_741 : i32 to vector<16xi32>
      %eq3A_743 = arith.cmpi eq, %and3A_13, %eq3A_742 : vector<16xi32>
      %and3A_744 = arith.andi %eq3A_740, %eq3A_743 : vector<16xi1>
      %select_n3A_745 = arith.select %and3A_744, %gather3A_737, %select_n3A_727 : vector<16xi1>, vector<16xf32>
      %get3A_746 = arith.constant 2 : i32
      %get3A_747 = arith.constant 2 : i32
      %get3A_748 = arith.index_cast %get3A_746 : i32 to index
      %get3A_749 = arith.index_cast %get3A_747 : i32 to index
      %get3A_750 = arith.constant 0 : index
      %get3A_751 = tpu.vector_load %arg6[%get3A_748, %get3A_749, %get3A_750] {strides = array<i32>} : memref<16x8x128xf32, #tpu.memory_space<vmem>>, vector<1x1x16xf32>,
      %get3A_752 = vector.shape_cast %get3A_751 : vector<1x1x16xf32> to vector<16xf32>
      %broadcast_in_dim3A_753 = vector.shape_cast %and3A_8 : vector<16xi32> to vector<16x1xi32>
      %gather3A_754 = vector.shape_cast %broadcast_in_dim3A_753 : vector<16x1xi32> to vector<16xi32>
      %gather3A_755 = tpu.dynamic_gather %get3A_752[%gather3A_754] in [0] : vector<16xf32>, vector<16xi32> -> vector<16xf32>
      %eq3A_756 = arith.constant 2 : i32
      %eq3A_757 = vector.broadcast %eq3A_756 : i32 to vector<16xi32>
      %eq3A_758 = arith.cmpi eq, %iota3A, %eq3A_757 : vector<16xi32>
      %eq3A_759 = arith.constant 0 : i32
      %eq3A_760 = vector.broadcast %eq3A_759 : i32 to vector<16xi32>
      %eq3A_761 = arith.cmpi eq, %and3A_13, %eq3A_760 : vector<16xi32>
      %and3A_762 = arith.andi %eq3A_758, %eq3A_761 : vector<16xi1>
      %select_n3A_763 = arith.select %and3A_762, %gather3A_755, %select_n3A_745 : vector<16xi1>, vector<16xf32>
      %get3A_764 = arith.constant 2 : i32
      %get3A_765 = arith.constant 2 : i32
      %get3A_766 = arith.index_cast %get3A_764 : i32 to index
      %get3A_767 = arith.index_cast %get3A_765 : i32 to index
      %get3A_768 = arith.constant 16 : index
      %get3A_769 = tpu.vector_load %arg6[%get3A_766, %get3A_767, %get3A_768] {strides = array<i32>} : memref<16x8x128xf32, #tpu.memory_space<vmem>>, vector<1x1x16xf32>,
      %get3A_770 = vector.shape_cast %get3A_769 : vector<1x1x16xf32> to vector<16xf32>
      %broadcast_in_dim3A_771 = vector.shape_cast %and3A_8 : vector<16xi32> to vector<16x1xi32>
      %gather3A_772 = vector.shape_cast %broadcast_in_dim3A_771 : vector<16x1xi32> to vector<16xi32>
      %gather3A_773 = tpu.dynamic_gather %get3A_770[%gather3A_772] in [0] : vector<16xf32>, vector<16xi32> -> vector<16xf32>
      %eq3A_774 = arith.constant 2 : i32
      %eq3A_775 = vector.broadcast %eq3A_774 : i32 to vector<16xi32>
      %eq3A_776 = arith.cmpi eq, %iota3A, %eq3A_775 : vector<16xi32>
      %eq3A_777 = arith.constant 1 : i32
      %eq3A_778 = vector.broadcast %eq3A_777 : i32 to vector<16xi32>
      %eq3A_779 = arith.cmpi eq, %and3A_13, %eq3A_778 : vector<16xi32>
      %and3A_780 = arith.andi %eq3A_776, %eq3A_779 : vector<16xi1>
      %select_n3A_781 = arith.select %and3A_780, %gather3A_773, %select_n3A_763 : vector<16xi1>, vector<16xf32>
      %get3A_782 = arith.constant 2 : i32
      %get3A_783 = arith.constant 2 : i32
      %get3A_784 = arith.index_cast %get3A_782 : i32 to index
      %get3A_785 = arith.index_cast %get3A_783 : i32 to index
      %get3A_786 = arith.constant 32 : index
      %get3A_787 = tpu.vector_load %arg6[%get3A_784, %get3A_785, %get3A_786] {strides = array<i32>} : memref<16x8x128xf32, #tpu.memory_space<vmem>>, vector<1x1x16xf32>,
      %get3A_788 = vector.shape_cast %get3A_787 : vector<1x1x16xf32> to vector<16xf32>
      %broadcast_in_dim3A_789 = vector.shape_cast %and3A_8 : vector<16xi32> to vector<16x1xi32>
      %gather3A_790 = vector.shape_cast %broadcast_in_dim3A_789 : vector<16x1xi32> to vector<16xi32>
      %gather3A_791 = tpu.dynamic_gather %get3A_788[%gather3A_790] in [0] : vector<16xf32>, vector<16xi32> -> vector<16xf32>
      %eq3A_792 = arith.constant 2 : i32
      %eq3A_793 = vector.broadcast %eq3A_792 : i32 to vector<16xi32>
      %eq3A_794 = arith.cmpi eq, %iota3A, %eq3A_793 : vector<16xi32>
      %eq3A_795 = arith.constant 2 : i32
      %eq3A_796 = vector.broadcast %eq3A_795 : i32 to vector<16xi32>
      %eq3A_797 = arith.cmpi eq, %and3A_13, %eq3A_796 : vector<16xi32>
      %and3A_798 = arith.andi %eq3A_794, %eq3A_797 : vector<16xi1>
      %select_n3A_799 = arith.select %and3A_798, %gather3A_791, %select_n3A_781 : vector<16xi1>, vector<16xf32>
      %get3A_800 = arith.constant 2 : i32
      %get3A_801 = arith.constant 2 : i32
      %get3A_802 = arith.index_cast %get3A_800 : i32 to index
      %get3A_803 = arith.index_cast %get3A_801 : i32 to index
      %get3A_804 = arith.constant 48 : index
      %get3A_805 = tpu.vector_load %arg6[%get3A_802, %get3A_803, %get3A_804] {strides = array<i32>} : memref<16x8x128xf32, #tpu.memory_space<vmem>>, vector<1x1x16xf32>,
      %get3A_806 = vector.shape_cast %get3A_805 : vector<1x1x16xf32> to vector<16xf32>
      %broadcast_in_dim3A_807 = vector.shape_cast %and3A_8 : vector<16xi32> to vector<16x1xi32>
      %gather3A_808 = vector.shape_cast %broadcast_in_dim3A_807 : vector<16x1xi32> to vector<16xi32>
      %gather3A_809 = tpu.dynamic_gather %get3A_806[%gather3A_808] in [0] : vector<16xf32>, vector<16xi32> -> vector<16xf32>
      %eq3A_810 = arith.constant 2 : i32
      %eq3A_811 = vector.broadcast %eq3A_810 : i32 to vector<16xi32>
      %eq3A_812 = arith.cmpi eq, %iota3A, %eq3A_811 : vector<16xi32>
      %eq3A_813 = arith.constant 3 : i32
      %eq3A_814 = vector.broadcast %eq3A_813 : i32 to vector<16xi32>
      %eq3A_815 = arith.cmpi eq, %and3A_13, %eq3A_814 : vector<16xi32>
      %and3A_816 = arith.andi %eq3A_812, %eq3A_815 : vector<16xi1>
      %select_n3A_817 = arith.select %and3A_816, %gather3A_809, %select_n3A_799 : vector<16xi1>, vector<16xf32>
      %get3A_818 = arith.constant 2 : i32
      %get3A_819 = arith.constant 2 : i32
      %get3A_820 = arith.index_cast %get3A_818 : i32 to index
      %get3A_821 = arith.index_cast %get3A_819 : i32 to index
      %get3A_822 = arith.constant 64 : index
      %get3A_823 = tpu.vector_load %arg6[%get3A_820, %get3A_821, %get3A_822] {strides = array<i32>} : memref<16x8x128xf32, #tpu.memory_space<vmem>>, vector<1x1x16xf32>,
      %get3A_824 = vector.shape_cast %get3A_823 : vector<1x1x16xf32> to vector<16xf32>
      %broadcast_in_dim3A_825 = vector.shape_cast %and3A_8 : vector<16xi32> to vector<16x1xi32>
      %gather3A_826 = vector.shape_cast %broadcast_in_dim3A_825 : vector<16x1xi32> to vector<16xi32>
      %gather3A_827 = tpu.dynamic_gather %get3A_824[%gather3A_826] in [0] : vector<16xf32>, vector<16xi32> -> vector<16xf32>
      %eq3A_828 = arith.constant 2 : i32
      %eq3A_829 = vector.broadcast %eq3A_828 : i32 to vector<16xi32>
      %eq3A_830 = arith.cmpi eq, %iota3A, %eq3A_829 : vector<16xi32>
      %eq3A_831 = arith.constant 4 : i32
      %eq3A_832 = vector.broadcast %eq3A_831 : i32 to vector<16xi32>
      %eq3A_833 = arith.cmpi eq, %and3A_13, %eq3A_832 : vector<16xi32>
      %and3A_834 = arith.andi %eq3A_830, %eq3A_833 : vector<16xi1>
      %select_n3A_835 = arith.select %and3A_834, %gather3A_827, %select_n3A_817 : vector<16xi1>, vector<16xf32>
      %get3A_836 = arith.constant 2 : i32
      %get3A_837 = arith.constant 2 : i32
      %get3A_838 = arith.index_cast %get3A_836 : i32 to index
      %get3A_839 = arith.index_cast %get3A_837 : i32 to index
      %get3A_840 = arith.constant 80 : index
      %get3A_841 = tpu.vector_load %arg6[%get3A_838, %get3A_839, %get3A_840] {strides = array<i32>} : memref<16x8x128xf32, #tpu.memory_space<vmem>>, vector<1x1x16xf32>,
      %get3A_842 = vector.shape_cast %get3A_841 : vector<1x1x16xf32> to vector<16xf32>
      %broadcast_in_dim3A_843 = vector.shape_cast %and3A_8 : vector<16xi32> to vector<16x1xi32>
      %gather3A_844 = vector.shape_cast %broadcast_in_dim3A_843 : vector<16x1xi32> to vector<16xi32>
      %gather3A_845 = tpu.dynamic_gather %get3A_842[%gather3A_844] in [0] : vector<16xf32>, vector<16xi32> -> vector<16xf32>
      %eq3A_846 = arith.constant 2 : i32
      %eq3A_847 = vector.broadcast %eq3A_846 : i32 to vector<16xi32>
      %eq3A_848 = arith.cmpi eq, %iota3A, %eq3A_847 : vector<16xi32>
      %eq3A_849 = arith.constant 5 : i32
      %eq3A_850 = vector.broadcast %eq3A_849 : i32 to vector<16xi32>
      %eq3A_851 = arith.cmpi eq, %and3A_13, %eq3A_850 : vector<16xi32>
      %and3A_852 = arith.andi %eq3A_848, %eq3A_851 : vector<16xi1>
      %select_n3A_853 = arith.select %and3A_852, %gather3A_845, %select_n3A_835 : vector<16xi1>, vector<16xf32>
      %get3A_854 = arith.constant 2 : i32
      %get3A_855 = arith.constant 2 : i32
      %get3A_856 = arith.index_cast %get3A_854 : i32 to index
      %get3A_857 = arith.index_cast %get3A_855 : i32 to index
      %get3A_858 = arith.constant 96 : index
      %get3A_859 = tpu.vector_load %arg6[%get3A_856, %get3A_857, %get3A_858] {strides = array<i32>} : memref<16x8x128xf32, #tpu.memory_space<vmem>>, vector<1x1x16xf32>,
      %get3A_860 = vector.shape_cast %get3A_859 : vector<1x1x16xf32> to vector<16xf32>
      %broadcast_in_dim3A_861 = vector.shape_cast %and3A_8 : vector<16xi32> to vector<16x1xi32>
      %gather3A_862 = vector.shape_cast %broadcast_in_dim3A_861 : vector<16x1xi32> to vector<16xi32>
      %gather3A_863 = tpu.dynamic_gather %get3A_860[%gather3A_862] in [0] : vector<16xf32>, vector<16xi32> -> vector<16xf32>
      %eq3A_864 = arith.constant 2 : i32
      %eq3A_865 = vector.broadcast %eq3A_864 : i32 to vector<16xi32>
      %eq3A_866 = arith.cmpi eq, %iota3A, %eq3A_865 : vector<16xi32>
      %eq3A_867 = arith.constant 6 : i32
      %eq3A_868 = vector.broadcast %eq3A_867 : i32 to vector<16xi32>
      %eq3A_869 = arith.cmpi eq, %and3A_13, %eq3A_868 : vector<16xi32>
      %and3A_870 = arith.andi %eq3A_866, %eq3A_869 : vector<16xi1>
      %select_n3A_871 = arith.select %and3A_870, %gather3A_863, %select_n3A_853 : vector<16xi1>, vector<16xf32>
      %get3A_872 = arith.constant 2 : i32
      %get3A_873 = arith.constant 2 : i32
      %get3A_874 = arith.index_cast %get3A_872 : i32 to index
      %get3A_875 = arith.index_cast %get3A_873 : i32 to index
      %get3A_876 = arith.constant 112 : index
      %get3A_877 = tpu.vector_load %arg6[%get3A_874, %get3A_875, %get3A_876] {strides = array<i32>} : memref<16x8x128xf32, #tpu.memory_space<vmem>>, vector<1x1x16xf32>,
      %get3A_878 = vector.shape_cast %get3A_877 : vector<1x1x16xf32> to vector<16xf32>
      %broadcast_in_dim3A_879 = vector.shape_cast %and3A_8 : vector<16xi32> to vector<16x1xi32>
      %gather3A_880 = vector.shape_cast %broadcast_in_dim3A_879 : vector<16x1xi32> to vector<16xi32>
      %gather3A_881 = tpu.dynamic_gather %get3A_878[%gather3A_880] in [0] : vector<16xf32>, vector<16xi32> -> vector<16xf32>
      %eq3A_882 = arith.constant 2 : i32
      %eq3A_883 = vector.broadcast %eq3A_882 : i32 to vector<16xi32>
      %eq3A_884 = arith.cmpi eq, %iota3A, %eq3A_883 : vector<16xi32>
      %eq3A_885 = arith.constant 7 : i32
      %eq3A_886 = vector.broadcast %eq3A_885 : i32 to vector<16xi32>
      %eq3A_887 = arith.cmpi eq, %and3A_13, %eq3A_886 : vector<16xi32>
      %and3A_888 = arith.andi %eq3A_884, %eq3A_887 : vector<16xi1>
      %select_n3A_889 = arith.select %and3A_888, %gather3A_881, %select_n3A_871 : vector<16xi1>, vector<16xf32>
      %get3A_890 = arith.constant 3 : i32
      %get3A_891 = arith.constant 3 : i32
      %get3A_892 = arith.index_cast %get3A_890 : i32 to index
      %get3A_893 = arith.index_cast %get3A_891 : i32 to index
      %get3A_894 = arith.constant 0 : index
      %get3A_895 = tpu.vector_load %arg6[%get3A_892, %get3A_893, %get3A_894] {strides = array<i32>} : memref<16x8x128xf32, #tpu.memory_space<vmem>>, vector<1x1x16xf32>,
      %get3A_896 = vector.shape_cast %get3A_895 : vector<1x1x16xf32> to vector<16xf32>
      %broadcast_in_dim3A_897 = vector.shape_cast %and3A_8 : vector<16xi32> to vector<16x1xi32>
      %gather3A_898 = vector.shape_cast %broadcast_in_dim3A_897 : vector<16x1xi32> to vector<16xi32>
      %gather3A_899 = tpu.dynamic_gather %get3A_896[%gather3A_898] in [0] : vector<16xf32>, vector<16xi32> -> vector<16xf32>
      %eq3A_900 = arith.constant 3 : i32
      %eq3A_901 = vector.broadcast %eq3A_900 : i32 to vector<16xi32>
      %eq3A_902 = arith.cmpi eq, %iota3A, %eq3A_901 : vector<16xi32>
      %eq3A_903 = arith.constant 0 : i32
      %eq3A_904 = vector.broadcast %eq3A_903 : i32 to vector<16xi32>
      %eq3A_905 = arith.cmpi eq, %and3A_13, %eq3A_904 : vector<16xi32>
      %and3A_906 = arith.andi %eq3A_902, %eq3A_905 : vector<16xi1>
      %select_n3A_907 = arith.select %and3A_906, %gather3A_899, %select_n3A_889 : vector<16xi1>, vector<16xf32>
      %get3A_908 = arith.constant 3 : i32
      %get3A_909 = arith.constant 3 : i32
      %get3A_910 = arith.index_cast %get3A_908 : i32 to index
      %get3A_911 = arith.index_cast %get3A_909 : i32 to index
      %get3A_912 = arith.constant 16 : index
      %get3A_913 = tpu.vector_load %arg6[%get3A_910, %get3A_911, %get3A_912] {strides = array<i32>} : memref<16x8x128xf32, #tpu.memory_space<vmem>>, vector<1x1x16xf32>,
      %get3A_914 = vector.shape_cast %get3A_913 : vector<1x1x16xf32> to vector<16xf32>
      %broadcast_in_dim3A_915 = vector.shape_cast %and3A_8 : vector<16xi32> to vector<16x1xi32>
      %gather3A_916 = vector.shape_cast %broadcast_in_dim3A_915 : vector<16x1xi32> to vector<16xi32>
      %gather3A_917 = tpu.dynamic_gather %get3A_914[%gather3A_916] in [0] : vector<16xf32>, vector<16xi32> -> vector<16xf32>
      %eq3A_918 = arith.constant 3 : i32
      %eq3A_919 = vector.broadcast %eq3A_918 : i32 to vector<16xi32>
      %eq3A_920 = arith.cmpi eq, %iota3A, %eq3A_919 : vector<16xi32>
      %eq3A_921 = arith.constant 1 : i32
      %eq3A_922 = vector.broadcast %eq3A_921 : i32 to vector<16xi32>
      %eq3A_923 = arith.cmpi eq, %and3A_13, %eq3A_922 : vector<16xi32>
      %and3A_924 = arith.andi %eq3A_920, %eq3A_923 : vector<16xi1>
      %select_n3A_925 = arith.select %and3A_924, %gather3A_917, %select_n3A_907 : vector<16xi1>, vector<16xf32>
      %get3A_926 = arith.constant 3 : i32
      %get3A_927 = arith.constant 3 : i32
      %get3A_928 = arith.index_cast %get3A_926 : i32 to index
      %get3A_929 = arith.index_cast %get3A_927 : i32 to index
      %get3A_930 = arith.constant 32 : index
      %get3A_931 = tpu.vector_load %arg6[%get3A_928, %get3A_929, %get3A_930] {strides = array<i32>} : memref<16x8x128xf32, #tpu.memory_space<vmem>>, vector<1x1x16xf32>,
      %get3A_932 = vector.shape_cast %get3A_931 : vector<1x1x16xf32> to vector<16xf32>
      %broadcast_in_dim3A_933 = vector.shape_cast %and3A_8 : vector<16xi32> to vector<16x1xi32>
      %gather3A_934 = vector.shape_cast %broadcast_in_dim3A_933 : vector<16x1xi32> to vector<16xi32>
      %gather3A_935 = tpu.dynamic_gather %get3A_932[%gather3A_934] in [0] : vector<16xf32>, vector<16xi32> -> vector<16xf32>
      %eq3A_936 = arith.constant 3 : i32
      %eq3A_937 = vector.broadcast %eq3A_936 : i32 to vector<16xi32>
      %eq3A_938 = arith.cmpi eq, %iota3A, %eq3A_937 : vector<16xi32>
      %eq3A_939 = arith.constant 2 : i32
      %eq3A_940 = vector.broadcast %eq3A_939 : i32 to vector<16xi32>
      %eq3A_941 = arith.cmpi eq, %and3A_13, %eq3A_940 : vector<16xi32>
      %and3A_942 = arith.andi %eq3A_938, %eq3A_941 : vector<16xi1>
      %select_n3A_943 = arith.select %and3A_942, %gather3A_935, %select_n3A_925 : vector<16xi1>, vector<16xf32>
      %get3A_944 = arith.constant 3 : i32
      %get3A_945 = arith.constant 3 : i32
      %get3A_946 = arith.index_cast %get3A_944 : i32 to index
      %get3A_947 = arith.index_cast %get3A_945 : i32 to index
      %get3A_948 = arith.constant 48 : index
      %get3A_949 = tpu.vector_load %arg6[%get3A_946, %get3A_947, %get3A_948] {strides = array<i32>} : memref<16x8x128xf32, #tpu.memory_space<vmem>>, vector<1x1x16xf32>,
      %get3A_950 = vector.shape_cast %get3A_949 : vector<1x1x16xf32> to vector<16xf32>
      %broadcast_in_dim3A_951 = vector.shape_cast %and3A_8 : vector<16xi32> to vector<16x1xi32>
      %gather3A_952 = vector.shape_cast %broadcast_in_dim3A_951 : vector<16x1xi32> to vector<16xi32>
      %gather3A_953 = tpu.dynamic_gather %get3A_950[%gather3A_952] in [0] : vector<16xf32>, vector<16xi32> -> vector<16xf32>
      %eq3A_954 = arith.constant 3 : i32
      %eq3A_955 = vector.broadcast %eq3A_954 : i32 to vector<16xi32>
      %eq3A_956 = arith.cmpi eq, %iota3A, %eq3A_955 : vector<16xi32>
      %eq3A_957 = arith.constant 3 : i32
      %eq3A_958 = vector.broadcast %eq3A_957 : i32 to vector<16xi32>
      %eq3A_959 = arith.cmpi eq, %and3A_13, %eq3A_958 : vector<16xi32>
      %and3A_960 = arith.andi %eq3A_956, %eq3A_959 : vector<16xi1>
      %select_n3A_961 = arith.select %and3A_960, %gather3A_953, %select_n3A_943 : vector<16xi1>, vector<16xf32>
      %get3A_962 = arith.constant 3 : i32
      %get3A_963 = arith.constant 3 : i32
      %get3A_964 = arith.index_cast %get3A_962 : i32 to index
      %get3A_965 = arith.index_cast %get3A_963 : i32 to index
      %get3A_966 = arith.constant 64 : index
      %get3A_967 = tpu.vector_load %arg6[%get3A_964, %get3A_965, %get3A_966] {strides = array<i32>} : memref<16x8x128xf32, #tpu.memory_space<vmem>>, vector<1x1x16xf32>,
      %get3A_968 = vector.shape_cast %get3A_967 : vector<1x1x16xf32> to vector<16xf32>
      %broadcast_in_dim3A_969 = vector.shape_cast %and3A_8 : vector<16xi32> to vector<16x1xi32>
      %gather3A_970 = vector.shape_cast %broadcast_in_dim3A_969 : vector<16x1xi32> to vector<16xi32>
      %gather3A_971 = tpu.dynamic_gather %get3A_968[%gather3A_970] in [0] : vector<16xf32>, vector<16xi32> -> vector<16xf32>
      %eq3A_972 = arith.constant 3 : i32
      %eq3A_973 = vector.broadcast %eq3A_972 : i32 to vector<16xi32>
      %eq3A_974 = arith.cmpi eq, %iota3A, %eq3A_973 : vector<16xi32>
      %eq3A_975 = arith.constant 4 : i32
      %eq3A_976 = vector.broadcast %eq3A_975 : i32 to vector<16xi32>
      %eq3A_977 = arith.cmpi eq, %and3A_13, %eq3A_976 : vector<16xi32>
      %and3A_978 = arith.andi %eq3A_974, %eq3A_977 : vector<16xi1>
      %select_n3A_979 = arith.select %and3A_978, %gather3A_971, %select_n3A_961 : vector<16xi1>, vector<16xf32>
      %get3A_980 = arith.constant 3 : i32
      %get3A_981 = arith.constant 3 : i32
      %get3A_982 = arith.index_cast %get3A_980 : i32 to index
      %get3A_983 = arith.index_cast %get3A_981 : i32 to index
      %get3A_984 = arith.constant 80 : index
      %get3A_985 = tpu.vector_load %arg6[%get3A_982, %get3A_983, %get3A_984] {strides = array<i32>} : memref<16x8x128xf32, #tpu.memory_space<vmem>>, vector<1x1x16xf32>,
      %get3A_986 = vector.shape_cast %get3A_985 : vector<1x1x16xf32> to vector<16xf32>
      %broadcast_in_dim3A_987 = vector.shape_cast %and3A_8 : vector<16xi32> to vector<16x1xi32>
      %gather3A_988 = vector.shape_cast %broadcast_in_dim3A_987 : vector<16x1xi32> to vector<16xi32>
      %gather3A_989 = tpu.dynamic_gather %get3A_986[%gather3A_988] in [0] : vector<16xf32>, vector<16xi32> -> vector<16xf32>
      %eq3A_990 = arith.constant 3 : i32
      %eq3A_991 = vector.broadcast %eq3A_990 : i32 to vector<16xi32>
      %eq3A_992 = arith.cmpi eq, %iota3A, %eq3A_991 : vector<16xi32>
      %eq3A_993 = arith.constant 5 : i32
      %eq3A_994 = vector.broadcast %eq3A_993 : i32 to vector<16xi32>
      %eq3A_995 = arith.cmpi eq, %and3A_13, %eq3A_994 : vector<16xi32>
      %and3A_996 = arith.andi %eq3A_992, %eq3A_995 : vector<16xi1>
      %select_n3A_997 = arith.select %and3A_996, %gather3A_989, %select_n3A_979 : vector<16xi1>, vector<16xf32>
      %get3A_998 = arith.constant 3 : i32
      %get3A_999 = arith.constant 3 : i32
      %get3A_1000 = arith.index_cast %get3A_998 : i32 to index
      %get3A_1001 = arith.index_cast %get3A_999 : i32 to index
      %get3A_1002 = arith.constant 96 : index
      %get3A_1003 = tpu.vector_load %arg6[%get3A_1000, %get3A_1001, %get3A_1002] {strides = array<i32>} : memref<16x8x128xf32, #tpu.memory_space<vmem>>, vector<1x1x16xf32>,
      %get3A_1004 = vector.shape_cast %get3A_1003 : vector<1x1x16xf32> to vector<16xf32>
      %broadcast_in_dim3A_1005 = vector.shape_cast %and3A_8 : vector<16xi32> to vector<16x1xi32>
      %gather3A_1006 = vector.shape_cast %broadcast_in_dim3A_1005 : vector<16x1xi32> to vector<16xi32>
      %gather3A_1007 = tpu.dynamic_gather %get3A_1004[%gather3A_1006] in [0] : vector<16xf32>, vector<16xi32> -> vector<16xf32>
      %eq3A_1008 = arith.constant 3 : i32
      %eq3A_1009 = vector.broadcast %eq3A_1008 : i32 to vector<16xi32>
      %eq3A_1010 = arith.cmpi eq, %iota3A, %eq3A_1009 : vector<16xi32>
      %eq3A_1011 = arith.constant 6 : i32
      %eq3A_1012 = vector.broadcast %eq3A_1011 : i32 to vector<16xi32>
      %eq3A_1013 = arith.cmpi eq, %and3A_13, %eq3A_1012 : vector<16xi32>
      %and3A_1014 = arith.andi %eq3A_1010, %eq3A_1013 : vector<16xi1>
      %select_n3A_1015 = arith.select %and3A_1014, %gather3A_1007, %select_n3A_997 : vector<16xi1>, vector<16xf32>
      %get3A_1016 = arith.constant 3 : i32
      %get3A_1017 = arith.constant 3 : i32
      %get3A_1018 = arith.index_cast %get3A_1016 : i32 to index
      %get3A_1019 = arith.index_cast %get3A_1017 : i32 to index
      %get3A_1020 = arith.constant 112 : index
      %get3A_1021 = tpu.vector_load %arg6[%get3A_1018, %get3A_1019, %get3A_1020] {strides = array<i32>} : memref<16x8x128xf32, #tpu.memory_space<vmem>>, vector<1x1x16xf32>,
      %get3A_1022 = vector.shape_cast %get3A_1021 : vector<1x1x16xf32> to vector<16xf32>
      %broadcast_in_dim3A_1023 = vector.shape_cast %and3A_8 : vector<16xi32> to vector<16x1xi32>
      %gather3A_1024 = vector.shape_cast %broadcast_in_dim3A_1023 : vector<16x1xi32> to vector<16xi32>
      %gather3A_1025 = tpu.dynamic_gather %get3A_1022[%gather3A_1024] in [0] : vector<16xf32>, vector<16xi32> -> vector<16xf32>
      %eq3A_1026 = arith.constant 3 : i32
      %eq3A_1027 = vector.broadcast %eq3A_1026 : i32 to vector<16xi32>
      %eq3A_1028 = arith.cmpi eq, %iota3A, %eq3A_1027 : vector<16xi32>
      %eq3A_1029 = arith.constant 7 : i32
      %eq3A_1030 = vector.broadcast %eq3A_1029 : i32 to vector<16xi32>
      %eq3A_1031 = arith.cmpi eq, %and3A_13, %eq3A_1030 : vector<16xi32>
      %and3A_1032 = arith.andi %eq3A_1028, %eq3A_1031 : vector<16xi1>
      %select_n3A_1033 = arith.select %and3A_1032, %gather3A_1025, %select_n3A_1015 : vector<16xi1>, vector<16xf32>
      %get3A_1034 = arith.constant 4 : i32
      %get3A_1035 = arith.constant 4 : i32
      %get3A_1036 = arith.index_cast %get3A_1034 : i32 to index
      %get3A_1037 = arith.index_cast %get3A_1035 : i32 to index
      %get3A_1038 = arith.constant 0 : index
      %get3A_1039 = tpu.vector_load %arg6[%get3A_1036, %get3A_1037, %get3A_1038] {strides = array<i32>} : memref<16x8x128xf32, #tpu.memory_space<vmem>>, vector<1x1x16xf32>,
      %get3A_1040 = vector.shape_cast %get3A_1039 : vector<1x1x16xf32> to vector<16xf32>
      %broadcast_in_dim3A_1041 = vector.shape_cast %and3A_8 : vector<16xi32> to vector<16x1xi32>
      %gather3A_1042 = vector.shape_cast %broadcast_in_dim3A_1041 : vector<16x1xi32> to vector<16xi32>
      %gather3A_1043 = tpu.dynamic_gather %get3A_1040[%gather3A_1042] in [0] : vector<16xf32>, vector<16xi32> -> vector<16xf32>
      %eq3A_1044 = arith.constant 4 : i32
      %eq3A_1045 = vector.broadcast %eq3A_1044 : i32 to vector<16xi32>
      %eq3A_1046 = arith.cmpi eq, %iota3A, %eq3A_1045 : vector<16xi32>
      %eq3A_1047 = arith.constant 0 : i32
      %eq3A_1048 = vector.broadcast %eq3A_1047 : i32 to vector<16xi32>
      %eq3A_1049 = arith.cmpi eq, %and3A_13, %eq3A_1048 : vector<16xi32>
      %and3A_1050 = arith.andi %eq3A_1046, %eq3A_1049 : vector<16xi1>
      %select_n3A_1051 = arith.select %and3A_1050, %gather3A_1043, %select_n3A_1033 : vector<16xi1>, vector<16xf32>
      %get3A_1052 = arith.constant 4 : i32
      %get3A_1053 = arith.constant 4 : i32
      %get3A_1054 = arith.index_cast %get3A_1052 : i32 to index
      %get3A_1055 = arith.index_cast %get3A_1053 : i32 to index
      %get3A_1056 = arith.constant 16 : index
      %get3A_1057 = tpu.vector_load %arg6[%get3A_1054, %get3A_1055, %get3A_1056] {strides = array<i32>} : memref<16x8x128xf32, #tpu.memory_space<vmem>>, vector<1x1x16xf32>,
      %get3A_1058 = vector.shape_cast %get3A_1057 : vector<1x1x16xf32> to vector<16xf32>
      %broadcast_in_dim3A_1059 = vector.shape_cast %and3A_8 : vector<16xi32> to vector<16x1xi32>
      %gather3A_1060 = vector.shape_cast %broadcast_in_dim3A_1059 : vector<16x1xi32> to vector<16xi32>
      %gather3A_1061 = tpu.dynamic_gather %get3A_1058[%gather3A_1060] in [0] : vector<16xf32>, vector<16xi32> -> vector<16xf32>
      %eq3A_1062 = arith.constant 4 : i32
      %eq3A_1063 = vector.broadcast %eq3A_1062 : i32 to vector<16xi32>
      %eq3A_1064 = arith.cmpi eq, %iota3A, %eq3A_1063 : vector<16xi32>
      %eq3A_1065 = arith.constant 1 : i32
      %eq3A_1066 = vector.broadcast %eq3A_1065 : i32 to vector<16xi32>
      %eq3A_1067 = arith.cmpi eq, %and3A_13, %eq3A_1066 : vector<16xi32>
      %and3A_1068 = arith.andi %eq3A_1064, %eq3A_1067 : vector<16xi1>
      %select_n3A_1069 = arith.select %and3A_1068, %gather3A_1061, %select_n3A_1051 : vector<16xi1>, vector<16xf32>
      %get3A_1070 = arith.constant 4 : i32
      %get3A_1071 = arith.constant 4 : i32
      %get3A_1072 = arith.index_cast %get3A_1070 : i32 to index
      %get3A_1073 = arith.index_cast %get3A_1071 : i32 to index
      %get3A_1074 = arith.constant 32 : index
      %get3A_1075 = tpu.vector_load %arg6[%get3A_1072, %get3A_1073, %get3A_1074] {strides = array<i32>} : memref<16x8x128xf32, #tpu.memory_space<vmem>>, vector<1x1x16xf32>,
      %get3A_1076 = vector.shape_cast %get3A_1075 : vector<1x1x16xf32> to vector<16xf32>
      %broadcast_in_dim3A_1077 = vector.shape_cast %and3A_8 : vector<16xi32> to vector<16x1xi32>
      %gather3A_1078 = vector.shape_cast %broadcast_in_dim3A_1077 : vector<16x1xi32> to vector<16xi32>
      %gather3A_1079 = tpu.dynamic_gather %get3A_1076[%gather3A_1078] in [0] : vector<16xf32>, vector<16xi32> -> vector<16xf32>
      %eq3A_1080 = arith.constant 4 : i32
      %eq3A_1081 = vector.broadcast %eq3A_1080 : i32 to vector<16xi32>
      %eq3A_1082 = arith.cmpi eq, %iota3A, %eq3A_1081 : vector<16xi32>
      %eq3A_1083 = arith.constant 2 : i32
      %eq3A_1084 = vector.broadcast %eq3A_1083 : i32 to vector<16xi32>
      %eq3A_1085 = arith.cmpi eq, %and3A_13, %eq3A_1084 : vector<16xi32>
      %and3A_1086 = arith.andi %eq3A_1082, %eq3A_1085 : vector<16xi1>
      %select_n3A_1087 = arith.select %and3A_1086, %gather3A_1079, %select_n3A_1069 : vector<16xi1>, vector<16xf32>
      %get3A_1088 = arith.constant 4 : i32
      %get3A_1089 = arith.constant 4 : i32
      %get3A_1090 = arith.index_cast %get3A_1088 : i32 to index
      %get3A_1091 = arith.index_cast %get3A_1089 : i32 to index
      %get3A_1092 = arith.constant 48 : index
      %get3A_1093 = tpu.vector_load %arg6[%get3A_1090, %get3A_1091, %get3A_1092] {strides = array<i32>} : memref<16x8x128xf32, #tpu.memory_space<vmem>>, vector<1x1x16xf32>,
      %get3A_1094 = vector.shape_cast %get3A_1093 : vector<1x1x16xf32> to vector<16xf32>
      %broadcast_in_dim3A_1095 = vector.shape_cast %and3A_8 : vector<16xi32> to vector<16x1xi32>
      %gather3A_1096 = vector.shape_cast %broadcast_in_dim3A_1095 : vector<16x1xi32> to vector<16xi32>
      %gather3A_1097 = tpu.dynamic_gather %get3A_1094[%gather3A_1096] in [0] : vector<16xf32>, vector<16xi32> -> vector<16xf32>
      %eq3A_1098 = arith.constant 4 : i32
      %eq3A_1099 = vector.broadcast %eq3A_1098 : i32 to vector<16xi32>
      %eq3A_1100 = arith.cmpi eq, %iota3A, %eq3A_1099 : vector<16xi32>
      %eq3A_1101 = arith.constant 3 : i32
      %eq3A_1102 = vector.broadcast %eq3A_1101 : i32 to vector<16xi32>
      %eq3A_1103 = arith.cmpi eq, %and3A_13, %eq3A_1102 : vector<16xi32>
      %and3A_1104 = arith.andi %eq3A_1100, %eq3A_1103 : vector<16xi1>
      %select_n3A_1105 = arith.select %and3A_1104, %gather3A_1097, %select_n3A_1087 : vector<16xi1>, vector<16xf32>
      %get3A_1106 = arith.constant 4 : i32
      %get3A_1107 = arith.constant 4 : i32
      %get3A_1108 = arith.index_cast %get3A_1106 : i32 to index
      %get3A_1109 = arith.index_cast %get3A_1107 : i32 to index
      %get3A_1110 = arith.constant 64 : index
      %get3A_1111 = tpu.vector_load %arg6[%get3A_1108, %get3A_1109, %get3A_1110] {strides = array<i32>} : memref<16x8x128xf32, #tpu.memory_space<vmem>>, vector<1x1x16xf32>,
      %get3A_1112 = vector.shape_cast %get3A_1111 : vector<1x1x16xf32> to vector<16xf32>
      %broadcast_in_dim3A_1113 = vector.shape_cast %and3A_8 : vector<16xi32> to vector<16x1xi32>
      %gather3A_1114 = vector.shape_cast %broadcast_in_dim3A_1113 : vector<16x1xi32> to vector<16xi32>
      %gather3A_1115 = tpu.dynamic_gather %get3A_1112[%gather3A_1114] in [0] : vector<16xf32>, vector<16xi32> -> vector<16xf32>
      %eq3A_1116 = arith.constant 4 : i32
      %eq3A_1117 = vector.broadcast %eq3A_1116 : i32 to vector<16xi32>
      %eq3A_1118 = arith.cmpi eq, %iota3A, %eq3A_1117 : vector<16xi32>
      %eq3A_1119 = arith.constant 4 : i32
      %eq3A_1120 = vector.broadcast %eq3A_1119 : i32 to vector<16xi32>
      %eq3A_1121 = arith.cmpi eq, %and3A_13, %eq3A_1120 : vector<16xi32>
      %and3A_1122 = arith.andi %eq3A_1118, %eq3A_1121 : vector<16xi1>
      %select_n3A_1123 = arith.select %and3A_1122, %gather3A_1115, %select_n3A_1105 : vector<16xi1>, vector<16xf32>
      %get3A_1124 = arith.constant 4 : i32
      %get3A_1125 = arith.constant 4 : i32
      %get3A_1126 = arith.index_cast %get3A_1124 : i32 to index
      %get3A_1127 = arith.index_cast %get3A_1125 : i32 to index
      %get3A_1128 = arith.constant 80 : index
      %get3A_1129 = tpu.vector_load %arg6[%get3A_1126, %get3A_1127, %get3A_1128] {strides = array<i32>} : memref<16x8x128xf32, #tpu.memory_space<vmem>>, vector<1x1x16xf32>,
      %get3A_1130 = vector.shape_cast %get3A_1129 : vector<1x1x16xf32> to vector<16xf32>
      %broadcast_in_dim3A_1131 = vector.shape_cast %and3A_8 : vector<16xi32> to vector<16x1xi32>
      %gather3A_1132 = vector.shape_cast %broadcast_in_dim3A_1131 : vector<16x1xi32> to vector<16xi32>
      %gather3A_1133 = tpu.dynamic_gather %get3A_1130[%gather3A_1132] in [0] : vector<16xf32>, vector<16xi32> -> vector<16xf32>
      %eq3A_1134 = arith.constant 4 : i32
      %eq3A_1135 = vector.broadcast %eq3A_1134 : i32 to vector<16xi32>
      %eq3A_1136 = arith.cmpi eq, %iota3A, %eq3A_1135 : vector<16xi32>
      %eq3A_1137 = arith.constant 5 : i32
      %eq3A_1138 = vector.broadcast %eq3A_1137 : i32 to vector<16xi32>
      %eq3A_1139 = arith.cmpi eq, %and3A_13, %eq3A_1138 : vector<16xi32>
      %and3A_1140 = arith.andi %eq3A_1136, %eq3A_1139 : vector<16xi1>
      %select_n3A_1141 = arith.select %and3A_1140, %gather3A_1133, %select_n3A_1123 : vector<16xi1>, vector<16xf32>
      %get3A_1142 = arith.constant 4 : i32
      %get3A_1143 = arith.constant 4 : i32
      %get3A_1144 = arith.index_cast %get3A_1142 : i32 to index
      %get3A_1145 = arith.index_cast %get3A_1143 : i32 to index
      %get3A_1146 = arith.constant 96 : index
      %get3A_1147 = tpu.vector_load %arg6[%get3A_1144, %get3A_1145, %get3A_1146] {strides = array<i32>} : memref<16x8x128xf32, #tpu.memory_space<vmem>>, vector<1x1x16xf32>,
      %get3A_1148 = vector.shape_cast %get3A_1147 : vector<1x1x16xf32> to vector<16xf32>
      %broadcast_in_dim3A_1149 = vector.shape_cast %and3A_8 : vector<16xi32> to vector<16x1xi32>
      %gather3A_1150 = vector.shape_cast %broadcast_in_dim3A_1149 : vector<16x1xi32> to vector<16xi32>
      %gather3A_1151 = tpu.dynamic_gather %get3A_1148[%gather3A_1150] in [0] : vector<16xf32>, vector<16xi32> -> vector<16xf32>
      %eq3A_1152 = arith.constant 4 : i32
      %eq3A_1153 = vector.broadcast %eq3A_1152 : i32 to vector<16xi32>
      %eq3A_1154 = arith.cmpi eq, %iota3A, %eq3A_1153 : vector<16xi32>
      %eq3A_1155 = arith.constant 6 : i32
      %eq3A_1156 = vector.broadcast %eq3A_1155 : i32 to vector<16xi32>
      %eq3A_1157 = arith.cmpi eq, %and3A_13, %eq3A_1156 : vector<16xi32>
      %and3A_1158 = arith.andi %eq3A_1154, %eq3A_1157 : vector<16xi1>
      %select_n3A_1159 = arith.select %and3A_1158, %gather3A_1151, %select_n3A_1141 : vector<16xi1>, vector<16xf32>
      %get3A_1160 = arith.constant 4 : i32
      %get3A_1161 = arith.constant 4 : i32
      %get3A_1162 = arith.index_cast %get3A_1160 : i32 to index
      %get3A_1163 = arith.index_cast %get3A_1161 : i32 to index
      %get3A_1164 = arith.constant 112 : index
      %get3A_1165 = tpu.vector_load %arg6[%get3A_1162, %get3A_1163, %get3A_1164] {strides = array<i32>} : memref<16x8x128xf32, #tpu.memory_space<vmem>>, vector<1x1x16xf32>,
      %get3A_1166 = vector.shape_cast %get3A_1165 : vector<1x1x16xf32> to vector<16xf32>
      %broadcast_in_dim3A_1167 = vector.shape_cast %and3A_8 : vector<16xi32> to vector<16x1xi32>
      %gather3A_1168 = vector.shape_cast %broadcast_in_dim3A_1167 : vector<16x1xi32> to vector<16xi32>
      %gather3A_1169 = tpu.dynamic_gather %get3A_1166[%gather3A_1168] in [0] : vector<16xf32>, vector<16xi32> -> vector<16xf32>
      %eq3A_1170 = arith.constant 4 : i32
      %eq3A_1171 = vector.broadcast %eq3A_1170 : i32 to vector<16xi32>
      %eq3A_1172 = arith.cmpi eq, %iota3A, %eq3A_1171 : vector<16xi32>
      %eq3A_1173 = arith.constant 7 : i32
      %eq3A_1174 = vector.broadcast %eq3A_1173 : i32 to vector<16xi32>
      %eq3A_1175 = arith.cmpi eq, %and3A_13, %eq3A_1174 : vector<16xi32>
      %and3A_1176 = arith.andi %eq3A_1172, %eq3A_1175 : vector<16xi1>
      %select_n3A_1177 = arith.select %and3A_1176, %gather3A_1169, %select_n3A_1159 : vector<16xi1>, vector<16xf32>
      %get3A_1178 = arith.constant 5 : i32
      %get3A_1179 = arith.constant 5 : i32
      %get3A_1180 = arith.index_cast %get3A_1178 : i32 to index
      %get3A_1181 = arith.index_cast %get3A_1179 : i32 to index
      %get3A_1182 = arith.constant 0 : index
      %get3A_1183 = tpu.vector_load %arg6[%get3A_1180, %get3A_1181, %get3A_1182] {strides = array<i32>} : memref<16x8x128xf32, #tpu.memory_space<vmem>>, vector<1x1x16xf32>,
      %get3A_1184 = vector.shape_cast %get3A_1183 : vector<1x1x16xf32> to vector<16xf32>
      %broadcast_in_dim3A_1185 = vector.shape_cast %and3A_8 : vector<16xi32> to vector<16x1xi32>
      %gather3A_1186 = vector.shape_cast %broadcast_in_dim3A_1185 : vector<16x1xi32> to vector<16xi32>
      %gather3A_1187 = tpu.dynamic_gather %get3A_1184[%gather3A_1186] in [0] : vector<16xf32>, vector<16xi32> -> vector<16xf32>
      %eq3A_1188 = arith.constant 5 : i32
      %eq3A_1189 = vector.broadcast %eq3A_1188 : i32 to vector<16xi32>
      %eq3A_1190 = arith.cmpi eq, %iota3A, %eq3A_1189 : vector<16xi32>
      %eq3A_1191 = arith.constant 0 : i32
      %eq3A_1192 = vector.broadcast %eq3A_1191 : i32 to vector<16xi32>
      %eq3A_1193 = arith.cmpi eq, %and3A_13, %eq3A_1192 : vector<16xi32>
      %and3A_1194 = arith.andi %eq3A_1190, %eq3A_1193 : vector<16xi1>
      %select_n3A_1195 = arith.select %and3A_1194, %gather3A_1187, %select_n3A_1177 : vector<16xi1>, vector<16xf32>
      %get3A_1196 = arith.constant 5 : i32
      %get3A_1197 = arith.constant 5 : i32
      %get3A_1198 = arith.index_cast %get3A_1196 : i32 to index
      %get3A_1199 = arith.index_cast %get3A_1197 : i32 to index
      %get3A_1200 = arith.constant 16 : index
      %get3A_1201 = tpu.vector_load %arg6[%get3A_1198, %get3A_1199, %get3A_1200] {strides = array<i32>} : memref<16x8x128xf32, #tpu.memory_space<vmem>>, vector<1x1x16xf32>,
      %get3A_1202 = vector.shape_cast %get3A_1201 : vector<1x1x16xf32> to vector<16xf32>
      %broadcast_in_dim3A_1203 = vector.shape_cast %and3A_8 : vector<16xi32> to vector<16x1xi32>
      %gather3A_1204 = vector.shape_cast %broadcast_in_dim3A_1203 : vector<16x1xi32> to vector<16xi32>
      %gather3A_1205 = tpu.dynamic_gather %get3A_1202[%gather3A_1204] in [0] : vector<16xf32>, vector<16xi32> -> vector<16xf32>
      %eq3A_1206 = arith.constant 5 : i32
      %eq3A_1207 = vector.broadcast %eq3A_1206 : i32 to vector<16xi32>
      %eq3A_1208 = arith.cmpi eq, %iota3A, %eq3A_1207 : vector<16xi32>
      %eq3A_1209 = arith.constant 1 : i32
      %eq3A_1210 = vector.broadcast %eq3A_1209 : i32 to vector<16xi32>
      %eq3A_1211 = arith.cmpi eq, %and3A_13, %eq3A_1210 : vector<16xi32>
      %and3A_1212 = arith.andi %eq3A_1208, %eq3A_1211 : vector<16xi1>
      %select_n3A_1213 = arith.select %and3A_1212, %gather3A_1205, %select_n3A_1195 : vector<16xi1>, vector<16xf32>
      %get3A_1214 = arith.constant 5 : i32
      %get3A_1215 = arith.constant 5 : i32
      %get3A_1216 = arith.index_cast %get3A_1214 : i32 to index
      %get3A_1217 = arith.index_cast %get3A_1215 : i32 to index
      %get3A_1218 = arith.constant 32 : index
      %get3A_1219 = tpu.vector_load %arg6[%get3A_1216, %get3A_1217, %get3A_1218] {strides = array<i32>} : memref<16x8x128xf32, #tpu.memory_space<vmem>>, vector<1x1x16xf32>,
      %get3A_1220 = vector.shape_cast %get3A_1219 : vector<1x1x16xf32> to vector<16xf32>
      %broadcast_in_dim3A_1221 = vector.shape_cast %and3A_8 : vector<16xi32> to vector<16x1xi32>
      %gather3A_1222 = vector.shape_cast %broadcast_in_dim3A_1221 : vector<16x1xi32> to vector<16xi32>
      %gather3A_1223 = tpu.dynamic_gather %get3A_1220[%gather3A_1222] in [0] : vector<16xf32>, vector<16xi32> -> vector<16xf32>
      %eq3A_1224 = arith.constant 5 : i32
      %eq3A_1225 = vector.broadcast %eq3A_1224 : i32 to vector<16xi32>
      %eq3A_1226 = arith.cmpi eq, %iota3A, %eq3A_1225 : vector<16xi32>
      %eq3A_1227 = arith.constant 2 : i32
      %eq3A_1228 = vector.broadcast %eq3A_1227 : i32 to vector<16xi32>
      %eq3A_1229 = arith.cmpi eq, %and3A_13, %eq3A_1228 : vector<16xi32>
      %and3A_1230 = arith.andi %eq3A_1226, %eq3A_1229 : vector<16xi1>
      %select_n3A_1231 = arith.select %and3A_1230, %gather3A_1223, %select_n3A_1213 : vector<16xi1>, vector<16xf32>
      %get3A_1232 = arith.constant 5 : i32
      %get3A_1233 = arith.constant 5 : i32
      %get3A_1234 = arith.index_cast %get3A_1232 : i32 to index
      %get3A_1235 = arith.index_cast %get3A_1233 : i32 to index
      %get3A_1236 = arith.constant 48 : index
      %get3A_1237 = tpu.vector_load %arg6[%get3A_1234, %get3A_1235, %get3A_1236] {strides = array<i32>} : memref<16x8x128xf32, #tpu.memory_space<vmem>>, vector<1x1x16xf32>,
      %get3A_1238 = vector.shape_cast %get3A_1237 : vector<1x1x16xf32> to vector<16xf32>
      %broadcast_in_dim3A_1239 = vector.shape_cast %and3A_8 : vector<16xi32> to vector<16x1xi32>
      %gather3A_1240 = vector.shape_cast %broadcast_in_dim3A_1239 : vector<16x1xi32> to vector<16xi32>
      %gather3A_1241 = tpu.dynamic_gather %get3A_1238[%gather3A_1240] in [0] : vector<16xf32>, vector<16xi32> -> vector<16xf32>
      %eq3A_1242 = arith.constant 5 : i32
      %eq3A_1243 = vector.broadcast %eq3A_1242 : i32 to vector<16xi32>
      %eq3A_1244 = arith.cmpi eq, %iota3A, %eq3A_1243 : vector<16xi32>
      %eq3A_1245 = arith.constant 3 : i32
      %eq3A_1246 = vector.broadcast %eq3A_1245 : i32 to vector<16xi32>
      %eq3A_1247 = arith.cmpi eq, %and3A_13, %eq3A_1246 : vector<16xi32>
      %and3A_1248 = arith.andi %eq3A_1244, %eq3A_1247 : vector<16xi1>
      %select_n3A_1249 = arith.select %and3A_1248, %gather3A_1241, %select_n3A_1231 : vector<16xi1>, vector<16xf32>
      %get3A_1250 = arith.constant 5 : i32
      %get3A_1251 = arith.constant 5 : i32
      %get3A_1252 = arith.index_cast %get3A_1250 : i32 to index
      %get3A_1253 = arith.index_cast %get3A_1251 : i32 to index
      %get3A_1254 = arith.constant 64 : index
      %get3A_1255 = tpu.vector_load %arg6[%get3A_1252, %get3A_1253, %get3A_1254] {strides = array<i32>} : memref<16x8x128xf32, #tpu.memory_space<vmem>>, vector<1x1x16xf32>,
      %get3A_1256 = vector.shape_cast %get3A_1255 : vector<1x1x16xf32> to vector<16xf32>
      %broadcast_in_dim3A_1257 = vector.shape_cast %and3A_8 : vector<16xi32> to vector<16x1xi32>
      %gather3A_1258 = vector.shape_cast %broadcast_in_dim3A_1257 : vector<16x1xi32> to vector<16xi32>
      %gather3A_1259 = tpu.dynamic_gather %get3A_1256[%gather3A_1258] in [0] : vector<16xf32>, vector<16xi32> -> vector<16xf32>
      %eq3A_1260 = arith.constant 5 : i32
      %eq3A_1261 = vector.broadcast %eq3A_1260 : i32 to vector<16xi32>
      %eq3A_1262 = arith.cmpi eq, %iota3A, %eq3A_1261 : vector<16xi32>
      %eq3A_1263 = arith.constant 4 : i32
      %eq3A_1264 = vector.broadcast %eq3A_1263 : i32 to vector<16xi32>
      %eq3A_1265 = arith.cmpi eq, %and3A_13, %eq3A_1264 : vector<16xi32>
      %and3A_1266 = arith.andi %eq3A_1262, %eq3A_1265 : vector<16xi1>
      %select_n3A_1267 = arith.select %and3A_1266, %gather3A_1259, %select_n3A_1249 : vector<16xi1>, vector<16xf32>
      %get3A_1268 = arith.constant 5 : i32
      %get3A_1269 = arith.constant 5 : i32
      %get3A_1270 = arith.index_cast %get3A_1268 : i32 to index
      %get3A_1271 = arith.index_cast %get3A_1269 : i32 to index
      %get3A_1272 = arith.constant 80 : index
      %get3A_1273 = tpu.vector_load %arg6[%get3A_1270, %get3A_1271, %get3A_1272] {strides = array<i32>} : memref<16x8x128xf32, #tpu.memory_space<vmem>>, vector<1x1x16xf32>,
      %get3A_1274 = vector.shape_cast %get3A_1273 : vector<1x1x16xf32> to vector<16xf32>
      %broadcast_in_dim3A_1275 = vector.shape_cast %and3A_8 : vector<16xi32> to vector<16x1xi32>
      %gather3A_1276 = vector.shape_cast %broadcast_in_dim3A_1275 : vector<16x1xi32> to vector<16xi32>
      %gather3A_1277 = tpu.dynamic_gather %get3A_1274[%gather3A_1276] in [0] : vector<16xf32>, vector<16xi32> -> vector<16xf32>
      %eq3A_1278 = arith.constant 5 : i32
      %eq3A_1279 = vector.broadcast %eq3A_1278 : i32 to vector<16xi32>
      %eq3A_1280 = arith.cmpi eq, %iota3A, %eq3A_1279 : vector<16xi32>
      %eq3A_1281 = arith.constant 5 : i32
      %eq3A_1282 = vector.broadcast %eq3A_1281 : i32 to vector<16xi32>
      %eq3A_1283 = arith.cmpi eq, %and3A_13, %eq3A_1282 : vector<16xi32>
      %and3A_1284 = arith.andi %eq3A_1280, %eq3A_1283 : vector<16xi1>
      %select_n3A_1285 = arith.select %and3A_1284, %gather3A_1277, %select_n3A_1267 : vector<16xi1>, vector<16xf32>
      %get3A_1286 = arith.constant 5 : i32
      %get3A_1287 = arith.constant 5 : i32
      %get3A_1288 = arith.index_cast %get3A_1286 : i32 to index
      %get3A_1289 = arith.index_cast %get3A_1287 : i32 to index
      %get3A_1290 = arith.constant 96 : index
      %get3A_1291 = tpu.vector_load %arg6[%get3A_1288, %get3A_1289, %get3A_1290] {strides = array<i32>} : memref<16x8x128xf32, #tpu.memory_space<vmem>>, vector<1x1x16xf32>,
      %get3A_1292 = vector.shape_cast %get3A_1291 : vector<1x1x16xf32> to vector<16xf32>
      %broadcast_in_dim3A_1293 = vector.shape_cast %and3A_8 : vector<16xi32> to vector<16x1xi32>
      %gather3A_1294 = vector.shape_cast %broadcast_in_dim3A_1293 : vector<16x1xi32> to vector<16xi32>
      %gather3A_1295 = tpu.dynamic_gather %get3A_1292[%gather3A_1294] in [0] : vector<16xf32>, vector<16xi32> -> vector<16xf32>
      %eq3A_1296 = arith.constant 5 : i32
      %eq3A_1297 = vector.broadcast %eq3A_1296 : i32 to vector<16xi32>
      %eq3A_1298 = arith.cmpi eq, %iota3A, %eq3A_1297 : vector<16xi32>
      %eq3A_1299 = arith.constant 6 : i32
      %eq3A_1300 = vector.broadcast %eq3A_1299 : i32 to vector<16xi32>
      %eq3A_1301 = arith.cmpi eq, %and3A_13, %eq3A_1300 : vector<16xi32>
      %and3A_1302 = arith.andi %eq3A_1298, %eq3A_1301 : vector<16xi1>
      %select_n3A_1303 = arith.select %and3A_1302, %gather3A_1295, %select_n3A_1285 : vector<16xi1>, vector<16xf32>
      %get3A_1304 = arith.constant 5 : i32
      %get3A_1305 = arith.constant 5 : i32
      %get3A_1306 = arith.index_cast %get3A_1304 : i32 to index
      %get3A_1307 = arith.index_cast %get3A_1305 : i32 to index
      %get3A_1308 = arith.constant 112 : index
      %get3A_1309 = tpu.vector_load %arg6[%get3A_1306, %get3A_1307, %get3A_1308] {strides = array<i32>} : memref<16x8x128xf32, #tpu.memory_space<vmem>>, vector<1x1x16xf32>,
      %get3A_1310 = vector.shape_cast %get3A_1309 : vector<1x1x16xf32> to vector<16xf32>
      %broadcast_in_dim3A_1311 = vector.shape_cast %and3A_8 : vector<16xi32> to vector<16x1xi32>
      %gather3A_1312 = vector.shape_cast %broadcast_in_dim3A_1311 : vector<16x1xi32> to vector<16xi32>
      %gather3A_1313 = tpu.dynamic_gather %get3A_1310[%gather3A_1312] in [0] : vector<16xf32>, vector<16xi32> -> vector<16xf32>
      %eq3A_1314 = arith.constant 5 : i32
      %eq3A_1315 = vector.broadcast %eq3A_1314 : i32 to vector<16xi32>
      %eq3A_1316 = arith.cmpi eq, %iota3A, %eq3A_1315 : vector<16xi32>
      %eq3A_1317 = arith.constant 7 : i32
      %eq3A_1318 = vector.broadcast %eq3A_1317 : i32 to vector<16xi32>
      %eq3A_1319 = arith.cmpi eq, %and3A_13, %eq3A_1318 : vector<16xi32>
      %and3A_1320 = arith.andi %eq3A_1316, %eq3A_1319 : vector<16xi1>
      %select_n3A_1321 = arith.select %and3A_1320, %gather3A_1313, %select_n3A_1303 : vector<16xi1>, vector<16xf32>
      %get3A_1322 = arith.constant 6 : i32
      %get3A_1323 = arith.constant 6 : i32
      %get3A_1324 = arith.index_cast %get3A_1322 : i32 to index
      %get3A_1325 = arith.index_cast %get3A_1323 : i32 to index
      %get3A_1326 = arith.constant 0 : index
      %get3A_1327 = tpu.vector_load %arg6[%get3A_1324, %get3A_1325, %get3A_1326] {strides = array<i32>} : memref<16x8x128xf32, #tpu.memory_space<vmem>>, vector<1x1x16xf32>,
      %get3A_1328 = vector.shape_cast %get3A_1327 : vector<1x1x16xf32> to vector<16xf32>
      %broadcast_in_dim3A_1329 = vector.shape_cast %and3A_8 : vector<16xi32> to vector<16x1xi32>
      %gather3A_1330 = vector.shape_cast %broadcast_in_dim3A_1329 : vector<16x1xi32> to vector<16xi32>
      %gather3A_1331 = tpu.dynamic_gather %get3A_1328[%gather3A_1330] in [0] : vector<16xf32>, vector<16xi32> -> vector<16xf32>
      %eq3A_1332 = arith.constant 6 : i32
      %eq3A_1333 = vector.broadcast %eq3A_1332 : i32 to vector<16xi32>
      %eq3A_1334 = arith.cmpi eq, %iota3A, %eq3A_1333 : vector<16xi32>
      %eq3A_1335 = arith.constant 0 : i32
      %eq3A_1336 = vector.broadcast %eq3A_1335 : i32 to vector<16xi32>
      %eq3A_1337 = arith.cmpi eq, %and3A_13, %eq3A_1336 : vector<16xi32>
      %and3A_1338 = arith.andi %eq3A_1334, %eq3A_1337 : vector<16xi1>
      %select_n3A_1339 = arith.select %and3A_1338, %gather3A_1331, %select_n3A_1321 : vector<16xi1>, vector<16xf32>
      %get3A_1340 = arith.constant 6 : i32
      %get3A_1341 = arith.constant 6 : i32
      %get3A_1342 = arith.index_cast %get3A_1340 : i32 to index
      %get3A_1343 = arith.index_cast %get3A_1341 : i32 to index
      %get3A_1344 = arith.constant 16 : index
      %get3A_1345 = tpu.vector_load %arg6[%get3A_1342, %get3A_1343, %get3A_1344] {strides = array<i32>} : memref<16x8x128xf32, #tpu.memory_space<vmem>>, vector<1x1x16xf32>,
      %get3A_1346 = vector.shape_cast %get3A_1345 : vector<1x1x16xf32> to vector<16xf32>
      %broadcast_in_dim3A_1347 = vector.shape_cast %and3A_8 : vector<16xi32> to vector<16x1xi32>
      %gather3A_1348 = vector.shape_cast %broadcast_in_dim3A_1347 : vector<16x1xi32> to vector<16xi32>
      %gather3A_1349 = tpu.dynamic_gather %get3A_1346[%gather3A_1348] in [0] : vector<16xf32>, vector<16xi32> -> vector<16xf32>
      %eq3A_1350 = arith.constant 6 : i32
      %eq3A_1351 = vector.broadcast %eq3A_1350 : i32 to vector<16xi32>
      %eq3A_1352 = arith.cmpi eq, %iota3A, %eq3A_1351 : vector<16xi32>
      %eq3A_1353 = arith.constant 1 : i32
      %eq3A_1354 = vector.broadcast %eq3A_1353 : i32 to vector<16xi32>
      %eq3A_1355 = arith.cmpi eq, %and3A_13, %eq3A_1354 : vector<16xi32>
      %and3A_1356 = arith.andi %eq3A_1352, %eq3A_1355 : vector<16xi1>
      %select_n3A_1357 = arith.select %and3A_1356, %gather3A_1349, %select_n3A_1339 : vector<16xi1>, vector<16xf32>
      %get3A_1358 = arith.constant 6 : i32
      %get3A_1359 = arith.constant 6 : i32
      %get3A_1360 = arith.index_cast %get3A_1358 : i32 to index
      %get3A_1361 = arith.index_cast %get3A_1359 : i32 to index
      %get3A_1362 = arith.constant 32 : index
      %get3A_1363 = tpu.vector_load %arg6[%get3A_1360, %get3A_1361, %get3A_1362] {strides = array<i32>} : memref<16x8x128xf32, #tpu.memory_space<vmem>>, vector<1x1x16xf32>,
      %get3A_1364 = vector.shape_cast %get3A_1363 : vector<1x1x16xf32> to vector<16xf32>
      %broadcast_in_dim3A_1365 = vector.shape_cast %and3A_8 : vector<16xi32> to vector<16x1xi32>
      %gather3A_1366 = vector.shape_cast %broadcast_in_dim3A_1365 : vector<16x1xi32> to vector<16xi32>
      %gather3A_1367 = tpu.dynamic_gather %get3A_1364[%gather3A_1366] in [0] : vector<16xf32>, vector<16xi32> -> vector<16xf32>
      %eq3A_1368 = arith.constant 6 : i32
      %eq3A_1369 = vector.broadcast %eq3A_1368 : i32 to vector<16xi32>
      %eq3A_1370 = arith.cmpi eq, %iota3A, %eq3A_1369 : vector<16xi32>
      %eq3A_1371 = arith.constant 2 : i32
      %eq3A_1372 = vector.broadcast %eq3A_1371 : i32 to vector<16xi32>
      %eq3A_1373 = arith.cmpi eq, %and3A_13, %eq3A_1372 : vector<16xi32>
      %and3A_1374 = arith.andi %eq3A_1370, %eq3A_1373 : vector<16xi1>
      %select_n3A_1375 = arith.select %and3A_1374, %gather3A_1367, %select_n3A_1357 : vector<16xi1>, vector<16xf32>
      %get3A_1376 = arith.constant 6 : i32
      %get3A_1377 = arith.constant 6 : i32
      %get3A_1378 = arith.index_cast %get3A_1376 : i32 to index
      %get3A_1379 = arith.index_cast %get3A_1377 : i32 to index
      %get3A_1380 = arith.constant 48 : index
      %get3A_1381 = tpu.vector_load %arg6[%get3A_1378, %get3A_1379, %get3A_1380] {strides = array<i32>} : memref<16x8x128xf32, #tpu.memory_space<vmem>>, vector<1x1x16xf32>,
      %get3A_1382 = vector.shape_cast %get3A_1381 : vector<1x1x16xf32> to vector<16xf32>
      %broadcast_in_dim3A_1383 = vector.shape_cast %and3A_8 : vector<16xi32> to vector<16x1xi32>
      %gather3A_1384 = vector.shape_cast %broadcast_in_dim3A_1383 : vector<16x1xi32> to vector<16xi32>
      %gather3A_1385 = tpu.dynamic_gather %get3A_1382[%gather3A_1384] in [0] : vector<16xf32>, vector<16xi32> -> vector<16xf32>
      %eq3A_1386 = arith.constant 6 : i32
      %eq3A_1387 = vector.broadcast %eq3A_1386 : i32 to vector<16xi32>
      %eq3A_1388 = arith.cmpi eq, %iota3A, %eq3A_1387 : vector<16xi32>
      %eq3A_1389 = arith.constant 3 : i32
      %eq3A_1390 = vector.broadcast %eq3A_1389 : i32 to vector<16xi32>
      %eq3A_1391 = arith.cmpi eq, %and3A_13, %eq3A_1390 : vector<16xi32>
      %and3A_1392 = arith.andi %eq3A_1388, %eq3A_1391 : vector<16xi1>
      %select_n3A_1393 = arith.select %and3A_1392, %gather3A_1385, %select_n3A_1375 : vector<16xi1>, vector<16xf32>
      %get3A_1394 = arith.constant 6 : i32
      %get3A_1395 = arith.constant 6 : i32
      %get3A_1396 = arith.index_cast %get3A_1394 : i32 to index
      %get3A_1397 = arith.index_cast %get3A_1395 : i32 to index
      %get3A_1398 = arith.constant 64 : index
      %get3A_1399 = tpu.vector_load %arg6[%get3A_1396, %get3A_1397, %get3A_1398] {strides = array<i32>} : memref<16x8x128xf32, #tpu.memory_space<vmem>>, vector<1x1x16xf32>,
      %get3A_1400 = vector.shape_cast %get3A_1399 : vector<1x1x16xf32> to vector<16xf32>
      %broadcast_in_dim3A_1401 = vector.shape_cast %and3A_8 : vector<16xi32> to vector<16x1xi32>
      %gather3A_1402 = vector.shape_cast %broadcast_in_dim3A_1401 : vector<16x1xi32> to vector<16xi32>
      %gather3A_1403 = tpu.dynamic_gather %get3A_1400[%gather3A_1402] in [0] : vector<16xf32>, vector<16xi32> -> vector<16xf32>
      %eq3A_1404 = arith.constant 6 : i32
      %eq3A_1405 = vector.broadcast %eq3A_1404 : i32 to vector<16xi32>
      %eq3A_1406 = arith.cmpi eq, %iota3A, %eq3A_1405 : vector<16xi32>
      %eq3A_1407 = arith.constant 4 : i32
      %eq3A_1408 = vector.broadcast %eq3A_1407 : i32 to vector<16xi32>
      %eq3A_1409 = arith.cmpi eq, %and3A_13, %eq3A_1408 : vector<16xi32>
      %and3A_1410 = arith.andi %eq3A_1406, %eq3A_1409 : vector<16xi1>
      %select_n3A_1411 = arith.select %and3A_1410, %gather3A_1403, %select_n3A_1393 : vector<16xi1>, vector<16xf32>
      %get3A_1412 = arith.constant 6 : i32
      %get3A_1413 = arith.constant 6 : i32
      %get3A_1414 = arith.index_cast %get3A_1412 : i32 to index
      %get3A_1415 = arith.index_cast %get3A_1413 : i32 to index
      %get3A_1416 = arith.constant 80 : index
      %get3A_1417 = tpu.vector_load %arg6[%get3A_1414, %get3A_1415, %get3A_1416] {strides = array<i32>} : memref<16x8x128xf32, #tpu.memory_space<vmem>>, vector<1x1x16xf32>,
      %get3A_1418 = vector.shape_cast %get3A_1417 : vector<1x1x16xf32> to vector<16xf32>
      %broadcast_in_dim3A_1419 = vector.shape_cast %and3A_8 : vector<16xi32> to vector<16x1xi32>
      %gather3A_1420 = vector.shape_cast %broadcast_in_dim3A_1419 : vector<16x1xi32> to vector<16xi32>
      %gather3A_1421 = tpu.dynamic_gather %get3A_1418[%gather3A_1420] in [0] : vector<16xf32>, vector<16xi32> -> vector<16xf32>
      %eq3A_1422 = arith.constant 6 : i32
      %eq3A_1423 = vector.broadcast %eq3A_1422 : i32 to vector<16xi32>
      %eq3A_1424 = arith.cmpi eq, %iota3A, %eq3A_1423 : vector<16xi32>
      %eq3A_1425 = arith.constant 5 : i32
      %eq3A_1426 = vector.broadcast %eq3A_1425 : i32 to vector<16xi32>
      %eq3A_1427 = arith.cmpi eq, %and3A_13, %eq3A_1426 : vector<16xi32>
      %and3A_1428 = arith.andi %eq3A_1424, %eq3A_1427 : vector<16xi1>
      %select_n3A_1429 = arith.select %and3A_1428, %gather3A_1421, %select_n3A_1411 : vector<16xi1>, vector<16xf32>
      %get3A_1430 = arith.constant 6 : i32
      %get3A_1431 = arith.constant 6 : i32
      %get3A_1432 = arith.index_cast %get3A_1430 : i32 to index
      %get3A_1433 = arith.index_cast %get3A_1431 : i32 to index
      %get3A_1434 = arith.constant 96 : index
      %get3A_1435 = tpu.vector_load %arg6[%get3A_1432, %get3A_1433, %get3A_1434] {strides = array<i32>} : memref<16x8x128xf32, #tpu.memory_space<vmem>>, vector<1x1x16xf32>,
      %get3A_1436 = vector.shape_cast %get3A_1435 : vector<1x1x16xf32> to vector<16xf32>
      %broadcast_in_dim3A_1437 = vector.shape_cast %and3A_8 : vector<16xi32> to vector<16x1xi32>
      %gather3A_1438 = vector.shape_cast %broadcast_in_dim3A_1437 : vector<16x1xi32> to vector<16xi32>
      %gather3A_1439 = tpu.dynamic_gather %get3A_1436[%gather3A_1438] in [0] : vector<16xf32>, vector<16xi32> -> vector<16xf32>
      %eq3A_1440 = arith.constant 6 : i32
      %eq3A_1441 = vector.broadcast %eq3A_1440 : i32 to vector<16xi32>
      %eq3A_1442 = arith.cmpi eq, %iota3A, %eq3A_1441 : vector<16xi32>
      %eq3A_1443 = arith.constant 6 : i32
      %eq3A_1444 = vector.broadcast %eq3A_1443 : i32 to vector<16xi32>
      %eq3A_1445 = arith.cmpi eq, %and3A_13, %eq3A_1444 : vector<16xi32>
      %and3A_1446 = arith.andi %eq3A_1442, %eq3A_1445 : vector<16xi1>
      %select_n3A_1447 = arith.select %and3A_1446, %gather3A_1439, %select_n3A_1429 : vector<16xi1>, vector<16xf32>
      %get3A_1448 = arith.constant 6 : i32
      %get3A_1449 = arith.constant 6 : i32
      %get3A_1450 = arith.index_cast %get3A_1448 : i32 to index
      %get3A_1451 = arith.index_cast %get3A_1449 : i32 to index
      %get3A_1452 = arith.constant 112 : index
      %get3A_1453 = tpu.vector_load %arg6[%get3A_1450, %get3A_1451, %get3A_1452] {strides = array<i32>} : memref<16x8x128xf32, #tpu.memory_space<vmem>>, vector<1x1x16xf32>,
      %get3A_1454 = vector.shape_cast %get3A_1453 : vector<1x1x16xf32> to vector<16xf32>
      %broadcast_in_dim3A_1455 = vector.shape_cast %and3A_8 : vector<16xi32> to vector<16x1xi32>
      %gather3A_1456 = vector.shape_cast %broadcast_in_dim3A_1455 : vector<16x1xi32> to vector<16xi32>
      %gather3A_1457 = tpu.dynamic_gather %get3A_1454[%gather3A_1456] in [0] : vector<16xf32>, vector<16xi32> -> vector<16xf32>
      %eq3A_1458 = arith.constant 6 : i32
      %eq3A_1459 = vector.broadcast %eq3A_1458 : i32 to vector<16xi32>
      %eq3A_1460 = arith.cmpi eq, %iota3A, %eq3A_1459 : vector<16xi32>
      %eq3A_1461 = arith.constant 7 : i32
      %eq3A_1462 = vector.broadcast %eq3A_1461 : i32 to vector<16xi32>
      %eq3A_1463 = arith.cmpi eq, %and3A_13, %eq3A_1462 : vector<16xi32>
      %and3A_1464 = arith.andi %eq3A_1460, %eq3A_1463 : vector<16xi1>
      %select_n3A_1465 = arith.select %and3A_1464, %gather3A_1457, %select_n3A_1447 : vector<16xi1>, vector<16xf32>
      %get3A_1466 = arith.constant 7 : i32
      %get3A_1467 = arith.constant 7 : i32
      %get3A_1468 = arith.index_cast %get3A_1466 : i32 to index
      %get3A_1469 = arith.index_cast %get3A_1467 : i32 to index
      %get3A_1470 = arith.constant 0 : index
      %get3A_1471 = tpu.vector_load %arg6[%get3A_1468, %get3A_1469, %get3A_1470] {strides = array<i32>} : memref<16x8x128xf32, #tpu.memory_space<vmem>>, vector<1x1x16xf32>,
      %get3A_1472 = vector.shape_cast %get3A_1471 : vector<1x1x16xf32> to vector<16xf32>
      %broadcast_in_dim3A_1473 = vector.shape_cast %and3A_8 : vector<16xi32> to vector<16x1xi32>
      %gather3A_1474 = vector.shape_cast %broadcast_in_dim3A_1473 : vector<16x1xi32> to vector<16xi32>
      %gather3A_1475 = tpu.dynamic_gather %get3A_1472[%gather3A_1474] in [0] : vector<16xf32>, vector<16xi32> -> vector<16xf32>
      %eq3A_1476 = arith.constant 7 : i32
      %eq3A_1477 = vector.broadcast %eq3A_1476 : i32 to vector<16xi32>
      %eq3A_1478 = arith.cmpi eq, %iota3A, %eq3A_1477 : vector<16xi32>
      %eq3A_1479 = arith.constant 0 : i32
      %eq3A_1480 = vector.broadcast %eq3A_1479 : i32 to vector<16xi32>
      %eq3A_1481 = arith.cmpi eq, %and3A_13, %eq3A_1480 : vector<16xi32>
      %and3A_1482 = arith.andi %eq3A_1478, %eq3A_1481 : vector<16xi1>
      %select_n3A_1483 = arith.select %and3A_1482, %gather3A_1475, %select_n3A_1465 : vector<16xi1>, vector<16xf32>
      %get3A_1484 = arith.constant 7 : i32
      %get3A_1485 = arith.constant 7 : i32
      %get3A_1486 = arith.index_cast %get3A_1484 : i32 to index
      %get3A_1487 = arith.index_cast %get3A_1485 : i32 to index
      %get3A_1488 = arith.constant 16 : index
      %get3A_1489 = tpu.vector_load %arg6[%get3A_1486, %get3A_1487, %get3A_1488] {strides = array<i32>} : memref<16x8x128xf32, #tpu.memory_space<vmem>>, vector<1x1x16xf32>,
      %get3A_1490 = vector.shape_cast %get3A_1489 : vector<1x1x16xf32> to vector<16xf32>
      %broadcast_in_dim3A_1491 = vector.shape_cast %and3A_8 : vector<16xi32> to vector<16x1xi32>
      %gather3A_1492 = vector.shape_cast %broadcast_in_dim3A_1491 : vector<16x1xi32> to vector<16xi32>
      %gather3A_1493 = tpu.dynamic_gather %get3A_1490[%gather3A_1492] in [0] : vector<16xf32>, vector<16xi32> -> vector<16xf32>
      %eq3A_1494 = arith.constant 7 : i32
      %eq3A_1495 = vector.broadcast %eq3A_1494 : i32 to vector<16xi32>
      %eq3A_1496 = arith.cmpi eq, %iota3A, %eq3A_1495 : vector<16xi32>
      %eq3A_1497 = arith.constant 1 : i32
      %eq3A_1498 = vector.broadcast %eq3A_1497 : i32 to vector<16xi32>
      %eq3A_1499 = arith.cmpi eq, %and3A_13, %eq3A_1498 : vector<16xi32>
      %and3A_1500 = arith.andi %eq3A_1496, %eq3A_1499 : vector<16xi1>
      %select_n3A_1501 = arith.select %and3A_1500, %gather3A_1493, %select_n3A_1483 : vector<16xi1>, vector<16xf32>
      %get3A_1502 = arith.constant 7 : i32
      %get3A_1503 = arith.constant 7 : i32
      %get3A_1504 = arith.index_cast %get3A_1502 : i32 to index
      %get3A_1505 = arith.index_cast %get3A_1503 : i32 to index
      %get3A_1506 = arith.constant 32 : index
      %get3A_1507 = tpu.vector_load %arg6[%get3A_1504, %get3A_1505, %get3A_1506] {strides = array<i32>} : memref<16x8x128xf32, #tpu.memory_space<vmem>>, vector<1x1x16xf32>,
      %get3A_1508 = vector.shape_cast %get3A_1507 : vector<1x1x16xf32> to vector<16xf32>
      %broadcast_in_dim3A_1509 = vector.shape_cast %and3A_8 : vector<16xi32> to vector<16x1xi32>
      %gather3A_1510 = vector.shape_cast %broadcast_in_dim3A_1509 : vector<16x1xi32> to vector<16xi32>
      %gather3A_1511 = tpu.dynamic_gather %get3A_1508[%gather3A_1510] in [0] : vector<16xf32>, vector<16xi32> -> vector<16xf32>
      %eq3A_1512 = arith.constant 7 : i32
      %eq3A_1513 = vector.broadcast %eq3A_1512 : i32 to vector<16xi32>
      %eq3A_1514 = arith.cmpi eq, %iota3A, %eq3A_1513 : vector<16xi32>
      %eq3A_1515 = arith.constant 2 : i32
      %eq3A_1516 = vector.broadcast %eq3A_1515 : i32 to vector<16xi32>
      %eq3A_1517 = arith.cmpi eq, %and3A_13, %eq3A_1516 : vector<16xi32>
      %and3A_1518 = arith.andi %eq3A_1514, %eq3A_1517 : vector<16xi1>
      %select_n3A_1519 = arith.select %and3A_1518, %gather3A_1511, %select_n3A_1501 : vector<16xi1>, vector<16xf32>
      %get3A_1520 = arith.constant 7 : i32
      %get3A_1521 = arith.constant 7 : i32
      %get3A_1522 = arith.index_cast %get3A_1520 : i32 to index
      %get3A_1523 = arith.index_cast %get3A_1521 : i32 to index
      %get3A_1524 = arith.constant 48 : index
      %get3A_1525 = tpu.vector_load %arg6[%get3A_1522, %get3A_1523, %get3A_1524] {strides = array<i32>} : memref<16x8x128xf32, #tpu.memory_space<vmem>>, vector<1x1x16xf32>,
      %get3A_1526 = vector.shape_cast %get3A_1525 : vector<1x1x16xf32> to vector<16xf32>
      %broadcast_in_dim3A_1527 = vector.shape_cast %and3A_8 : vector<16xi32> to vector<16x1xi32>
      %gather3A_1528 = vector.shape_cast %broadcast_in_dim3A_1527 : vector<16x1xi32> to vector<16xi32>
      %gather3A_1529 = tpu.dynamic_gather %get3A_1526[%gather3A_1528] in [0] : vector<16xf32>, vector<16xi32> -> vector<16xf32>
      %eq3A_1530 = arith.constant 7 : i32
      %eq3A_1531 = vector.broadcast %eq3A_1530 : i32 to vector<16xi32>
      %eq3A_1532 = arith.cmpi eq, %iota3A, %eq3A_1531 : vector<16xi32>
      %eq3A_1533 = arith.constant 3 : i32
      %eq3A_1534 = vector.broadcast %eq3A_1533 : i32 to vector<16xi32>
      %eq3A_1535 = arith.cmpi eq, %and3A_13, %eq3A_1534 : vector<16xi32>
      %and3A_1536 = arith.andi %eq3A_1532, %eq3A_1535 : vector<16xi1>
      %select_n3A_1537 = arith.select %and3A_1536, %gather3A_1529, %select_n3A_1519 : vector<16xi1>, vector<16xf32>
      %get3A_1538 = arith.constant 7 : i32
      %get3A_1539 = arith.constant 7 : i32
      %get3A_1540 = arith.index_cast %get3A_1538 : i32 to index
      %get3A_1541 = arith.index_cast %get3A_1539 : i32 to index
      %get3A_1542 = arith.constant 64 : index
      %get3A_1543 = tpu.vector_load %arg6[%get3A_1540, %get3A_1541, %get3A_1542] {strides = array<i32>} : memref<16x8x128xf32, #tpu.memory_space<vmem>>, vector<1x1x16xf32>,
      %get3A_1544 = vector.shape_cast %get3A_1543 : vector<1x1x16xf32> to vector<16xf32>
      %broadcast_in_dim3A_1545 = vector.shape_cast %and3A_8 : vector<16xi32> to vector<16x1xi32>
      %gather3A_1546 = vector.shape_cast %broadcast_in_dim3A_1545 : vector<16x1xi32> to vector<16xi32>
      %gather3A_1547 = tpu.dynamic_gather %get3A_1544[%gather3A_1546] in [0] : vector<16xf32>, vector<16xi32> -> vector<16xf32>
      %eq3A_1548 = arith.constant 7 : i32
      %eq3A_1549 = vector.broadcast %eq3A_1548 : i32 to vector<16xi32>
      %eq3A_1550 = arith.cmpi eq, %iota3A, %eq3A_1549 : vector<16xi32>
      %eq3A_1551 = arith.constant 4 : i32
      %eq3A_1552 = vector.broadcast %eq3A_1551 : i32 to vector<16xi32>
      %eq3A_1553 = arith.cmpi eq, %and3A_13, %eq3A_1552 : vector<16xi32>
      %and3A_1554 = arith.andi %eq3A_1550, %eq3A_1553 : vector<16xi1>
      %select_n3A_1555 = arith.select %and3A_1554, %gather3A_1547, %select_n3A_1537 : vector<16xi1>, vector<16xf32>
      %get3A_1556 = arith.constant 7 : i32
      %get3A_1557 = arith.constant 7 : i32
      %get3A_1558 = arith.index_cast %get3A_1556 : i32 to index
      %get3A_1559 = arith.index_cast %get3A_1557 : i32 to index
      %get3A_1560 = arith.constant 80 : index
      %get3A_1561 = tpu.vector_load %arg6[%get3A_1558, %get3A_1559, %get3A_1560] {strides = array<i32>} : memref<16x8x128xf32, #tpu.memory_space<vmem>>, vector<1x1x16xf32>,
      %get3A_1562 = vector.shape_cast %get3A_1561 : vector<1x1x16xf32> to vector<16xf32>
      %broadcast_in_dim3A_1563 = vector.shape_cast %and3A_8 : vector<16xi32> to vector<16x1xi32>
      %gather3A_1564 = vector.shape_cast %broadcast_in_dim3A_1563 : vector<16x1xi32> to vector<16xi32>
      %gather3A_1565 = tpu.dynamic_gather %get3A_1562[%gather3A_1564] in [0] : vector<16xf32>, vector<16xi32> -> vector<16xf32>
      %eq3A_1566 = arith.constant 7 : i32
      %eq3A_1567 = vector.broadcast %eq3A_1566 : i32 to vector<16xi32>
      %eq3A_1568 = arith.cmpi eq, %iota3A, %eq3A_1567 : vector<16xi32>
      %eq3A_1569 = arith.constant 5 : i32
      %eq3A_1570 = vector.broadcast %eq3A_1569 : i32 to vector<16xi32>
      %eq3A_1571 = arith.cmpi eq, %and3A_13, %eq3A_1570 : vector<16xi32>
      %and3A_1572 = arith.andi %eq3A_1568, %eq3A_1571 : vector<16xi1>
      %select_n3A_1573 = arith.select %and3A_1572, %gather3A_1565, %select_n3A_1555 : vector<16xi1>, vector<16xf32>
      %get3A_1574 = arith.constant 7 : i32
      %get3A_1575 = arith.constant 7 : i32
      %get3A_1576 = arith.index_cast %get3A_1574 : i32 to index
      %get3A_1577 = arith.index_cast %get3A_1575 : i32 to index
      %get3A_1578 = arith.constant 96 : index
      %get3A_1579 = tpu.vector_load %arg6[%get3A_1576, %get3A_1577, %get3A_1578] {strides = array<i32>} : memref<16x8x128xf32, #tpu.memory_space<vmem>>, vector<1x1x16xf32>,
      %get3A_1580 = vector.shape_cast %get3A_1579 : vector<1x1x16xf32> to vector<16xf32>
      %broadcast_in_dim3A_1581 = vector.shape_cast %and3A_8 : vector<16xi32> to vector<16x1xi32>
      %gather3A_1582 = vector.shape_cast %broadcast_in_dim3A_1581 : vector<16x1xi32> to vector<16xi32>
      %gather3A_1583 = tpu.dynamic_gather %get3A_1580[%gather3A_1582] in [0] : vector<16xf32>, vector<16xi32> -> vector<16xf32>
      %eq3A_1584 = arith.constant 7 : i32
      %eq3A_1585 = vector.broadcast %eq3A_1584 : i32 to vector<16xi32>
      %eq3A_1586 = arith.cmpi eq, %iota3A, %eq3A_1585 : vector<16xi32>
      %eq3A_1587 = arith.constant 6 : i32
      %eq3A_1588 = vector.broadcast %eq3A_1587 : i32 to vector<16xi32>
      %eq3A_1589 = arith.cmpi eq, %and3A_13, %eq3A_1588 : vector<16xi32>
      %and3A_1590 = arith.andi %eq3A_1586, %eq3A_1589 : vector<16xi1>
      %select_n3A_1591 = arith.select %and3A_1590, %gather3A_1583, %select_n3A_1573 : vector<16xi1>, vector<16xf32>
      %get3A_1592 = arith.constant 7 : i32
      %get3A_1593 = arith.constant 7 : i32
      %get3A_1594 = arith.index_cast %get3A_1592 : i32 to index
      %get3A_1595 = arith.index_cast %get3A_1593 : i32 to index
      %get3A_1596 = arith.constant 112 : index
      %get3A_1597 = tpu.vector_load %arg6[%get3A_1594, %get3A_1595, %get3A_1596] {strides = array<i32>} : memref<16x8x128xf32, #tpu.memory_space<vmem>>, vector<1x1x16xf32>,
      %get3A_1598 = vector.shape_cast %get3A_1597 : vector<1x1x16xf32> to vector<16xf32>
      %broadcast_in_dim3A_1599 = vector.shape_cast %and3A_8 : vector<16xi32> to vector<16x1xi32>
      %gather3A_1600 = vector.shape_cast %broadcast_in_dim3A_1599 : vector<16x1xi32> to vector<16xi32>
      %gather3A_1601 = tpu.dynamic_gather %get3A_1598[%gather3A_1600] in [0] : vector<16xf32>, vector<16xi32> -> vector<16xf32>
      %eq3A_1602 = arith.constant 7 : i32
      %eq3A_1603 = vector.broadcast %eq3A_1602 : i32 to vector<16xi32>
      %eq3A_1604 = arith.cmpi eq, %iota3A, %eq3A_1603 : vector<16xi32>
      %eq3A_1605 = arith.constant 7 : i32
      %eq3A_1606 = vector.broadcast %eq3A_1605 : i32 to vector<16xi32>
      %eq3A_1607 = arith.cmpi eq, %and3A_13, %eq3A_1606 : vector<16xi32>
      %and3A_1608 = arith.andi %eq3A_1604, %eq3A_1607 : vector<16xi1>
      %select_n3A_1609 = arith.select %and3A_1608, %gather3A_1601, %select_n3A_1591 : vector<16xi1>, vector<16xf32>
      %get3A_1610 = arith.constant 8 : i32
      %get3A_1611 = arith.constant 0 : i32
      %get3A_1612 = arith.index_cast %get3A_1610 : i32 to index
      %get3A_1613 = arith.index_cast %get3A_1611 : i32 to index
      %get3A_1614 = arith.constant 0 : index
      %get3A_1615 = tpu.vector_load %arg6[%get3A_1612, %get3A_1613, %get3A_1614] {strides = array<i32>} : memref<16x8x128xf32, #tpu.memory_space<vmem>>, vector<1x1x16xf32>,
      %get3A_1616 = vector.shape_cast %get3A_1615 : vector<1x1x16xf32> to vector<16xf32>
      %broadcast_in_dim3A_1617 = vector.shape_cast %and3A_8 : vector<16xi32> to vector<16x1xi32>
      %gather3A_1618 = vector.shape_cast %broadcast_in_dim3A_1617 : vector<16x1xi32> to vector<16xi32>
      %gather3A_1619 = tpu.dynamic_gather %get3A_1616[%gather3A_1618] in [0] : vector<16xf32>, vector<16xi32> -> vector<16xf32>
      %eq3A_1620 = arith.constant 8 : i32
      %eq3A_1621 = vector.broadcast %eq3A_1620 : i32 to vector<16xi32>
      %eq3A_1622 = arith.cmpi eq, %iota3A, %eq3A_1621 : vector<16xi32>
      %eq3A_1623 = arith.constant 0 : i32
      %eq3A_1624 = vector.broadcast %eq3A_1623 : i32 to vector<16xi32>
      %eq3A_1625 = arith.cmpi eq, %and3A_13, %eq3A_1624 : vector<16xi32>
      %and3A_1626 = arith.andi %eq3A_1622, %eq3A_1625 : vector<16xi1>
      %select_n3A_1627 = arith.select %and3A_1626, %gather3A_1619, %select_n3A_1609 : vector<16xi1>, vector<16xf32>
      %get3A_1628 = arith.constant 8 : i32
      %get3A_1629 = arith.constant 0 : i32
      %get3A_1630 = arith.index_cast %get3A_1628 : i32 to index
      %get3A_1631 = arith.index_cast %get3A_1629 : i32 to index
      %get3A_1632 = arith.constant 16 : index
      %get3A_1633 = tpu.vector_load %arg6[%get3A_1630, %get3A_1631, %get3A_1632] {strides = array<i32>} : memref<16x8x128xf32, #tpu.memory_space<vmem>>, vector<1x1x16xf32>,
      %get3A_1634 = vector.shape_cast %get3A_1633 : vector<1x1x16xf32> to vector<16xf32>
      %broadcast_in_dim3A_1635 = vector.shape_cast %and3A_8 : vector<16xi32> to vector<16x1xi32>
      %gather3A_1636 = vector.shape_cast %broadcast_in_dim3A_1635 : vector<16x1xi32> to vector<16xi32>
      %gather3A_1637 = tpu.dynamic_gather %get3A_1634[%gather3A_1636] in [0] : vector<16xf32>, vector<16xi32> -> vector<16xf32>
      %eq3A_1638 = arith.constant 8 : i32
      %eq3A_1639 = vector.broadcast %eq3A_1638 : i32 to vector<16xi32>
      %eq3A_1640 = arith.cmpi eq, %iota3A, %eq3A_1639 : vector<16xi32>
      %eq3A_1641 = arith.constant 1 : i32
      %eq3A_1642 = vector.broadcast %eq3A_1641 : i32 to vector<16xi32>
      %eq3A_1643 = arith.cmpi eq, %and3A_13, %eq3A_1642 : vector<16xi32>
      %and3A_1644 = arith.andi %eq3A_1640, %eq3A_1643 : vector<16xi1>
      %select_n3A_1645 = arith.select %and3A_1644, %gather3A_1637, %select_n3A_1627 : vector<16xi1>, vector<16xf32>
      %get3A_1646 = arith.constant 8 : i32
      %get3A_1647 = arith.constant 0 : i32
      %get3A_1648 = arith.index_cast %get3A_1646 : i32 to index
      %get3A_1649 = arith.index_cast %get3A_1647 : i32 to index
      %get3A_1650 = arith.constant 32 : index
      %get3A_1651 = tpu.vector_load %arg6[%get3A_1648, %get3A_1649, %get3A_1650] {strides = array<i32>} : memref<16x8x128xf32, #tpu.memory_space<vmem>>, vector<1x1x16xf32>,
      %get3A_1652 = vector.shape_cast %get3A_1651 : vector<1x1x16xf32> to vector<16xf32>
      %broadcast_in_dim3A_1653 = vector.shape_cast %and3A_8 : vector<16xi32> to vector<16x1xi32>
      %gather3A_1654 = vector.shape_cast %broadcast_in_dim3A_1653 : vector<16x1xi32> to vector<16xi32>
      %gather3A_1655 = tpu.dynamic_gather %get3A_1652[%gather3A_1654] in [0] : vector<16xf32>, vector<16xi32> -> vector<16xf32>
      %eq3A_1656 = arith.constant 8 : i32
      %eq3A_1657 = vector.broadcast %eq3A_1656 : i32 to vector<16xi32>
      %eq3A_1658 = arith.cmpi eq, %iota3A, %eq3A_1657 : vector<16xi32>
      %eq3A_1659 = arith.constant 2 : i32
      %eq3A_1660 = vector.broadcast %eq3A_1659 : i32 to vector<16xi32>
      %eq3A_1661 = arith.cmpi eq, %and3A_13, %eq3A_1660 : vector<16xi32>
      %and3A_1662 = arith.andi %eq3A_1658, %eq3A_1661 : vector<16xi1>
      %select_n3A_1663 = arith.select %and3A_1662, %gather3A_1655, %select_n3A_1645 : vector<16xi1>, vector<16xf32>
      %get3A_1664 = arith.constant 8 : i32
      %get3A_1665 = arith.constant 0 : i32
      %get3A_1666 = arith.index_cast %get3A_1664 : i32 to index
      %get3A_1667 = arith.index_cast %get3A_1665 : i32 to index
      %get3A_1668 = arith.constant 48 : index
      %get3A_1669 = tpu.vector_load %arg6[%get3A_1666, %get3A_1667, %get3A_1668] {strides = array<i32>} : memref<16x8x128xf32, #tpu.memory_space<vmem>>, vector<1x1x16xf32>,
      %get3A_1670 = vector.shape_cast %get3A_1669 : vector<1x1x16xf32> to vector<16xf32>
      %broadcast_in_dim3A_1671 = vector.shape_cast %and3A_8 : vector<16xi32> to vector<16x1xi32>
      %gather3A_1672 = vector.shape_cast %broadcast_in_dim3A_1671 : vector<16x1xi32> to vector<16xi32>
      %gather3A_1673 = tpu.dynamic_gather %get3A_1670[%gather3A_1672] in [0] : vector<16xf32>, vector<16xi32> -> vector<16xf32>
      %eq3A_1674 = arith.constant 8 : i32
      %eq3A_1675 = vector.broadcast %eq3A_1674 : i32 to vector<16xi32>
      %eq3A_1676 = arith.cmpi eq, %iota3A, %eq3A_1675 : vector<16xi32>
      %eq3A_1677 = arith.constant 3 : i32
      %eq3A_1678 = vector.broadcast %eq3A_1677 : i32 to vector<16xi32>
      %eq3A_1679 = arith.cmpi eq, %and3A_13, %eq3A_1678 : vector<16xi32>
      %and3A_1680 = arith.andi %eq3A_1676, %eq3A_1679 : vector<16xi1>
      %select_n3A_1681 = arith.select %and3A_1680, %gather3A_1673, %select_n3A_1663 : vector<16xi1>, vector<16xf32>
      %get3A_1682 = arith.constant 8 : i32
      %get3A_1683 = arith.constant 0 : i32
      %get3A_1684 = arith.index_cast %get3A_1682 : i32 to index
      %get3A_1685 = arith.index_cast %get3A_1683 : i32 to index
      %get3A_1686 = arith.constant 64 : index
      %get3A_1687 = tpu.vector_load %arg6[%get3A_1684, %get3A_1685, %get3A_1686] {strides = array<i32>} : memref<16x8x128xf32, #tpu.memory_space<vmem>>, vector<1x1x16xf32>,
      %get3A_1688 = vector.shape_cast %get3A_1687 : vector<1x1x16xf32> to vector<16xf32>
      %broadcast_in_dim3A_1689 = vector.shape_cast %and3A_8 : vector<16xi32> to vector<16x1xi32>
      %gather3A_1690 = vector.shape_cast %broadcast_in_dim3A_1689 : vector<16x1xi32> to vector<16xi32>
      %gather3A_1691 = tpu.dynamic_gather %get3A_1688[%gather3A_1690] in [0] : vector<16xf32>, vector<16xi32> -> vector<16xf32>
      %eq3A_1692 = arith.constant 8 : i32
      %eq3A_1693 = vector.broadcast %eq3A_1692 : i32 to vector<16xi32>
      %eq3A_1694 = arith.cmpi eq, %iota3A, %eq3A_1693 : vector<16xi32>
      %eq3A_1695 = arith.constant 4 : i32
      %eq3A_1696 = vector.broadcast %eq3A_1695 : i32 to vector<16xi32>
      %eq3A_1697 = arith.cmpi eq, %and3A_13, %eq3A_1696 : vector<16xi32>
      %and3A_1698 = arith.andi %eq3A_1694, %eq3A_1697 : vector<16xi1>
      %select_n3A_1699 = arith.select %and3A_1698, %gather3A_1691, %select_n3A_1681 : vector<16xi1>, vector<16xf32>
      %get3A_1700 = arith.constant 8 : i32
      %get3A_1701 = arith.constant 0 : i32
      %get3A_1702 = arith.index_cast %get3A_1700 : i32 to index
      %get3A_1703 = arith.index_cast %get3A_1701 : i32 to index
      %get3A_1704 = arith.constant 80 : index
      %get3A_1705 = tpu.vector_load %arg6[%get3A_1702, %get3A_1703, %get3A_1704] {strides = array<i32>} : memref<16x8x128xf32, #tpu.memory_space<vmem>>, vector<1x1x16xf32>,
      %get3A_1706 = vector.shape_cast %get3A_1705 : vector<1x1x16xf32> to vector<16xf32>
      %broadcast_in_dim3A_1707 = vector.shape_cast %and3A_8 : vector<16xi32> to vector<16x1xi32>
      %gather3A_1708 = vector.shape_cast %broadcast_in_dim3A_1707 : vector<16x1xi32> to vector<16xi32>
      %gather3A_1709 = tpu.dynamic_gather %get3A_1706[%gather3A_1708] in [0] : vector<16xf32>, vector<16xi32> -> vector<16xf32>
      %eq3A_1710 = arith.constant 8 : i32
      %eq3A_1711 = vector.broadcast %eq3A_1710 : i32 to vector<16xi32>
      %eq3A_1712 = arith.cmpi eq, %iota3A, %eq3A_1711 : vector<16xi32>
      %eq3A_1713 = arith.constant 5 : i32
      %eq3A_1714 = vector.broadcast %eq3A_1713 : i32 to vector<16xi32>
      %eq3A_1715 = arith.cmpi eq, %and3A_13, %eq3A_1714 : vector<16xi32>
      %and3A_1716 = arith.andi %eq3A_1712, %eq3A_1715 : vector<16xi1>
      %select_n3A_1717 = arith.select %and3A_1716, %gather3A_1709, %select_n3A_1699 : vector<16xi1>, vector<16xf32>
      %get3A_1718 = arith.constant 8 : i32
      %get3A_1719 = arith.constant 0 : i32
      %get3A_1720 = arith.index_cast %get3A_1718 : i32 to index
      %get3A_1721 = arith.index_cast %get3A_1719 : i32 to index
      %get3A_1722 = arith.constant 96 : index
      %get3A_1723 = tpu.vector_load %arg6[%get3A_1720, %get3A_1721, %get3A_1722] {strides = array<i32>} : memref<16x8x128xf32, #tpu.memory_space<vmem>>, vector<1x1x16xf32>,
      %get3A_1724 = vector.shape_cast %get3A_1723 : vector<1x1x16xf32> to vector<16xf32>
      %broadcast_in_dim3A_1725 = vector.shape_cast %and3A_8 : vector<16xi32> to vector<16x1xi32>
      %gather3A_1726 = vector.shape_cast %broadcast_in_dim3A_1725 : vector<16x1xi32> to vector<16xi32>
      %gather3A_1727 = tpu.dynamic_gather %get3A_1724[%gather3A_1726] in [0] : vector<16xf32>, vector<16xi32> -> vector<16xf32>
      %eq3A_1728 = arith.constant 8 : i32
      %eq3A_1729 = vector.broadcast %eq3A_1728 : i32 to vector<16xi32>
      %eq3A_1730 = arith.cmpi eq, %iota3A, %eq3A_1729 : vector<16xi32>
      %eq3A_1731 = arith.constant 6 : i32
      %eq3A_1732 = vector.broadcast %eq3A_1731 : i32 to vector<16xi32>
      %eq3A_1733 = arith.cmpi eq, %and3A_13, %eq3A_1732 : vector<16xi32>
      %and3A_1734 = arith.andi %eq3A_1730, %eq3A_1733 : vector<16xi1>
      %select_n3A_1735 = arith.select %and3A_1734, %gather3A_1727, %select_n3A_1717 : vector<16xi1>, vector<16xf32>
      %get3A_1736 = arith.constant 8 : i32
      %get3A_1737 = arith.constant 0 : i32
      %get3A_1738 = arith.index_cast %get3A_1736 : i32 to index
      %get3A_1739 = arith.index_cast %get3A_1737 : i32 to index
      %get3A_1740 = arith.constant 112 : index
      %get3A_1741 = tpu.vector_load %arg6[%get3A_1738, %get3A_1739, %get3A_1740] {strides = array<i32>} : memref<16x8x128xf32, #tpu.memory_space<vmem>>, vector<1x1x16xf32>,
      %get3A_1742 = vector.shape_cast %get3A_1741 : vector<1x1x16xf32> to vector<16xf32>
      %broadcast_in_dim3A_1743 = vector.shape_cast %and3A_8 : vector<16xi32> to vector<16x1xi32>
      %gather3A_1744 = vector.shape_cast %broadcast_in_dim3A_1743 : vector<16x1xi32> to vector<16xi32>
      %gather3A_1745 = tpu.dynamic_gather %get3A_1742[%gather3A_1744] in [0] : vector<16xf32>, vector<16xi32> -> vector<16xf32>
      %eq3A_1746 = arith.constant 8 : i32
      %eq3A_1747 = vector.broadcast %eq3A_1746 : i32 to vector<16xi32>
      %eq3A_1748 = arith.cmpi eq, %iota3A, %eq3A_1747 : vector<16xi32>
      %eq3A_1749 = arith.constant 7 : i32
      %eq3A_1750 = vector.broadcast %eq3A_1749 : i32 to vector<16xi32>
      %eq3A_1751 = arith.cmpi eq, %and3A_13, %eq3A_1750 : vector<16xi32>
      %and3A_1752 = arith.andi %eq3A_1748, %eq3A_1751 : vector<16xi1>
      %select_n3A_1753 = arith.select %and3A_1752, %gather3A_1745, %select_n3A_1735 : vector<16xi1>, vector<16xf32>
      %get3A_1754 = arith.constant 9 : i32
      %get3A_1755 = arith.constant 1 : i32
      %get3A_1756 = arith.index_cast %get3A_1754 : i32 to index
      %get3A_1757 = arith.index_cast %get3A_1755 : i32 to index
      %get3A_1758 = arith.constant 0 : index
      %get3A_1759 = tpu.vector_load %arg6[%get3A_1756, %get3A_1757, %get3A_1758] {strides = array<i32>} : memref<16x8x128xf32, #tpu.memory_space<vmem>>, vector<1x1x16xf32>,
      %get3A_1760 = vector.shape_cast %get3A_1759 : vector<1x1x16xf32> to vector<16xf32>
      %broadcast_in_dim3A_1761 = vector.shape_cast %and3A_8 : vector<16xi32> to vector<16x1xi32>
      %gather3A_1762 = vector.shape_cast %broadcast_in_dim3A_1761 : vector<16x1xi32> to vector<16xi32>
      %gather3A_1763 = tpu.dynamic_gather %get3A_1760[%gather3A_1762] in [0] : vector<16xf32>, vector<16xi32> -> vector<16xf32>
      %eq3A_1764 = arith.constant 9 : i32
      %eq3A_1765 = vector.broadcast %eq3A_1764 : i32 to vector<16xi32>
      %eq3A_1766 = arith.cmpi eq, %iota3A, %eq3A_1765 : vector<16xi32>
      %eq3A_1767 = arith.constant 0 : i32
      %eq3A_1768 = vector.broadcast %eq3A_1767 : i32 to vector<16xi32>
      %eq3A_1769 = arith.cmpi eq, %and3A_13, %eq3A_1768 : vector<16xi32>
      %and3A_1770 = arith.andi %eq3A_1766, %eq3A_1769 : vector<16xi1>
      %select_n3A_1771 = arith.select %and3A_1770, %gather3A_1763, %select_n3A_1753 : vector<16xi1>, vector<16xf32>
      %get3A_1772 = arith.constant 9 : i32
      %get3A_1773 = arith.constant 1 : i32
      %get3A_1774 = arith.index_cast %get3A_1772 : i32 to index
      %get3A_1775 = arith.index_cast %get3A_1773 : i32 to index
      %get3A_1776 = arith.constant 16 : index
      %get3A_1777 = tpu.vector_load %arg6[%get3A_1774, %get3A_1775, %get3A_1776] {strides = array<i32>} : memref<16x8x128xf32, #tpu.memory_space<vmem>>, vector<1x1x16xf32>,
      %get3A_1778 = vector.shape_cast %get3A_1777 : vector<1x1x16xf32> to vector<16xf32>
      %broadcast_in_dim3A_1779 = vector.shape_cast %and3A_8 : vector<16xi32> to vector<16x1xi32>
      %gather3A_1780 = vector.shape_cast %broadcast_in_dim3A_1779 : vector<16x1xi32> to vector<16xi32>
      %gather3A_1781 = tpu.dynamic_gather %get3A_1778[%gather3A_1780] in [0] : vector<16xf32>, vector<16xi32> -> vector<16xf32>
      %eq3A_1782 = arith.constant 9 : i32
      %eq3A_1783 = vector.broadcast %eq3A_1782 : i32 to vector<16xi32>
      %eq3A_1784 = arith.cmpi eq, %iota3A, %eq3A_1783 : vector<16xi32>
      %eq3A_1785 = arith.constant 1 : i32
      %eq3A_1786 = vector.broadcast %eq3A_1785 : i32 to vector<16xi32>
      %eq3A_1787 = arith.cmpi eq, %and3A_13, %eq3A_1786 : vector<16xi32>
      %and3A_1788 = arith.andi %eq3A_1784, %eq3A_1787 : vector<16xi1>
      %select_n3A_1789 = arith.select %and3A_1788, %gather3A_1781, %select_n3A_1771 : vector<16xi1>, vector<16xf32>
      %get3A_1790 = arith.constant 9 : i32
      %get3A_1791 = arith.constant 1 : i32
      %get3A_1792 = arith.index_cast %get3A_1790 : i32 to index
      %get3A_1793 = arith.index_cast %get3A_1791 : i32 to index
      %get3A_1794 = arith.constant 32 : index
      %get3A_1795 = tpu.vector_load %arg6[%get3A_1792, %get3A_1793, %get3A_1794] {strides = array<i32>} : memref<16x8x128xf32, #tpu.memory_space<vmem>>, vector<1x1x16xf32>,
      %get3A_1796 = vector.shape_cast %get3A_1795 : vector<1x1x16xf32> to vector<16xf32>
      %broadcast_in_dim3A_1797 = vector.shape_cast %and3A_8 : vector<16xi32> to vector<16x1xi32>
      %gather3A_1798 = vector.shape_cast %broadcast_in_dim3A_1797 : vector<16x1xi32> to vector<16xi32>
      %gather3A_1799 = tpu.dynamic_gather %get3A_1796[%gather3A_1798] in [0] : vector<16xf32>, vector<16xi32> -> vector<16xf32>
      %eq3A_1800 = arith.constant 9 : i32
      %eq3A_1801 = vector.broadcast %eq3A_1800 : i32 to vector<16xi32>
      %eq3A_1802 = arith.cmpi eq, %iota3A, %eq3A_1801 : vector<16xi32>
      %eq3A_1803 = arith.constant 2 : i32
      %eq3A_1804 = vector.broadcast %eq3A_1803 : i32 to vector<16xi32>
      %eq3A_1805 = arith.cmpi eq, %and3A_13, %eq3A_1804 : vector<16xi32>
      %and3A_1806 = arith.andi %eq3A_1802, %eq3A_1805 : vector<16xi1>
      %select_n3A_1807 = arith.select %and3A_1806, %gather3A_1799, %select_n3A_1789 : vector<16xi1>, vector<16xf32>
      %get3A_1808 = arith.constant 9 : i32
      %get3A_1809 = arith.constant 1 : i32
      %get3A_1810 = arith.index_cast %get3A_1808 : i32 to index
      %get3A_1811 = arith.index_cast %get3A_1809 : i32 to index
      %get3A_1812 = arith.constant 48 : index
      %get3A_1813 = tpu.vector_load %arg6[%get3A_1810, %get3A_1811, %get3A_1812] {strides = array<i32>} : memref<16x8x128xf32, #tpu.memory_space<vmem>>, vector<1x1x16xf32>,
      %get3A_1814 = vector.shape_cast %get3A_1813 : vector<1x1x16xf32> to vector<16xf32>
      %broadcast_in_dim3A_1815 = vector.shape_cast %and3A_8 : vector<16xi32> to vector<16x1xi32>
      %gather3A_1816 = vector.shape_cast %broadcast_in_dim3A_1815 : vector<16x1xi32> to vector<16xi32>
      %gather3A_1817 = tpu.dynamic_gather %get3A_1814[%gather3A_1816] in [0] : vector<16xf32>, vector<16xi32> -> vector<16xf32>
      %eq3A_1818 = arith.constant 9 : i32
      %eq3A_1819 = vector.broadcast %eq3A_1818 : i32 to vector<16xi32>
      %eq3A_1820 = arith.cmpi eq, %iota3A, %eq3A_1819 : vector<16xi32>
      %eq3A_1821 = arith.constant 3 : i32
      %eq3A_1822 = vector.broadcast %eq3A_1821 : i32 to vector<16xi32>
      %eq3A_1823 = arith.cmpi eq, %and3A_13, %eq3A_1822 : vector<16xi32>
      %and3A_1824 = arith.andi %eq3A_1820, %eq3A_1823 : vector<16xi1>
      %select_n3A_1825 = arith.select %and3A_1824, %gather3A_1817, %select_n3A_1807 : vector<16xi1>, vector<16xf32>
      %get3A_1826 = arith.constant 9 : i32
      %get3A_1827 = arith.constant 1 : i32
      %get3A_1828 = arith.index_cast %get3A_1826 : i32 to index
      %get3A_1829 = arith.index_cast %get3A_1827 : i32 to index
      %get3A_1830 = arith.constant 64 : index
      %get3A_1831 = tpu.vector_load %arg6[%get3A_1828, %get3A_1829, %get3A_1830] {strides = array<i32>} : memref<16x8x128xf32, #tpu.memory_space<vmem>>, vector<1x1x16xf32>,
      %get3A_1832 = vector.shape_cast %get3A_1831 : vector<1x1x16xf32> to vector<16xf32>
      %broadcast_in_dim3A_1833 = vector.shape_cast %and3A_8 : vector<16xi32> to vector<16x1xi32>
      %gather3A_1834 = vector.shape_cast %broadcast_in_dim3A_1833 : vector<16x1xi32> to vector<16xi32>
      %gather3A_1835 = tpu.dynamic_gather %get3A_1832[%gather3A_1834] in [0] : vector<16xf32>, vector<16xi32> -> vector<16xf32>
      %eq3A_1836 = arith.constant 9 : i32
      %eq3A_1837 = vector.broadcast %eq3A_1836 : i32 to vector<16xi32>
      %eq3A_1838 = arith.cmpi eq, %iota3A, %eq3A_1837 : vector<16xi32>
      %eq3A_1839 = arith.constant 4 : i32
      %eq3A_1840 = vector.broadcast %eq3A_1839 : i32 to vector<16xi32>
      %eq3A_1841 = arith.cmpi eq, %and3A_13, %eq3A_1840 : vector<16xi32>
      %and3A_1842 = arith.andi %eq3A_1838, %eq3A_1841 : vector<16xi1>
      %select_n3A_1843 = arith.select %and3A_1842, %gather3A_1835, %select_n3A_1825 : vector<16xi1>, vector<16xf32>
      %get3A_1844 = arith.constant 9 : i32
      %get3A_1845 = arith.constant 1 : i32
      %get3A_1846 = arith.index_cast %get3A_1844 : i32 to index
      %get3A_1847 = arith.index_cast %get3A_1845 : i32 to index
      %get3A_1848 = arith.constant 80 : index
      %get3A_1849 = tpu.vector_load %arg6[%get3A_1846, %get3A_1847, %get3A_1848] {strides = array<i32>} : memref<16x8x128xf32, #tpu.memory_space<vmem>>, vector<1x1x16xf32>,
      %get3A_1850 = vector.shape_cast %get3A_1849 : vector<1x1x16xf32> to vector<16xf32>
      %broadcast_in_dim3A_1851 = vector.shape_cast %and3A_8 : vector<16xi32> to vector<16x1xi32>
      %gather3A_1852 = vector.shape_cast %broadcast_in_dim3A_1851 : vector<16x1xi32> to vector<16xi32>
      %gather3A_1853 = tpu.dynamic_gather %get3A_1850[%gather3A_1852] in [0] : vector<16xf32>, vector<16xi32> -> vector<16xf32>
      %eq3A_1854 = arith.constant 9 : i32
      %eq3A_1855 = vector.broadcast %eq3A_1854 : i32 to vector<16xi32>
      %eq3A_1856 = arith.cmpi eq, %iota3A, %eq3A_1855 : vector<16xi32>
      %eq3A_1857 = arith.constant 5 : i32
      %eq3A_1858 = vector.broadcast %eq3A_1857 : i32 to vector<16xi32>
      %eq3A_1859 = arith.cmpi eq, %and3A_13, %eq3A_1858 : vector<16xi32>
      %and3A_1860 = arith.andi %eq3A_1856, %eq3A_1859 : vector<16xi1>
      %select_n3A_1861 = arith.select %and3A_1860, %gather3A_1853, %select_n3A_1843 : vector<16xi1>, vector<16xf32>
      %get3A_1862 = arith.constant 9 : i32
      %get3A_1863 = arith.constant 1 : i32
      %get3A_1864 = arith.index_cast %get3A_1862 : i32 to index
      %get3A_1865 = arith.index_cast %get3A_1863 : i32 to index
      %get3A_1866 = arith.constant 96 : index
      %get3A_1867 = tpu.vector_load %arg6[%get3A_1864, %get3A_1865, %get3A_1866] {strides = array<i32>} : memref<16x8x128xf32, #tpu.memory_space<vmem>>, vector<1x1x16xf32>,
      %get3A_1868 = vector.shape_cast %get3A_1867 : vector<1x1x16xf32> to vector<16xf32>
      %broadcast_in_dim3A_1869 = vector.shape_cast %and3A_8 : vector<16xi32> to vector<16x1xi32>
      %gather3A_1870 = vector.shape_cast %broadcast_in_dim3A_1869 : vector<16x1xi32> to vector<16xi32>
      %gather3A_1871 = tpu.dynamic_gather %get3A_1868[%gather3A_1870] in [0] : vector<16xf32>, vector<16xi32> -> vector<16xf32>
      %eq3A_1872 = arith.constant 9 : i32
      %eq3A_1873 = vector.broadcast %eq3A_1872 : i32 to vector<16xi32>
      %eq3A_1874 = arith.cmpi eq, %iota3A, %eq3A_1873 : vector<16xi32>
      %eq3A_1875 = arith.constant 6 : i32
      %eq3A_1876 = vector.broadcast %eq3A_1875 : i32 to vector<16xi32>
      %eq3A_1877 = arith.cmpi eq, %and3A_13, %eq3A_1876 : vector<16xi32>
      %and3A_1878 = arith.andi %eq3A_1874, %eq3A_1877 : vector<16xi1>
      %select_n3A_1879 = arith.select %and3A_1878, %gather3A_1871, %select_n3A_1861 : vector<16xi1>, vector<16xf32>
      %get3A_1880 = arith.constant 9 : i32
      %get3A_1881 = arith.constant 1 : i32
      %get3A_1882 = arith.index_cast %get3A_1880 : i32 to index
      %get3A_1883 = arith.index_cast %get3A_1881 : i32 to index
      %get3A_1884 = arith.constant 112 : index
      %get3A_1885 = tpu.vector_load %arg6[%get3A_1882, %get3A_1883, %get3A_1884] {strides = array<i32>} : memref<16x8x128xf32, #tpu.memory_space<vmem>>, vector<1x1x16xf32>,
      %get3A_1886 = vector.shape_cast %get3A_1885 : vector<1x1x16xf32> to vector<16xf32>
      %broadcast_in_dim3A_1887 = vector.shape_cast %and3A_8 : vector<16xi32> to vector<16x1xi32>
      %gather3A_1888 = vector.shape_cast %broadcast_in_dim3A_1887 : vector<16x1xi32> to vector<16xi32>
      %gather3A_1889 = tpu.dynamic_gather %get3A_1886[%gather3A_1888] in [0] : vector<16xf32>, vector<16xi32> -> vector<16xf32>
      %eq3A_1890 = arith.constant 9 : i32
      %eq3A_1891 = vector.broadcast %eq3A_1890 : i32 to vector<16xi32>
      %eq3A_1892 = arith.cmpi eq, %iota3A, %eq3A_1891 : vector<16xi32>
      %eq3A_1893 = arith.constant 7 : i32
      %eq3A_1894 = vector.broadcast %eq3A_1893 : i32 to vector<16xi32>
      %eq3A_1895 = arith.cmpi eq, %and3A_13, %eq3A_1894 : vector<16xi32>
      %and3A_1896 = arith.andi %eq3A_1892, %eq3A_1895 : vector<16xi1>
      %select_n3A_1897 = arith.select %and3A_1896, %gather3A_1889, %select_n3A_1879 : vector<16xi1>, vector<16xf32>
      %get3A_1898 = arith.constant 10 : i32
      %get3A_1899 = arith.constant 2 : i32
      %get3A_1900 = arith.index_cast %get3A_1898 : i32 to index
      %get3A_1901 = arith.index_cast %get3A_1899 : i32 to index
      %get3A_1902 = arith.constant 0 : index
      %get3A_1903 = tpu.vector_load %arg6[%get3A_1900, %get3A_1901, %get3A_1902] {strides = array<i32>} : memref<16x8x128xf32, #tpu.memory_space<vmem>>, vector<1x1x16xf32>,
      %get3A_1904 = vector.shape_cast %get3A_1903 : vector<1x1x16xf32> to vector<16xf32>
      %broadcast_in_dim3A_1905 = vector.shape_cast %and3A_8 : vector<16xi32> to vector<16x1xi32>
      %gather3A_1906 = vector.shape_cast %broadcast_in_dim3A_1905 : vector<16x1xi32> to vector<16xi32>
      %gather3A_1907 = tpu.dynamic_gather %get3A_1904[%gather3A_1906] in [0] : vector<16xf32>, vector<16xi32> -> vector<16xf32>
      %eq3A_1908 = arith.constant 10 : i32
      %eq3A_1909 = vector.broadcast %eq3A_1908 : i32 to vector<16xi32>
      %eq3A_1910 = arith.cmpi eq, %iota3A, %eq3A_1909 : vector<16xi32>
      %eq3A_1911 = arith.constant 0 : i32
      %eq3A_1912 = vector.broadcast %eq3A_1911 : i32 to vector<16xi32>
      %eq3A_1913 = arith.cmpi eq, %and3A_13, %eq3A_1912 : vector<16xi32>
      %and3A_1914 = arith.andi %eq3A_1910, %eq3A_1913 : vector<16xi1>
      %select_n3A_1915 = arith.select %and3A_1914, %gather3A_1907, %select_n3A_1897 : vector<16xi1>, vector<16xf32>
      %get3A_1916 = arith.constant 10 : i32
      %get3A_1917 = arith.constant 2 : i32
      %get3A_1918 = arith.index_cast %get3A_1916 : i32 to index
      %get3A_1919 = arith.index_cast %get3A_1917 : i32 to index
      %get3A_1920 = arith.constant 16 : index
      %get3A_1921 = tpu.vector_load %arg6[%get3A_1918, %get3A_1919, %get3A_1920] {strides = array<i32>} : memref<16x8x128xf32, #tpu.memory_space<vmem>>, vector<1x1x16xf32>,
      %get3A_1922 = vector.shape_cast %get3A_1921 : vector<1x1x16xf32> to vector<16xf32>
      %broadcast_in_dim3A_1923 = vector.shape_cast %and3A_8 : vector<16xi32> to vector<16x1xi32>
      %gather3A_1924 = vector.shape_cast %broadcast_in_dim3A_1923 : vector<16x1xi32> to vector<16xi32>
      %gather3A_1925 = tpu.dynamic_gather %get3A_1922[%gather3A_1924] in [0] : vector<16xf32>, vector<16xi32> -> vector<16xf32>
      %eq3A_1926 = arith.constant 10 : i32
      %eq3A_1927 = vector.broadcast %eq3A_1926 : i32 to vector<16xi32>
      %eq3A_1928 = arith.cmpi eq, %iota3A, %eq3A_1927 : vector<16xi32>
      %eq3A_1929 = arith.constant 1 : i32
      %eq3A_1930 = vector.broadcast %eq3A_1929 : i32 to vector<16xi32>
      %eq3A_1931 = arith.cmpi eq, %and3A_13, %eq3A_1930 : vector<16xi32>
      %and3A_1932 = arith.andi %eq3A_1928, %eq3A_1931 : vector<16xi1>
      %select_n3A_1933 = arith.select %and3A_1932, %gather3A_1925, %select_n3A_1915 : vector<16xi1>, vector<16xf32>
      %get3A_1934 = arith.constant 10 : i32
      %get3A_1935 = arith.constant 2 : i32
      %get3A_1936 = arith.index_cast %get3A_1934 : i32 to index
      %get3A_1937 = arith.index_cast %get3A_1935 : i32 to index
      %get3A_1938 = arith.constant 32 : index
      %get3A_1939 = tpu.vector_load %arg6[%get3A_1936, %get3A_1937, %get3A_1938] {strides = array<i32>} : memref<16x8x128xf32, #tpu.memory_space<vmem>>, vector<1x1x16xf32>,
      %get3A_1940 = vector.shape_cast %get3A_1939 : vector<1x1x16xf32> to vector<16xf32>
      %broadcast_in_dim3A_1941 = vector.shape_cast %and3A_8 : vector<16xi32> to vector<16x1xi32>
      %gather3A_1942 = vector.shape_cast %broadcast_in_dim3A_1941 : vector<16x1xi32> to vector<16xi32>
      %gather3A_1943 = tpu.dynamic_gather %get3A_1940[%gather3A_1942] in [0] : vector<16xf32>, vector<16xi32> -> vector<16xf32>
      %eq3A_1944 = arith.constant 10 : i32
      %eq3A_1945 = vector.broadcast %eq3A_1944 : i32 to vector<16xi32>
      %eq3A_1946 = arith.cmpi eq, %iota3A, %eq3A_1945 : vector<16xi32>
      %eq3A_1947 = arith.constant 2 : i32
      %eq3A_1948 = vector.broadcast %eq3A_1947 : i32 to vector<16xi32>
      %eq3A_1949 = arith.cmpi eq, %and3A_13, %eq3A_1948 : vector<16xi32>
      %and3A_1950 = arith.andi %eq3A_1946, %eq3A_1949 : vector<16xi1>
      %select_n3A_1951 = arith.select %and3A_1950, %gather3A_1943, %select_n3A_1933 : vector<16xi1>, vector<16xf32>
      %get3A_1952 = arith.constant 10 : i32
      %get3A_1953 = arith.constant 2 : i32
      %get3A_1954 = arith.index_cast %get3A_1952 : i32 to index
      %get3A_1955 = arith.index_cast %get3A_1953 : i32 to index
      %get3A_1956 = arith.constant 48 : index
      %get3A_1957 = tpu.vector_load %arg6[%get3A_1954, %get3A_1955, %get3A_1956] {strides = array<i32>} : memref<16x8x128xf32, #tpu.memory_space<vmem>>, vector<1x1x16xf32>,
      %get3A_1958 = vector.shape_cast %get3A_1957 : vector<1x1x16xf32> to vector<16xf32>
      %broadcast_in_dim3A_1959 = vector.shape_cast %and3A_8 : vector<16xi32> to vector<16x1xi32>
      %gather3A_1960 = vector.shape_cast %broadcast_in_dim3A_1959 : vector<16x1xi32> to vector<16xi32>
      %gather3A_1961 = tpu.dynamic_gather %get3A_1958[%gather3A_1960] in [0] : vector<16xf32>, vector<16xi32> -> vector<16xf32>
      %eq3A_1962 = arith.constant 10 : i32
      %eq3A_1963 = vector.broadcast %eq3A_1962 : i32 to vector<16xi32>
      %eq3A_1964 = arith.cmpi eq, %iota3A, %eq3A_1963 : vector<16xi32>
      %eq3A_1965 = arith.constant 3 : i32
      %eq3A_1966 = vector.broadcast %eq3A_1965 : i32 to vector<16xi32>
      %eq3A_1967 = arith.cmpi eq, %and3A_13, %eq3A_1966 : vector<16xi32>
      %and3A_1968 = arith.andi %eq3A_1964, %eq3A_1967 : vector<16xi1>
      %select_n3A_1969 = arith.select %and3A_1968, %gather3A_1961, %select_n3A_1951 : vector<16xi1>, vector<16xf32>
      %get3A_1970 = arith.constant 10 : i32
      %get3A_1971 = arith.constant 2 : i32
      %get3A_1972 = arith.index_cast %get3A_1970 : i32 to index
      %get3A_1973 = arith.index_cast %get3A_1971 : i32 to index
      %get3A_1974 = arith.constant 64 : index
      %get3A_1975 = tpu.vector_load %arg6[%get3A_1972, %get3A_1973, %get3A_1974] {strides = array<i32>} : memref<16x8x128xf32, #tpu.memory_space<vmem>>, vector<1x1x16xf32>,
      %get3A_1976 = vector.shape_cast %get3A_1975 : vector<1x1x16xf32> to vector<16xf32>
      %broadcast_in_dim3A_1977 = vector.shape_cast %and3A_8 : vector<16xi32> to vector<16x1xi32>
      %gather3A_1978 = vector.shape_cast %broadcast_in_dim3A_1977 : vector<16x1xi32> to vector<16xi32>
      %gather3A_1979 = tpu.dynamic_gather %get3A_1976[%gather3A_1978] in [0] : vector<16xf32>, vector<16xi32> -> vector<16xf32>
      %eq3A_1980 = arith.constant 10 : i32
      %eq3A_1981 = vector.broadcast %eq3A_1980 : i32 to vector<16xi32>
      %eq3A_1982 = arith.cmpi eq, %iota3A, %eq3A_1981 : vector<16xi32>
      %eq3A_1983 = arith.constant 4 : i32
      %eq3A_1984 = vector.broadcast %eq3A_1983 : i32 to vector<16xi32>
      %eq3A_1985 = arith.cmpi eq, %and3A_13, %eq3A_1984 : vector<16xi32>
      %and3A_1986 = arith.andi %eq3A_1982, %eq3A_1985 : vector<16xi1>
      %select_n3A_1987 = arith.select %and3A_1986, %gather3A_1979, %select_n3A_1969 : vector<16xi1>, vector<16xf32>
      %get3A_1988 = arith.constant 10 : i32
      %get3A_1989 = arith.constant 2 : i32
      %get3A_1990 = arith.index_cast %get3A_1988 : i32 to index
      %get3A_1991 = arith.index_cast %get3A_1989 : i32 to index
      %get3A_1992 = arith.constant 80 : index
      %get3A_1993 = tpu.vector_load %arg6[%get3A_1990, %get3A_1991, %get3A_1992] {strides = array<i32>} : memref<16x8x128xf32, #tpu.memory_space<vmem>>, vector<1x1x16xf32>,
      %get3A_1994 = vector.shape_cast %get3A_1993 : vector<1x1x16xf32> to vector<16xf32>
      %broadcast_in_dim3A_1995 = vector.shape_cast %and3A_8 : vector<16xi32> to vector<16x1xi32>
      %gather3A_1996 = vector.shape_cast %broadcast_in_dim3A_1995 : vector<16x1xi32> to vector<16xi32>
      %gather3A_1997 = tpu.dynamic_gather %get3A_1994[%gather3A_1996] in [0] : vector<16xf32>, vector<16xi32> -> vector<16xf32>
      %eq3A_1998 = arith.constant 10 : i32
      %eq3A_1999 = vector.broadcast %eq3A_1998 : i32 to vector<16xi32>
      %eq3A_2000 = arith.cmpi eq, %iota3A, %eq3A_1999 : vector<16xi32>
      %eq3A_2001 = arith.constant 5 : i32
      %eq3A_2002 = vector.broadcast %eq3A_2001 : i32 to vector<16xi32>
      %eq3A_2003 = arith.cmpi eq, %and3A_13, %eq3A_2002 : vector<16xi32>
      %and3A_2004 = arith.andi %eq3A_2000, %eq3A_2003 : vector<16xi1>
      %select_n3A_2005 = arith.select %and3A_2004, %gather3A_1997, %select_n3A_1987 : vector<16xi1>, vector<16xf32>
      %get3A_2006 = arith.constant 10 : i32
      %get3A_2007 = arith.constant 2 : i32
      %get3A_2008 = arith.index_cast %get3A_2006 : i32 to index
      %get3A_2009 = arith.index_cast %get3A_2007 : i32 to index
      %get3A_2010 = arith.constant 96 : index
      %get3A_2011 = tpu.vector_load %arg6[%get3A_2008, %get3A_2009, %get3A_2010] {strides = array<i32>} : memref<16x8x128xf32, #tpu.memory_space<vmem>>, vector<1x1x16xf32>,
      %get3A_2012 = vector.shape_cast %get3A_2011 : vector<1x1x16xf32> to vector<16xf32>
      %broadcast_in_dim3A_2013 = vector.shape_cast %and3A_8 : vector<16xi32> to vector<16x1xi32>
      %gather3A_2014 = vector.shape_cast %broadcast_in_dim3A_2013 : vector<16x1xi32> to vector<16xi32>
      %gather3A_2015 = tpu.dynamic_gather %get3A_2012[%gather3A_2014] in [0] : vector<16xf32>, vector<16xi32> -> vector<16xf32>
      %eq3A_2016 = arith.constant 10 : i32
      %eq3A_2017 = vector.broadcast %eq3A_2016 : i32 to vector<16xi32>
      %eq3A_2018 = arith.cmpi eq, %iota3A, %eq3A_2017 : vector<16xi32>
      %eq3A_2019 = arith.constant 6 : i32
      %eq3A_2020 = vector.broadcast %eq3A_2019 : i32 to vector<16xi32>
      %eq3A_2021 = arith.cmpi eq, %and3A_13, %eq3A_2020 : vector<16xi32>
      %and3A_2022 = arith.andi %eq3A_2018, %eq3A_2021 : vector<16xi1>
      %select_n3A_2023 = arith.select %and3A_2022, %gather3A_2015, %select_n3A_2005 : vector<16xi1>, vector<16xf32>
      %get3A_2024 = arith.constant 10 : i32
      %get3A_2025 = arith.constant 2 : i32
      %get3A_2026 = arith.index_cast %get3A_2024 : i32 to index
      %get3A_2027 = arith.index_cast %get3A_2025 : i32 to index
      %get3A_2028 = arith.constant 112 : index
      %get3A_2029 = tpu.vector_load %arg6[%get3A_2026, %get3A_2027, %get3A_2028] {strides = array<i32>} : memref<16x8x128xf32, #tpu.memory_space<vmem>>, vector<1x1x16xf32>,
      %get3A_2030 = vector.shape_cast %get3A_2029 : vector<1x1x16xf32> to vector<16xf32>
      %broadcast_in_dim3A_2031 = vector.shape_cast %and3A_8 : vector<16xi32> to vector<16x1xi32>
      %gather3A_2032 = vector.shape_cast %broadcast_in_dim3A_2031 : vector<16x1xi32> to vector<16xi32>
      %gather3A_2033 = tpu.dynamic_gather %get3A_2030[%gather3A_2032] in [0] : vector<16xf32>, vector<16xi32> -> vector<16xf32>
      %eq3A_2034 = arith.constant 10 : i32
      %eq3A_2035 = vector.broadcast %eq3A_2034 : i32 to vector<16xi32>
      %eq3A_2036 = arith.cmpi eq, %iota3A, %eq3A_2035 : vector<16xi32>
      %eq3A_2037 = arith.constant 7 : i32
      %eq3A_2038 = vector.broadcast %eq3A_2037 : i32 to vector<16xi32>
      %eq3A_2039 = arith.cmpi eq, %and3A_13, %eq3A_2038 : vector<16xi32>
      %and3A_2040 = arith.andi %eq3A_2036, %eq3A_2039 : vector<16xi1>
      %select_n3A_2041 = arith.select %and3A_2040, %gather3A_2033, %select_n3A_2023 : vector<16xi1>, vector<16xf32>
      %get3A_2042 = arith.constant 11 : i32
      %get3A_2043 = arith.constant 3 : i32
      %get3A_2044 = arith.index_cast %get3A_2042 : i32 to index
      %get3A_2045 = arith.index_cast %get3A_2043 : i32 to index
      %get3A_2046 = arith.constant 0 : index
      %get3A_2047 = tpu.vector_load %arg6[%get3A_2044, %get3A_2045, %get3A_2046] {strides = array<i32>} : memref<16x8x128xf32, #tpu.memory_space<vmem>>, vector<1x1x16xf32>,
      %get3A_2048 = vector.shape_cast %get3A_2047 : vector<1x1x16xf32> to vector<16xf32>
      %broadcast_in_dim3A_2049 = vector.shape_cast %and3A_8 : vector<16xi32> to vector<16x1xi32>
      %gather3A_2050 = vector.shape_cast %broadcast_in_dim3A_2049 : vector<16x1xi32> to vector<16xi32>
      %gather3A_2051 = tpu.dynamic_gather %get3A_2048[%gather3A_2050] in [0] : vector<16xf32>, vector<16xi32> -> vector<16xf32>
      %eq3A_2052 = arith.constant 11 : i32
      %eq3A_2053 = vector.broadcast %eq3A_2052 : i32 to vector<16xi32>
      %eq3A_2054 = arith.cmpi eq, %iota3A, %eq3A_2053 : vector<16xi32>
      %eq3A_2055 = arith.constant 0 : i32
      %eq3A_2056 = vector.broadcast %eq3A_2055 : i32 to vector<16xi32>
      %eq3A_2057 = arith.cmpi eq, %and3A_13, %eq3A_2056 : vector<16xi32>
      %and3A_2058 = arith.andi %eq3A_2054, %eq3A_2057 : vector<16xi1>
      %select_n3A_2059 = arith.select %and3A_2058, %gather3A_2051, %select_n3A_2041 : vector<16xi1>, vector<16xf32>
      %get3A_2060 = arith.constant 11 : i32
      %get3A_2061 = arith.constant 3 : i32
      %get3A_2062 = arith.index_cast %get3A_2060 : i32 to index
      %get3A_2063 = arith.index_cast %get3A_2061 : i32 to index
      %get3A_2064 = arith.constant 16 : index
      %get3A_2065 = tpu.vector_load %arg6[%get3A_2062, %get3A_2063, %get3A_2064] {strides = array<i32>} : memref<16x8x128xf32, #tpu.memory_space<vmem>>, vector<1x1x16xf32>,
      %get3A_2066 = vector.shape_cast %get3A_2065 : vector<1x1x16xf32> to vector<16xf32>
      %broadcast_in_dim3A_2067 = vector.shape_cast %and3A_8 : vector<16xi32> to vector<16x1xi32>
      %gather3A_2068 = vector.shape_cast %broadcast_in_dim3A_2067 : vector<16x1xi32> to vector<16xi32>
      %gather3A_2069 = tpu.dynamic_gather %get3A_2066[%gather3A_2068] in [0] : vector<16xf32>, vector<16xi32> -> vector<16xf32>
      %eq3A_2070 = arith.constant 11 : i32
      %eq3A_2071 = vector.broadcast %eq3A_2070 : i32 to vector<16xi32>
      %eq3A_2072 = arith.cmpi eq, %iota3A, %eq3A_2071 : vector<16xi32>
      %eq3A_2073 = arith.constant 1 : i32
      %eq3A_2074 = vector.broadcast %eq3A_2073 : i32 to vector<16xi32>
      %eq3A_2075 = arith.cmpi eq, %and3A_13, %eq3A_2074 : vector<16xi32>
      %and3A_2076 = arith.andi %eq3A_2072, %eq3A_2075 : vector<16xi1>
      %select_n3A_2077 = arith.select %and3A_2076, %gather3A_2069, %select_n3A_2059 : vector<16xi1>, vector<16xf32>
      %get3A_2078 = arith.constant 11 : i32
      %get3A_2079 = arith.constant 3 : i32
      %get3A_2080 = arith.index_cast %get3A_2078 : i32 to index
      %get3A_2081 = arith.index_cast %get3A_2079 : i32 to index
      %get3A_2082 = arith.constant 32 : index
      %get3A_2083 = tpu.vector_load %arg6[%get3A_2080, %get3A_2081, %get3A_2082] {strides = array<i32>} : memref<16x8x128xf32, #tpu.memory_space<vmem>>, vector<1x1x16xf32>,
      %get3A_2084 = vector.shape_cast %get3A_2083 : vector<1x1x16xf32> to vector<16xf32>
      %broadcast_in_dim3A_2085 = vector.shape_cast %and3A_8 : vector<16xi32> to vector<16x1xi32>
      %gather3A_2086 = vector.shape_cast %broadcast_in_dim3A_2085 : vector<16x1xi32> to vector<16xi32>
      %gather3A_2087 = tpu.dynamic_gather %get3A_2084[%gather3A_2086] in [0] : vector<16xf32>, vector<16xi32> -> vector<16xf32>
      %eq3A_2088 = arith.constant 11 : i32
      %eq3A_2089 = vector.broadcast %eq3A_2088 : i32 to vector<16xi32>
      %eq3A_2090 = arith.cmpi eq, %iota3A, %eq3A_2089 : vector<16xi32>
      %eq3A_2091 = arith.constant 2 : i32
      %eq3A_2092 = vector.broadcast %eq3A_2091 : i32 to vector<16xi32>
      %eq3A_2093 = arith.cmpi eq, %and3A_13, %eq3A_2092 : vector<16xi32>
      %and3A_2094 = arith.andi %eq3A_2090, %eq3A_2093 : vector<16xi1>
      %select_n3A_2095 = arith.select %and3A_2094, %gather3A_2087, %select_n3A_2077 : vector<16xi1>, vector<16xf32>
      %get3A_2096 = arith.constant 11 : i32
      %get3A_2097 = arith.constant 3 : i32
      %get3A_2098 = arith.index_cast %get3A_2096 : i32 to index
      %get3A_2099 = arith.index_cast %get3A_2097 : i32 to index
      %get3A_2100 = arith.constant 48 : index
      %get3A_2101 = tpu.vector_load %arg6[%get3A_2098, %get3A_2099, %get3A_2100] {strides = array<i32>} : memref<16x8x128xf32, #tpu.memory_space<vmem>>, vector<1x1x16xf32>,
      %get3A_2102 = vector.shape_cast %get3A_2101 : vector<1x1x16xf32> to vector<16xf32>
      %broadcast_in_dim3A_2103 = vector.shape_cast %and3A_8 : vector<16xi32> to vector<16x1xi32>
      %gather3A_2104 = vector.shape_cast %broadcast_in_dim3A_2103 : vector<16x1xi32> to vector<16xi32>
      %gather3A_2105 = tpu.dynamic_gather %get3A_2102[%gather3A_2104] in [0] : vector<16xf32>, vector<16xi32> -> vector<16xf32>
      %eq3A_2106 = arith.constant 11 : i32
      %eq3A_2107 = vector.broadcast %eq3A_2106 : i32 to vector<16xi32>
      %eq3A_2108 = arith.cmpi eq, %iota3A, %eq3A_2107 : vector<16xi32>
      %eq3A_2109 = arith.constant 3 : i32
      %eq3A_2110 = vector.broadcast %eq3A_2109 : i32 to vector<16xi32>
      %eq3A_2111 = arith.cmpi eq, %and3A_13, %eq3A_2110 : vector<16xi32>
      %and3A_2112 = arith.andi %eq3A_2108, %eq3A_2111 : vector<16xi1>
      %select_n3A_2113 = arith.select %and3A_2112, %gather3A_2105, %select_n3A_2095 : vector<16xi1>, vector<16xf32>
      %get3A_2114 = arith.constant 11 : i32
      %get3A_2115 = arith.constant 3 : i32
      %get3A_2116 = arith.index_cast %get3A_2114 : i32 to index
      %get3A_2117 = arith.index_cast %get3A_2115 : i32 to index
      %get3A_2118 = arith.constant 64 : index
      %get3A_2119 = tpu.vector_load %arg6[%get3A_2116, %get3A_2117, %get3A_2118] {strides = array<i32>} : memref<16x8x128xf32, #tpu.memory_space<vmem>>, vector<1x1x16xf32>,
      %get3A_2120 = vector.shape_cast %get3A_2119 : vector<1x1x16xf32> to vector<16xf32>
      %broadcast_in_dim3A_2121 = vector.shape_cast %and3A_8 : vector<16xi32> to vector<16x1xi32>
      %gather3A_2122 = vector.shape_cast %broadcast_in_dim3A_2121 : vector<16x1xi32> to vector<16xi32>
      %gather3A_2123 = tpu.dynamic_gather %get3A_2120[%gather3A_2122] in [0] : vector<16xf32>, vector<16xi32> -> vector<16xf32>
      %eq3A_2124 = arith.constant 11 : i32
      %eq3A_2125 = vector.broadcast %eq3A_2124 : i32 to vector<16xi32>
      %eq3A_2126 = arith.cmpi eq, %iota3A, %eq3A_2125 : vector<16xi32>
      %eq3A_2127 = arith.constant 4 : i32
      %eq3A_2128 = vector.broadcast %eq3A_2127 : i32 to vector<16xi32>
      %eq3A_2129 = arith.cmpi eq, %and3A_13, %eq3A_2128 : vector<16xi32>
      %and3A_2130 = arith.andi %eq3A_2126, %eq3A_2129 : vector<16xi1>
      %select_n3A_2131 = arith.select %and3A_2130, %gather3A_2123, %select_n3A_2113 : vector<16xi1>, vector<16xf32>
      %get3A_2132 = arith.constant 11 : i32
      %get3A_2133 = arith.constant 3 : i32
      %get3A_2134 = arith.index_cast %get3A_2132 : i32 to index
      %get3A_2135 = arith.index_cast %get3A_2133 : i32 to index
      %get3A_2136 = arith.constant 80 : index
      %get3A_2137 = tpu.vector_load %arg6[%get3A_2134, %get3A_2135, %get3A_2136] {strides = array<i32>} : memref<16x8x128xf32, #tpu.memory_space<vmem>>, vector<1x1x16xf32>,
      %get3A_2138 = vector.shape_cast %get3A_2137 : vector<1x1x16xf32> to vector<16xf32>
      %broadcast_in_dim3A_2139 = vector.shape_cast %and3A_8 : vector<16xi32> to vector<16x1xi32>
      %gather3A_2140 = vector.shape_cast %broadcast_in_dim3A_2139 : vector<16x1xi32> to vector<16xi32>
      %gather3A_2141 = tpu.dynamic_gather %get3A_2138[%gather3A_2140] in [0] : vector<16xf32>, vector<16xi32> -> vector<16xf32>
      %eq3A_2142 = arith.constant 11 : i32
      %eq3A_2143 = vector.broadcast %eq3A_2142 : i32 to vector<16xi32>
      %eq3A_2144 = arith.cmpi eq, %iota3A, %eq3A_2143 : vector<16xi32>
      %eq3A_2145 = arith.constant 5 : i32
      %eq3A_2146 = vector.broadcast %eq3A_2145 : i32 to vector<16xi32>
      %eq3A_2147 = arith.cmpi eq, %and3A_13, %eq3A_2146 : vector<16xi32>
      %and3A_2148 = arith.andi %eq3A_2144, %eq3A_2147 : vector<16xi1>
      %select_n3A_2149 = arith.select %and3A_2148, %gather3A_2141, %select_n3A_2131 : vector<16xi1>, vector<16xf32>
      %get3A_2150 = arith.constant 11 : i32
      %get3A_2151 = arith.constant 3 : i32
      %get3A_2152 = arith.index_cast %get3A_2150 : i32 to index
      %get3A_2153 = arith.index_cast %get3A_2151 : i32 to index
      %get3A_2154 = arith.constant 96 : index
      %get3A_2155 = tpu.vector_load %arg6[%get3A_2152, %get3A_2153, %get3A_2154] {strides = array<i32>} : memref<16x8x128xf32, #tpu.memory_space<vmem>>, vector<1x1x16xf32>,
      %get3A_2156 = vector.shape_cast %get3A_2155 : vector<1x1x16xf32> to vector<16xf32>
      %broadcast_in_dim3A_2157 = vector.shape_cast %and3A_8 : vector<16xi32> to vector<16x1xi32>
      %gather3A_2158 = vector.shape_cast %broadcast_in_dim3A_2157 : vector<16x1xi32> to vector<16xi32>
      %gather3A_2159 = tpu.dynamic_gather %get3A_2156[%gather3A_2158] in [0] : vector<16xf32>, vector<16xi32> -> vector<16xf32>
      %eq3A_2160 = arith.constant 11 : i32
      %eq3A_2161 = vector.broadcast %eq3A_2160 : i32 to vector<16xi32>
      %eq3A_2162 = arith.cmpi eq, %iota3A, %eq3A_2161 : vector<16xi32>
      %eq3A_2163 = arith.constant 6 : i32
      %eq3A_2164 = vector.broadcast %eq3A_2163 : i32 to vector<16xi32>
      %eq3A_2165 = arith.cmpi eq, %and3A_13, %eq3A_2164 : vector<16xi32>
      %and3A_2166 = arith.andi %eq3A_2162, %eq3A_2165 : vector<16xi1>
      %select_n3A_2167 = arith.select %and3A_2166, %gather3A_2159, %select_n3A_2149 : vector<16xi1>, vector<16xf32>
      %get3A_2168 = arith.constant 11 : i32
      %get3A_2169 = arith.constant 3 : i32
      %get3A_2170 = arith.index_cast %get3A_2168 : i32 to index
      %get3A_2171 = arith.index_cast %get3A_2169 : i32 to index
      %get3A_2172 = arith.constant 112 : index
      %get3A_2173 = tpu.vector_load %arg6[%get3A_2170, %get3A_2171, %get3A_2172] {strides = array<i32>} : memref<16x8x128xf32, #tpu.memory_space<vmem>>, vector<1x1x16xf32>,
      %get3A_2174 = vector.shape_cast %get3A_2173 : vector<1x1x16xf32> to vector<16xf32>
      %broadcast_in_dim3A_2175 = vector.shape_cast %and3A_8 : vector<16xi32> to vector<16x1xi32>
      %gather3A_2176 = vector.shape_cast %broadcast_in_dim3A_2175 : vector<16x1xi32> to vector<16xi32>
      %gather3A_2177 = tpu.dynamic_gather %get3A_2174[%gather3A_2176] in [0] : vector<16xf32>, vector<16xi32> -> vector<16xf32>
      %eq3A_2178 = arith.constant 11 : i32
      %eq3A_2179 = vector.broadcast %eq3A_2178 : i32 to vector<16xi32>
      %eq3A_2180 = arith.cmpi eq, %iota3A, %eq3A_2179 : vector<16xi32>
      %eq3A_2181 = arith.constant 7 : i32
      %eq3A_2182 = vector.broadcast %eq3A_2181 : i32 to vector<16xi32>
      %eq3A_2183 = arith.cmpi eq, %and3A_13, %eq3A_2182 : vector<16xi32>
      %and3A_2184 = arith.andi %eq3A_2180, %eq3A_2183 : vector<16xi1>
      %select_n3A_2185 = arith.select %and3A_2184, %gather3A_2177, %select_n3A_2167 : vector<16xi1>, vector<16xf32>
      %get3A_2186 = arith.constant 12 : i32
      %get3A_2187 = arith.constant 4 : i32
      %get3A_2188 = arith.index_cast %get3A_2186 : i32 to index
      %get3A_2189 = arith.index_cast %get3A_2187 : i32 to index
      %get3A_2190 = arith.constant 0 : index
      %get3A_2191 = tpu.vector_load %arg6[%get3A_2188, %get3A_2189, %get3A_2190] {strides = array<i32>} : memref<16x8x128xf32, #tpu.memory_space<vmem>>, vector<1x1x16xf32>,
      %get3A_2192 = vector.shape_cast %get3A_2191 : vector<1x1x16xf32> to vector<16xf32>
      %broadcast_in_dim3A_2193 = vector.shape_cast %and3A_8 : vector<16xi32> to vector<16x1xi32>
      %gather3A_2194 = vector.shape_cast %broadcast_in_dim3A_2193 : vector<16x1xi32> to vector<16xi32>
      %gather3A_2195 = tpu.dynamic_gather %get3A_2192[%gather3A_2194] in [0] : vector<16xf32>, vector<16xi32> -> vector<16xf32>
      %eq3A_2196 = arith.constant 12 : i32
      %eq3A_2197 = vector.broadcast %eq3A_2196 : i32 to vector<16xi32>
      %eq3A_2198 = arith.cmpi eq, %iota3A, %eq3A_2197 : vector<16xi32>
      %eq3A_2199 = arith.constant 0 : i32
      %eq3A_2200 = vector.broadcast %eq3A_2199 : i32 to vector<16xi32>
      %eq3A_2201 = arith.cmpi eq, %and3A_13, %eq3A_2200 : vector<16xi32>
      %and3A_2202 = arith.andi %eq3A_2198, %eq3A_2201 : vector<16xi1>
      %select_n3A_2203 = arith.select %and3A_2202, %gather3A_2195, %select_n3A_2185 : vector<16xi1>, vector<16xf32>
      %get3A_2204 = arith.constant 12 : i32
      %get3A_2205 = arith.constant 4 : i32
      %get3A_2206 = arith.index_cast %get3A_2204 : i32 to index
      %get3A_2207 = arith.index_cast %get3A_2205 : i32 to index
      %get3A_2208 = arith.constant 16 : index
      %get3A_2209 = tpu.vector_load %arg6[%get3A_2206, %get3A_2207, %get3A_2208] {strides = array<i32>} : memref<16x8x128xf32, #tpu.memory_space<vmem>>, vector<1x1x16xf32>,
      %get3A_2210 = vector.shape_cast %get3A_2209 : vector<1x1x16xf32> to vector<16xf32>
      %broadcast_in_dim3A_2211 = vector.shape_cast %and3A_8 : vector<16xi32> to vector<16x1xi32>
      %gather3A_2212 = vector.shape_cast %broadcast_in_dim3A_2211 : vector<16x1xi32> to vector<16xi32>
      %gather3A_2213 = tpu.dynamic_gather %get3A_2210[%gather3A_2212] in [0] : vector<16xf32>, vector<16xi32> -> vector<16xf32>
      %eq3A_2214 = arith.constant 12 : i32
      %eq3A_2215 = vector.broadcast %eq3A_2214 : i32 to vector<16xi32>
      %eq3A_2216 = arith.cmpi eq, %iota3A, %eq3A_2215 : vector<16xi32>
      %eq3A_2217 = arith.constant 1 : i32
      %eq3A_2218 = vector.broadcast %eq3A_2217 : i32 to vector<16xi32>
      %eq3A_2219 = arith.cmpi eq, %and3A_13, %eq3A_2218 : vector<16xi32>
      %and3A_2220 = arith.andi %eq3A_2216, %eq3A_2219 : vector<16xi1>
      %select_n3A_2221 = arith.select %and3A_2220, %gather3A_2213, %select_n3A_2203 : vector<16xi1>, vector<16xf32>
      %get3A_2222 = arith.constant 12 : i32
      %get3A_2223 = arith.constant 4 : i32
      %get3A_2224 = arith.index_cast %get3A_2222 : i32 to index
      %get3A_2225 = arith.index_cast %get3A_2223 : i32 to index
      %get3A_2226 = arith.constant 32 : index
      %get3A_2227 = tpu.vector_load %arg6[%get3A_2224, %get3A_2225, %get3A_2226] {strides = array<i32>} : memref<16x8x128xf32, #tpu.memory_space<vmem>>, vector<1x1x16xf32>,
      %get3A_2228 = vector.shape_cast %get3A_2227 : vector<1x1x16xf32> to vector<16xf32>
      %broadcast_in_dim3A_2229 = vector.shape_cast %and3A_8 : vector<16xi32> to vector<16x1xi32>
      %gather3A_2230 = vector.shape_cast %broadcast_in_dim3A_2229 : vector<16x1xi32> to vector<16xi32>
      %gather3A_2231 = tpu.dynamic_gather %get3A_2228[%gather3A_2230] in [0] : vector<16xf32>, vector<16xi32> -> vector<16xf32>
      %eq3A_2232 = arith.constant 12 : i32
      %eq3A_2233 = vector.broadcast %eq3A_2232 : i32 to vector<16xi32>
      %eq3A_2234 = arith.cmpi eq, %iota3A, %eq3A_2233 : vector<16xi32>
      %eq3A_2235 = arith.constant 2 : i32
      %eq3A_2236 = vector.broadcast %eq3A_2235 : i32 to vector<16xi32>
      %eq3A_2237 = arith.cmpi eq, %and3A_13, %eq3A_2236 : vector<16xi32>
      %and3A_2238 = arith.andi %eq3A_2234, %eq3A_2237 : vector<16xi1>
      %select_n3A_2239 = arith.select %and3A_2238, %gather3A_2231, %select_n3A_2221 : vector<16xi1>, vector<16xf32>
      %get3A_2240 = arith.constant 12 : i32
      %get3A_2241 = arith.constant 4 : i32
      %get3A_2242 = arith.index_cast %get3A_2240 : i32 to index
      %get3A_2243 = arith.index_cast %get3A_2241 : i32 to index
      %get3A_2244 = arith.constant 48 : index
      %get3A_2245 = tpu.vector_load %arg6[%get3A_2242, %get3A_2243, %get3A_2244] {strides = array<i32>} : memref<16x8x128xf32, #tpu.memory_space<vmem>>, vector<1x1x16xf32>,
      %get3A_2246 = vector.shape_cast %get3A_2245 : vector<1x1x16xf32> to vector<16xf32>
      %broadcast_in_dim3A_2247 = vector.shape_cast %and3A_8 : vector<16xi32> to vector<16x1xi32>
      %gather3A_2248 = vector.shape_cast %broadcast_in_dim3A_2247 : vector<16x1xi32> to vector<16xi32>
      %gather3A_2249 = tpu.dynamic_gather %get3A_2246[%gather3A_2248] in [0] : vector<16xf32>, vector<16xi32> -> vector<16xf32>
      %eq3A_2250 = arith.constant 12 : i32
      %eq3A_2251 = vector.broadcast %eq3A_2250 : i32 to vector<16xi32>
      %eq3A_2252 = arith.cmpi eq, %iota3A, %eq3A_2251 : vector<16xi32>
      %eq3A_2253 = arith.constant 3 : i32
      %eq3A_2254 = vector.broadcast %eq3A_2253 : i32 to vector<16xi32>
      %eq3A_2255 = arith.cmpi eq, %and3A_13, %eq3A_2254 : vector<16xi32>
      %and3A_2256 = arith.andi %eq3A_2252, %eq3A_2255 : vector<16xi1>
      %select_n3A_2257 = arith.select %and3A_2256, %gather3A_2249, %select_n3A_2239 : vector<16xi1>, vector<16xf32>
      %get3A_2258 = arith.constant 12 : i32
      %get3A_2259 = arith.constant 4 : i32
      %get3A_2260 = arith.index_cast %get3A_2258 : i32 to index
      %get3A_2261 = arith.index_cast %get3A_2259 : i32 to index
      %get3A_2262 = arith.constant 64 : index
      %get3A_2263 = tpu.vector_load %arg6[%get3A_2260, %get3A_2261, %get3A_2262] {strides = array<i32>} : memref<16x8x128xf32, #tpu.memory_space<vmem>>, vector<1x1x16xf32>,
      %get3A_2264 = vector.shape_cast %get3A_2263 : vector<1x1x16xf32> to vector<16xf32>
      %broadcast_in_dim3A_2265 = vector.shape_cast %and3A_8 : vector<16xi32> to vector<16x1xi32>
      %gather3A_2266 = vector.shape_cast %broadcast_in_dim3A_2265 : vector<16x1xi32> to vector<16xi32>
      %gather3A_2267 = tpu.dynamic_gather %get3A_2264[%gather3A_2266] in [0] : vector<16xf32>, vector<16xi32> -> vector<16xf32>
      %eq3A_2268 = arith.constant 12 : i32
      %eq3A_2269 = vector.broadcast %eq3A_2268 : i32 to vector<16xi32>
      %eq3A_2270 = arith.cmpi eq, %iota3A, %eq3A_2269 : vector<16xi32>
      %eq3A_2271 = arith.constant 4 : i32
      %eq3A_2272 = vector.broadcast %eq3A_2271 : i32 to vector<16xi32>
      %eq3A_2273 = arith.cmpi eq, %and3A_13, %eq3A_2272 : vector<16xi32>
      %and3A_2274 = arith.andi %eq3A_2270, %eq3A_2273 : vector<16xi1>
      %select_n3A_2275 = arith.select %and3A_2274, %gather3A_2267, %select_n3A_2257 : vector<16xi1>, vector<16xf32>
      %get3A_2276 = arith.constant 12 : i32
      %get3A_2277 = arith.constant 4 : i32
      %get3A_2278 = arith.index_cast %get3A_2276 : i32 to index
      %get3A_2279 = arith.index_cast %get3A_2277 : i32 to index
      %get3A_2280 = arith.constant 80 : index
      %get3A_2281 = tpu.vector_load %arg6[%get3A_2278, %get3A_2279, %get3A_2280] {strides = array<i32>} : memref<16x8x128xf32, #tpu.memory_space<vmem>>, vector<1x1x16xf32>,
      %get3A_2282 = vector.shape_cast %get3A_2281 : vector<1x1x16xf32> to vector<16xf32>
      %broadcast_in_dim3A_2283 = vector.shape_cast %and3A_8 : vector<16xi32> to vector<16x1xi32>
      %gather3A_2284 = vector.shape_cast %broadcast_in_dim3A_2283 : vector<16x1xi32> to vector<16xi32>
      %gather3A_2285 = tpu.dynamic_gather %get3A_2282[%gather3A_2284] in [0] : vector<16xf32>, vector<16xi32> -> vector<16xf32>
      %eq3A_2286 = arith.constant 12 : i32
      %eq3A_2287 = vector.broadcast %eq3A_2286 : i32 to vector<16xi32>
      %eq3A_2288 = arith.cmpi eq, %iota3A, %eq3A_2287 : vector<16xi32>
      %eq3A_2289 = arith.constant 5 : i32
      %eq3A_2290 = vector.broadcast %eq3A_2289 : i32 to vector<16xi32>
      %eq3A_2291 = arith.cmpi eq, %and3A_13, %eq3A_2290 : vector<16xi32>
      %and3A_2292 = arith.andi %eq3A_2288, %eq3A_2291 : vector<16xi1>
      %select_n3A_2293 = arith.select %and3A_2292, %gather3A_2285, %select_n3A_2275 : vector<16xi1>, vector<16xf32>
      %get3A_2294 = arith.constant 12 : i32
      %get3A_2295 = arith.constant 4 : i32
      %get3A_2296 = arith.index_cast %get3A_2294 : i32 to index
      %get3A_2297 = arith.index_cast %get3A_2295 : i32 to index
      %get3A_2298 = arith.constant 96 : index
      %get3A_2299 = tpu.vector_load %arg6[%get3A_2296, %get3A_2297, %get3A_2298] {strides = array<i32>} : memref<16x8x128xf32, #tpu.memory_space<vmem>>, vector<1x1x16xf32>,
      %get3A_2300 = vector.shape_cast %get3A_2299 : vector<1x1x16xf32> to vector<16xf32>
      %broadcast_in_dim3A_2301 = vector.shape_cast %and3A_8 : vector<16xi32> to vector<16x1xi32>
      %gather3A_2302 = vector.shape_cast %broadcast_in_dim3A_2301 : vector<16x1xi32> to vector<16xi32>
      %gather3A_2303 = tpu.dynamic_gather %get3A_2300[%gather3A_2302] in [0] : vector<16xf32>, vector<16xi32> -> vector<16xf32>
      %eq3A_2304 = arith.constant 12 : i32
      %eq3A_2305 = vector.broadcast %eq3A_2304 : i32 to vector<16xi32>
      %eq3A_2306 = arith.cmpi eq, %iota3A, %eq3A_2305 : vector<16xi32>
      %eq3A_2307 = arith.constant 6 : i32
      %eq3A_2308 = vector.broadcast %eq3A_2307 : i32 to vector<16xi32>
      %eq3A_2309 = arith.cmpi eq, %and3A_13, %eq3A_2308 : vector<16xi32>
      %and3A_2310 = arith.andi %eq3A_2306, %eq3A_2309 : vector<16xi1>
      %select_n3A_2311 = arith.select %and3A_2310, %gather3A_2303, %select_n3A_2293 : vector<16xi1>, vector<16xf32>
      %get3A_2312 = arith.constant 12 : i32
      %get3A_2313 = arith.constant 4 : i32
      %get3A_2314 = arith.index_cast %get3A_2312 : i32 to index
      %get3A_2315 = arith.index_cast %get3A_2313 : i32 to index
      %get3A_2316 = arith.constant 112 : index
      %get3A_2317 = tpu.vector_load %arg6[%get3A_2314, %get3A_2315, %get3A_2316] {strides = array<i32>} : memref<16x8x128xf32, #tpu.memory_space<vmem>>, vector<1x1x16xf32>,
      %get3A_2318 = vector.shape_cast %get3A_2317 : vector<1x1x16xf32> to vector<16xf32>
      %broadcast_in_dim3A_2319 = vector.shape_cast %and3A_8 : vector<16xi32> to vector<16x1xi32>
      %gather3A_2320 = vector.shape_cast %broadcast_in_dim3A_2319 : vector<16x1xi32> to vector<16xi32>
      %gather3A_2321 = tpu.dynamic_gather %get3A_2318[%gather3A_2320] in [0] : vector<16xf32>, vector<16xi32> -> vector<16xf32>
      %eq3A_2322 = arith.constant 12 : i32
      %eq3A_2323 = vector.broadcast %eq3A_2322 : i32 to vector<16xi32>
      %eq3A_2324 = arith.cmpi eq, %iota3A, %eq3A_2323 : vector<16xi32>
      %eq3A_2325 = arith.constant 7 : i32
      %eq3A_2326 = vector.broadcast %eq3A_2325 : i32 to vector<16xi32>
      %eq3A_2327 = arith.cmpi eq, %and3A_13, %eq3A_2326 : vector<16xi32>
      %and3A_2328 = arith.andi %eq3A_2324, %eq3A_2327 : vector<16xi1>
      %select_n3A_2329 = arith.select %and3A_2328, %gather3A_2321, %select_n3A_2311 : vector<16xi1>, vector<16xf32>
      %get3A_2330 = arith.constant 13 : i32
      %get3A_2331 = arith.constant 5 : i32
      %get3A_2332 = arith.index_cast %get3A_2330 : i32 to index
      %get3A_2333 = arith.index_cast %get3A_2331 : i32 to index
      %get3A_2334 = arith.constant 0 : index
      %get3A_2335 = tpu.vector_load %arg6[%get3A_2332, %get3A_2333, %get3A_2334] {strides = array<i32>} : memref<16x8x128xf32, #tpu.memory_space<vmem>>, vector<1x1x16xf32>,
      %get3A_2336 = vector.shape_cast %get3A_2335 : vector<1x1x16xf32> to vector<16xf32>
      %broadcast_in_dim3A_2337 = vector.shape_cast %and3A_8 : vector<16xi32> to vector<16x1xi32>
      %gather3A_2338 = vector.shape_cast %broadcast_in_dim3A_2337 : vector<16x1xi32> to vector<16xi32>
      %gather3A_2339 = tpu.dynamic_gather %get3A_2336[%gather3A_2338] in [0] : vector<16xf32>, vector<16xi32> -> vector<16xf32>
      %eq3A_2340 = arith.constant 13 : i32
      %eq3A_2341 = vector.broadcast %eq3A_2340 : i32 to vector<16xi32>
      %eq3A_2342 = arith.cmpi eq, %iota3A, %eq3A_2341 : vector<16xi32>
      %eq3A_2343 = arith.constant 0 : i32
      %eq3A_2344 = vector.broadcast %eq3A_2343 : i32 to vector<16xi32>
      %eq3A_2345 = arith.cmpi eq, %and3A_13, %eq3A_2344 : vector<16xi32>
      %and3A_2346 = arith.andi %eq3A_2342, %eq3A_2345 : vector<16xi1>
      %select_n3A_2347 = arith.select %and3A_2346, %gather3A_2339, %select_n3A_2329 : vector<16xi1>, vector<16xf32>
      %get3A_2348 = arith.constant 13 : i32
      %get3A_2349 = arith.constant 5 : i32
      %get3A_2350 = arith.index_cast %get3A_2348 : i32 to index
      %get3A_2351 = arith.index_cast %get3A_2349 : i32 to index
      %get3A_2352 = arith.constant 16 : index
      %get3A_2353 = tpu.vector_load %arg6[%get3A_2350, %get3A_2351, %get3A_2352] {strides = array<i32>} : memref<16x8x128xf32, #tpu.memory_space<vmem>>, vector<1x1x16xf32>,
      %get3A_2354 = vector.shape_cast %get3A_2353 : vector<1x1x16xf32> to vector<16xf32>
      %broadcast_in_dim3A_2355 = vector.shape_cast %and3A_8 : vector<16xi32> to vector<16x1xi32>
      %gather3A_2356 = vector.shape_cast %broadcast_in_dim3A_2355 : vector<16x1xi32> to vector<16xi32>
      %gather3A_2357 = tpu.dynamic_gather %get3A_2354[%gather3A_2356] in [0] : vector<16xf32>, vector<16xi32> -> vector<16xf32>
      %eq3A_2358 = arith.constant 13 : i32
      %eq3A_2359 = vector.broadcast %eq3A_2358 : i32 to vector<16xi32>
      %eq3A_2360 = arith.cmpi eq, %iota3A, %eq3A_2359 : vector<16xi32>
      %eq3A_2361 = arith.constant 1 : i32
      %eq3A_2362 = vector.broadcast %eq3A_2361 : i32 to vector<16xi32>
      %eq3A_2363 = arith.cmpi eq, %and3A_13, %eq3A_2362 : vector<16xi32>
      %and3A_2364 = arith.andi %eq3A_2360, %eq3A_2363 : vector<16xi1>
      %select_n3A_2365 = arith.select %and3A_2364, %gather3A_2357, %select_n3A_2347 : vector<16xi1>, vector<16xf32>
      %get3A_2366 = arith.constant 13 : i32
      %get3A_2367 = arith.constant 5 : i32
      %get3A_2368 = arith.index_cast %get3A_2366 : i32 to index
      %get3A_2369 = arith.index_cast %get3A_2367 : i32 to index
      %get3A_2370 = arith.constant 32 : index
      %get3A_2371 = tpu.vector_load %arg6[%get3A_2368, %get3A_2369, %get3A_2370] {strides = array<i32>} : memref<16x8x128xf32, #tpu.memory_space<vmem>>, vector<1x1x16xf32>,
      %get3A_2372 = vector.shape_cast %get3A_2371 : vector<1x1x16xf32> to vector<16xf32>
      %broadcast_in_dim3A_2373 = vector.shape_cast %and3A_8 : vector<16xi32> to vector<16x1xi32>
      %gather3A_2374 = vector.shape_cast %broadcast_in_dim3A_2373 : vector<16x1xi32> to vector<16xi32>
      %gather3A_2375 = tpu.dynamic_gather %get3A_2372[%gather3A_2374] in [0] : vector<16xf32>, vector<16xi32> -> vector<16xf32>
      %eq3A_2376 = arith.constant 13 : i32
      %eq3A_2377 = vector.broadcast %eq3A_2376 : i32 to vector<16xi32>
      %eq3A_2378 = arith.cmpi eq, %iota3A, %eq3A_2377 : vector<16xi32>
      %eq3A_2379 = arith.constant 2 : i32
      %eq3A_2380 = vector.broadcast %eq3A_2379 : i32 to vector<16xi32>
      %eq3A_2381 = arith.cmpi eq, %and3A_13, %eq3A_2380 : vector<16xi32>
      %and3A_2382 = arith.andi %eq3A_2378, %eq3A_2381 : vector<16xi1>
      %select_n3A_2383 = arith.select %and3A_2382, %gather3A_2375, %select_n3A_2365 : vector<16xi1>, vector<16xf32>
      %get3A_2384 = arith.constant 13 : i32
      %get3A_2385 = arith.constant 5 : i32
      %get3A_2386 = arith.index_cast %get3A_2384 : i32 to index
      %get3A_2387 = arith.index_cast %get3A_2385 : i32 to index
      %get3A_2388 = arith.constant 48 : index
      %get3A_2389 = tpu.vector_load %arg6[%get3A_2386, %get3A_2387, %get3A_2388] {strides = array<i32>} : memref<16x8x128xf32, #tpu.memory_space<vmem>>, vector<1x1x16xf32>,
      %get3A_2390 = vector.shape_cast %get3A_2389 : vector<1x1x16xf32> to vector<16xf32>
      %broadcast_in_dim3A_2391 = vector.shape_cast %and3A_8 : vector<16xi32> to vector<16x1xi32>
      %gather3A_2392 = vector.shape_cast %broadcast_in_dim3A_2391 : vector<16x1xi32> to vector<16xi32>
      %gather3A_2393 = tpu.dynamic_gather %get3A_2390[%gather3A_2392] in [0] : vector<16xf32>, vector<16xi32> -> vector<16xf32>
      %eq3A_2394 = arith.constant 13 : i32
      %eq3A_2395 = vector.broadcast %eq3A_2394 : i32 to vector<16xi32>
      %eq3A_2396 = arith.cmpi eq, %iota3A, %eq3A_2395 : vector<16xi32>
      %eq3A_2397 = arith.constant 3 : i32
      %eq3A_2398 = vector.broadcast %eq3A_2397 : i32 to vector<16xi32>
      %eq3A_2399 = arith.cmpi eq, %and3A_13, %eq3A_2398 : vector<16xi32>
      %and3A_2400 = arith.andi %eq3A_2396, %eq3A_2399 : vector<16xi1>
      %select_n3A_2401 = arith.select %and3A_2400, %gather3A_2393, %select_n3A_2383 : vector<16xi1>, vector<16xf32>
      %get3A_2402 = arith.constant 13 : i32
      %get3A_2403 = arith.constant 5 : i32
      %get3A_2404 = arith.index_cast %get3A_2402 : i32 to index
      %get3A_2405 = arith.index_cast %get3A_2403 : i32 to index
      %get3A_2406 = arith.constant 64 : index
      %get3A_2407 = tpu.vector_load %arg6[%get3A_2404, %get3A_2405, %get3A_2406] {strides = array<i32>} : memref<16x8x128xf32, #tpu.memory_space<vmem>>, vector<1x1x16xf32>,
      %get3A_2408 = vector.shape_cast %get3A_2407 : vector<1x1x16xf32> to vector<16xf32>
      %broadcast_in_dim3A_2409 = vector.shape_cast %and3A_8 : vector<16xi32> to vector<16x1xi32>
      %gather3A_2410 = vector.shape_cast %broadcast_in_dim3A_2409 : vector<16x1xi32> to vector<16xi32>
      %gather3A_2411 = tpu.dynamic_gather %get3A_2408[%gather3A_2410] in [0] : vector<16xf32>, vector<16xi32> -> vector<16xf32>
      %eq3A_2412 = arith.constant 13 : i32
      %eq3A_2413 = vector.broadcast %eq3A_2412 : i32 to vector<16xi32>
      %eq3A_2414 = arith.cmpi eq, %iota3A, %eq3A_2413 : vector<16xi32>
      %eq3A_2415 = arith.constant 4 : i32
      %eq3A_2416 = vector.broadcast %eq3A_2415 : i32 to vector<16xi32>
      %eq3A_2417 = arith.cmpi eq, %and3A_13, %eq3A_2416 : vector<16xi32>
      %and3A_2418 = arith.andi %eq3A_2414, %eq3A_2417 : vector<16xi1>
      %select_n3A_2419 = arith.select %and3A_2418, %gather3A_2411, %select_n3A_2401 : vector<16xi1>, vector<16xf32>
      %get3A_2420 = arith.constant 13 : i32
      %get3A_2421 = arith.constant 5 : i32
      %get3A_2422 = arith.index_cast %get3A_2420 : i32 to index
      %get3A_2423 = arith.index_cast %get3A_2421 : i32 to index
      %get3A_2424 = arith.constant 80 : index
      %get3A_2425 = tpu.vector_load %arg6[%get3A_2422, %get3A_2423, %get3A_2424] {strides = array<i32>} : memref<16x8x128xf32, #tpu.memory_space<vmem>>, vector<1x1x16xf32>,
      %get3A_2426 = vector.shape_cast %get3A_2425 : vector<1x1x16xf32> to vector<16xf32>
      %broadcast_in_dim3A_2427 = vector.shape_cast %and3A_8 : vector<16xi32> to vector<16x1xi32>
      %gather3A_2428 = vector.shape_cast %broadcast_in_dim3A_2427 : vector<16x1xi32> to vector<16xi32>
      %gather3A_2429 = tpu.dynamic_gather %get3A_2426[%gather3A_2428] in [0] : vector<16xf32>, vector<16xi32> -> vector<16xf32>
      %eq3A_2430 = arith.constant 13 : i32
      %eq3A_2431 = vector.broadcast %eq3A_2430 : i32 to vector<16xi32>
      %eq3A_2432 = arith.cmpi eq, %iota3A, %eq3A_2431 : vector<16xi32>
      %eq3A_2433 = arith.constant 5 : i32
      %eq3A_2434 = vector.broadcast %eq3A_2433 : i32 to vector<16xi32>
      %eq3A_2435 = arith.cmpi eq, %and3A_13, %eq3A_2434 : vector<16xi32>
      %and3A_2436 = arith.andi %eq3A_2432, %eq3A_2435 : vector<16xi1>
      %select_n3A_2437 = arith.select %and3A_2436, %gather3A_2429, %select_n3A_2419 : vector<16xi1>, vector<16xf32>
      %get3A_2438 = arith.constant 13 : i32
      %get3A_2439 = arith.constant 5 : i32
      %get3A_2440 = arith.index_cast %get3A_2438 : i32 to index
      %get3A_2441 = arith.index_cast %get3A_2439 : i32 to index
      %get3A_2442 = arith.constant 96 : index
      %get3A_2443 = tpu.vector_load %arg6[%get3A_2440, %get3A_2441, %get3A_2442] {strides = array<i32>} : memref<16x8x128xf32, #tpu.memory_space<vmem>>, vector<1x1x16xf32>,
      %get3A_2444 = vector.shape_cast %get3A_2443 : vector<1x1x16xf32> to vector<16xf32>
      %broadcast_in_dim3A_2445 = vector.shape_cast %and3A_8 : vector<16xi32> to vector<16x1xi32>
      %gather3A_2446 = vector.shape_cast %broadcast_in_dim3A_2445 : vector<16x1xi32> to vector<16xi32>
      %gather3A_2447 = tpu.dynamic_gather %get3A_2444[%gather3A_2446] in [0] : vector<16xf32>, vector<16xi32> -> vector<16xf32>
      %eq3A_2448 = arith.constant 13 : i32
      %eq3A_2449 = vector.broadcast %eq3A_2448 : i32 to vector<16xi32>
      %eq3A_2450 = arith.cmpi eq, %iota3A, %eq3A_2449 : vector<16xi32>
      %eq3A_2451 = arith.constant 6 : i32
      %eq3A_2452 = vector.broadcast %eq3A_2451 : i32 to vector<16xi32>
      %eq3A_2453 = arith.cmpi eq, %and3A_13, %eq3A_2452 : vector<16xi32>
      %and3A_2454 = arith.andi %eq3A_2450, %eq3A_2453 : vector<16xi1>
      %select_n3A_2455 = arith.select %and3A_2454, %gather3A_2447, %select_n3A_2437 : vector<16xi1>, vector<16xf32>
      %get3A_2456 = arith.constant 13 : i32
      %get3A_2457 = arith.constant 5 : i32
      %get3A_2458 = arith.index_cast %get3A_2456 : i32 to index
      %get3A_2459 = arith.index_cast %get3A_2457 : i32 to index
      %get3A_2460 = arith.constant 112 : index
      %get3A_2461 = tpu.vector_load %arg6[%get3A_2458, %get3A_2459, %get3A_2460] {strides = array<i32>} : memref<16x8x128xf32, #tpu.memory_space<vmem>>, vector<1x1x16xf32>,
      %get3A_2462 = vector.shape_cast %get3A_2461 : vector<1x1x16xf32> to vector<16xf32>
      %broadcast_in_dim3A_2463 = vector.shape_cast %and3A_8 : vector<16xi32> to vector<16x1xi32>
      %gather3A_2464 = vector.shape_cast %broadcast_in_dim3A_2463 : vector<16x1xi32> to vector<16xi32>
      %gather3A_2465 = tpu.dynamic_gather %get3A_2462[%gather3A_2464] in [0] : vector<16xf32>, vector<16xi32> -> vector<16xf32>
      %eq3A_2466 = arith.constant 13 : i32
      %eq3A_2467 = vector.broadcast %eq3A_2466 : i32 to vector<16xi32>
      %eq3A_2468 = arith.cmpi eq, %iota3A, %eq3A_2467 : vector<16xi32>
      %eq3A_2469 = arith.constant 7 : i32
      %eq3A_2470 = vector.broadcast %eq3A_2469 : i32 to vector<16xi32>
      %eq3A_2471 = arith.cmpi eq, %and3A_13, %eq3A_2470 : vector<16xi32>
      %and3A_2472 = arith.andi %eq3A_2468, %eq3A_2471 : vector<16xi1>
      %select_n3A_2473 = arith.select %and3A_2472, %gather3A_2465, %select_n3A_2455 : vector<16xi1>, vector<16xf32>
      %get3A_2474 = arith.constant 14 : i32
      %get3A_2475 = arith.constant 6 : i32
      %get3A_2476 = arith.index_cast %get3A_2474 : i32 to index
      %get3A_2477 = arith.index_cast %get3A_2475 : i32 to index
      %get3A_2478 = arith.constant 0 : index
      %get3A_2479 = tpu.vector_load %arg6[%get3A_2476, %get3A_2477, %get3A_2478] {strides = array<i32>} : memref<16x8x128xf32, #tpu.memory_space<vmem>>, vector<1x1x16xf32>,
      %get3A_2480 = vector.shape_cast %get3A_2479 : vector<1x1x16xf32> to vector<16xf32>
      %broadcast_in_dim3A_2481 = vector.shape_cast %and3A_8 : vector<16xi32> to vector<16x1xi32>
      %gather3A_2482 = vector.shape_cast %broadcast_in_dim3A_2481 : vector<16x1xi32> to vector<16xi32>
      %gather3A_2483 = tpu.dynamic_gather %get3A_2480[%gather3A_2482] in [0] : vector<16xf32>, vector<16xi32> -> vector<16xf32>
      %eq3A_2484 = arith.constant 14 : i32
      %eq3A_2485 = vector.broadcast %eq3A_2484 : i32 to vector<16xi32>
      %eq3A_2486 = arith.cmpi eq, %iota3A, %eq3A_2485 : vector<16xi32>
      %eq3A_2487 = arith.constant 0 : i32
      %eq3A_2488 = vector.broadcast %eq3A_2487 : i32 to vector<16xi32>
      %eq3A_2489 = arith.cmpi eq, %and3A_13, %eq3A_2488 : vector<16xi32>
      %and3A_2490 = arith.andi %eq3A_2486, %eq3A_2489 : vector<16xi1>
      %select_n3A_2491 = arith.select %and3A_2490, %gather3A_2483, %select_n3A_2473 : vector<16xi1>, vector<16xf32>
      %get3A_2492 = arith.constant 14 : i32
      %get3A_2493 = arith.constant 6 : i32
      %get3A_2494 = arith.index_cast %get3A_2492 : i32 to index
      %get3A_2495 = arith.index_cast %get3A_2493 : i32 to index
      %get3A_2496 = arith.constant 16 : index
      %get3A_2497 = tpu.vector_load %arg6[%get3A_2494, %get3A_2495, %get3A_2496] {strides = array<i32>} : memref<16x8x128xf32, #tpu.memory_space<vmem>>, vector<1x1x16xf32>,
      %get3A_2498 = vector.shape_cast %get3A_2497 : vector<1x1x16xf32> to vector<16xf32>
      %broadcast_in_dim3A_2499 = vector.shape_cast %and3A_8 : vector<16xi32> to vector<16x1xi32>
      %gather3A_2500 = vector.shape_cast %broadcast_in_dim3A_2499 : vector<16x1xi32> to vector<16xi32>
      %gather3A_2501 = tpu.dynamic_gather %get3A_2498[%gather3A_2500] in [0] : vector<16xf32>, vector<16xi32> -> vector<16xf32>
      %eq3A_2502 = arith.constant 14 : i32
      %eq3A_2503 = vector.broadcast %eq3A_2502 : i32 to vector<16xi32>
      %eq3A_2504 = arith.cmpi eq, %iota3A, %eq3A_2503 : vector<16xi32>
      %eq3A_2505 = arith.constant 1 : i32
      %eq3A_2506 = vector.broadcast %eq3A_2505 : i32 to vector<16xi32>
      %eq3A_2507 = arith.cmpi eq, %and3A_13, %eq3A_2506 : vector<16xi32>
      %and3A_2508 = arith.andi %eq3A_2504, %eq3A_2507 : vector<16xi1>
      %select_n3A_2509 = arith.select %and3A_2508, %gather3A_2501, %select_n3A_2491 : vector<16xi1>, vector<16xf32>
      %get3A_2510 = arith.constant 14 : i32
      %get3A_2511 = arith.constant 6 : i32
      %get3A_2512 = arith.index_cast %get3A_2510 : i32 to index
      %get3A_2513 = arith.index_cast %get3A_2511 : i32 to index
      %get3A_2514 = arith.constant 32 : index
      %get3A_2515 = tpu.vector_load %arg6[%get3A_2512, %get3A_2513, %get3A_2514] {strides = array<i32>} : memref<16x8x128xf32, #tpu.memory_space<vmem>>, vector<1x1x16xf32>,
      %get3A_2516 = vector.shape_cast %get3A_2515 : vector<1x1x16xf32> to vector<16xf32>
      %broadcast_in_dim3A_2517 = vector.shape_cast %and3A_8 : vector<16xi32> to vector<16x1xi32>
      %gather3A_2518 = vector.shape_cast %broadcast_in_dim3A_2517 : vector<16x1xi32> to vector<16xi32>
      %gather3A_2519 = tpu.dynamic_gather %get3A_2516[%gather3A_2518] in [0] : vector<16xf32>, vector<16xi32> -> vector<16xf32>
      %eq3A_2520 = arith.constant 14 : i32
      %eq3A_2521 = vector.broadcast %eq3A_2520 : i32 to vector<16xi32>
      %eq3A_2522 = arith.cmpi eq, %iota3A, %eq3A_2521 : vector<16xi32>
      %eq3A_2523 = arith.constant 2 : i32
      %eq3A_2524 = vector.broadcast %eq3A_2523 : i32 to vector<16xi32>
      %eq3A_2525 = arith.cmpi eq, %and3A_13, %eq3A_2524 : vector<16xi32>
      %and3A_2526 = arith.andi %eq3A_2522, %eq3A_2525 : vector<16xi1>
      %select_n3A_2527 = arith.select %and3A_2526, %gather3A_2519, %select_n3A_2509 : vector<16xi1>, vector<16xf32>
      %get3A_2528 = arith.constant 14 : i32
      %get3A_2529 = arith.constant 6 : i32
      %get3A_2530 = arith.index_cast %get3A_2528 : i32 to index
      %get3A_2531 = arith.index_cast %get3A_2529 : i32 to index
      %get3A_2532 = arith.constant 48 : index
      %get3A_2533 = tpu.vector_load %arg6[%get3A_2530, %get3A_2531, %get3A_2532] {strides = array<i32>} : memref<16x8x128xf32, #tpu.memory_space<vmem>>, vector<1x1x16xf32>,
      %get3A_2534 = vector.shape_cast %get3A_2533 : vector<1x1x16xf32> to vector<16xf32>
      %broadcast_in_dim3A_2535 = vector.shape_cast %and3A_8 : vector<16xi32> to vector<16x1xi32>
      %gather3A_2536 = vector.shape_cast %broadcast_in_dim3A_2535 : vector<16x1xi32> to vector<16xi32>
      %gather3A_2537 = tpu.dynamic_gather %get3A_2534[%gather3A_2536] in [0] : vector<16xf32>, vector<16xi32> -> vector<16xf32>
      %eq3A_2538 = arith.constant 14 : i32
      %eq3A_2539 = vector.broadcast %eq3A_2538 : i32 to vector<16xi32>
      %eq3A_2540 = arith.cmpi eq, %iota3A, %eq3A_2539 : vector<16xi32>
      %eq3A_2541 = arith.constant 3 : i32
      %eq3A_2542 = vector.broadcast %eq3A_2541 : i32 to vector<16xi32>
      %eq3A_2543 = arith.cmpi eq, %and3A_13, %eq3A_2542 : vector<16xi32>
      %and3A_2544 = arith.andi %eq3A_2540, %eq3A_2543 : vector<16xi1>
      %select_n3A_2545 = arith.select %and3A_2544, %gather3A_2537, %select_n3A_2527 : vector<16xi1>, vector<16xf32>
      %get3A_2546 = arith.constant 14 : i32
      %get3A_2547 = arith.constant 6 : i32
      %get3A_2548 = arith.index_cast %get3A_2546 : i32 to index
      %get3A_2549 = arith.index_cast %get3A_2547 : i32 to index
      %get3A_2550 = arith.constant 64 : index
      %get3A_2551 = tpu.vector_load %arg6[%get3A_2548, %get3A_2549, %get3A_2550] {strides = array<i32>} : memref<16x8x128xf32, #tpu.memory_space<vmem>>, vector<1x1x16xf32>,
      %get3A_2552 = vector.shape_cast %get3A_2551 : vector<1x1x16xf32> to vector<16xf32>
      %broadcast_in_dim3A_2553 = vector.shape_cast %and3A_8 : vector<16xi32> to vector<16x1xi32>
      %gather3A_2554 = vector.shape_cast %broadcast_in_dim3A_2553 : vector<16x1xi32> to vector<16xi32>
      %gather3A_2555 = tpu.dynamic_gather %get3A_2552[%gather3A_2554] in [0] : vector<16xf32>, vector<16xi32> -> vector<16xf32>
      %eq3A_2556 = arith.constant 14 : i32
      %eq3A_2557 = vector.broadcast %eq3A_2556 : i32 to vector<16xi32>
      %eq3A_2558 = arith.cmpi eq, %iota3A, %eq3A_2557 : vector<16xi32>
      %eq3A_2559 = arith.constant 4 : i32
      %eq3A_2560 = vector.broadcast %eq3A_2559 : i32 to vector<16xi32>
      %eq3A_2561 = arith.cmpi eq, %and3A_13, %eq3A_2560 : vector<16xi32>
      %and3A_2562 = arith.andi %eq3A_2558, %eq3A_2561 : vector<16xi1>
      %select_n3A_2563 = arith.select %and3A_2562, %gather3A_2555, %select_n3A_2545 : vector<16xi1>, vector<16xf32>
      %get3A_2564 = arith.constant 14 : i32
      %get3A_2565 = arith.constant 6 : i32
      %get3A_2566 = arith.index_cast %get3A_2564 : i32 to index
      %get3A_2567 = arith.index_cast %get3A_2565 : i32 to index
      %get3A_2568 = arith.constant 80 : index
      %get3A_2569 = tpu.vector_load %arg6[%get3A_2566, %get3A_2567, %get3A_2568] {strides = array<i32>} : memref<16x8x128xf32, #tpu.memory_space<vmem>>, vector<1x1x16xf32>,
      %get3A_2570 = vector.shape_cast %get3A_2569 : vector<1x1x16xf32> to vector<16xf32>
      %broadcast_in_dim3A_2571 = vector.shape_cast %and3A_8 : vector<16xi32> to vector<16x1xi32>
      %gather3A_2572 = vector.shape_cast %broadcast_in_dim3A_2571 : vector<16x1xi32> to vector<16xi32>
      %gather3A_2573 = tpu.dynamic_gather %get3A_2570[%gather3A_2572] in [0] : vector<16xf32>, vector<16xi32> -> vector<16xf32>
      %eq3A_2574 = arith.constant 14 : i32
      %eq3A_2575 = vector.broadcast %eq3A_2574 : i32 to vector<16xi32>
      %eq3A_2576 = arith.cmpi eq, %iota3A, %eq3A_2575 : vector<16xi32>
      %eq3A_2577 = arith.constant 5 : i32
      %eq3A_2578 = vector.broadcast %eq3A_2577 : i32 to vector<16xi32>
      %eq3A_2579 = arith.cmpi eq, %and3A_13, %eq3A_2578 : vector<16xi32>
      %and3A_2580 = arith.andi %eq3A_2576, %eq3A_2579 : vector<16xi1>
      %select_n3A_2581 = arith.select %and3A_2580, %gather3A_2573, %select_n3A_2563 : vector<16xi1>, vector<16xf32>
      %get3A_2582 = arith.constant 14 : i32
      %get3A_2583 = arith.constant 6 : i32
      %get3A_2584 = arith.index_cast %get3A_2582 : i32 to index
      %get3A_2585 = arith.index_cast %get3A_2583 : i32 to index
      %get3A_2586 = arith.constant 96 : index
      %get3A_2587 = tpu.vector_load %arg6[%get3A_2584, %get3A_2585, %get3A_2586] {strides = array<i32>} : memref<16x8x128xf32, #tpu.memory_space<vmem>>, vector<1x1x16xf32>,
      %get3A_2588 = vector.shape_cast %get3A_2587 : vector<1x1x16xf32> to vector<16xf32>
      %broadcast_in_dim3A_2589 = vector.shape_cast %and3A_8 : vector<16xi32> to vector<16x1xi32>
      %gather3A_2590 = vector.shape_cast %broadcast_in_dim3A_2589 : vector<16x1xi32> to vector<16xi32>
      %gather3A_2591 = tpu.dynamic_gather %get3A_2588[%gather3A_2590] in [0] : vector<16xf32>, vector<16xi32> -> vector<16xf32>
      %eq3A_2592 = arith.constant 14 : i32
      %eq3A_2593 = vector.broadcast %eq3A_2592 : i32 to vector<16xi32>
      %eq3A_2594 = arith.cmpi eq, %iota3A, %eq3A_2593 : vector<16xi32>
      %eq3A_2595 = arith.constant 6 : i32
      %eq3A_2596 = vector.broadcast %eq3A_2595 : i32 to vector<16xi32>
      %eq3A_2597 = arith.cmpi eq, %and3A_13, %eq3A_2596 : vector<16xi32>
      %and3A_2598 = arith.andi %eq3A_2594, %eq3A_2597 : vector<16xi1>
      %select_n3A_2599 = arith.select %and3A_2598, %gather3A_2591, %select_n3A_2581 : vector<16xi1>, vector<16xf32>
      %get3A_2600 = arith.constant 14 : i32
      %get3A_2601 = arith.constant 6 : i32
      %get3A_2602 = arith.index_cast %get3A_2600 : i32 to index
      %get3A_2603 = arith.index_cast %get3A_2601 : i32 to index
      %get3A_2604 = arith.constant 112 : index
      %get3A_2605 = tpu.vector_load %arg6[%get3A_2602, %get3A_2603, %get3A_2604] {strides = array<i32>} : memref<16x8x128xf32, #tpu.memory_space<vmem>>, vector<1x1x16xf32>,
      %get3A_2606 = vector.shape_cast %get3A_2605 : vector<1x1x16xf32> to vector<16xf32>
      %broadcast_in_dim3A_2607 = vector.shape_cast %and3A_8 : vector<16xi32> to vector<16x1xi32>
      %gather3A_2608 = vector.shape_cast %broadcast_in_dim3A_2607 : vector<16x1xi32> to vector<16xi32>
      %gather3A_2609 = tpu.dynamic_gather %get3A_2606[%gather3A_2608] in [0] : vector<16xf32>, vector<16xi32> -> vector<16xf32>
      %eq3A_2610 = arith.constant 14 : i32
      %eq3A_2611 = vector.broadcast %eq3A_2610 : i32 to vector<16xi32>
      %eq3A_2612 = arith.cmpi eq, %iota3A, %eq3A_2611 : vector<16xi32>
      %eq3A_2613 = arith.constant 7 : i32
      %eq3A_2614 = vector.broadcast %eq3A_2613 : i32 to vector<16xi32>
      %eq3A_2615 = arith.cmpi eq, %and3A_13, %eq3A_2614 : vector<16xi32>
      %and3A_2616 = arith.andi %eq3A_2612, %eq3A_2615 : vector<16xi1>
      %select_n3A_2617 = arith.select %and3A_2616, %gather3A_2609, %select_n3A_2599 : vector<16xi1>, vector<16xf32>
      %get3A_2618 = arith.constant 15 : i32
      %get3A_2619 = arith.constant 7 : i32
      %get3A_2620 = arith.index_cast %get3A_2618 : i32 to index
      %get3A_2621 = arith.index_cast %get3A_2619 : i32 to index
      %get3A_2622 = arith.constant 0 : index
      %get3A_2623 = tpu.vector_load %arg6[%get3A_2620, %get3A_2621, %get3A_2622] {strides = array<i32>} : memref<16x8x128xf32, #tpu.memory_space<vmem>>, vector<1x1x16xf32>,
      %get3A_2624 = vector.shape_cast %get3A_2623 : vector<1x1x16xf32> to vector<16xf32>
      %broadcast_in_dim3A_2625 = vector.shape_cast %and3A_8 : vector<16xi32> to vector<16x1xi32>
      %gather3A_2626 = vector.shape_cast %broadcast_in_dim3A_2625 : vector<16x1xi32> to vector<16xi32>
      %gather3A_2627 = tpu.dynamic_gather %get3A_2624[%gather3A_2626] in [0] : vector<16xf32>, vector<16xi32> -> vector<16xf32>
      %eq3A_2628 = arith.constant 15 : i32
      %eq3A_2629 = vector.broadcast %eq3A_2628 : i32 to vector<16xi32>
      %eq3A_2630 = arith.cmpi eq, %iota3A, %eq3A_2629 : vector<16xi32>
      %eq3A_2631 = arith.constant 0 : i32
      %eq3A_2632 = vector.broadcast %eq3A_2631 : i32 to vector<16xi32>
      %eq3A_2633 = arith.cmpi eq, %and3A_13, %eq3A_2632 : vector<16xi32>
      %and3A_2634 = arith.andi %eq3A_2630, %eq3A_2633 : vector<16xi1>
      %select_n3A_2635 = arith.select %and3A_2634, %gather3A_2627, %select_n3A_2617 : vector<16xi1>, vector<16xf32>
      %get3A_2636 = arith.constant 15 : i32
      %get3A_2637 = arith.constant 7 : i32
      %get3A_2638 = arith.index_cast %get3A_2636 : i32 to index
      %get3A_2639 = arith.index_cast %get3A_2637 : i32 to index
      %get3A_2640 = arith.constant 16 : index
      %get3A_2641 = tpu.vector_load %arg6[%get3A_2638, %get3A_2639, %get3A_2640] {strides = array<i32>} : memref<16x8x128xf32, #tpu.memory_space<vmem>>, vector<1x1x16xf32>,
      %get3A_2642 = vector.shape_cast %get3A_2641 : vector<1x1x16xf32> to vector<16xf32>
      %broadcast_in_dim3A_2643 = vector.shape_cast %and3A_8 : vector<16xi32> to vector<16x1xi32>
      %gather3A_2644 = vector.shape_cast %broadcast_in_dim3A_2643 : vector<16x1xi32> to vector<16xi32>
      %gather3A_2645 = tpu.dynamic_gather %get3A_2642[%gather3A_2644] in [0] : vector<16xf32>, vector<16xi32> -> vector<16xf32>
      %eq3A_2646 = arith.constant 15 : i32
      %eq3A_2647 = vector.broadcast %eq3A_2646 : i32 to vector<16xi32>
      %eq3A_2648 = arith.cmpi eq, %iota3A, %eq3A_2647 : vector<16xi32>
      %eq3A_2649 = arith.constant 1 : i32
      %eq3A_2650 = vector.broadcast %eq3A_2649 : i32 to vector<16xi32>
      %eq3A_2651 = arith.cmpi eq, %and3A_13, %eq3A_2650 : vector<16xi32>
      %and3A_2652 = arith.andi %eq3A_2648, %eq3A_2651 : vector<16xi1>
      %select_n3A_2653 = arith.select %and3A_2652, %gather3A_2645, %select_n3A_2635 : vector<16xi1>, vector<16xf32>
      %get3A_2654 = arith.constant 15 : i32
      %get3A_2655 = arith.constant 7 : i32
      %get3A_2656 = arith.index_cast %get3A_2654 : i32 to index
      %get3A_2657 = arith.index_cast %get3A_2655 : i32 to index
      %get3A_2658 = arith.constant 32 : index
      %get3A_2659 = tpu.vector_load %arg6[%get3A_2656, %get3A_2657, %get3A_2658] {strides = array<i32>} : memref<16x8x128xf32, #tpu.memory_space<vmem>>, vector<1x1x16xf32>,
      %get3A_2660 = vector.shape_cast %get3A_2659 : vector<1x1x16xf32> to vector<16xf32>
      %broadcast_in_dim3A_2661 = vector.shape_cast %and3A_8 : vector<16xi32> to vector<16x1xi32>
      %gather3A_2662 = vector.shape_cast %broadcast_in_dim3A_2661 : vector<16x1xi32> to vector<16xi32>
      %gather3A_2663 = tpu.dynamic_gather %get3A_2660[%gather3A_2662] in [0] : vector<16xf32>, vector<16xi32> -> vector<16xf32>
      %eq3A_2664 = arith.constant 15 : i32
      %eq3A_2665 = vector.broadcast %eq3A_2664 : i32 to vector<16xi32>
      %eq3A_2666 = arith.cmpi eq, %iota3A, %eq3A_2665 : vector<16xi32>
      %eq3A_2667 = arith.constant 2 : i32
      %eq3A_2668 = vector.broadcast %eq3A_2667 : i32 to vector<16xi32>
      %eq3A_2669 = arith.cmpi eq, %and3A_13, %eq3A_2668 : vector<16xi32>
      %and3A_2670 = arith.andi %eq3A_2666, %eq3A_2669 : vector<16xi1>
      %select_n3A_2671 = arith.select %and3A_2670, %gather3A_2663, %select_n3A_2653 : vector<16xi1>, vector<16xf32>
      %get3A_2672 = arith.constant 15 : i32
      %get3A_2673 = arith.constant 7 : i32
      %get3A_2674 = arith.index_cast %get3A_2672 : i32 to index
      %get3A_2675 = arith.index_cast %get3A_2673 : i32 to index
      %get3A_2676 = arith.constant 48 : index
      %get3A_2677 = tpu.vector_load %arg6[%get3A_2674, %get3A_2675, %get3A_2676] {strides = array<i32>} : memref<16x8x128xf32, #tpu.memory_space<vmem>>, vector<1x1x16xf32>,
      %get3A_2678 = vector.shape_cast %get3A_2677 : vector<1x1x16xf32> to vector<16xf32>
      %broadcast_in_dim3A_2679 = vector.shape_cast %and3A_8 : vector<16xi32> to vector<16x1xi32>
      %gather3A_2680 = vector.shape_cast %broadcast_in_dim3A_2679 : vector<16x1xi32> to vector<16xi32>
      %gather3A_2681 = tpu.dynamic_gather %get3A_2678[%gather3A_2680] in [0] : vector<16xf32>, vector<16xi32> -> vector<16xf32>
      %eq3A_2682 = arith.constant 15 : i32
      %eq3A_2683 = vector.broadcast %eq3A_2682 : i32 to vector<16xi32>
      %eq3A_2684 = arith.cmpi eq, %iota3A, %eq3A_2683 : vector<16xi32>
      %eq3A_2685 = arith.constant 3 : i32
      %eq3A_2686 = vector.broadcast %eq3A_2685 : i32 to vector<16xi32>
      %eq3A_2687 = arith.cmpi eq, %and3A_13, %eq3A_2686 : vector<16xi32>
      %and3A_2688 = arith.andi %eq3A_2684, %eq3A_2687 : vector<16xi1>
      %select_n3A_2689 = arith.select %and3A_2688, %gather3A_2681, %select_n3A_2671 : vector<16xi1>, vector<16xf32>
      %get3A_2690 = arith.constant 15 : i32
      %get3A_2691 = arith.constant 7 : i32
      %get3A_2692 = arith.index_cast %get3A_2690 : i32 to index
      %get3A_2693 = arith.index_cast %get3A_2691 : i32 to index
      %get3A_2694 = arith.constant 64 : index
      %get3A_2695 = tpu.vector_load %arg6[%get3A_2692, %get3A_2693, %get3A_2694] {strides = array<i32>} : memref<16x8x128xf32, #tpu.memory_space<vmem>>, vector<1x1x16xf32>,
      %get3A_2696 = vector.shape_cast %get3A_2695 : vector<1x1x16xf32> to vector<16xf32>
      %broadcast_in_dim3A_2697 = vector.shape_cast %and3A_8 : vector<16xi32> to vector<16x1xi32>
      %gather3A_2698 = vector.shape_cast %broadcast_in_dim3A_2697 : vector<16x1xi32> to vector<16xi32>
      %gather3A_2699 = tpu.dynamic_gather %get3A_2696[%gather3A_2698] in [0] : vector<16xf32>, vector<16xi32> -> vector<16xf32>
      %eq3A_2700 = arith.constant 15 : i32
      %eq3A_2701 = vector.broadcast %eq3A_2700 : i32 to vector<16xi32>
      %eq3A_2702 = arith.cmpi eq, %iota3A, %eq3A_2701 : vector<16xi32>
      %eq3A_2703 = arith.constant 4 : i32
      %eq3A_2704 = vector.broadcast %eq3A_2703 : i32 to vector<16xi32>
      %eq3A_2705 = arith.cmpi eq, %and3A_13, %eq3A_2704 : vector<16xi32>
      %and3A_2706 = arith.andi %eq3A_2702, %eq3A_2705 : vector<16xi1>
      %select_n3A_2707 = arith.select %and3A_2706, %gather3A_2699, %select_n3A_2689 : vector<16xi1>, vector<16xf32>
      %get3A_2708 = arith.constant 15 : i32
      %get3A_2709 = arith.constant 7 : i32
      %get3A_2710 = arith.index_cast %get3A_2708 : i32 to index
      %get3A_2711 = arith.index_cast %get3A_2709 : i32 to index
      %get3A_2712 = arith.constant 80 : index
      %get3A_2713 = tpu.vector_load %arg6[%get3A_2710, %get3A_2711, %get3A_2712] {strides = array<i32>} : memref<16x8x128xf32, #tpu.memory_space<vmem>>, vector<1x1x16xf32>,
      %get3A_2714 = vector.shape_cast %get3A_2713 : vector<1x1x16xf32> to vector<16xf32>
      %broadcast_in_dim3A_2715 = vector.shape_cast %and3A_8 : vector<16xi32> to vector<16x1xi32>
      %gather3A_2716 = vector.shape_cast %broadcast_in_dim3A_2715 : vector<16x1xi32> to vector<16xi32>
      %gather3A_2717 = tpu.dynamic_gather %get3A_2714[%gather3A_2716] in [0] : vector<16xf32>, vector<16xi32> -> vector<16xf32>
      %eq3A_2718 = arith.constant 15 : i32
      %eq3A_2719 = vector.broadcast %eq3A_2718 : i32 to vector<16xi32>
      %eq3A_2720 = arith.cmpi eq, %iota3A, %eq3A_2719 : vector<16xi32>
      %eq3A_2721 = arith.constant 5 : i32
      %eq3A_2722 = vector.broadcast %eq3A_2721 : i32 to vector<16xi32>
      %eq3A_2723 = arith.cmpi eq, %and3A_13, %eq3A_2722 : vector<16xi32>
      %and3A_2724 = arith.andi %eq3A_2720, %eq3A_2723 : vector<16xi1>
      %select_n3A_2725 = arith.select %and3A_2724, %gather3A_2717, %select_n3A_2707 : vector<16xi1>, vector<16xf32>
      %get3A_2726 = arith.constant 15 : i32
      %get3A_2727 = arith.constant 7 : i32
      %get3A_2728 = arith.index_cast %get3A_2726 : i32 to index
      %get3A_2729 = arith.index_cast %get3A_2727 : i32 to index
      %get3A_2730 = arith.constant 96 : index
      %get3A_2731 = tpu.vector_load %arg6[%get3A_2728, %get3A_2729, %get3A_2730] {strides = array<i32>} : memref<16x8x128xf32, #tpu.memory_space<vmem>>, vector<1x1x16xf32>,
      %get3A_2732 = vector.shape_cast %get3A_2731 : vector<1x1x16xf32> to vector<16xf32>
      %broadcast_in_dim3A_2733 = vector.shape_cast %and3A_8 : vector<16xi32> to vector<16x1xi32>
      %gather3A_2734 = vector.shape_cast %broadcast_in_dim3A_2733 : vector<16x1xi32> to vector<16xi32>
      %gather3A_2735 = tpu.dynamic_gather %get3A_2732[%gather3A_2734] in [0] : vector<16xf32>, vector<16xi32> -> vector<16xf32>
      %eq3A_2736 = arith.constant 15 : i32
      %eq3A_2737 = vector.broadcast %eq3A_2736 : i32 to vector<16xi32>
      %eq3A_2738 = arith.cmpi eq, %iota3A, %eq3A_2737 : vector<16xi32>
      %eq3A_2739 = arith.constant 6 : i32
      %eq3A_2740 = vector.broadcast %eq3A_2739 : i32 to vector<16xi32>
      %eq3A_2741 = arith.cmpi eq, %and3A_13, %eq3A_2740 : vector<16xi32>
      %and3A_2742 = arith.andi %eq3A_2738, %eq3A_2741 : vector<16xi1>
      %select_n3A_2743 = arith.select %and3A_2742, %gather3A_2735, %select_n3A_2725 : vector<16xi1>, vector<16xf32>
      %get3A_2744 = arith.constant 15 : i32
      %get3A_2745 = arith.constant 7 : i32
      %get3A_2746 = arith.index_cast %get3A_2744 : i32 to index
      %get3A_2747 = arith.index_cast %get3A_2745 : i32 to index
      %get3A_2748 = arith.constant 112 : index
      %get3A_2749 = tpu.vector_load %arg6[%get3A_2746, %get3A_2747, %get3A_2748] {strides = array<i32>} : memref<16x8x128xf32, #tpu.memory_space<vmem>>, vector<1x1x16xf32>,
      %get3A_2750 = vector.shape_cast %get3A_2749 : vector<1x1x16xf32> to vector<16xf32>
      %broadcast_in_dim3A_2751 = vector.shape_cast %and3A_8 : vector<16xi32> to vector<16x1xi32>
      %gather3A_2752 = vector.shape_cast %broadcast_in_dim3A_2751 : vector<16x1xi32> to vector<16xi32>
      %gather3A_2753 = tpu.dynamic_gather %get3A_2750[%gather3A_2752] in [0] : vector<16xf32>, vector<16xi32> -> vector<16xf32>
      %eq3A_2754 = arith.constant 15 : i32
      %eq3A_2755 = vector.broadcast %eq3A_2754 : i32 to vector<16xi32>
      %eq3A_2756 = arith.cmpi eq, %iota3A, %eq3A_2755 : vector<16xi32>
      %eq3A_2757 = arith.constant 7 : i32
      %eq3A_2758 = vector.broadcast %eq3A_2757 : i32 to vector<16xi32>
      %eq3A_2759 = arith.cmpi eq, %and3A_13, %eq3A_2758 : vector<16xi32>
      %and3A_2760 = arith.andi %eq3A_2756, %eq3A_2759 : vector<16xi1>
      %select_n3A_2761 = arith.select %and3A_2760, %gather3A_2753, %select_n3A_2743 : vector<16xi1>, vector<16xf32>
      %swap3A = arith.constant 0 : index
      %swap3A_2762 = tpu.vector_load %arg7[%swap3A] {strides = array<i32>} : memref<16xf32, #tpu.memory_space<vmem>>, vector<16xf32>,
      %swap3A_2763 = vector.shape_cast %swap3A_2762 : vector<16xf32> to vector<16xf32>
      %swap3A_2764 = vector.shape_cast %select_n3A_2761 : vector<16xf32> to vector<16xf32>
      tpu.vector_store %arg7[%swap3A], %swap3A_2764 {strides = array<i32>} : memref<16xf32, #tpu.memory_space<vmem>>, vector<16xf32>,
      "tpu.region"() ({
        %run_scoped3A = tpu.sem_alloc : memref<!tpu.dma_semaphore, #tpu.memory_space<semaphore_mem>>
        %dma_start3A_2765 = tpu.memref_slice %arg4[%mul3A_4] : memref<128xf32, #tpu.memory_space<hbm>> -> memref<16xf32, #tpu.memory_space<hbm>>
        %dma_start3A_2766 = tpu.memref_slice %arg4[%mul3A_4] : memref<128xf32, #tpu.memory_space<hbm>> -> memref<16xf32, #tpu.memory_space<hbm>>
        tpu.enqueue_dma source(%arg7 : memref<16xf32, #tpu.memory_space<vmem>>) target(%dma_start3A_2766 : memref<16xf32, #tpu.memory_space<hbm>>) target_semaphore(%run_scoped3A : memref<!tpu.dma_semaphore, #tpu.memory_space<semaphore_mem>>)
        %dma_wait3A_2767 = tpu.memref_slice %arg4[%mul3A_4] : memref<128xf32, #tpu.memory_space<hbm>> -> memref<16xf32, #tpu.memory_space<hbm>>
        %dma_wait3A_2768 = tpu.memref_slice %arg4[%mul3A_4] : memref<128xf32, #tpu.memory_space<hbm>> -> memref<16xf32, #tpu.memory_space<hbm>>
        tpu.wait_dma2 semaphore(%run_scoped3A : memref<!tpu.dma_semaphore, #tpu.memory_space<semaphore_mem>>) src(%arg7 : memref<16xf32, #tpu.memory_space<vmem>>) dst(%dma_wait3A_2768 : memref<16xf32, #tpu.memory_space<hbm>>)
        tpu.yield
      }) : () -> ()
    } else {
    }
    return
  }
}

module attributes {stable_mosaic.version = 14 : i64} {
  func.func @_tc_body(%arg0: i32, %arg1: memref<128x16384xf32, #tpu.memory_space<vmem>>, %arg2: memref<128x1xf32, #tpu.memory_space<vmem>>, %arg3: memref<128x1xi32, #tpu.memory_space<vmem>>, %arg4: memref<128x1xf32, #tpu.memory_space<vmem>>, %arg5: memref<128x1xf32, #tpu.memory_space<vmem>>, %arg6: memref<128x1xi32, #tpu.memory_space<vmem>>) attributes {dimension_semantics = [#tpu.dimension_semantics<arbitrary>], iteration_bounds = array<i64: 7>, scalar_prefetch = 0 : i64, scratch_operands = 3 : i64, tpu.core_type = #tpu.core_type<tc>, window_params = [{transform_indices = @transform_0, window_bounds = array<i64: 128, 16384>}, {pipeline_mode = #tpu.pipeline_mode<synchronous>, transform_indices = @transform_1, window_bounds = array<i64: 128, 1>}, {pipeline_mode = #tpu.pipeline_mode<synchronous>, transform_indices = @transform_2, window_bounds = array<i64: 128, 1>}]} {
    %eq3A = arith.constant 0 : i32
    %eq3A_0 = arith.cmpi eq, %arg0, %eq3A : i32
    %convert_element_type3A = arith.extui %eq3A_0 : i1 to i32
    %cond3A = arith.constant 0 : i32
    %cond3A_1 = arith.cmpi ne, %convert_element_type3A, %cond3A : i32
    scf.if %cond3A_1 {
      %broadcast_in_dim3A = arith.constant 0xFF800000 : f32
      %broadcast_in_dim3A_11 = vector.broadcast %broadcast_in_dim3A : f32 to vector<128x1xf32>
      %swap3A = arith.constant 0 : index
      %swap3A_12 = arith.constant 0 : index
      %swap3A_13 = vector.load %arg4[%swap3A, %swap3A_12] : memref<128x1xf32, #tpu.memory_space<vmem>>, vector<128x1xf32>
      tpu.vector_store %arg4[%swap3A, %swap3A_12], %broadcast_in_dim3A_11 {strides = array<i32>} : memref<128x1xf32, #tpu.memory_space<vmem>>, vector<128x1xf32>,
      %broadcast_in_dim3A_14 = arith.constant 0.000000e+00 : f32
      %broadcast_in_dim3A_15 = vector.broadcast %broadcast_in_dim3A_14 : f32 to vector<128x1xf32>
      %swap3A_16 = arith.constant 0 : index
      %swap3A_17 = arith.constant 0 : index
      %swap3A_18 = vector.load %arg5[%swap3A_16, %swap3A_17] : memref<128x1xf32, #tpu.memory_space<vmem>>, vector<128x1xf32>
      tpu.vector_store %arg5[%swap3A_16, %swap3A_17], %broadcast_in_dim3A_15 {strides = array<i32>} : memref<128x1xf32, #tpu.memory_space<vmem>>, vector<128x1xf32>,
      %broadcast_in_dim3A_19 = arith.constant 0 : i32
      %broadcast_in_dim3A_20 = vector.broadcast %broadcast_in_dim3A_19 : i32 to vector<128x1xi32>
      %swap3A_21 = arith.constant 0 : index
      %swap3A_22 = arith.constant 0 : index
      %swap3A_23 = vector.load %arg6[%swap3A_21, %swap3A_22] : memref<128x1xi32, #tpu.memory_space<vmem>>, vector<128x1xi32>
      tpu.vector_store %arg6[%swap3A_21, %swap3A_22], %broadcast_in_dim3A_20 {strides = array<i32>} : memref<128x1xi32, #tpu.memory_space<vmem>>, vector<128x1xi32>,
    } else {
    }
    %lt3A = arith.constant 6 : i32
    %lt3A_2 = arith.cmpi slt, %arg0, %lt3A : i32
    %convert_element_type3A_3 = arith.extui %lt3A_2 : i1 to i32
    %cond3A_4 = arith.constant 0 : i32
    %cond3A_5 = arith.cmpi ne, %convert_element_type3A_3, %cond3A_4 : i32
    scf.if %cond3A_5 {
      %get3A = arith.constant 0 : index
      %get3A_11 = arith.constant 0 : index
      %get3A_12 = vector.load %arg1[%get3A, %get3A_11] : memref<128x16384xf32, #tpu.memory_space<vmem>>, vector<128x16384xf32>
      %iota3A = tpu.iota {dimensions = array<i32: 1>} : vector<128x16384xi32>
      %convert_element_type3A_13 = arith.sitofp %iota3A : vector<128x16384xi32> to vector<128x16384xf32>
      %reduce_max3A = arith.constant dense<0xFF800000> : vector<128xf32>
      %reduce_max3A_14 = vector.multi_reduction <maximumf>, %get3A_12, %reduce_max3A [1] : vector<128x16384xf32> to vector<128xf32>
      %broadcast_in_dim3A = vector.shape_cast %reduce_max3A_14 : vector<128xf32> to vector<128x1xf32>
      %eq3A_15 = vector.broadcast %broadcast_in_dim3A : vector<128x1xf32> to vector<128x16384xf32>
      %eq3A_16 = arith.cmpf oeq, %get3A_12, %eq3A_15 : vector<128x16384xf32>
      %jit3A = arith.constant 1.638400e+04 : f32
      %broadcast_in_dim3A_17 = vector.broadcast %jit3A : f32 to vector<128x16384xf32>
      %select_n3A = arith.select %eq3A_16, %convert_element_type3A_13, %broadcast_in_dim3A_17 : vector<128x16384xi1>, vector<128x16384xf32>
      %reduce_min3A = arith.constant dense<0x7F800000> : vector<128xf32>
      %reduce_min3A_18 = vector.multi_reduction <minimumf>, %select_n3A, %reduce_min3A [1] : vector<128x16384xf32> to vector<128xf32>
      %broadcast_in_dim3A_19 = vector.shape_cast %reduce_min3A_18 : vector<128xf32> to vector<128x1xf32>
      %convert_element_type3A_20 = arith.fptosi %broadcast_in_dim3A_19 : vector<128x1xf32> to vector<128x1xi32>
      %mul3A = arith.constant 16384 : i32
      %mul3A_21 = arith.muli %arg0, %mul3A : i32
      %add3A = vector.broadcast %mul3A_21 : i32 to vector<128x1xi32>
      %add3A_22 = arith.addi %convert_element_type3A_20, %add3A : vector<128x1xi32>
      %get3A_23 = arith.constant 0 : index
      %get3A_24 = arith.constant 0 : index
      %get3A_25 = vector.load %arg4[%get3A_23, %get3A_24] : memref<128x1xf32, #tpu.memory_space<vmem>>, vector<128x1xf32>
      %mul3A_26 = arith.constant 1.44269502 : f32
      %mul3A_27 = vector.broadcast %mul3A_26 : f32 to vector<128x16384xf32>
      %mul3A_28 = arith.mulf %get3A_12, %mul3A_27 : vector<128x16384xf32>
      %exp23A = math.exp2 %mul3A_28 : vector<128x16384xf32>
      %reduce_sum3A = arith.constant dense<0.000000e+00> : vector<128xf32>
      %reduce_sum3A_29 = vector.multi_reduction <add>, %exp23A, %reduce_sum3A [1] : vector<128x16384xf32> to vector<128xf32>
      %broadcast_in_dim3A_30 = vector.shape_cast %reduce_sum3A_29 : vector<128xf32> to vector<128x1xf32>
      %get3A_31 = arith.constant 0 : index
      %get3A_32 = arith.constant 0 : index
      %get3A_33 = vector.load %arg5[%get3A_31, %get3A_32] : memref<128x1xf32, #tpu.memory_space<vmem>>, vector<128x1xf32>
      %add3A_34 = arith.addf %get3A_33, %broadcast_in_dim3A_30 : vector<128x1xf32>
      %swap3A = arith.constant 0 : index
      %swap3A_35 = arith.constant 0 : index
      %swap3A_36 = vector.load %arg5[%swap3A, %swap3A_35] : memref<128x1xf32, #tpu.memory_space<vmem>>, vector<128x1xf32>
      tpu.vector_store %arg5[%swap3A, %swap3A_35], %add3A_34 {strides = array<i32>} : memref<128x1xf32, #tpu.memory_space<vmem>>, vector<128x1xf32>,
      %gt3A = arith.cmpf ogt, %broadcast_in_dim3A, %get3A_25 : vector<128x1xf32>
      %get3A_37 = arith.constant 0 : index
      %get3A_38 = arith.constant 0 : index
      %get3A_39 = vector.load %arg6[%get3A_37, %get3A_38] : memref<128x1xi32, #tpu.memory_space<vmem>>, vector<128x1xi32>
      %select_n3A_40 = arith.select %gt3A, %add3A_22, %get3A_39 : vector<128x1xi1>, vector<128x1xi32>
      %swap3A_41 = arith.constant 0 : index
      %swap3A_42 = arith.constant 0 : index
      %swap3A_43 = vector.load %arg6[%swap3A_41, %swap3A_42] : memref<128x1xi32, #tpu.memory_space<vmem>>, vector<128x1xi32>
      tpu.vector_store %arg6[%swap3A_41, %swap3A_42], %select_n3A_40 {strides = array<i32>} : memref<128x1xi32, #tpu.memory_space<vmem>>, vector<128x1xi32>,
      %max3A = arith.maximumf %get3A_25, %broadcast_in_dim3A : vector<128x1xf32>
      %swap3A_44 = arith.constant 0 : index
      %swap3A_45 = arith.constant 0 : index
      %swap3A_46 = vector.load %arg4[%swap3A_44, %swap3A_45] : memref<128x1xf32, #tpu.memory_space<vmem>>, vector<128x1xf32>
      tpu.vector_store %arg4[%swap3A_44, %swap3A_45], %max3A {strides = array<i32>} : memref<128x1xf32, #tpu.memory_space<vmem>>, vector<128x1xf32>,
    } else {
    }
    %eq3A_6 = arith.constant 6 : i32
    %eq3A_7 = arith.cmpi eq, %arg0, %eq3A_6 : i32
    %convert_element_type3A_8 = arith.extui %eq3A_7 : i1 to i32
    %cond3A_9 = arith.constant 0 : i32
    %cond3A_10 = arith.cmpi ne, %convert_element_type3A_8, %cond3A_9 : i32
    scf.if %cond3A_10 {
      %get3A = arith.constant 0 : index
      %get3A_11 = arith.constant 0 : index
      %get3A_12 = vector.load %arg1[%get3A, %get3A_11] : memref<128x16384xf32, #tpu.memory_space<vmem>>, vector<128x16384xf32>
      %iota3A = tpu.iota {dimensions = array<i32: 1>} : vector<128x16384xi32>
      %mul3A = arith.constant 16384 : i32
      %mul3A_13 = arith.muli %arg0, %mul3A : i32
      %add3A = vector.broadcast %mul3A_13 : i32 to vector<128x16384xi32>
      %add3A_14 = arith.addi %iota3A, %add3A : vector<128x16384xi32>
      %lt3A_15 = arith.constant 100000 : i32
      %lt3A_16 = vector.broadcast %lt3A_15 : i32 to vector<128x16384xi32>
      %lt3A_17 = arith.cmpi slt, %add3A_14, %lt3A_16 : vector<128x16384xi32>
      %jit3A = arith.constant 0xFF800000 : f32
      %broadcast_in_dim3A = vector.broadcast %jit3A : f32 to vector<128x16384xf32>
      %select_n3A = arith.select %lt3A_17, %get3A_12, %broadcast_in_dim3A : vector<128x16384xi1>, vector<128x16384xf32>
      %iota3A_18 = tpu.iota {dimensions = array<i32: 1>} : vector<128x16384xi32>
      %convert_element_type3A_19 = arith.sitofp %iota3A_18 : vector<128x16384xi32> to vector<128x16384xf32>
      %reduce_max3A = arith.constant dense<0xFF800000> : vector<128xf32>
      %reduce_max3A_20 = vector.multi_reduction <maximumf>, %select_n3A, %reduce_max3A [1] : vector<128x16384xf32> to vector<128xf32>
      %broadcast_in_dim3A_21 = vector.shape_cast %reduce_max3A_20 : vector<128xf32> to vector<128x1xf32>
      %eq3A_22 = vector.broadcast %broadcast_in_dim3A_21 : vector<128x1xf32> to vector<128x16384xf32>
      %eq3A_23 = arith.cmpf oeq, %select_n3A, %eq3A_22 : vector<128x16384xf32>
      %jit3A_24 = arith.constant 1.638400e+04 : f32
      %broadcast_in_dim3A_25 = vector.broadcast %jit3A_24 : f32 to vector<128x16384xf32>
      %select_n3A_26 = arith.select %eq3A_23, %convert_element_type3A_19, %broadcast_in_dim3A_25 : vector<128x16384xi1>, vector<128x16384xf32>
      %reduce_min3A = arith.constant dense<0x7F800000> : vector<128xf32>
      %reduce_min3A_27 = vector.multi_reduction <minimumf>, %select_n3A_26, %reduce_min3A [1] : vector<128x16384xf32> to vector<128xf32>
      %broadcast_in_dim3A_28 = vector.shape_cast %reduce_min3A_27 : vector<128xf32> to vector<128x1xf32>
      %convert_element_type3A_29 = arith.fptosi %broadcast_in_dim3A_28 : vector<128x1xf32> to vector<128x1xi32>
      %mul3A_30 = arith.constant 16384 : i32
      %mul3A_31 = arith.muli %arg0, %mul3A_30 : i32
      %add3A_32 = vector.broadcast %mul3A_31 : i32 to vector<128x1xi32>
      %add3A_33 = arith.addi %convert_element_type3A_29, %add3A_32 : vector<128x1xi32>
      %get3A_34 = arith.constant 0 : index
      %get3A_35 = arith.constant 0 : index
      %get3A_36 = vector.load %arg4[%get3A_34, %get3A_35] : memref<128x1xf32, #tpu.memory_space<vmem>>, vector<128x1xf32>
      %mul3A_37 = arith.constant 1.44269502 : f32
      %mul3A_38 = vector.broadcast %mul3A_37 : f32 to vector<128x16384xf32>
      %mul3A_39 = arith.mulf %select_n3A, %mul3A_38 : vector<128x16384xf32>
      %exp23A = math.exp2 %mul3A_39 : vector<128x16384xf32>
      %reduce_sum3A = arith.constant dense<0.000000e+00> : vector<128xf32>
      %reduce_sum3A_40 = vector.multi_reduction <add>, %exp23A, %reduce_sum3A [1] : vector<128x16384xf32> to vector<128xf32>
      %broadcast_in_dim3A_41 = vector.shape_cast %reduce_sum3A_40 : vector<128xf32> to vector<128x1xf32>
      %get3A_42 = arith.constant 0 : index
      %get3A_43 = arith.constant 0 : index
      %get3A_44 = vector.load %arg5[%get3A_42, %get3A_43] : memref<128x1xf32, #tpu.memory_space<vmem>>, vector<128x1xf32>
      %add3A_45 = arith.addf %get3A_44, %broadcast_in_dim3A_41 : vector<128x1xf32>
      %swap3A = arith.constant 0 : index
      %swap3A_46 = arith.constant 0 : index
      %swap3A_47 = vector.load %arg5[%swap3A, %swap3A_46] : memref<128x1xf32, #tpu.memory_space<vmem>>, vector<128x1xf32>
      tpu.vector_store %arg5[%swap3A, %swap3A_46], %add3A_45 {strides = array<i32>} : memref<128x1xf32, #tpu.memory_space<vmem>>, vector<128x1xf32>,
      %gt3A = arith.cmpf ogt, %broadcast_in_dim3A_21, %get3A_36 : vector<128x1xf32>
      %get3A_48 = arith.constant 0 : index
      %get3A_49 = arith.constant 0 : index
      %get3A_50 = vector.load %arg6[%get3A_48, %get3A_49] : memref<128x1xi32, #tpu.memory_space<vmem>>, vector<128x1xi32>
      %select_n3A_51 = arith.select %gt3A, %add3A_33, %get3A_50 : vector<128x1xi1>, vector<128x1xi32>
      %swap3A_52 = arith.constant 0 : index
      %swap3A_53 = arith.constant 0 : index
      %swap3A_54 = vector.load %arg6[%swap3A_52, %swap3A_53] : memref<128x1xi32, #tpu.memory_space<vmem>>, vector<128x1xi32>
      tpu.vector_store %arg6[%swap3A_52, %swap3A_53], %select_n3A_51 {strides = array<i32>} : memref<128x1xi32, #tpu.memory_space<vmem>>, vector<128x1xi32>,
      %max3A = arith.maximumf %get3A_36, %broadcast_in_dim3A_21 : vector<128x1xf32>
      %swap3A_55 = arith.constant 0 : index
      %swap3A_56 = arith.constant 0 : index
      %swap3A_57 = vector.load %arg4[%swap3A_55, %swap3A_56] : memref<128x1xf32, #tpu.memory_space<vmem>>, vector<128x1xf32>
      tpu.vector_store %arg4[%swap3A_55, %swap3A_56], %max3A {strides = array<i32>} : memref<128x1xf32, #tpu.memory_space<vmem>>, vector<128x1xf32>,
      %get3A_58 = arith.constant 0 : index
      %get3A_59 = arith.constant 0 : index
      %get3A_60 = vector.load %arg5[%get3A_58, %get3A_59] : memref<128x1xf32, #tpu.memory_space<vmem>>, vector<128x1xf32>
      %log3A = math.log %get3A_60 : vector<128x1xf32>
      %swap3A_61 = arith.constant 0 : index
      %swap3A_62 = arith.constant 0 : index
      %swap3A_63 = vector.load %arg2[%swap3A_61, %swap3A_62] : memref<128x1xf32, #tpu.memory_space<vmem>>, vector<128x1xf32>
      tpu.vector_store %arg2[%swap3A_61, %swap3A_62], %log3A {strides = array<i32>} : memref<128x1xf32, #tpu.memory_space<vmem>>, vector<128x1xf32>,
      %get3A_64 = arith.constant 0 : index
      %get3A_65 = arith.constant 0 : index
      %get3A_66 = vector.load %arg6[%get3A_64, %get3A_65] : memref<128x1xi32, #tpu.memory_space<vmem>>, vector<128x1xi32>
      %swap3A_67 = arith.constant 0 : index
      %swap3A_68 = arith.constant 0 : index
      %swap3A_69 = vector.load %arg3[%swap3A_67, %swap3A_68] : memref<128x1xi32, #tpu.memory_space<vmem>>, vector<128x1xi32>
      tpu.vector_store %arg3[%swap3A_67, %swap3A_68], %get3A_66 {strides = array<i32>} : memref<128x1xi32, #tpu.memory_space<vmem>>, vector<128x1xi32>,
    } else {
    }
    return
  }
  func.func @transform_0(%arg0: i32) -> (i32, i32) {
    %c0_i32 = arith.constant 0 : i32
    %c0_i32_0 = arith.constant 0 : i32
    return %c0_i32, %arg0 : i32, i32
  }
  func.func @transform_1(%arg0: i32) -> (i32, i32) {
    %c0_i32 = arith.constant 0 : i32
    %c0_i32_0 = arith.constant 0 : i32
    %c0_i32_1 = arith.constant 0 : i32
    return %c0_i32, %c0_i32_0 : i32, i32
  }
  func.func @transform_2(%arg0: i32) -> (i32, i32) {
    %c0_i32 = arith.constant 0 : i32
    %c0_i32_0 = arith.constant 0 : i32
    %c0_i32_1 = arith.constant 0 : i32
    return %c0_i32, %c0_i32_0 : i32, i32
  }
}

</mosaic_0001>

<sc_bundles>
// kernel: kernel.4.cloned.1.call-start
scs
__scs_entry_jumppad:
0x0: {  	(pc) =	sbr.rel $0x88, $3  }
0x1: {  	(tag) =	ssettag $0x0;
	lr =	simm.s32 $0x1  }
0x2: {  	[smem:$0x3F9F] =	sst lr;
	_ =	strace $0xD0000000  }
0x3: {  	_ = 	snop  }
0x4: {  	_ = 	snop  }
0x5: {  	_ = 	snop  }
0x6: {  	_ = 	snop  }
0x7: {  	_ = 	snop  }
__scs_overlays_trampoline_lowered:
0x8: {  	[smem:$0x3FAE] =	sst s0  }
0x9: {  	[smem:$0x3FAF] =	sst s1  }
0xa: {  	[smem:$0x3FB0] =	sst s2  }
0xb: {  	[smem:$0x3FB1] =	sst s3  }
0xc: {  	[smem:$0x3FB2] =	sst s4  }
0xd: {  	[smem:$0x3FB3] =	sst s5  }
0xe: {  	[smem:$0x3FB4] =	sst s6  }
0xf: {  	[smem:$0x3FB5] =	sst s7  }
0x10: {  	[smem:$0x3FB6] =	sst s8  }
0x11: {  	[smem:$0x3FB7] =	sst s9;
	s0 =	simm.s32 @!p0 $0x0  }
0x12: {  	s1 =	sld [smem:$0x3F9D];
	s0 =	simm.s32 @p0 $0x1  }
0x13: {  	[smem:$0x3FB8] =	sst s0;
	s0 =	simm.s32 @!p1 $0x0  }
0x14: {  	s2 =	sld [smem:$0x3F9C];
	s0 =	simm.s32 @p1 $0x1  }
0x15: {  	[smem:$0x3FB9] =	sst s0;
	s0 =	simm.s32 @!p2 $0x0  }
0x16: {  	s3 =	sld [smem:$0x3FDB];
	s0 =	simm.s32 @p2 $0x1  }
0x17: {  	s4 =	simm.s32 $0x1BF5;
	[smem:$0x3FBB] =	sst s0  }
0x18: {  	s0 =	sld [smem:$0x3F9E];
	_ =	swait.ge [sflag:s4], $0x0  }
0x19: {  	s7 =	sld [smem:$0x3F9F]  }
0x1a: {  	s8 =	sadd.s32 $0xFFFFE003, lr  }
0x1b: {  	s9 =	sadd.s32 $0xFFFFFEF7, lr;
	s5 =	simm.s32 $0xFFFFFFFF;
	p2 =	slt.u32 s8, $0xFFFFF086  }
0x1c: {  	p1 =	slt.u32 s9, $0xF7A;
	s5 =	simm.s32 @!p2 $0x0  }
0x1d: {  	s5 =	simm.s32 @p1 $0x1;
	p0 =	seq.s32 s7, s2  }
0x1e: {  	s7 =	smul.u32 @!p0 $0xF7A, s2;
	p2 =	seq.s32 @!p0 s5, $0x0  }
0x1f: {  	s9 =	smul.u32 $0xF7A, s1;
	s8 =	simm.s32 @!p0 $0x1BF5;
	p2 =	por !p2, p0  }
0x20: {  	[sflag:s8] =	ssyncset.s32 @!p0 $0xFFFFF086;
	s6 =	sadd.s32 @!p0 s3, s7;
	s7 =	simm.s32 @!p0 $0x108  }
0x21: {  	s3 =	sadd.s32 s3, s9;
	s6 =	sadd.s32 @!p0 $0x88, s6;
	s7 =	simm.s32 @p2 $0x1082  }
0x22: {  	[simem:s7], [sflag:s8] =	dma.local @!p0 [hbm:s6], $0xF7A  }
0x23: {  	s9 =	sor.u32 $0xD0000000, s2;
	s6 =	simm.s32 $0x108;
	_ =	swait.ge @!p0 [sflag:s8], $0x0  }
0x24: {  	s3 =	sadd.s32 $0x88, s3;
	s6 =	simm.s32 @!p1 $0x1082;
	[sflag:s4] =	ssyncset.s32 $0xFFFFF086  }
0x25: {  	[simem:s6], [sflag:s4] =	dma.local [hbm:s3], $0xF7A  }
0x26: {  	[smem:$0x3F9F] =	sst s1;
	(tag) =	ssettag s2;
	_ =	strace s9  }
0x27: {  	s1 =	sld [smem:$0x3FAF]  }
0x28: {  	s2 =	sld [smem:$0x3FB0]  }
0x29: {  	s4 =	sld [smem:$0x3FB2]  }
0x2a: {  	p0 =	seq.s32 s5, $0x0;
	s5 =	sld [smem:$0x3FB3]  }
0x2b: {  	s6 =	sld [smem:$0x3FB4]  }
0x2c: {  	s7 =	sld [smem:$0x3FB5]  }
0x2d: {  	s3 =	simm.s32 $0x108;
	s8 =	sld [smem:$0x3FB6]  }
0x2e: {  	s3 =	simm.s32 @!p0 $0x1082;
	s9 =	sld [smem:$0x3FB7]  }
0x2f: {  	lr =	sadd.s32 s0, s3;
	s0 =	sld [smem:$0x3FAE]  }
0x30: {  	s3 =	sld [smem:$0x3FB1]  }
0x31: {  	[smem:$0x3FBA] =	sst s10  }
0x32: {  	s10 =	sld [smem:$0x3FB8];
	_ =	sdelay $0x3  }
0x33: {  	p0 =	seq.s32 s10, $0x1;
	s10 =	sld [smem:$0x3FBA];
	_ =	sdelay $0x3  }
0x34: {  	[smem:$0x3FBA] =	sst s10  }
0x35: {  	s10 =	sld [smem:$0x3FB9];
	_ =	sdelay $0x3  }
0x36: {  	p1 =	seq.s32 s10, $0x1;
	s10 =	sld [smem:$0x3FBA];
	_ =	sdelay $0x3  }
0x37: {  	[smem:$0x3FBA] =	sst s10  }
0x38: {  	s10 =	sld [smem:$0x3FBB]  }
0x39: {  	_ = 	snop;
	(pc) =	sbr.ind lr, $3  }
0x3a: {  	_ = 	snop  }
0x3b: {  	_ = 	snop  }
0x3c: {  	p2 =	seq.s32 s10, $0x1;
	s10 =	sld [smem:$0x3FBA]  }
0x3d: {  	_ =	shalt  }
0x3e: {  	_ =	shalt  }
0x3f: {  	_ =	shalt  }
0x40: {  	_ =	shalt  }
0x41: {  	_ =	shalt  }
0x42: {  	_ =	shalt  }
0x43: {  	_ =	shalt  }
0x44: {  	_ =	shalt  }
0x45: {  	_ =	shalt  }
0x46: {  	_ =	shalt  }
0x47: {  	_ =	shalt  }
0x48: {  	_ =	shalt  }
0x49: {  	_ =	shalt  }
0x4a: {  	_ =	shalt  }
0x4b: {  	_ =	shalt  }
0x4c: {  	_ =	shalt  }
0x4d: {  	_ =	shalt  }
0x4e: {  	_ =	shalt  }
0x4f: {  	_ =	shalt  }
0x50: {  	_ =	shalt  }
0x51: {  	_ =	shalt  }
0x52: {  	_ =	shalt  }
0x53: {  	_ =	shalt  }
0x54: {  	_ =	shalt  }
0x55: {  	_ =	shalt  }
0x56: {  	_ =	shalt  }
0x57: {  	_ =	shalt  }
0x58: {  	_ =	shalt  }
0x59: {  	_ =	shalt  }
0x5a: {  	_ =	shalt  }
0x5b: {  	_ =	shalt  }
0x5c: {  	_ =	shalt  }
0x5d: {  	_ =	shalt  }
0x5e: {  	_ =	shalt  }
0x5f: {  	_ =	shalt  }
0x60: {  	_ =	shalt  }
0x61: {  	_ =	shalt  }
0x62: {  	_ =	shalt  }
0x63: {  	_ =	shalt  }
0x64: {  	_ =	shalt  }
0x65: {  	_ =	shalt  }
0x66: {  	_ =	shalt  }
0x67: {  	_ =	shalt  }
0x68: {  	_ =	shalt  }
0x69: {  	_ =	shalt  }
0x6a: {  	_ =	shalt  }
0x6b: {  	_ =	shalt  }
0x6c: {  	_ =	shalt  }
0x6d: {  	_ =	shalt  }
0x6e: {  	_ =	shalt  }
0x6f: {  	_ =	shalt  }
0x70: {  	_ =	shalt  }
0x71: {  	_ =	shalt  }
0x72: {  	_ =	shalt  }
0x73: {  	_ =	shalt  }
0x74: {  	_ =	shalt  }
0x75: {  	_ =	shalt  }
0x76: {  	_ =	shalt  }
0x77: {  	_ =	shalt  }
0x78: {  	_ =	shalt  }
0x79: {  	_ =	shalt  }
0x7a: {  	_ =	shalt  }
0x7b: {  	_ =	shalt  }
0x7c: {  	_ =	shalt  }
0x7d: {  	_ =	shalt  }
0x7e: {  	_ =	shalt  }
0x7f: {  	_ =	shalt  }
0x80: {  	_ =	shalt  }
0x81: {  	_ =	shalt  }
0x82: {  	_ =	shalt  }
0x83: {  	_ =	shalt  }
0x84: {  	_ =	shalt  }
0x85: {  	_ =	shalt  }
0x86: {  	_ =	shalt  }
0x87: {  	_ =	shalt  }
.Lfunc_end0:
.L_simem_size_0:
called_computation_lowered:
.L_overlay_start_0:
0x88: {  	s2 =	sld [smem:$0x3FD9]  }
0x89: {  	s3 =	sld [smem:$0x3FFE];
	_ =	sdelay $0x1  }
0x8a: {  	s1 =	srdreg.scid  }
0x8b: {  	s0 =	sand.u32 $0x1, s1  }
0x8c: {  	s14 =	sshll.u32 s0, $0xA;
	s2 =	sadd.s32 s3, s2  }
0x8d: {  	s2 =	sadd.s32 s2, s14  }
0x8e: {  	[smem:$0x3FC6] =	sst s2  }
0x8f: {  	_ = 	snop  }
0x90: {  	s2 =	sld [smem:$0x3FD0];
	_ =	sdelay $0x2  }
0x91: {  	s4 =	simm.s32 $0xA;
	s5 =	simm.s32 $0x10;
	s15 =	sld [smem:$0x3FC8]  }
0x92: {  	[smem:s5], [sflag:s4] =	dma.local [hbm:s2], $0x1  }
0x93: {  	_ =	swait.eq [sflag:s4], $0x1  }
0x94: {  	[sflag:s4] =	ssyncset.done $0x0  }
0x95: {  	[sflag:s4] =	ssyncadd.s32 $0xFFFFFFFF  }
0x96: {  	s16 =	sld [smem:$0x10];
	(tm) =	ssettm $0x1  }
0x97: {  	s17 =	sld [smem:$0x3FFB];
	_ =	sdelay $0x3  }
0x98: {  	_ =	strace s17  }
0x99: {  	s4 =	sld [smem:$0x3FFC];
	_ =	sdelay $0x3  }
0x9a: {  	_ =	strace s4  }
0x9b: {  	s4 =	sld [smem:$0x3FFD];
	_ =	sdelay $0x3  }
0x9c: {  	_ =	strace s4  }
0x9d: {  	_ =	strace $0x8FFFFFFF  }
0x9e: {  	s18 =	sld [smem:$0x3FDB];
	_ =	sdelay $0x1  }
0x9f: {  	s19 =	simm.s32 $_scs_section_size  }
0xa0: {  	s6 =	simm.s32 $_size__tile_overlayer_lowered;
	s7 =	simm.s32 $_tile_overlayer_lowered  }
0xa1: {  	s22 =	simm.s32 $0x1BFF;
	s21 =	sshll.u32 s7, $0x1;
	s4 =	sadd.s32 s19, s18  }
0xa2: {  	s8 =	simm.s32 $0x0;
	s20 =	sshll.u32 s6, $0x1;
	s6 =	sadd.s32 s21, s4  }
0xa3: {  	[timem:s8], [sflag:s22] =	dma.local [hbm:s6], s20  }
0xa4: {  	_ =	swait.ge [sflag:s22], s20  }
0xa5: {  	s5 =	ssub.s32 $0x0, s20;
	[sflag:s22] =	ssyncset.done $0x0  }
0xa6: {  	[sflag:s22] =	ssyncadd.s32 s5;
	_ =	sdelay $0x1  }
0xa7: {  	s23 =	simm.s32 $0x1B8B  }
0xa8: {  	_ =	swait.ge [sflag:s23], $0x1  }
0xa9: {  	[sflag:s23] =	ssyncset.done $0x0  }
0xaa: {  	s25 =	simm.s32 $0x1B8E;
	s24 =	sld [smem:$0x3FFE];
	[sflag:s23] =	ssyncadd.s32 $0xFFFFFFFF  }
0xab: {  	s26 =	simm.s32 $execute0_lowered;
	[smem:$0x3FD2] =	sst s25  }
0xac: {  	s6 =	sshll.u32 s26, $0x1;
	_ =	strace $0x80000046;
	[dreg:$0x1] =	wrdreg $0xFFFFFFFF  }
0xad: {  	s28 =	simm.s32 $_size_execute0_lowered;
	s4 =	sadd.s32 s4, s6;
	[dreg:$0x0] =	wrdreg $0x0  }
0xae: {  	s6 =	sshll.u32 s28, $0x1;
	[dreg:$0x2] =	wrdreg s4  }
0xaf: {  	[dreg:$0x3] =	wrdreg s6  }
0xb0: {  	[dreg:$0x4] =	wrdreg $0xC0  }
0xb1: {  	_ =	task [dreg:s8], $0x5FFFF  }
0xb2: {  	[dreg:$0x1] =	wrdreg $0xFFFFFFFF  }
0xb3: {  	[dreg:$0x0] =	wrdreg $0x60  }
0xb4: {  	[dreg:$0x2] =	wrdreg s24  }
0xb5: {  	[dreg:$0x3] =	wrdreg s15  }
0xb6: {  	[dreg:$0x4] =	wrdreg s16  }
0xb7: {  	[dreg:$0x5] =	wrdreg $0x9  }
0xb8: {  	_ =	task.clear_ibuf [dreg:s8], $0x6FFFF;
	_ =	strace $0x90000046  }
0xb9: {  	s29 =	simm.s32 $0x9;
	_ =	strace $0x80000048  }
0xba: {  	_ =	swait.ge [sflag:s29], $0x1  }
0xbb: {  	[sflag:s29] =	ssyncadd.s32 $0xFFFFFFFF  }
0xbc: {  	_ =	strace $0x90000048  }
0xbd: {  	_ =	sfence  }
0xbe: {  	s30 =	sld [smem:$0x0];
	_ =	sdelay $0x2  }
0xbf: {  	s31 =	sshll.u32 s1, $0xD;
	s1 =	sshrl.u32 s1, $0x2  }
0xc0: {  	s3 =	sand.u32 $0x4000, s31;
	s1 =	sadd.s32 s1, s30  }
0xc1: {  	s0 =	sor.u32 s3, s0;
	s1 =	sshll.u32 s1, $0x11  }
0xc2: {  	s0 =	sor.u32 s1, s0  }
0xc3: {  	s0 =	sadd.s32 $0x8F2B, s0  }
0xc4: {  	[sflag:s0] =	ssyncadd.remote.s32 $0x1  }
0xc5: {  	_ =	sfence.sel $0xFFFF  }
0xc6: {  	[dreg:$0x0] =	wrdreg $0xFFFFFFFF;
	(pc) =	sbr.abs _section_cstart, $3  }
0xc7: {  	[dreg:$0x1] =	wrdreg $0xFFFFFFFF  }
0xc8: {  	_ =	task.clear_ibuf [dreg:s8], $0x2FFFF;
	_ =	strace $0x9FFFFFFF  }
0xc9: {  	(tm) =	ssettm $0x7FFFFFFF  }
tec
execute0_lowered:
.L_overlay_start_1:
0x0: {  	(tag) =	ssettag $0x1  }
0x1: {  	s1 =	stileid.u32  }
0x2: {  	p0 =	sgt.u32 s1, $0x3  }
.Ltmp0:
0x3: {  	s3 =	rddreg [dreg:$0x0];
	(pc) =	sbr.rel @p0 .LBB2_4-.Ltmp0, $4  }
0x4: {  	s4 =	rddreg [dreg:$0x1]  }
0x5: {  	s5 =	rddreg [dreg:$0x2];
	s2 =	simm.s32 $0x0  }
0x6: {  	[smem:$0x7FF] =	sst s2  }
0x7: {  	s0 =	rddreg [dreg:$0x3];
	_ =	strace $0x80000047  }
0x8: {  	s31 =	simm.s32 $0x80  }
0x9: {  	s10 =	simm.s32 $0x1480;
	[dreg:$0x8] =	wrdreg s31  }
0xa: {  	s11 =	simm.s32 $0x1880;
	[dreg:$0xd] =	wrdreg s10  }
0xb: {  	s12 =	simm.s32 $0x1C80;
	[dreg:$0xe] =	wrdreg s11  }
0xc: {  	s13 =	simm.s32 $0x2080;
	[dreg:$0xf] =	wrdreg s12  }
0xd: {  	s14 =	simm.s32 $0x2480;
	[dreg:$0x10] =	wrdreg s13  }
0xe: {  	s15 =	simm.s32 $0x2880;
	[dreg:$0x11] =	wrdreg s14  }
0xf: {  	s6 =	srdreg.scid;
	s16 =	simm.s32 $0x2C80;
	[dreg:$0x12] =	wrdreg s15  }
0x10: {  	s7 =	sshll.u32 s1, $0x1;
	s17 =	simm.s32 $0x3080;
	[dreg:$0x13] =	wrdreg s16  }
0x11: {  	s18 =	simm.s32 $0x3480;
	s19 =	simm.s32 $0x3880;
	[dreg:$0x14] =	wrdreg s17  }
0x12: {  	s20 =	simm.s32 $0x3C80;
	s6 =	sand.u32 $0x1, s6;
	[dreg:$0x15] =	wrdreg s18  }
0x13: {  	s22 =	simm.s32 $0x4080;
	[dreg:$0x16] =	wrdreg s19;
	s7 =	sor.u32 s6, s7  }
0x14: {  	[dreg:$0x17] =	wrdreg s20;
	s8 =	smul.u32 $0x187000, s7;
	s7 =	sshll.u32 s7, $0x1  }
0x15: {  	[dreg:$0x18] =	wrdreg s22;
	s5 =	sadd.s32 s5, s7  }
0x16: {  	s4 =	sadd.s32 s4, s7;
	[dreg:$0x6] =	wrdreg s5  }
0x17: {  	s7 =	simm.s32 $0x880;
	[dreg:$0x7] =	wrdreg s4  }
0x18: {  	s5 =	simm.s32 $0x480;
	[dreg:$0xa] =	wrdreg s7  }
0x19: {  	s3 =	sadd.s32 $0x600, s3;
	s8 =	sshrl.u32 s8, $0x3;
	[dreg:$0x9] =	wrdreg s5  }
0x1a: {  	s9 =	sadd.s32 s3, s8;
	s21 =	rddreg [dreg:$0x7]  }
0x1b: {  	s8 =	sadd.s32 $0x18700, s8;
	[dreg:$0x4] =	wrdreg s9  }
0x1c: {  	[dreg:$0x5] =	wrdreg s8;
	s8 =	simm.s32 $0xC80  }
0x1d: {  	[tilespmem:s2], [sflag:$0x2] =	stream.linear.gather [hbm4b:s21+s2], $0x10, $0x38;
	[tilespmem:$0x4100] =	vst v63  }
0x1e: {  	s9 =	simm.s32 $0x1080;
	[dreg:$0xb] =	wrdreg s8  }
0x1f: {  	s4 =	simm.s32 $0x2;
	[dreg:$0xc] =	wrdreg s9  }
0x20: {  	_ =	swait.ge [sflag:s4], $0x10  }
0x21: {  	[sflag:s4] =	ssyncset.done $0x0  }
0x22: {  	[sflag:s4] =	ssyncadd.s32 $0xFFFFFFF0  }
0x23: {  	v0 =	vld [tilespmem:$0x0];
	_ =	sdelay $0x4  }
0x24: {  	s23 =	rddreg [dreg:$0x4];
	v1 =	vand.u32 $0xFFFFFF80, v0  }
0x25: {  	v2 =	vadd.s32 s23, v1  }
0x26: {  	s24 =	rddreg [dreg:$0x5];
	(v2sf) =	vpush v2, $0x1  }
0x27: {  	v1 =	vadd.s32 s24, v1;
	(v2sf) =	vpush v2, $0x0  }
0x28: {  	(v2sf) =	vpush v1, $0x8;
	_ =	sdelay $0x1  }
0x29: {  	(v2sf) =	vpush v2, $0x2;
	_ =	sdelay $0x1  }
0x2a: {  	(v2sf) =	vpush v2, $0x3;
	_ =	sdelay $0x1  }
0x2b: {  	(v2sf) =	vpush v2, $0x4;
	_ =	sdelay $0x1  }
0x2c: {  	(v2sf) =	vpush v2, $0x5  }
0x2d: {  	s7 =	rddreg [dreg:$0x15]  }
0x2e: {  	s8 =	rddreg [dreg:$0x14];
	(v2sf) =	vpush v2, $0x6  }
0x2f: {  	s9 =	rddreg [dreg:$0x13]  }
0x30: {  	s10 =	rddreg [dreg:$0x12];
	(v2sf) =	vpush v2, $0x7  }
0x31: {  	s11 =	rddreg [dreg:$0x8];
	s12 =	spop (v2sf)  }
0x32: {  	s13 =	rddreg [dreg:$0x11];
	(v2sf) =	vpush v1, $0x9;
	s14 =	spop (v2sf)  }
0x33: {  	s15 =	rddreg [dreg:$0x9];
	s16 =	spop (v2sf)  }
0x34: {  	(v2sf) =	vpush v1, $0xA;
	[tilespmem:s11], [sflag:$0x1] =	stream.linear.gather [hbm4b:s14+s2], $0x400, $0x38;
	[tilespmem:$0x4100] =	vst v63  }
0x35: {  	s25 =	rddreg [dreg:$0xa];
	s26 =	spop (v2sf)  }
0x36: {  	(v2sf) =	vpush v1, $0xB;
	[tilespmem:s15], [sflag:$0x1] =	stream.linear.gather [hbm4b:s12+s2], $0x400, $0x38;
	[tilespmem:$0x4100] =	vst v63  }
0x37: {  	s28 =	rddreg [dreg:$0xb];
	s29 =	spop (v2sf)  }
0x38: {  	(v2sf) =	vpush v1, $0xC;
	[tilespmem:s25], [sflag:$0x1] =	stream.linear.gather [hbm4b:s26+s2], $0x400, $0x38;
	[tilespmem:$0x4100] =	vst v63  }
0x39: {  	s30 =	rddreg [dreg:$0xc];
	s31 =	spop (v2sf)  }
0x3a: {  	(v2sf) =	vpush v1, $0xD;
	[tilespmem:s28], [sflag:$0x1] =	stream.linear.gather [hbm4b:s29+s2], $0x400, $0x38;
	[tilespmem:$0x4100] =	vst v63  }
0x3b: {  	s17 =	rddreg [dreg:$0xd];
	s18 =	spop (v2sf)  }
0x3c: {  	(v2sf) =	vpush v1, $0xE;
	[tilespmem:s30], [sflag:$0x1] =	stream.linear.gather [hbm4b:s31+s2], $0x400, $0x38;
	[tilespmem:$0x4100] =	vst v63  }
0x3d: {  	s19 =	rddreg [dreg:$0xe];
	s20 =	spop (v2sf)  }
0x3e: {  	(v2sf) =	vpush v1, $0xF;
	[tilespmem:s17], [sflag:$0x1] =	stream.linear.gather [hbm4b:s18+s2], $0x400, $0x38;
	[tilespmem:$0x4100] =	vst v63  }
0x3f: {  	s21 =	rddreg [dreg:$0xf];
	s22 =	spop (v2sf)  }
0x40: {  	[tilespmem:s19], [sflag:$0x1] =	stream.linear.gather [hbm4b:s20+s2], $0x400, $0x38;
	[tilespmem:$0x4100] =	vst v63  }
0x41: {  	s24 =	rddreg [dreg:$0x10];
	s23 =	sand.u32 $0x1FFFFF80, s16;
	s25 =	spop (v2sf)  }
0x42: {  	[tilespmem:s21], [sflag:$0x1] =	stream.linear.gather [hbm4b:s22+s2], $0x400, $0x38;
	[tilespmem:$0x4100] =	vst v63  }
0x43: {  	s11 =	sadd.s32 s3, s23;
	s26 =	sand.u32 $0x1FFFFF80, s25;
	s28 =	spop (v2sf)  }
0x44: {  	[tilespmem:s24], [sflag:$0x1] =	stream.linear.gather [hbm4b:s11+s2], $0x400, $0x38;
	[tilespmem:$0x4100] =	vst v63  }
0x45: {  	s29 =	sadd.s32 s3, s26;
	s30 =	sand.u32 $0x1FFFFF80, s28;
	s31 =	spop (v2sf)  }
0x46: {  	[tilespmem:s13], [sflag:$0x1] =	stream.linear.gather [hbm4b:s29+s2], $0x400, $0x38;
	[tilespmem:$0x4100] =	vst v63  }
0x47: {  	s15 =	sand.u32 $0x1FFFFF80, s31;
	s16 =	spop (v2sf);
	s13 =	sadd.s32 s3, s30  }
0x48: {  	[tilespmem:s10], [sflag:$0x1] =	stream.linear.gather [hbm4b:s13+s2], $0x400, $0x38;
	[tilespmem:$0x4100] =	vst v63  }
0x49: {  	s17 =	sadd.s32 s3, s15;
	s18 =	sand.u32 $0x1FFFFF80, s16;
	s19 =	spop (v2sf)  }
0x4a: {  	[tilespmem:s9], [sflag:$0x1] =	stream.linear.gather [hbm4b:s17+s2], $0x400, $0x38;
	[tilespmem:$0x4100] =	vst v63  }
0x4b: {  	s20 =	sadd.s32 s3, s18;
	s21 =	sand.u32 $0x1FFFFF80, s19;
	s22 =	spop (v2sf)  }
0x4c: {  	[tilespmem:s8], [sflag:$0x1] =	stream.linear.gather [hbm4b:s20+s2], $0x400, $0x38;
	[tilespmem:$0x4100] =	vst v63  }
0x4d: {  	s23 =	sadd.s32 s3, s21;
	s24 =	sand.u32 $0x1FFFFF80, s22;
	s25 =	spop (v2sf)  }
0x4e: {  	[tilespmem:s7], [sflag:$0x1] =	stream.linear.gather [hbm4b:s23+s2], $0x400, $0x38;
	[tilespmem:$0x4100] =	vst v63  }
0x4f: {  	s5 =	rddreg [dreg:$0x16];
	s26 =	sadd.s32 s3, s24;
	s28 =	sand.u32 $0x1FFFFF80, s25  }
0x50: {  	[tilespmem:s5], [sflag:$0x1] =	stream.linear.gather [hbm4b:s26+s2], $0x400, $0x38;
	[tilespmem:$0x4100] =	vst v63  }
0x51: {  	s29 =	rddreg [dreg:$0x17];
	s30 =	sadd.s32 s3, s28;
	s5 =	simm.s32 $0x1  }
0x52: {  	[tilespmem:s29], [sflag:$0x1] =	stream.linear.gather [hbm4b:s30+s2], $0x400, $0x38;
	[tilespmem:$0x4100] =	vst v63  }
0x53: {  	_ =	swait.ge [sflag:s5], $0x400  }
0x54: {  	[sflag:s5] =	ssyncset.done $0x0  }
0x55: {  	[sflag:s5] =	ssyncadd.s32 $0xFFFFFC00  }
0x56: {  	_ =	swait.ge [sflag:s5], $0x400  }
0x57: {  	[sflag:s5] =	ssyncset.done $0x0  }
0x58: {  	[sflag:s5] =	ssyncadd.s32 $0xFFFFFC00  }
0x59: {  	_ =	swait.ge [sflag:s5], $0x400  }
0x5a: {  	[sflag:s5] =	ssyncset.done $0x0  }
0x5b: {  	[sflag:s5] =	ssyncadd.s32 $0xFFFFFC00  }
0x5c: {  	_ =	swait.ge [sflag:s5], $0x400  }
0x5d: {  	[sflag:s5] =	ssyncset.done $0x0  }
0x5e: {  	[sflag:s5] =	ssyncadd.s32 $0xFFFFFC00  }
0x5f: {  	_ =	swait.ge [sflag:s5], $0x400  }
0x60: {  	[sflag:s5] =	ssyncset.done $0x0  }
0x61: {  	[sflag:s5] =	ssyncadd.s32 $0xFFFFFC00  }
0x62: {  	_ =	swait.ge [sflag:s5], $0x400  }
0x63: {  	[sflag:s5] =	ssyncset.done $0x0  }
0x64: {  	[sflag:s5] =	ssyncadd.s32 $0xFFFFFC00  }
0x65: {  	_ =	swait.ge [sflag:s5], $0x400  }
0x66: {  	[sflag:s5] =	ssyncset.done $0x0  }
0x67: {  	[sflag:s5] =	ssyncadd.s32 $0xFFFFFC00  }
0x68: {  	_ =	swait.ge [sflag:s5], $0x400  }
0x69: {  	[sflag:s5] =	ssyncset.done $0x0  }
0x6a: {  	[sflag:s5] =	ssyncadd.s32 $0xFFFFFC00  }
0x6b: {  	_ =	swait.ge [sflag:s5], $0x400  }
0x6c: {  	[sflag:s5] =	ssyncset.done $0x0  }
0x6d: {  	[sflag:s5] =	ssyncadd.s32 $0xFFFFFC00  }
0x6e: {  	_ =	swait.ge [sflag:s5], $0x400  }
0x6f: {  	[sflag:s5] =	ssyncset.done $0x0  }
0x70: {  	[sflag:s5] =	ssyncadd.s32 $0xFFFFFC00  }
0x71: {  	_ =	swait.ge [sflag:s5], $0x400  }
0x72: {  	[sflag:s5] =	ssyncset.done $0x0  }
0x73: {  	[sflag:s5] =	ssyncadd.s32 $0xFFFFFC00  }
0x74: {  	_ =	swait.ge [sflag:s5], $0x400  }
0x75: {  	[sflag:s5] =	ssyncset.done $0x0  }
0x76: {  	[sflag:s5] =	ssyncadd.s32 $0xFFFFFC00  }
0x77: {  	_ =	swait.ge [sflag:s5], $0x400  }
0x78: {  	[sflag:s5] =	ssyncset.done $0x0  }
0x79: {  	[sflag:s5] =	ssyncadd.s32 $0xFFFFFC00  }
0x7a: {  	_ =	swait.ge [sflag:s5], $0x400  }
0x7b: {  	[sflag:s5] =	ssyncset.done $0x0  }
0x7c: {  	[sflag:s5] =	ssyncadd.s32 $0xFFFFFC00  }
0x7d: {  	_ =	swait.ge [sflag:s5], $0x400  }
0x7e: {  	[sflag:s5] =	ssyncset.done $0x0  }
0x7f: {  	[sflag:s5] =	ssyncadd.s32 $0xFFFFFC00  }
0x80: {  	_ =	swait.ge [sflag:s5], $0x400  }
0x81: {  	[sflag:s5] =	ssyncset.done $0x0  }
0x82: {  	[sflag:s5] =	ssyncadd.s32 $0xFFFFFC00  }
0x83: {  	v60 =	vld [tilespmem:$0x80]  }
0x84: {  	v3 =	vld [tilespmem:$0x90]  }
0x85: {  	v4 =	vld [tilespmem:$0xA0]  }
0x86: {  	v5 =	vld [tilespmem:$0xB0]  }
0x87: {  	v6 =	vld [tilespmem:$0xC0]  }
0x88: {  	v7 =	vld [tilespmem:$0xD0]  }
0x89: {  	vm0 =	vmmov $0x1;
	v63 =	vld [tilespmem:$0xE0]  }
0x8a: {  	vm1 =	vcmask $0x704;
	vm10 =	vcmask $0xB08;
	vm11 =	vcmask $0xF0C;
	v8 =	vld [tilespmem:$0xF0]  }
0x8b: {  	vm12 =	vcmask $0x1310;
	vm13 =	vcmask $0x1714;
	v61 =	vshrl.u32 v0, $0x4;
	v12 =	vld [tilespmem:$0x500]  }
0x8c: {  	vm14 =	vcmask $0x1B18;
	v0 =	vand.u32 $0xF, v0;
	v2 =	vand.u32 $0x7, v61;
	v14 =	vld [tilespmem:$0x510]  }
0x8d: {  	vm8 =	veq.s32 v2, $0x0;
	vm7 =	veq.s32 v2, $0x1;
	vm6 =	veq.s32 v2, $0x2;
	v16 =	vld [tilespmem:$0x520]  }
0x8e: {  	vm5 =	veq.s32 v2, $0x3;
	v17 =	vld [tilespmem:$0x530];
	v1 =	vperm.xlane v60, v0;
	v62 =	vperm.xlane v3, v0  }
0x8f: {  	vm4 =	veq.s32 v2, $0x4;
	v19 =	vld [tilespmem:$0x540];
	v4 =	vperm.xlane v4, v0;
	v11 =	vperm.xlane v5, v0  }
0x90: {  	vm3 =	veq.s32 v2, $0x5;
	v21 =	vld [tilespmem:$0x550];
	v13 =	vperm.xlane v6, v0;
	v15 =	vperm.xlane v7, v0  }
0x91: {  	vm2 =	veq.s32 v2, $0x6;
	v23 =	vld [tilespmem:$0x560];
	v3 =	vperm.xlane v63, v0;
	v18 =	vperm.xlane v8, v0  }
0x92: {  	vm15 =	veq.s32 v2, $0x7;
	v25 =	vld [tilespmem:$0x570];
	v20 =	vperm.xlane v12, v0;
	v22 =	vperm.xlane v14, v0  }
0x93: {  	vm9 =	vmand vm8, vm0;
	v27 =	vld [tilespmem:$0x980];
	v24 =	vperm.xlane v16, v0;
	v26 =	vperm.xlane v17, v0  }
0x94: {  	v29 =	vld [tilespmem:$0x990];
	v28 =	vperm.xlane v19, v0;
	v1 =	vnsel vm9, $0x0, v1;
	vm9 =	vmand vm7, vm0  }
0x95: {  	v31 =	vld [tilespmem:$0x9A0];
	v30 =	vperm.xlane v21, v0;
	v1 =	vsel vm9, v62, v1;
	vm9 =	vmand vm6, vm0  }
0x96: {  	v33 =	vld [tilespmem:$0x9B0];
	v32 =	vperm.xlane v23, v0;
	v1 =	vsel vm9, v4, v1;
	vm9 =	vmand vm5, vm0  }
0x97: {  	v35 =	vld [tilespmem:$0x9C0];
	v34 =	vperm.xlane v25, v0;
	v1 =	vsel vm9, v11, v1;
	vm9 =	vmand vm4, vm0  }
0x98: {  	v37 =	vld [tilespmem:$0x9D0];
	v36 =	vperm.xlane v27, v0;
	v1 =	vsel vm9, v13, v1;
	vm9 =	vmand vm3, vm0  }
0x99: {  	v39 =	vld [tilespmem:$0x9E0];
	v38 =	vperm.xlane v29, v0;
	v1 =	vsel vm9, v15, v1;
	vm9 =	vmand vm2, vm0  }
0x9a: {  	v41 =	vld [tilespmem:$0x9F0];
	v40 =	vperm.xlane v31, v0;
	v1 =	vsel vm9, v3, v1;
	vm9 =	vmand vm15, vm0  }
0x9b: {  	v43 =	vld [tilespmem:$0xE00];
	v42 =	vperm.xlane v33, v0;
	v1 =	vsel vm9, v18, v1;
	vm9 =	vmand vm8, vm1  }
0x9c: {  	v45 =	vld [tilespmem:$0xE10];
	v44 =	vperm.xlane v35, v0;
	v1 =	vsel vm9, v20, v1;
	vm9 =	vmand vm7, vm1  }
0x9d: {  	v47 =	vld [tilespmem:$0xE20];
	v46 =	vperm.xlane v37, v0;
	v1 =	vsel vm9, v22, v1;
	vm9 =	vmand vm6, vm1  }
0x9e: {  	v49 =	vld [tilespmem:$0xE30];
	v48 =	vperm.xlane v39, v0;
	v1 =	vsel vm9, v24, v1;
	vm9 =	vmand vm5, vm1  }
0x9f: {  	v51 =	vld [tilespmem:$0xE40];
	v50 =	vperm.xlane v41, v0;
	v1 =	vsel vm9, v26, v1;
	vm9 =	vmand vm4, vm1  }
0xa0: {  	v55 =	vld [tilespmem:$0xE60];
	v52 =	vperm.xlane v43, v0;
	v1 =	vsel vm9, v28, v1;
	vm9 =	vmand vm3, vm1  }
0xa1: {  	v57 =	vld [tilespmem:$0xE70];
	v54 =	vperm.xlane v45, v0;
	v1 =	vsel vm9, v30, v1;
	vm9 =	vmand vm2, vm1  }
0xa2: {  	v59 =	vld [tilespmem:$0x1280];
	v56 =	vperm.xlane v47, v0;
	v1 =	vsel vm9, v32, v1;
	vm9 =	vmand vm15, vm1  }
0xa3: {  	v53 =	vld [tilespmem:$0xE50];
	v58 =	vperm.xlane v49, v0;
	v1 =	vsel vm9, v34, v1;
	vm9 =	vmand vm8, vm10  }
0xa4: {  	v61 =	vld [tilespmem:$0x1290];
	v60 =	vperm.xlane v51, v0;
	v1 =	vsel vm9, v36, v1;
	vm9 =	vmand vm7, vm10  }
0xa5: {  	v63 =	vld [tilespmem:$0x12A0];
	v12 =	vperm.xlane v55, v0;
	v1 =	vsel vm9, v38, v1;
	vm9 =	vmand vm6, vm10  }
0xa6: {  	v14 =	vperm.xlane v57, v0;
	v13 =	vld [tilespmem:$0x12B0];
	v1 =	vsel vm9, v40, v1;
	vm9 =	vmand vm5, vm10  }
0xa7: {  	v16 =	vperm.xlane v59, v0;
	v15 =	vld [tilespmem:$0x12C0];
	v1 =	vsel vm9, v42, v1;
	vm9 =	vmand vm4, vm10  }
0xa8: {  	v17 =	vld [tilespmem:$0x12D0];
	v62 =	vperm.xlane v53, v0;
	v1 =	vsel vm9, v44, v1;
	vm9 =	vmand vm3, vm10  }
0xa9: {  	v19 =	vld [tilespmem:$0x12E0];
	v18 =	vperm.xlane v61, v0;
	v1 =	vsel vm9, v46, v1;
	vm9 =	vmand vm2, vm10  }
0xaa: {  	v21 =	vld [tilespmem:$0x12F0];
	v20 =	vperm.xlane v63, v0;
	v1 =	vsel vm9, v48, v1;
	vm9 =	vmand vm15, vm10  }
0xab: {  	v23 =	vld [tilespmem:$0x1700];
	v22 =	vperm.xlane v13, v0;
	v1 =	vsel vm9, v50, v1;
	vm9 =	vmand vm8, vm11  }
0xac: {  	v24 =	vperm.xlane v15, v0;
	v1 =	vsel vm9, v52, v1;
	vm9 =	vmand vm7, vm11  }
0xad: {  	v13 =	vld [tilespmem:$0x2050];
	v26 =	vperm.xlane v17, v0;
	v1 =	vsel vm9, v54, v1;
	vm9 =	vmand vm6, vm11  }
0xae: {  	v25 =	vld [tilespmem:$0x1710];
	v28 =	vperm.xlane v19, v0;
	v1 =	vsel vm9, v56, v1;
	vm9 =	vmand vm5, vm11  }
0xaf: {  	v15 =	vld [tilespmem:$0x2060];
	v30 =	vperm.xlane v21, v0;
	v1 =	vsel vm9, v58, v1;
	vm9 =	vmand vm4, vm11  }
0xb0: {  	v27 =	vld [tilespmem:$0x1720];
	v32 =	vperm.xlane v23, v0;
	v1 =	vsel vm9, v60, v1;
	vm9 =	vmand vm3, vm11  }
0xb1: {  	v17 =	vld [tilespmem:$0x2070];
	vm1 =	vcmask $0x1F1C;
	v1 =	vsel vm9, v62, v1;
	vm9 =	vmand vm2, vm11  }
0xb2: {  	v29 =	vld [tilespmem:$0x1730];
	v4 =	vperm.xlane v13, v0;
	v1 =	vsel vm9, v12, v1;
	vm9 =	vmand vm15, vm11  }
0xb3: {  	v19 =	vld [tilespmem:$0x2080];
	v34 =	vperm.xlane v25, v0;
	v1 =	vsel vm9, v14, v1;
	vm9 =	vmand vm8, vm12  }
0xb4: {  	v31 =	vld [tilespmem:$0x1740];
	v23 =	vperm.xlane v15, v0;
	v1 =	vsel vm9, v16, v1;
	vm9 =	vmand vm7, vm12  }
0xb5: {  	v21 =	vld [tilespmem:$0x2090];
	v36 =	vperm.xlane v27, v0;
	v1 =	vsel vm9, v18, v1;
	vm9 =	vmand vm6, vm12  }
0xb6: {  	v33 =	vld [tilespmem:$0x1750];
	v2 =	vperm.xlane v17, v0;
	v1 =	vsel vm9, v20, v1;
	vm9 =	vmand vm5, vm12  }
0xb7: {  	v35 =	vld [tilespmem:$0x1760];
	v38 =	vperm.xlane v29, v0;
	v1 =	vsel vm9, v22, v1;
	vm9 =	vmand vm4, vm12  }
0xb8: {  	v37 =	vld [tilespmem:$0x1770];
	v3 =	vperm.xlane v19, v0;
	v1 =	vsel vm9, v24, v1;
	vm9 =	vmand vm3, vm12  }
0xb9: {  	v39 =	vld [tilespmem:$0x1B80];
	v40 =	vperm.xlane v31, v0;
	v1 =	vsel vm9, v26, v1;
	vm9 =	vmand vm2, vm12  }
0xba: {  	v27 =	vperm.xlane v21, v0;
	v1 =	vsel vm9, v28, v1;
	vm9 =	vmand vm15, vm12  }
0xbb: {  	v41 =	vld [tilespmem:$0x1B90];
	v42 =	vperm.xlane v33, v0;
	v1 =	vsel vm9, v30, v1;
	vm9 =	vmand vm8, vm13  }
0xbc: {  	v43 =	vld [tilespmem:$0x1BA0];
	v44 =	vperm.xlane v35, v0;
	v1 =	vsel vm9, v32, v1;
	vm9 =	vmand vm7, vm13  }
0xbd: {  	v33 =	vld [tilespmem:$0x2510];
	v46 =	vperm.xlane v37, v0;
	v1 =	vsel vm9, v34, v1;
	vm9 =	vmand vm6, vm13  }
0xbe: {  	v45 =	vld [tilespmem:$0x1BB0];
	v48 =	vperm.xlane v39, v0;
	v1 =	vsel vm9, v36, v1;
	vm9 =	vmand vm5, vm13  }
0xbf: {  	v35 =	vld [tilespmem:$0x2520];
	vm10 =	vcmask $0x2320;
	v1 =	vsel vm9, v38, v1;
	vm9 =	vmand vm4, vm13  }
0xc0: {  	v47 =	vld [tilespmem:$0x1BC0];
	v50 =	vperm.xlane v41, v0;
	v1 =	vsel vm9, v40, v1;
	vm9 =	vmand vm3, vm13  }
0xc1: {  	v49 =	vld [tilespmem:$0x1BD0];
	v52 =	vperm.xlane v43, v0;
	v1 =	vsel vm9, v42, v1;
	vm9 =	vmand vm2, vm13  }
0xc2: {  	v51 =	vld [tilespmem:$0x1BE0];
	v39 =	vperm.xlane v33, v0;
	v1 =	vsel vm9, v44, v1;
	vm9 =	vmand vm15, vm13  }
0xc3: {  	v53 =	vld [tilespmem:$0x1BF0];
	v54 =	vperm.xlane v45, v0;
	v1 =	vsel vm9, v46, v1;
	vm9 =	vmand vm8, vm14  }
0xc4: {  	v55 =	vld [tilespmem:$0x2000];
	v41 =	vperm.xlane v35, v0;
	v1 =	vsel vm9, v48, v1;
	vm9 =	vmand vm7, vm14  }
0xc5: {  	v45 =	vld [tilespmem:$0x2990];
	v56 =	vperm.xlane v47, v0;
	v1 =	vsel vm9, v50, v1;
	vm9 =	vmand vm6, vm14  }
0xc6: {  	v57 =	vld [tilespmem:$0x2010];
	v58 =	vperm.xlane v49, v0;
	v1 =	vsel vm9, v52, v1;
	vm9 =	vmand vm5, vm14  }
0xc7: {  	v59 =	vld [tilespmem:$0x2020];
	v60 =	vperm.xlane v51, v0;
	v1 =	vsel vm9, v54, v1;
	vm9 =	vmand vm4, vm14  }
0xc8: {  	v61 =	vld [tilespmem:$0x2030];
	v62 =	vperm.xlane v53, v0;
	v1 =	vsel vm9, v56, v1;
	vm9 =	vmand vm3, vm14  }
0xc9: {  	v63 =	vld [tilespmem:$0x2040];
	v12 =	vperm.xlane v55, v0;
	v1 =	vsel vm9, v58, v1;
	vm9 =	vmand vm2, vm14  }
0xca: {  	v47 =	vld [tilespmem:$0x29A0];
	v51 =	vperm.xlane v45, v0;
	v1 =	vsel vm9, v60, v1;
	vm9 =	vmand vm15, vm14  }
0xcb: {  	v14 =	vperm.xlane v57, v0;
	v57 =	vld [tilespmem:$0x2E10];
	v1 =	vsel vm9, v62, v1;
	vm9 =	vmand vm8, vm1  }
0xcc: {  	v16 =	vperm.xlane v59, v0;
	v59 =	vld [tilespmem:$0x2E20];
	v1 =	vsel vm9, v12, v1;
	vm9 =	vmand vm7, vm1  }
0xcd: {  	v18 =	vperm.xlane v61, v0;
	v22 =	vld [tilespmem:$0x20A0];
	v1 =	vsel vm9, v14, v1;
	vm9 =	vmand vm6, vm1  }
0xce: {  	v25 =	vld [tilespmem:$0x20C0];
	v20 =	vperm.xlane v63, v0;
	v1 =	vsel vm9, v16, v1;
	vm9 =	vmand vm5, vm1  }
0xcf: {  	v53 =	vperm.xlane v47, v0;
	v26 =	vld [tilespmem:$0x20D0];
	v1 =	vsel vm9, v18, v1;
	vm9 =	vmand vm4, vm1  }
0xd0: {  	v24 =	vld [tilespmem:$0x20B0];
	v63 =	vperm.xlane v57, v0;
	v1 =	vsel vm9, v20, v1;
	vm9 =	vmand vm3, vm1  }
0xd1: {  	v10 =	vperm.xlane v59, v0;
	v28 =	vld [tilespmem:$0x20E0];
	v1 =	vsel vm9, v4, v1;
	vm9 =	vmand vm2, vm1  }
0xd2: {  	v29 =	vperm.xlane v22, v0;
	v36 =	vld [tilespmem:$0x2530];
	v1 =	vsel vm9, v23, v1;
	vm9 =	vmand vm15, vm1  }
0xd3: {  	v32 =	vperm.xlane v25, v0;
	v1 =	vsel vm9, v2, v1;
	vm9 =	vmand vm8, vm10  }
0xd4: {  	v30 =	vld [tilespmem:$0x20F0];
	v34 =	vperm.xlane v26, v0;
	v1 =	vsel vm9, v3, v1;
	vm9 =	vmand vm7, vm10  }
0xd5: {  	v31 =	vld [tilespmem:$0x2500];
	v4 =	vperm.xlane v24, v0;
	v1 =	vsel vm9, v27, v1;
	vm9 =	vmand vm6, vm10  }
0xd6: {  	v5 =	vperm.xlane v28, v0;
	v38 =	vld [tilespmem:$0x2550];
	v1 =	vsel vm9, v29, v1;
	vm9 =	vmand vm5, vm10  }
0xd7: {  	v43 =	vperm.xlane v36, v0;
	v48 =	vld [tilespmem:$0x29B0];
	v1 =	vsel vm9, v4, v1;
	vm9 =	vmand vm4, vm10  }
0xd8: {  	v50 =	vld [tilespmem:$0x29D0];
	vm1 =	vcmask $0x2724;
	v1 =	vsel vm9, v32, v1;
	vm9 =	vmand vm3, vm10  }
0xd9: {  	v37 =	vld [tilespmem:$0x2540];
	v2 =	vperm.xlane v30, v0;
	v1 =	vsel vm9, v34, v1;
	vm9 =	vmand vm2, vm10  }
0xda: {  	v3 =	vperm.xlane v31, v0;
	vm10 =	vmand vm15, vm10;
	v1 =	vsel vm9, v5, v1  }
0xdb: {  	v40 =	vld [tilespmem:$0x2560];
	v46 =	vperm.xlane v38, v0;
	v1 =	vsel vm10, v2, v1;
	vm10 =	vmand vm8, vm1  }
0xdc: {  	v42 =	vld [tilespmem:$0x2570];
	v55 =	vperm.xlane v48, v0;
	v1 =	vsel vm10, v3, v1;
	vm10 =	vmand vm7, vm1  }
0xdd: {  	v44 =	vld [tilespmem:$0x2980];
	v58 =	vperm.xlane v50, v0;
	v1 =	vsel vm10, v39, v1;
	vm10 =	vmand vm6, vm1  }
0xde: {  	v52 =	vld [tilespmem:$0x29E0];
	v5 =	vperm.xlane v37, v0;
	v1 =	vsel vm10, v41, v1;
	vm10 =	vmand vm5, vm1  }
0xdf: {  	v60 =	vld [tilespmem:$0x2E30];
	vm11 =	vmand vm15, vm1;
	v1 =	vsel vm10, v43, v1;
	vm10 =	vmand vm4, vm1  }
0xe0: {  	v62 =	vld [tilespmem:$0x2E50];
	v4 =	vperm.xlane v40, v0;
	v1 =	vsel vm10, v5, v1;
	vm10 =	vmand vm3, vm1  }
0xe1: {  	v49 =	vld [tilespmem:$0x29C0];
	v2 =	vperm.xlane v42, v0;
	v1 =	vsel vm10, v46, v1;
	vm10 =	vmand vm2, vm1  }
0xe2: {  	v17 =	vld [tilespmem:$0x32B0];
	vm9 =	vcmask $0x2B28;
	v3 =	vperm.xlane v44, v0;
	v1 =	vsel vm10, v4, v1  }
0xe3: {  	v6 =	vperm.xlane v52, v0;
	v1 =	vsel vm11, v2, v1;
	vm11 =	vmand vm8, vm9  }
0xe4: {  	v54 =	vld [tilespmem:$0x29F0];
	v12 =	vperm.xlane v60, v0;
	v1 =	vsel vm11, v3, v1;
	vm11 =	vmand vm7, vm9  }
0xe5: {  	v56 =	vld [tilespmem:$0x2E00];
	v15 =	vperm.xlane v62, v0;
	v1 =	vsel vm11, v51, v1;
	vm11 =	vmand vm6, vm9  }
0xe6: {  	v14 =	vld [tilespmem:$0x3290];
	v4 =	vperm.xlane v49, v0;
	v1 =	vsel vm11, v53, v1;
	vm11 =	vmand vm5, vm9  }
0xe7: {  	v16 =	vld [tilespmem:$0x32A0];
	v24 =	vperm.xlane v17, v0;
	v1 =	vsel vm11, v55, v1;
	vm11 =	vmand vm4, vm9  }
0xe8: {  	v19 =	vld [tilespmem:$0x32D0];
	vm12 =	vmand vm15, vm9;
	v1 =	vsel vm11, v4, v1;
	vm11 =	vmand vm3, vm9  }
0xe9: {  	v61 =	vld [tilespmem:$0x2E40];
	v2 =	vperm.xlane v54, v0;
	v1 =	vsel vm11, v58, v1;
	vm11 =	vmand vm2, vm9  }
0xea: {  	v9 =	vld [tilespmem:$0x2E60];
	v3 =	vperm.xlane v56, v0;
	v1 =	vsel vm11, v6, v1;
	vm11 =	vcmask $0x2F2C  }
0xeb: {  	v11 =	vld [tilespmem:$0x2E70];
	v20 =	vperm.xlane v14, v0;
	v1 =	vsel vm12, v2, v1;
	vm12 =	vmand vm8, vm11  }
0xec: {  	v22 =	vperm.xlane v16, v0;
	v1 =	vsel vm12, v3, v1;
	vm12 =	vmand vm7, vm11  }
0xed: {  	v13 =	vld [tilespmem:$0x3280];
	v27 =	vperm.xlane v19, v0;
	v1 =	vsel vm12, v63, v1;
	vm12 =	vmand vm6, vm11  }
0xee: {  	v26 =	vld [tilespmem:$0x3710];
	v6 =	vperm.xlane v61, v0;
	v1 =	vsel vm12, v10, v1;
	vm12 =	vmand vm5, vm11  }
0xef: {  	v28 =	vld [tilespmem:$0x3720];
	v5 =	vperm.xlane v9, v0;
	v1 =	vsel vm12, v12, v1;
	vm12 =	vmand vm4, vm11  }
0xf0: {  	v29 =	vld [tilespmem:$0x3730];
	v2 =	vperm.xlane v11, v0;
	v1 =	vsel vm12, v6, v1;
	vm12 =	vmand vm3, vm11  }
0xf1: {  	v18 =	vld [tilespmem:$0x32C0];
	vm13 =	vmand vm15, vm11;
	v1 =	vsel vm12, v15, v1;
	vm12 =	vmand vm2, vm11  }
0xf2: {  	v21 =	vld [tilespmem:$0x32E0];
	v3 =	vperm.xlane v13, v0;
	v1 =	vsel vm12, v5, v1;
	vm12 =	vcmask $0x3330  }
0xf3: {  	v23 =	vld [tilespmem:$0x32F0];
	v32 =	vperm.xlane v26, v0;
	v1 =	vsel vm13, v2, v1;
	vm13 =	vmand vm8, vm12  }
0xf4: {  	v34 =	vperm.xlane v28, v0;
	v1 =	vsel vm13, v3, v1;
	vm13 =	vmand vm7, vm12  }
0xf5: {  	v25 =	vld [tilespmem:$0x3700];
	v36 =	vperm.xlane v29, v0;
	v1 =	vsel vm13, v20, v1;
	vm13 =	vmand vm6, vm12  }
0xf6: {  	v38 =	vld [tilespmem:$0x3B90];
	v5 =	vperm.xlane v18, v0;
	v1 =	vsel vm13, v22, v1;
	vm13 =	vmand vm5, vm12  }
0xf7: {  	v31 =	vld [tilespmem:$0x3750];
	v4 =	vperm.xlane v21, v0;
	v1 =	vsel vm13, v24, v1;
	vm13 =	vmand vm4, vm12  }
0xf8: {  	v2 =	vperm.xlane v23, v0;
	v1 =	vsel vm13, v5, v1;
	vm13 =	vmand vm3, vm12  }
0xf9: {  	v30 =	vld [tilespmem:$0x3740];
	vm14 =	vmand vm15, vm12;
	v1 =	vsel vm13, v27, v1;
	vm13 =	vmand vm2, vm12  }
0xfa: {  	v33 =	vld [tilespmem:$0x3760];
	v3 =	vperm.xlane v25, v0;
	v1 =	vsel vm13, v4, v1;
	vm13 =	vcmask $0x3734  }
0xfb: {  	v35 =	vld [tilespmem:$0x3770];
	v44 =	vperm.xlane v38, v0;
	v1 =	vsel vm14, v2, v1;
	vm14 =	vmand vm8, vm13  }
0xfc: {  	v39 =	vperm.xlane v31, v0;
	v1 =	vsel vm14, v3, v1;
	vm14 =	vmand vm7, vm13  }
0xfd: {  	v37 =	vld [tilespmem:$0x3B80];
	vm9 =	vmmov vm15;
	v1 =	vsel vm14, v32, v1;
	vm14 =	vmand vm6, vm13  }
0xfe: {  	v40 =	vld [tilespmem:$0x3BA0];
	v4 =	vperm.xlane v30, v0;
	v1 =	vsel vm14, v34, v1;
	vm14 =	vmand vm5, vm13  }
0xff: {  	v41 =	vld [tilespmem:$0x3BB0];
	v6 =	vperm.xlane v33, v0;
	v1 =	vsel vm14, v36, v1;
	vm14 =	vmand vm4, vm13  }
0x100: {  	v43 =	vld [tilespmem:$0x3BD0];
	v2 =	vperm.xlane v35, v0;
	v1 =	vsel vm14, v4, v1;
	vm14 =	vmand vm3, vm13  }
0x101: {  	v42 =	vld [tilespmem:$0x3BC0];
	vm15 =	vmand vm15, vm13;
	v1 =	vsel vm14, v39, v1;
	vm14 =	vmand vm2, vm13  }
0x102: {  	v45 =	vld [tilespmem:$0x3BE0];
	v3 =	vperm.xlane v37, v0;
	v1 =	vsel vm14, v6, v1;
	vm14 =	vcmask $0x3B38  }
0x103: {  	v47 =	vld [tilespmem:$0x3BF0];
	v46 =	vperm.xlane v40, v0;
	v1 =	vsel vm15, v2, v1;
	vm15 =	vmand vm8, vm14  }
0x104: {  	v48 =	vperm.xlane v41, v0;
	v1 =	vsel vm15, v3, v1;
	vm15 =	vmand vm7, vm14  }
0x105: {  	v49 =	vld [tilespmem:$0x4000];
	v51 =	vperm.xlane v43, v0;
	v1 =	vsel vm15, v44, v1;
	vm15 =	vmand vm6, vm14  }
0x106: {  	v50 =	vld [tilespmem:$0x4010];
	v6 =	vperm.xlane v42, v0;
	v1 =	vsel vm15, v46, v1;
	vm15 =	vmand vm5, vm14  }
0x107: {  	v52 =	vld [tilespmem:$0x4020];
	v5 =	vperm.xlane v45, v0;
	v1 =	vsel vm15, v48, v1;
	vm15 =	vmand vm4, vm14  }
0x108: {  	v53 =	vld [tilespmem:$0x4030];
	v2 =	vperm.xlane v47, v0;
	v1 =	vsel vm15, v6, v1;
	vm15 =	vmand vm3, vm14  }
0x109: {  	v54 =	vld [tilespmem:$0x4040];
	vm1 =	vmand vm9, vm14;
	v1 =	vsel vm15, v51, v1;
	vm15 =	vmand vm2, vm14  }
0x10a: {  	v55 =	vld [tilespmem:$0x4050];
	v3 =	vperm.xlane v49, v0;
	v1 =	vsel vm15, v5, v1;
	vm15 =	vcmask $0x3F3C  }
0x10b: {  	s6 =	ssub.s32 $0x2, s6;
	v57 =	vld [tilespmem:$0x4060];
	v56 =	vperm.xlane v50, v0;
	v1 =	vsel vm1, v2, v1;
	vm1 =	vmand vm8, vm15  }
0x10c: {  	s31 =	sshrl.u32 s6, $0x1;
	v59 =	vld [tilespmem:$0x4070];
	v58 =	vperm.xlane v52, v0;
	v1 =	vsel vm1, v3, v1;
	vm1 =	vmand vm7, vm15  }
0x10d: {  	s6 =	ssub.s32 s6, s31;
	v60 =	vperm.xlane v53, v0;
	v1 =	vsel vm1, v56, v1;
	vm1 =	vmand vm6, vm15  }
0x10e: {  	s6 =	smax.u32 s6, $0x1;
	v61 =	vperm.xlane v54, v0;
	v1 =	vsel vm1, v58, v1;
	vm1 =	vmand vm5, vm15  }
0x10f: {  	p0 =	sne.s32 s6, $0x1;
	v62 =	vperm.xlane v55, v0;
	v1 =	vsel vm1, v60, v1;
	vm1 =	vmand vm4, vm15  }
.Ltmp1:
0x110: {  	v63 =	vperm.xlane v57, v0;
	v1 =	vsel vm1, v61, v1;
	vm1 =	vmand vm3, vm15;
	(pc) =	sbr.rel @!p0 .LBB2_3-.Ltmp1, $4  }
0x111: {  	v0 =	vperm.xlane v59, v0;
	v1 =	vsel vm1, v62, v1;
	vm1 =	vmand vm2, vm15  }
0x112: {  	v1 =	vsel vm1, v63, v1;
	vm1 =	vmand vm9, vm15  }
0x113: {  	s7 =	rddreg [dreg:$0x18];
	v0 =	vsel vm1, v0, v1  }
0x114: {  	s6 =	sadd.s32 $0xFFFFFFFF, s6;
	s8 =	rddreg [dreg:$0x6];
	[tilespmem:$0x4080] =	vst v0  }
.LBB2_2:
0x115: {  	[hbm4b:s8+s2] =	stream.linear.scatter [tilespmem:s7], [sflag:$0x2], $0x10, $0x38;
	[tilespmem:$0x4100] =	vst v63  }
0x116: {  	_ =	swait.ge [sflag:s4], $0x10  }
0x117: {  	[sflag:s4] =	ssyncset.done $0x0  }
0x118: {  	s21 =	rddreg [dreg:$0x7];
	[sflag:s4] =	ssyncadd.s32 $0xFFFFFFF0  }
0x119: {  	[tilespmem:s2], [sflag:$0x2] =	stream.linear.gather [hbm4b:s21+s2], $0x10, $0x38;
	[tilespmem:$0x4100] =	vst v63  }
0x11a: {  	_ =	swait.ge [sflag:s4], $0x10  }
0x11b: {  	[sflag:s4] =	ssyncset.done $0x0  }
0x11c: {  	[sflag:s4] =	ssyncadd.s32 $0xFFFFFFF0  }
0x11d: {  	v0 =	vld [tilespmem:$0x0];
	_ =	sdelay $0x4  }
0x11e: {  	s23 =	rddreg [dreg:$0x4];
	v2 =	vand.u32 $0xFFFFFF80, v0  }
0x11f: {  	v3 =	vadd.s32 s23, v2  }
0x120: {  	s22 =	rddreg [dreg:$0x5];
	(v2sf) =	vpush v3, $0x1  }
0x121: {  	v2 =	vadd.s32 s22, v2;
	(v2sf) =	vpush v3, $0x0  }
0x122: {  	(v2sf) =	vpush v2, $0x8;
	_ =	sdelay $0x1  }
0x123: {  	(v2sf) =	vpush v3, $0x2;
	_ =	sdelay $0x1  }
0x124: {  	(v2sf) =	vpush v3, $0x3;
	_ =	sdelay $0x1  }
0x125: {  	(v2sf) =	vpush v3, $0x4;
	_ =	sdelay $0x1  }
0x126: {  	(v2sf) =	vpush v3, $0x5  }
0x127: {  	s8 =	rddreg [dreg:$0x15]  }
0x128: {  	s9 =	rddreg [dreg:$0x14];
	(v2sf) =	vpush v3, $0x6  }
0x129: {  	s10 =	rddreg [dreg:$0x13]  }
0x12a: {  	s11 =	rddreg [dreg:$0x12];
	(v2sf) =	vpush v3, $0x7  }
0x12b: {  	s12 =	rddreg [dreg:$0x8];
	s13 =	spop (v2sf)  }
0x12c: {  	s14 =	rddreg [dreg:$0x11];
	s15 =	spop (v2sf);
	(v2sf) =	vpush v2, $0x9  }
0x12d: {  	s16 =	rddreg [dreg:$0x9];
	s17 =	spop (v2sf)  }
0x12e: {  	[tilespmem:s12], [sflag:$0x1] =	stream.linear.gather [hbm4b:s15+s2], $0x400, $0x38;
	(v2sf) =	vpush v2, $0xA;
	[tilespmem:$0x4100] =	vst v63  }
0x12f: {  	s24 =	rddreg [dreg:$0xa];
	s26 =	spop (v2sf)  }
0x130: {  	(v2sf) =	vpush v2, $0xB;
	[tilespmem:s16], [sflag:$0x1] =	stream.linear.gather [hbm4b:s13+s2], $0x400, $0x38;
	[tilespmem:$0x4100] =	vst v63  }
0x131: {  	s28 =	rddreg [dreg:$0xb];
	s29 =	spop (v2sf)  }
0x132: {  	(v2sf) =	vpush v2, $0xC;
	[tilespmem:s24], [sflag:$0x1] =	stream.linear.gather [hbm4b:s26+s2], $0x400, $0x38;
	[tilespmem:$0x4100] =	vst v63  }
0x133: {  	s30 =	rddreg [dreg:$0xc];
	s31 =	spop (v2sf)  }
0x134: {  	(v2sf) =	vpush v2, $0xD;
	[tilespmem:s28], [sflag:$0x1] =	stream.linear.gather [hbm4b:s29+s2], $0x400, $0x38;
	[tilespmem:$0x4100] =	vst v63  }
0x135: {  	s19 =	rddreg [dreg:$0xe];
	s18 =	spop (v2sf)  }
0x136: {  	(v2sf) =	vpush v2, $0xE;
	[tilespmem:s30], [sflag:$0x1] =	stream.linear.gather [hbm4b:s31+s2], $0x400, $0x38;
	[tilespmem:$0x4100] =	vst v63  }
0x137: {  	s16 =	rddreg [dreg:$0xd];
	s20 =	spop (v2sf)  }
0x138: {  	(v2sf) =	vpush v2, $0xF;
	[tilespmem:s16], [sflag:$0x1] =	stream.linear.gather [hbm4b:s18+s2], $0x400, $0x38;
	[tilespmem:$0x4100] =	vst v63  }
0x139: {  	s21 =	rddreg [dreg:$0xf];
	s22 =	spop (v2sf)  }
0x13a: {  	[tilespmem:s19], [sflag:$0x1] =	stream.linear.gather [hbm4b:s20+s2], $0x400, $0x38;
	[tilespmem:$0x4100] =	vst v63  }
0x13b: {  	s23 =	rddreg [dreg:$0x10];
	s25 =	sand.u32 $0x1FFFFF80, s17;
	s24 =	spop (v2sf)  }
0x13c: {  	[tilespmem:s21], [sflag:$0x1] =	stream.linear.gather [hbm4b:s22+s2], $0x400, $0x38;
	[tilespmem:$0x4100] =	vst v63  }
0x13d: {  	s25 =	sadd.s32 s3, s25;
	s26 =	sand.u32 $0x1FFFFF80, s24;
	s28 =	spop (v2sf)  }
0x13e: {  	[tilespmem:s23], [sflag:$0x1] =	stream.linear.gather [hbm4b:s25+s2], $0x400, $0x38;
	[tilespmem:$0x4100] =	vst v63  }
0x13f: {  	s29 =	sadd.s32 s3, s26;
	s30 =	sand.u32 $0x1FFFFF80, s28;
	s31 =	spop (v2sf)  }
0x140: {  	[tilespmem:s14], [sflag:$0x1] =	stream.linear.gather [hbm4b:s29+s2], $0x400, $0x38;
	[tilespmem:$0x4100] =	vst v63  }
0x141: {  	s16 =	sand.u32 $0x1FFFFF80, s31;
	s17 =	spop (v2sf);
	s14 =	sadd.s32 s3, s30  }
0x142: {  	[tilespmem:s11], [sflag:$0x1] =	stream.linear.gather [hbm4b:s14+s2], $0x400, $0x38;
	[tilespmem:$0x4100] =	vst v63  }
0x143: {  	s18 =	sadd.s32 s3, s16;
	s19 =	sand.u32 $0x1FFFFF80, s17;
	s20 =	spop (v2sf)  }
0x144: {  	[tilespmem:s10], [sflag:$0x1] =	stream.linear.gather [hbm4b:s18+s2], $0x400, $0x38;
	[tilespmem:$0x4100] =	vst v63  }
0x145: {  	s21 =	sadd.s32 s3, s19;
	s22 =	sand.u32 $0x1FFFFF80, s20;
	s23 =	spop (v2sf)  }
0x146: {  	[tilespmem:s9], [sflag:$0x1] =	stream.linear.gather [hbm4b:s21+s2], $0x400, $0x38;
	[tilespmem:$0x4100] =	vst v63  }
0x147: {  	s24 =	sadd.s32 s3, s22;
	s25 =	sand.u32 $0x1FFFFF80, s23;
	s26 =	spop (v2sf)  }
0x148: {  	[tilespmem:s8], [sflag:$0x1] =	stream.linear.gather [hbm4b:s24+s2], $0x400, $0x38;
	[tilespmem:$0x4100] =	vst v63  }
0x149: {  	s7 =	rddreg [dreg:$0x16];
	s28 =	sadd.s32 s3, s25;
	s29 =	sand.u32 $0x1FFFFF80, s26  }
0x14a: {  	[tilespmem:s7], [sflag:$0x1] =	stream.linear.gather [hbm4b:s28+s2], $0x400, $0x38;
	[tilespmem:$0x4100] =	vst v63  }
0x14b: {  	s30 =	rddreg [dreg:$0x17];
	s31 =	sadd.s32 s3, s29  }
0x14c: {  	[tilespmem:s30], [sflag:$0x1] =	stream.linear.gather [hbm4b:s31+s2], $0x400, $0x38;
	[tilespmem:$0x4100] =	vst v63  }
0x14d: {  	_ =	swait.ge [sflag:s5], $0x400  }
0x14e: {  	[sflag:s5] =	ssyncset.done $0x0  }
0x14f: {  	[sflag:s5] =	ssyncadd.s32 $0xFFFFFC00  }
0x150: {  	_ =	swait.ge [sflag:s5], $0x400  }
0x151: {  	[sflag:s5] =	ssyncset.done $0x0  }
0x152: {  	[sflag:s5] =	ssyncadd.s32 $0xFFFFFC00  }
0x153: {  	_ =	swait.ge [sflag:s5], $0x400  }
0x154: {  	[sflag:s5] =	ssyncset.done $0x0  }
0x155: {  	[sflag:s5] =	ssyncadd.s32 $0xFFFFFC00  }
0x156: {  	_ =	swait.ge [sflag:s5], $0x400  }
0x157: {  	[sflag:s5] =	ssyncset.done $0x0  }
0x158: {  	[sflag:s5] =	ssyncadd.s32 $0xFFFFFC00  }
0x159: {  	_ =	swait.ge [sflag:s5], $0x400  }
0x15a: {  	[sflag:s5] =	ssyncset.done $0x0  }
0x15b: {  	[sflag:s5] =	ssyncadd.s32 $0xFFFFFC00  }
0x15c: {  	_ =	swait.ge [sflag:s5], $0x400  }
0x15d: {  	[sflag:s5] =	ssyncset.done $0x0  }
0x15e: {  	[sflag:s5] =	ssyncadd.s32 $0xFFFFFC00  }
0x15f: {  	_ =	swait.ge [sflag:s5], $0x400  }
0x160: {  	[sflag:s5] =	ssyncset.done $0x0  }
0x161: {  	[sflag:s5] =	ssyncadd.s32 $0xFFFFFC00  }
0x162: {  	_ =	swait.ge [sflag:s5], $0x400  }
0x163: {  	[sflag:s5] =	ssyncset.done $0x0  }
0x164: {  	[sflag:s5] =	ssyncadd.s32 $0xFFFFFC00  }
0x165: {  	_ =	swait.ge [sflag:s5], $0x400  }
0x166: {  	[sflag:s5] =	ssyncset.done $0x0  }
0x167: {  	[sflag:s5] =	ssyncadd.s32 $0xFFFFFC00  }
0x168: {  	_ =	swait.ge [sflag:s5], $0x400  }
0x169: {  	[sflag:s5] =	ssyncset.done $0x0  }
0x16a: {  	[sflag:s5] =	ssyncadd.s32 $0xFFFFFC00  }
0x16b: {  	_ =	swait.ge [sflag:s5], $0x400  }
0x16c: {  	[sflag:s5] =	ssyncset.done $0x0  }
0x16d: {  	[sflag:s5] =	ssyncadd.s32 $0xFFFFFC00  }
0x16e: {  	_ =	swait.ge [sflag:s5], $0x400  }
0x16f: {  	[sflag:s5] =	ssyncset.done $0x0  }
0x170: {  	[sflag:s5] =	ssyncadd.s32 $0xFFFFFC00  }
0x171: {  	_ =	swait.ge [sflag:s5], $0x400  }
0x172: {  	[sflag:s5] =	ssyncset.done $0x0  }
0x173: {  	[sflag:s5] =	ssyncadd.s32 $0xFFFFFC00  }
0x174: {  	_ =	swait.ge [sflag:s5], $0x400  }
0x175: {  	[sflag:s5] =	ssyncset.done $0x0  }
0x176: {  	[sflag:s5] =	ssyncadd.s32 $0xFFFFFC00  }
0x177: {  	_ =	swait.ge [sflag:s5], $0x400  }
0x178: {  	[sflag:s5] =	ssyncset.done $0x0  }
0x179: {  	[sflag:s5] =	ssyncadd.s32 $0xFFFFFC00  }
0x17a: {  	_ =	swait.ge [sflag:s5], $0x400  }
0x17b: {  	[sflag:s5] =	ssyncset.done $0x0  }
0x17c: {  	[sflag:s5] =	ssyncadd.s32 $0xFFFFFC00  }
0x17d: {  	v25 =	vld [tilespmem:$0x80]  }
0x17e: {  	v26 =	vld [tilespmem:$0x90]  }
0x17f: {  	v27 =	vld [tilespmem:$0xA0]  }
0x180: {  	v4 =	vld [tilespmem:$0xB0]  }
0x181: {  	v5 =	vld [tilespmem:$0xC0]  }
0x182: {  	v6 =	vld [tilespmem:$0xD0]  }
0x183: {  	v1 =	vshrl.u32 v0, $0x4;
	v7 =	vld [tilespmem:$0xE0]  }
0x184: {  	v0 =	vand.u32 $0xF, v0;
	v1 =	vand.u32 $0x7, v1;
	v8 =	vld [tilespmem:$0xF0]  }
0x185: {  	vm8 =	veq.s32 v1, $0x0;
	vm7 =	veq.s32 v1, $0x1;
	vm6 =	veq.s32 v1, $0x2;
	v29 =	vld [tilespmem:$0x500]  }
0x186: {  	vm5 =	veq.s32 v1, $0x3;
	vm4 =	veq.s32 v1, $0x4;
	vm3 =	veq.s32 v1, $0x5;
	v31 =	vld [tilespmem:$0x510]  }
0x187: {  	vm2 =	veq.s32 v1, $0x6;
	vm1 =	veq.s32 v1, $0x7;
	v33 =	vld [tilespmem:$0x520];
	v1 =	vperm.xlane v25, v0  }
0x188: {  	v35 =	vld [tilespmem:$0x530];
	v2 =	vperm.xlane v26, v0;
	v3 =	vperm.xlane v27, v0  }
0x189: {  	v37 =	vld [tilespmem:$0x540];
	v28 =	vperm.xlane v4, v0;
	v30 =	vperm.xlane v5, v0  }
0x18a: {  	v39 =	vld [tilespmem:$0x550];
	v32 =	vperm.xlane v6, v0;
	v34 =	vperm.xlane v7, v0  }
0x18b: {  	vm10 =	vcmask $0x704;
	v41 =	vld [tilespmem:$0x560];
	v36 =	vperm.xlane v8, v0;
	v38 =	vperm.xlane v29, v0  }
0x18c: {  	vm9 =	vmand vm8, vm0;
	v43 =	vld [tilespmem:$0x570];
	v40 =	vperm.xlane v31, v0;
	v42 =	vperm.xlane v33, v0  }
0x18d: {  	v45 =	vld [tilespmem:$0x980];
	v44 =	vperm.xlane v35, v0;
	v1 =	vnsel vm9, $0x0, v1;
	vm9 =	vmand vm7, vm0  }
0x18e: {  	v47 =	vld [tilespmem:$0x990];
	v46 =	vperm.xlane v37, v0;
	v1 =	vsel vm9, v2, v1;
	vm9 =	vmand vm6, vm0  }
0x18f: {  	v49 =	vld [tilespmem:$0x9A0];
	v48 =	vperm.xlane v39, v0;
	v1 =	vsel vm9, v3, v1;
	vm9 =	vmand vm5, vm0  }
0x190: {  	v51 =	vld [tilespmem:$0x9B0];
	v50 =	vperm.xlane v41, v0;
	v1 =	vsel vm9, v28, v1;
	vm9 =	vmand vm4, vm0  }
0x191: {  	v53 =	vld [tilespmem:$0x9C0];
	v52 =	vperm.xlane v43, v0;
	v1 =	vsel vm9, v30, v1;
	vm9 =	vmand vm3, vm0  }
0x192: {  	v55 =	vld [tilespmem:$0x9D0];
	v54 =	vperm.xlane v45, v0;
	v1 =	vsel vm9, v32, v1;
	vm9 =	vmand vm2, vm0  }
0x193: {  	v57 =	vld [tilespmem:$0x9E0];
	v56 =	vperm.xlane v47, v0;
	v1 =	vsel vm9, v34, v1;
	vm9 =	vmand vm1, vm0  }
0x194: {  	v59 =	vld [tilespmem:$0x9F0];
	v58 =	vperm.xlane v49, v0;
	v1 =	vsel vm9, v36, v1;
	vm9 =	vmand vm8, vm10  }
0x195: {  	v61 =	vld [tilespmem:$0xE00];
	v60 =	vperm.xlane v51, v0;
	v1 =	vsel vm9, v38, v1;
	vm9 =	vmand vm7, vm10  }
0x196: {  	v62 =	vperm.xlane v53, v0;
	v1 =	vsel vm9, v40, v1;
	vm9 =	vmand vm6, vm10  }
0x197: {  	v63 =	vld [tilespmem:$0xE10];
	v12 =	vperm.xlane v55, v0;
	v1 =	vsel vm9, v42, v1;
	vm9 =	vmand vm5, vm10  }
0x198: {  	v13 =	vld [tilespmem:$0xE20];
	v14 =	vperm.xlane v57, v0;
	v1 =	vsel vm9, v44, v1;
	vm9 =	vmand vm4, vm10  }
0x199: {  	v15 =	vld [tilespmem:$0xE30];
	v16 =	vperm.xlane v59, v0;
	v1 =	vsel vm9, v46, v1;
	vm9 =	vmand vm3, vm10  }
0x19a: {  	v17 =	vld [tilespmem:$0xE40];
	v18 =	vperm.xlane v61, v0;
	v1 =	vsel vm9, v48, v1;
	vm9 =	vmand vm2, vm10  }
0x19b: {  	v19 =	vld [tilespmem:$0xE50];
	v1 =	vsel vm9, v50, v1;
	vm9 =	vmand vm1, vm10;
	vm10 =	vcmask $0xB08  }
0x19c: {  	v21 =	vld [tilespmem:$0xE60];
	v20 =	vperm.xlane v63, v0;
	v1 =	vsel vm9, v52, v1;
	vm9 =	vmand vm8, vm10  }
0x19d: {  	v23 =	vld [tilespmem:$0xE70];
	v22 =	vperm.xlane v13, v0;
	v1 =	vsel vm9, v54, v1;
	vm9 =	vmand vm7, vm10  }
0x19e: {  	v24 =	vperm.xlane v15, v0;
	v1 =	vsel vm9, v56, v1;
	vm9 =	vmand vm6, vm10  }
0x19f: {  	v25 =	vld [tilespmem:$0x1280];
	v26 =	vperm.xlane v17, v0;
	v1 =	vsel vm9, v58, v1;
	vm9 =	vmand vm5, vm10  }
0x1a0: {  	v27 =	vld [tilespmem:$0x1290];
	v28 =	vperm.xlane v19, v0;
	v1 =	vsel vm9, v60, v1;
	vm9 =	vmand vm4, vm10  }
0x1a1: {  	v29 =	vld [tilespmem:$0x12A0];
	v30 =	vperm.xlane v21, v0;
	v1 =	vsel vm9, v62, v1;
	vm9 =	vmand vm3, vm10  }
0x1a2: {  	v31 =	vld [tilespmem:$0x12B0];
	v32 =	vperm.xlane v23, v0;
	v1 =	vsel vm9, v12, v1;
	vm9 =	vmand vm2, vm10  }
0x1a3: {  	v33 =	vld [tilespmem:$0x12C0];
	v1 =	vsel vm9, v14, v1;
	vm9 =	vmand vm1, vm10;
	vm10 =	vcmask $0xF0C  }
0x1a4: {  	v35 =	vld [tilespmem:$0x12D0];
	v34 =	vperm.xlane v25, v0;
	v1 =	vsel vm9, v16, v1;
	vm9 =	vmand vm8, vm10  }
0x1a5: {  	v37 =	vld [tilespmem:$0x12E0];
	v36 =	vperm.xlane v27, v0;
	v1 =	vsel vm9, v18, v1;
	vm9 =	vmand vm7, vm10  }
0x1a6: {  	v38 =	vperm.xlane v29, v0;
	v1 =	vsel vm9, v20, v1;
	vm9 =	vmand vm6, vm10  }
0x1a7: {  	v39 =	vld [tilespmem:$0x12F0];
	v40 =	vperm.xlane v31, v0;
	v1 =	vsel vm9, v22, v1;
	vm9 =	vmand vm5, vm10  }
0x1a8: {  	v41 =	vld [tilespmem:$0x1700];
	v42 =	vperm.xlane v33, v0;
	v1 =	vsel vm9, v24, v1;
	vm9 =	vmand vm4, vm10  }
0x1a9: {  	v43 =	vld [tilespmem:$0x1710];
	v44 =	vperm.xlane v35, v0;
	v1 =	vsel vm9, v26, v1;
	vm9 =	vmand vm3, vm10  }
0x1aa: {  	v45 =	vld [tilespmem:$0x1720];
	v46 =	vperm.xlane v37, v0;
	v1 =	vsel vm9, v28, v1;
	vm9 =	vmand vm2, vm10  }
0x1ab: {  	v47 =	vld [tilespmem:$0x1730];
	v1 =	vsel vm9, v30, v1;
	vm9 =	vmand vm1, vm10;
	vm10 =	vcmask $0x1310  }
0x1ac: {  	v49 =	vld [tilespmem:$0x1740];
	v48 =	vperm.xlane v39, v0;
	v1 =	vsel vm9, v32, v1;
	vm9 =	vmand vm8, vm10  }
0x1ad: {  	v51 =	vld [tilespmem:$0x1750];
	v50 =	vperm.xlane v41, v0;
	v1 =	vsel vm9, v34, v1;
	vm9 =	vmand vm7, vm10  }
0x1ae: {  	v52 =	vperm.xlane v43, v0;
	v1 =	vsel vm9, v36, v1;
	vm9 =	vmand vm6, vm10  }
0x1af: {  	v53 =	vld [tilespmem:$0x1760];
	v54 =	vperm.xlane v45, v0;
	v1 =	vsel vm9, v38, v1;
	vm9 =	vmand vm5, vm10  }
0x1b0: {  	v55 =	vld [tilespmem:$0x1770];
	v56 =	vperm.xlane v47, v0;
	v1 =	vsel vm9, v40, v1;
	vm9 =	vmand vm4, vm10  }
0x1b1: {  	v57 =	vld [tilespmem:$0x1B80];
	v58 =	vperm.xlane v49, v0;
	v1 =	vsel vm9, v42, v1;
	vm9 =	vmand vm3, vm10  }
0x1b2: {  	v59 =	vld [tilespmem:$0x1B90];
	v60 =	vperm.xlane v51, v0;
	v1 =	vsel vm9, v44, v1;
	vm9 =	vmand vm2, vm10  }
0x1b3: {  	v61 =	vld [tilespmem:$0x1BA0];
	v1 =	vsel vm9, v46, v1;
	vm9 =	vmand vm1, vm10;
	vm10 =	vcmask $0x1714  }
0x1b4: {  	v63 =	vld [tilespmem:$0x1BB0];
	v62 =	vperm.xlane v53, v0;
	v1 =	vsel vm9, v48, v1;
	vm9 =	vmand vm8, vm10  }
0x1b5: {  	v13 =	vld [tilespmem:$0x1BC0];
	v12 =	vperm.xlane v55, v0;
	v1 =	vsel vm9, v50, v1;
	vm9 =	vmand vm7, vm10  }
0x1b6: {  	v14 =	vperm.xlane v57, v0;
	v1 =	vsel vm9, v52, v1;
	vm9 =	vmand vm6, vm10  }
0x1b7: {  	v15 =	vld [tilespmem:$0x1BD0];
	v16 =	vperm.xlane v59, v0;
	v1 =	vsel vm9, v54, v1;
	vm9 =	vmand vm5, vm10  }
0x1b8: {  	v17 =	vld [tilespmem:$0x1BE0];
	v18 =	vperm.xlane v61, v0;
	v1 =	vsel vm9, v56, v1;
	vm9 =	vmand vm4, vm10  }
0x1b9: {  	v19 =	vld [tilespmem:$0x1BF0];
	v20 =	vperm.xlane v63, v0;
	v1 =	vsel vm9, v58, v1;
	vm9 =	vmand vm3, vm10  }
0x1ba: {  	v21 =	vld [tilespmem:$0x2000];
	v22 =	vperm.xlane v13, v0;
	v1 =	vsel vm9, v60, v1;
	vm9 =	vmand vm2, vm10  }
0x1bb: {  	v23 =	vld [tilespmem:$0x2010];
	v1 =	vsel vm9, v62, v1;
	vm9 =	vmand vm1, vm10;
	vm10 =	vcmask $0x1B18  }
0x1bc: {  	v25 =	vld [tilespmem:$0x2020];
	v24 =	vperm.xlane v15, v0;
	v1 =	vsel vm9, v12, v1;
	vm9 =	vmand vm8, vm10  }
0x1bd: {  	v27 =	vld [tilespmem:$0x2030];
	v26 =	vperm.xlane v17, v0;
	v1 =	vsel vm9, v14, v1;
	vm9 =	vmand vm7, vm10  }
0x1be: {  	v28 =	vperm.xlane v19, v0;
	v1 =	vsel vm9, v16, v1;
	vm9 =	vmand vm6, vm10  }
0x1bf: {  	v29 =	vld [tilespmem:$0x2040];
	v30 =	vperm.xlane v21, v0;
	v1 =	vsel vm9, v18, v1;
	vm9 =	vmand vm5, vm10  }
0x1c0: {  	v31 =	vld [tilespmem:$0x2050];
	v32 =	vperm.xlane v23, v0;
	v1 =	vsel vm9, v20, v1;
	vm9 =	vmand vm4, vm10  }
0x1c1: {  	v33 =	vld [tilespmem:$0x2060];
	v34 =	vperm.xlane v25, v0;
	v1 =	vsel vm9, v22, v1;
	vm9 =	vmand vm3, vm10  }
0x1c2: {  	v35 =	vld [tilespmem:$0x2070];
	v36 =	vperm.xlane v27, v0;
	v1 =	vsel vm9, v24, v1;
	vm9 =	vmand vm2, vm10  }
0x1c3: {  	v37 =	vld [tilespmem:$0x2080];
	v1 =	vsel vm9, v26, v1;
	vm9 =	vmand vm1, vm10;
	vm10 =	vcmask $0x1F1C  }
0x1c4: {  	v39 =	vld [tilespmem:$0x2090];
	v38 =	vperm.xlane v29, v0;
	v1 =	vsel vm9, v28, v1;
	vm9 =	vmand vm8, vm10  }
0x1c5: {  	v41 =	vld [tilespmem:$0x20A0];
	v40 =	vperm.xlane v31, v0;
	v1 =	vsel vm9, v30, v1;
	vm9 =	vmand vm7, vm10  }
0x1c6: {  	v42 =	vperm.xlane v33, v0;
	v1 =	vsel vm9, v32, v1;
	vm9 =	vmand vm6, vm10  }
0x1c7: {  	v43 =	vld [tilespmem:$0x20B0];
	v44 =	vperm.xlane v35, v0;
	v1 =	vsel vm9, v34, v1;
	vm9 =	vmand vm5, vm10  }
0x1c8: {  	v45 =	vld [tilespmem:$0x20C0];
	v46 =	vperm.xlane v37, v0;
	v1 =	vsel vm9, v36, v1;
	vm9 =	vmand vm4, vm10  }
0x1c9: {  	v47 =	vld [tilespmem:$0x20D0];
	v48 =	vperm.xlane v39, v0;
	v1 =	vsel vm9, v38, v1;
	vm9 =	vmand vm3, vm10  }
0x1ca: {  	v49 =	vld [tilespmem:$0x20E0];
	v50 =	vperm.xlane v41, v0;
	v1 =	vsel vm9, v40, v1;
	vm9 =	vmand vm2, vm10  }
0x1cb: {  	v51 =	vld [tilespmem:$0x20F0];
	v1 =	vsel vm9, v42, v1;
	vm9 =	vmand vm1, vm10;
	vm10 =	vcmask $0x2320  }
0x1cc: {  	v53 =	vld [tilespmem:$0x2500];
	v52 =	vperm.xlane v43, v0;
	v1 =	vsel vm9, v44, v1;
	vm9 =	vmand vm8, vm10  }
0x1cd: {  	v55 =	vld [tilespmem:$0x2510];
	v54 =	vperm.xlane v45, v0;
	v1 =	vsel vm9, v46, v1;
	vm9 =	vmand vm7, vm10  }
0x1ce: {  	v56 =	vperm.xlane v47, v0;
	v1 =	vsel vm9, v48, v1;
	vm9 =	vmand vm6, vm10  }
0x1cf: {  	v57 =	vld [tilespmem:$0x2520];
	v58 =	vperm.xlane v49, v0;
	v1 =	vsel vm9, v50, v1;
	vm9 =	vmand vm5, vm10  }
0x1d0: {  	v59 =	vld [tilespmem:$0x2530];
	v60 =	vperm.xlane v51, v0;
	v1 =	vsel vm9, v52, v1;
	vm9 =	vmand vm4, vm10  }
0x1d1: {  	v61 =	vld [tilespmem:$0x2540];
	v62 =	vperm.xlane v53, v0;
	v1 =	vsel vm9, v54, v1;
	vm9 =	vmand vm3, vm10  }
0x1d2: {  	v63 =	vld [tilespmem:$0x2550];
	v12 =	vperm.xlane v55, v0;
	v1 =	vsel vm9, v56, v1;
	vm9 =	vmand vm2, vm10  }
0x1d3: {  	v13 =	vld [tilespmem:$0x2560];
	v1 =	vsel vm9, v58, v1;
	vm9 =	vmand vm1, vm10;
	vm10 =	vcmask $0x2724  }
0x1d4: {  	v15 =	vld [tilespmem:$0x2570];
	v14 =	vperm.xlane v57, v0;
	v1 =	vsel vm9, v60, v1;
	vm9 =	vmand vm8, vm10  }
0x1d5: {  	v17 =	vld [tilespmem:$0x2980];
	v16 =	vperm.xlane v59, v0;
	v1 =	vsel vm9, v62, v1;
	vm9 =	vmand vm7, vm10  }
0x1d6: {  	v18 =	vperm.xlane v61, v0;
	v1 =	vsel vm9, v12, v1;
	vm9 =	vmand vm6, vm10  }
0x1d7: {  	v19 =	vld [tilespmem:$0x2990];
	v20 =	vperm.xlane v63, v0;
	v1 =	vsel vm9, v14, v1;
	vm9 =	vmand vm5, vm10  }
0x1d8: {  	v21 =	vld [tilespmem:$0x29A0];
	v22 =	vperm.xlane v13, v0;
	v1 =	vsel vm9, v16, v1;
	vm9 =	vmand vm4, vm10  }
0x1d9: {  	v23 =	vld [tilespmem:$0x29B0];
	v24 =	vperm.xlane v15, v0;
	v1 =	vsel vm9, v18, v1;
	vm9 =	vmand vm3, vm10  }
0x1da: {  	v25 =	vld [tilespmem:$0x29C0];
	v26 =	vperm.xlane v17, v0;
	v1 =	vsel vm9, v20, v1;
	vm9 =	vmand vm2, vm10  }
0x1db: {  	v27 =	vld [tilespmem:$0x29D0];
	v1 =	vsel vm9, v22, v1;
	vm9 =	vmand vm1, vm10;
	vm10 =	vcmask $0x2B28  }
0x1dc: {  	v29 =	vld [tilespmem:$0x29E0];
	v28 =	vperm.xlane v19, v0;
	v1 =	vsel vm9, v24, v1;
	vm9 =	vmand vm8, vm10  }
0x1dd: {  	v31 =	vld [tilespmem:$0x29F0];
	v30 =	vperm.xlane v21, v0;
	v1 =	vsel vm9, v26, v1;
	vm9 =	vmand vm7, vm10  }
0x1de: {  	v33 =	vld [tilespmem:$0x2E00];
	v32 =	vperm.xlane v23, v0;
	v1 =	vsel vm9, v28, v1;
	vm9 =	vmand vm6, vm10  }
0x1df: {  	v35 =	vld [tilespmem:$0x2E10];
	v34 =	vperm.xlane v25, v0;
	v1 =	vsel vm9, v30, v1;
	vm9 =	vmand vm5, vm10  }
0x1e0: {  	v37 =	vld [tilespmem:$0x2E20];
	v36 =	vperm.xlane v27, v0;
	v1 =	vsel vm9, v32, v1;
	vm9 =	vmand vm4, vm10  }
0x1e1: {  	v39 =	vld [tilespmem:$0x2E30];
	v38 =	vperm.xlane v29, v0;
	v1 =	vsel vm9, v34, v1;
	vm9 =	vmand vm3, vm10  }
0x1e2: {  	v41 =	vld [tilespmem:$0x2E40];
	v40 =	vperm.xlane v31, v0;
	v1 =	vsel vm9, v36, v1;
	vm9 =	vmand vm2, vm10  }
0x1e3: {  	v43 =	vld [tilespmem:$0x2E50];
	v42 =	vperm.xlane v33, v0;
	v1 =	vsel vm9, v38, v1;
	vm9 =	vmand vm1, vm10  }
0x1e4: {  	v45 =	vld [tilespmem:$0x2E60];
	v44 =	vperm.xlane v35, v0;
	v1 =	vsel vm9, v40, v1;
	vm9 =	vmand vm8, vm11  }
0x1e5: {  	v47 =	vld [tilespmem:$0x2E70];
	v46 =	vperm.xlane v37, v0;
	v1 =	vsel vm9, v42, v1;
	vm9 =	vmand vm7, vm11  }
0x1e6: {  	v49 =	vld [tilespmem:$0x3280];
	v48 =	vperm.xlane v39, v0;
	v1 =	vsel vm9, v44, v1;
	vm9 =	vmand vm6, vm11  }
0x1e7: {  	v51 =	vld [tilespmem:$0x3290];
	v50 =	vperm.xlane v41, v0;
	v1 =	vsel vm9, v46, v1;
	vm9 =	vmand vm5, vm11  }
0x1e8: {  	v53 =	vld [tilespmem:$0x32A0];
	v52 =	vperm.xlane v43, v0;
	v1 =	vsel vm9, v48, v1;
	vm9 =	vmand vm4, vm11  }
0x1e9: {  	v55 =	vld [tilespmem:$0x32B0];
	v54 =	vperm.xlane v45, v0;
	v1 =	vsel vm9, v50, v1;
	vm9 =	vmand vm3, vm11  }
0x1ea: {  	v57 =	vld [tilespmem:$0x32C0];
	v56 =	vperm.xlane v47, v0;
	v1 =	vsel vm9, v52, v1;
	vm9 =	vmand vm2, vm11  }
0x1eb: {  	v59 =	vld [tilespmem:$0x32D0];
	v58 =	vperm.xlane v49, v0;
	v1 =	vsel vm9, v54, v1;
	vm9 =	vmand vm1, vm11  }
0x1ec: {  	v61 =	vld [tilespmem:$0x32E0];
	v60 =	vperm.xlane v51, v0;
	v1 =	vsel vm9, v56, v1;
	vm9 =	vmand vm8, vm12  }
0x1ed: {  	v63 =	vld [tilespmem:$0x32F0];
	v62 =	vperm.xlane v53, v0;
	v1 =	vsel vm9, v58, v1;
	vm9 =	vmand vm7, vm12  }
0x1ee: {  	v13 =	vld [tilespmem:$0x3700];
	v12 =	vperm.xlane v55, v0;
	v1 =	vsel vm9, v60, v1;
	vm9 =	vmand vm6, vm12  }
0x1ef: {  	v15 =	vld [tilespmem:$0x3710];
	v14 =	vperm.xlane v57, v0;
	v1 =	vsel vm9, v62, v1;
	vm9 =	vmand vm5, vm12  }
0x1f0: {  	v17 =	vld [tilespmem:$0x3720];
	v16 =	vperm.xlane v59, v0;
	v1 =	vsel vm9, v12, v1;
	vm9 =	vmand vm4, vm12  }
0x1f1: {  	v19 =	vld [tilespmem:$0x3730];
	v18 =	vperm.xlane v61, v0;
	v1 =	vsel vm9, v14, v1;
	vm9 =	vmand vm3, vm12  }
0x1f2: {  	v21 =	vld [tilespmem:$0x3740];
	v20 =	vperm.xlane v63, v0;
	v1 =	vsel vm9, v16, v1;
	vm9 =	vmand vm2, vm12  }
0x1f3: {  	v23 =	vld [tilespmem:$0x3750];
	v22 =	vperm.xlane v13, v0;
	v1 =	vsel vm9, v18, v1;
	vm9 =	vmand vm1, vm12  }
0x1f4: {  	v25 =	vld [tilespmem:$0x3760];
	v24 =	vperm.xlane v15, v0;
	v1 =	vsel vm9, v20, v1;
	vm9 =	vmand vm8, vm13  }
0x1f5: {  	v27 =	vld [tilespmem:$0x3770];
	v26 =	vperm.xlane v17, v0;
	v1 =	vsel vm9, v22, v1;
	vm9 =	vmand vm7, vm13  }
0x1f6: {  	v29 =	vld [tilespmem:$0x3B80];
	v28 =	vperm.xlane v19, v0;
	v1 =	vsel vm9, v24, v1;
	vm9 =	vmand vm6, vm13  }
0x1f7: {  	v31 =	vld [tilespmem:$0x3B90];
	v30 =	vperm.xlane v21, v0;
	v1 =	vsel vm9, v26, v1;
	vm9 =	vmand vm5, vm13  }
0x1f8: {  	v33 =	vld [tilespmem:$0x3BA0];
	v32 =	vperm.xlane v23, v0;
	v1 =	vsel vm9, v28, v1;
	vm9 =	vmand vm4, vm13  }
0x1f9: {  	v35 =	vld [tilespmem:$0x3BB0];
	v34 =	vperm.xlane v25, v0;
	v1 =	vsel vm9, v30, v1;
	vm9 =	vmand vm3, vm13  }
0x1fa: {  	v37 =	vld [tilespmem:$0x3BC0];
	v36 =	vperm.xlane v27, v0;
	v1 =	vsel vm9, v32, v1;
	vm9 =	vmand vm2, vm13  }
0x1fb: {  	v39 =	vld [tilespmem:$0x3BD0];
	v38 =	vperm.xlane v29, v0;
	v1 =	vsel vm9, v34, v1;
	vm9 =	vmand vm1, vm13  }
0x1fc: {  	v41 =	vld [tilespmem:$0x3BE0];
	v40 =	vperm.xlane v31, v0;
	v1 =	vsel vm9, v36, v1;
	vm9 =	vmand vm8, vm14  }
0x1fd: {  	v43 =	vld [tilespmem:$0x3BF0];
	v42 =	vperm.xlane v33, v0;
	v1 =	vsel vm9, v38, v1;
	vm9 =	vmand vm7, vm14  }
0x1fe: {  	v45 =	vld [tilespmem:$0x4000];
	v44 =	vperm.xlane v35, v0;
	v1 =	vsel vm9, v40, v1;
	vm9 =	vmand vm6, vm14  }
0x1ff: {  	v47 =	vld [tilespmem:$0x4010];
	v46 =	vperm.xlane v37, v0;
	v1 =	vsel vm9, v42, v1;
	vm9 =	vmand vm5, vm14  }
0x200: {  	v49 =	vld [tilespmem:$0x4020];
	v48 =	vperm.xlane v39, v0;
	v1 =	vsel vm9, v44, v1;
	vm9 =	vmand vm4, vm14  }
0x201: {  	v51 =	vld [tilespmem:$0x4030];
	v50 =	vperm.xlane v41, v0;
	v1 =	vsel vm9, v46, v1;
	vm9 =	vmand vm3, vm14  }
0x202: {  	v53 =	vld [tilespmem:$0x4040];
	v52 =	vperm.xlane v43, v0;
	v1 =	vsel vm9, v48, v1;
	vm9 =	vmand vm2, vm14  }
0x203: {  	v55 =	vld [tilespmem:$0x4050];
	v54 =	vperm.xlane v45, v0;
	v1 =	vsel vm9, v50, v1;
	vm9 =	vmand vm1, vm14  }
0x204: {  	v57 =	vld [tilespmem:$0x4060];
	v56 =	vperm.xlane v47, v0;
	vm8 =	vmand vm8, vm15;
	v1 =	vsel vm9, v52, v1  }
0x205: {  	v59 =	vld [tilespmem:$0x4070];
	v58 =	vperm.xlane v49, v0;
	vm7 =	vmand vm7, vm15;
	v1 =	vsel vm8, v54, v1  }
0x206: {  	v60 =	vperm.xlane v51, v0;
	vm6 =	vmand vm6, vm15;
	v1 =	vsel vm7, v56, v1  }
0x207: {  	v61 =	vperm.xlane v53, v0;
	vm5 =	vmand vm5, vm15;
	v1 =	vsel vm6, v58, v1  }
0x208: {  	p0 =	sne.s32 s6, $0x1;
	v62 =	vperm.xlane v55, v0;
	vm4 =	vmand vm4, vm15;
	v1 =	vsel vm5, v60, v1  }
.Ltmp2:
0x209: {  	v63 =	vperm.xlane v57, v0;
	vm3 =	vmand vm3, vm15;
	v1 =	vsel vm4, v61, v1;
	(pc) =	sbr.rel @p0 .LBB2_2-.Ltmp2, $4  }
0x20a: {  	v0 =	vperm.xlane v59, v0;
	vm2 =	vmand vm2, vm15;
	v1 =	vsel vm3, v62, v1  }
0x20b: {  	vm1 =	vmand vm1, vm15;
	v1 =	vsel vm2, v63, v1  }
0x20c: {  	s7 =	rddreg [dreg:$0x18];
	v0 =	vsel vm1, v0, v1  }
0x20d: {  	s6 =	sadd.s32 $0xFFFFFFFF, s6;
	s8 =	rddreg [dreg:$0x6];
	[tilespmem:$0x4080] =	vst v0  }
.LBB2_3:
0x20e: {  	[hbm4b:s8+s2] =	stream.linear.scatter [tilespmem:s7], [sflag:$0x2], $0x10, $0x38;
	[tilespmem:$0x4100] =	vst v63  }
0x20f: {  	_ =	swait.ge [sflag:s4], $0x10  }
0x210: {  	[sflag:s4] =	ssyncset.done $0x0  }
0x211: {  	[sflag:s4] =	ssyncadd.s32 $0xFFFFFFF0  }
.LBB2_4:
0x212: {  	_ =	sfence.sel $0x180000  }
0x213: {  	[bflag:$0x0] =	sbarrier.arrive $0xFFFF  }
0x214: {  	p0 =	sne.s32 s1, $0x0;
	_ =	strace $0x90000047  }
0x215: {  	s0 =	sadd.s32 @!p0 $0x100000, s0;
	[bflag:$0x2] =	sbarrier.arrive $0xFFFF  }
0x216: {  	[sflag:s0] =	ssyncadd.tile.s32 @!p0 $0x1;
	_ =	shalt  }
.Lfunc_end2:
_tile_overlayer_lowered:
.L_overlay_start_2:
0x217: {  	(tag) =	ssettag $0x2  }
0x218: {  	s0 =	rddreg [dreg:$0x0];
	s2 =	stileid.u32  }
0x219: {  	s1 =	rddreg [dreg:$0x1];
	p0 =	sne.s32 s2, $0x0  }
0x21a: {  	s3 =	rddreg [dreg:$0x2];
	[bflag:$0x3] =	sbarrier.arrive $0xFFFF;
	s2 =	simm.s32 @!p0 $0x1C02  }
0x21b: {  	[timem:s3], [sflag:s2] =	dma.local @!p0 [hbm:s0], s1  }
0x21c: {  	s0 =	simm.s32 @!p0 $0x2  }
0x21d: {  	_ =	swait.ge @!p0 [sflag:s0], s1  }
0x21e: {  	s1 =	ssub.s32 @!p0 $0x0, s1;
	[sflag:s0] =	ssyncset.done @!p0 $0x0  }
0x21f: {  	[sflag:s0] =	ssyncadd.s32 @!p0 s1  }
0x220: {  	[bflag:$0x3] =	sbarrier.arrive $0xFFFF  }
0x221: {  	_ =	shalt  }

</sc_bundles>
